<compile_context>
chip_gen: v7x
topology: tpu7x:2x2x1
jax: 0.10.2.dev20260603
libtpu: 0.0.44.dev20260713+nightly
codegen_flags: <defaults>
</compile_context>

<pallas_src>
import functools

import jax
import jax.numpy as jnp
from jax.experimental import pallas as pl
from jax.experimental.pallas import tpu as pltpu
from jax.experimental.pallas import tpu_sc as plsc

_NC = 2
_NS = 16
_NW = _NC * _NS
_K = 125
_NBUF = 4
_NBUF3 = 4



def _pad_rows(n):
    return 128 * ((n + 127) // 128)


def _seg_sum_sc(g, em, zeros, width):
    npad = zeros.shape[0]
    nch = em.shape[2] // _NC
    rpt = npad // _NS
    mesh = plsc.VectorSubcoreMesh(core_axis_name="c", subcore_axis_name="s")

    @functools.partial(
        pl.kernel,
        out_type=jax.ShapeDtypeStruct((_NC, npad, width), jnp.float32),
        mesh=mesh,
        compiler_params=pltpu.CompilerParams(use_tc_tiling_on_sc=False),
        scratch_types=[
            pltpu.VMEM((nch, _K), jnp.int32),
            pltpu.VMEM((nch, _K), jnp.int32),
            pltpu.VMEM((_NBUF3, _K, width), jnp.float32),
        ] + [pltpu.SemaphoreType.DMA] * (2 * _NBUF3) + [
            pltpu.VMEM_SHARED((npad, width), jnp.float32),
        ],
    )
    def run(g_hbm, em_hbm, z_hbm, out_hbm, src_v, dst_v, rows_v,
            *rest):
        gsem = rest[:_NBUF3]
        ssem = rest[_NBUF3:2 * _NBUF3]
        acc_sh = rest[2 * _NBUF3]
        c = jax.lax.axis_index("c")
        s = jax.lax.axis_index("s")
        cb = pl.multiple_of(c * nch, 8)
        pltpu.sync_copy(em_hbm.at[0, s, pl.ds(cb, nch)], src_v)
        pltpu.sync_copy(em_hbm.at[1, s, pl.ds(cb, nch)], dst_v)
        pltpu.sync_copy(z_hbm.at[pl.ds(s * rpt, rpt)], acc_sh.at[pl.ds(s * rpt, rpt)])
        plsc.subcore_barrier()

        for b in range(_NBUF3):
            pltpu.async_copy(g_hbm.at[src_v.at[b]], rows_v.at[b], gsem[b])

        @pl.loop(0, nch, step=_NBUF3)
        def _(j0):
            for b in range(_NBUF3):
                pltpu.make_async_copy(g_hbm.at[src_v.at[b]], rows_v.at[b],
                                      gsem[b]).wait()
                pltpu.async_copy(rows_v.at[b], acc_sh.at[dst_v.at[j0 + b]],
                                 ssem[b], add=True)
            for b in range(_NBUF3):
                pltpu.make_async_copy(rows_v.at[b],
                                      acc_sh.at[dst_v.at[j0 + b]],
                                      ssem[b]).wait()

                @pl.when(j0 + b + _NBUF3 < nch)
                def _():
                    pltpu.async_copy(g_hbm.at[src_v.at[j0 + b + _NBUF3]],
                                     rows_v.at[b], gsem[b])

        plsc.subcore_barrier()
        pltpu.sync_copy(acc_sh.at[pl.ds(s * rpt, rpt)],
                        out_hbm.at[c, pl.ds(s * rpt, rpt)])

    return run(g, em, zeros)


def _deg_sc(em, ones, zeros):
    npad = zeros.shape[0]
    nch = em.shape[2] // _NC
    rpt = npad // _NS
    mesh = plsc.VectorSubcoreMesh(core_axis_name="c", subcore_axis_name="s")

    @functools.partial(
        pl.kernel,
        out_type=jax.ShapeDtypeStruct((_NC, npad, 8), jnp.float32),
        mesh=mesh,
        compiler_params=pltpu.CompilerParams(use_tc_tiling_on_sc=False),
        scratch_types=[
            pltpu.VMEM((nch, _K), jnp.int32),
            pltpu.VMEM((_K, 8), jnp.float32),
            pltpu.SemaphoreType.DMA,
            pltpu.VMEM_SHARED((npad, 8), jnp.float32),
        ],
    )
    def run(em_hbm, ones_hbm, z_hbm, out_hbm, dst_v, ones_v, sem, acc_sh):
        c = jax.lax.axis_index("c")
        s = jax.lax.axis_index("s")
        cb = pl.multiple_of(c * nch, 8)
        pltpu.sync_copy(em_hbm.at[1, s, pl.ds(cb, nch)], dst_v)
        pltpu.sync_copy(ones_hbm, ones_v)
        pltpu.sync_copy(z_hbm.at[pl.ds(s * rpt, rpt)], acc_sh.at[pl.ds(s * rpt, rpt)])
        plsc.subcore_barrier()

        @pl.loop(0, nch, step=8)
        def _(j0):
            for i in range(8):
                pltpu.async_copy(ones_v, acc_sh.at[dst_v.at[j0 + i]], sem,
                                 add=True)
            for i in range(8):
                pltpu.make_async_copy(ones_v, acc_sh.at[dst_v.at[j0 + i]],
                                      sem).wait()

        plsc.subcore_barrier()
        pltpu.sync_copy(acc_sh.at[pl.ds(s * rpt, rpt)],
                        out_hbm.at[c, pl.ds(s * rpt, rpt)])

    return run(em, ones, zeros)


def _gcn_fused_sc(g0h, em, dinv32, b1, zeros):
    npad = zeros.shape[0]
    nch = em.shape[2]
    hw = 32
    rpt = npad // _NS
    rsub = rpt // 4
    mesh = plsc.VectorSubcoreMesh(core_axis_name="c", subcore_axis_name="s")

    @functools.partial(
        pl.kernel,
        out_type=(jax.ShapeDtypeStruct((_NC, npad, hw), jnp.float32),
                  jax.ShapeDtypeStruct((_NC, npad, hw), jnp.float32)),
        mesh=mesh,
        compiler_params=pltpu.CompilerParams(use_tc_tiling_on_sc=False),
        scratch_types=[
            pltpu.VMEM((nch, _K), jnp.int32),
            pltpu.VMEM((nch, _K), jnp.int32),
            pltpu.VMEM((_NBUF, _K, hw), jnp.float32),
            pltpu.VMEM((rsub, hw), jnp.float32),
            pltpu.VMEM((rsub, hw), jnp.float32),
            pltpu.VMEM((rsub, hw), jnp.float32),
            pltpu.VMEM((hw,), jnp.float32),
        ] + [pltpu.SemaphoreType.DMA] * (2 * _NBUF) + [
            pltpu.VMEM_SHARED((npad, hw), jnp.float32),
            pltpu.VMEM_SHARED((npad, hw), jnp.float32),
        ],
    )
    def run(g0h_hbm, em_hbm, dinv_hbm, b1_hbm, z_hbm,
            s2u_hbm, u1h_hbm, src_v, dst_v, rows_v, buf_a, buf_b, buf_c,
            b1c, *rest):
        gsem = rest[:_NBUF]
        ssem = rest[_NBUF:2 * _NBUF]
        acc1 = rest[2 * _NBUF]
        acc2 = rest[2 * _NBUF + 1]
        c = jax.lax.axis_index("c")
        s = jax.lax.axis_index("s")
        pltpu.sync_copy(em_hbm.at[0, s], src_v)
        pltpu.sync_copy(em_hbm.at[1, s], dst_v)
        pltpu.sync_copy(b1_hbm.at[pl.ds(pl.multiple_of(c * hw, hw), hw)], b1c)
        pltpu.sync_copy(z_hbm.at[pl.ds(s * rpt, rpt)], acc1.at[pl.ds(s * rpt, rpt)])
        pltpu.sync_copy(z_hbm.at[pl.ds(s * rpt, rpt)], acc2.at[pl.ds(s * rpt, rpt)])
        plsc.subcore_barrier()

        def ring_pass(src_ref, acc_ref):
            for b in range(_NBUF):
                pltpu.async_copy(src_ref.at[src_v.at[b]], rows_v.at[b], gsem[b])

            @pl.loop(0, nch, step=_NBUF)
            def _(j0):
                for b in range(_NBUF):
                    pltpu.make_async_copy(src_ref.at[src_v.at[b]],
                                          rows_v.at[b], gsem[b]).wait()
                    pltpu.async_copy(rows_v.at[b], acc_ref.at[dst_v.at[j0 + b]],
                                     ssem[b], add=True)
                for b in range(_NBUF):
                    pltpu.make_async_copy(rows_v.at[b],
                                          acc_ref.at[dst_v.at[j0 + b]],
                                          ssem[b]).wait()

                    @pl.when(j0 + b + _NBUF < nch)
                    def _():
                        pltpu.async_copy(src_ref.at[src_v.at[j0 + b + _NBUF]],
                                         rows_v.at[b], gsem[b])

        ring_pass(g0h_hbm.at[c], acc1)
        plsc.subcore_barrier()

        bv0 = b1c[pl.ds(0, 16)]
        bv1 = b1c[pl.ds(16, 16)]
        for sub in range(4):
            r0 = s * rpt + sub * rsub
            pltpu.sync_copy(acc1.at[pl.ds(r0, rsub)], buf_a)
            pltpu.sync_copy(g0h_hbm.at[c, pl.ds(r0, rsub)], buf_b)
            pltpu.sync_copy(dinv_hbm.at[pl.ds(r0, rsub)], buf_c)

            @pl.loop(0, rsub)
            def _(r):
                for h, bv in ((0, bv0), (1, bv1)):
                    sl = pl.ds(h * 16, 16)
                    dv = buf_c[r, sl]
                    u = jnp.maximum(dv * (buf_a[r, sl] + buf_b[r, sl]) + bv,
                                    0.0) * dv
                    buf_a[r, sl] = u

            pltpu.sync_copy(buf_a, u1h_hbm.at[c, pl.ds(r0, rsub)])
        plsc.subcore_barrier()

        ring_pass(u1h_hbm.at[c], acc2)
        plsc.subcore_barrier()
        pltpu.sync_copy(acc2.at[pl.ds(s * rpt, rpt)],
                        s2u_hbm.at[c, pl.ds(s * rpt, rpt)])

    return run(g0h, em, dinv32, b1, zeros)



def _tc1a_body(x_ref, w1_ref, h0_ref):
    n = x_ref.shape[0]
    h0_ref[0:n, :] = jnp.dot(x_ref[...], w1_ref[...],
                             preferred_element_type=jnp.float32)


def _tc1_body(h0_ref, degp_ref, g0h_ref, dinv32_ref):
    nb = h0_ref.shape[0]
    deg = degp_ref[0, :, 0:1] + degp_ref[1, :, 0:1] + 1.0
    dinv = jax.lax.rsqrt(deg)
    g0 = h0_ref[...] * dinv
    g0h_ref[0] = g0[:, 0:32]
    g0h_ref[1] = g0[:, 32:64]
    dinv32_ref[...] = jnp.broadcast_to(dinv, (nb, 32))


def _tc3_body(s2u_ref, u1h_ref, dinv32_ref, b2_ref, w2_ref, g2_ref):
    nb = g2_ref.shape[0]
    dinv = dinv32_ref[:, 0:1]
    va = s2u_ref[0] + u1h_ref[0]
    vb = s2u_ref[1] + u1h_ref[1]
    h2 = dinv * (jnp.dot(va, w2_ref[0:32], preferred_element_type=jnp.float32)
                 + jnp.dot(vb, w2_ref[32:64],
                           preferred_element_type=jnp.float32)) + b2_ref[...]
    sq = jnp.sum(h2 * h2, axis=1, keepdims=True)
    g2_ref[:, 0:64] = h2
    g2_ref[:, 64:65] = sq
    g2_ref[:, 65:72] = jnp.zeros((nb, 7), jnp.float32)


def _tc4_body(s3p_ref, g2_ref, dinv32_ref, t2_ref, tf_ref, wlin_ref, blin_ref,
              out_ref):
    nt = tf_ref.shape[0]
    ntn = tf_ref.shape[1]
    dinv = dinv32_ref[:, 0:1]
    s3 = s3p_ref[0] + s3p_ref[1] + g2_ref[...]
    mean = s3 * (dinv * dinv)
    mean_x = mean[:, 0:64]
    mean_sq = mean[:, 64:65]

    mf = tf_ref[:, 0, :]
    mfsq = jnp.sum(tf_ref[:, 0, :] ** 2, axis=1)
    for k in range(1, ntn):
        tk = tf_ref[:, k, :]
        mf = mf + tk
        mfsq = mfsq + jnp.sum(tk * tk, axis=1)
    mf = mf * (1.0 / ntn)
    mfsq = (mfsq * (1.0 / ntn)).reshape(1, nt)
    struct = (jnp.sum(t2_ref[...] ** 2, axis=1) / t2_ref.shape[1]).reshape(1, nt)

    cross = jax.lax.dot_general(mean_x, mf, (((1,), (1,)), ((), ())),
                                preferred_element_type=jnp.float32)
    feat = mean_sq + mfsq - 2.0 * cross
    y = 0.5 * feat + 0.5 * struct

    h2 = g2_ref[:, 0:64]
    out = (jnp.dot(h2, wlin_ref[0:64], preferred_element_type=jnp.float32)
           + jnp.dot(y, wlin_ref[64:80], preferred_element_type=jnp.float32)
           + blin_ref[...])
    out_ref[...] = jnp.maximum(out, 0.0)


def _tc_call(body, out_shapes, *args):
    return pl.pallas_call(
        body,
        out_shape=[jax.ShapeDtypeStruct(s, jnp.float32) for s in out_shapes],
    )(*args)



def kernel(x, edge_index, W1, b1, W2, b2, templates, templates_features,
           W_lin, b_lin):
    n = x.shape[0]
    e = edge_index.shape[1]
    nt = templates.shape[0]
    nch2 = e // (_NS * _K)

    em = edge_index.reshape(2, _NS, nch2, _K)
    npad = _pad_rows(n)
    ones8 = jnp.ones((_K, 8), jnp.float32)
    z8 = jnp.zeros((npad, 8), jnp.float32)
    z32 = jnp.zeros((npad, 32), jnp.float32)
    z72 = jnp.zeros((npad, 72), jnp.float32)

    nblk = 8
    rb = npad // nblk
    full = lambda shape: pl.BlockSpec(shape, lambda i: tuple(0 for _ in shape))

    degp = _deg_sc(em, ones8, z8)
    (h0,) = _tc_call(_tc1a_body, [(npad, 64)], x, W1)
    g0h, dinv32 = pl.pallas_call(
        _tc1_body,
        grid=(nblk,),
        in_specs=[pl.BlockSpec((rb, 64), lambda i: (i, 0)),
                  pl.BlockSpec((2, rb, 8), lambda i: (0, i, 0))],
        out_specs=[pl.BlockSpec((2, rb, 32), lambda i: (0, i, 0)),
                   pl.BlockSpec((rb, 32), lambda i: (i, 0))],
        out_shape=[jax.ShapeDtypeStruct((2, npad, 32), jnp.float32),
                   jax.ShapeDtypeStruct((npad, 32), jnp.float32)],
    )(h0, degp)
    s2u, u1h = _gcn_fused_sc(g0h, em, dinv32, b1, z32)
    (g2,) = pl.pallas_call(
        _tc3_body,
        grid=(nblk,),
        in_specs=[pl.BlockSpec((2, rb, 32), lambda i: (0, i, 0)),
                  pl.BlockSpec((2, rb, 32), lambda i: (0, i, 0)),
                  pl.BlockSpec((rb, 32), lambda i: (i, 0)),
                  full((64,)), full((64, 64))],
        out_specs=[pl.BlockSpec((rb, 72), lambda i: (i, 0))],
        out_shape=[jax.ShapeDtypeStruct((npad, 72), jnp.float32)],
    )(s2u, u1h, dinv32, b2, W2)
    s3p = _seg_sum_sc(g2, em, z72, 72)
    (outp,) = pl.pallas_call(
        _tc4_body,
        grid=(nblk,),
        in_specs=[pl.BlockSpec((2, rb, 72), lambda i: (0, i, 0)),
                  pl.BlockSpec((rb, 72), lambda i: (i, 0)),
                  pl.BlockSpec((rb, 32), lambda i: (i, 0)),
                  full((nt, templates.shape[1] * templates.shape[2])),
                  full(templates_features.shape),
                  full(W_lin.shape), full(b_lin.shape)],
        out_specs=[pl.BlockSpec((rb, W_lin.shape[1]), lambda i: (i, 0))],
        out_shape=[jax.ShapeDtypeStruct((npad, W_lin.shape[1]), jnp.float32)],
    )(s3p, g2, dinv32, templates.reshape(nt, -1), templates_features,
      W_lin, b_lin)
    return outp[:n]

# --- scband reference (transcript-rebuilt; emitter-appended) ---
"""Pipeline reference for scband-ot-gnn-layer-18451179504148 (READ-ONLY COPY).

The authoritative reference and input builder live on the scoring server;
editing this copy changes nothing except your own understanding.
"""

import jax, jax.numpy as jnp
import numpy as np

N_NODES = 10000
N_EDGES = 320000
D_FEAT = 128
HIDDEN = 64
N_TEMPLATES = 16
N_TEMPLATE_NODES = 10
N_CLASSES = 40
ALPHA = 0.5


def setup_inputs(seed: int = 0) -> dict:
    key = jax.random.key(seed)
    ks = jax.random.split(key, 10)
    x = jax.random.normal(ks[0], (N_NODES, D_FEAT), dtype=jnp.float32)
    edge_index = jax.random.randint(ks[1], (2, N_EDGES), 0, N_NODES, dtype=jnp.int32)
    W1 = jax.random.normal(ks[2], (D_FEAT, HIDDEN), dtype=jnp.float32) * 0.05
    b1 = jnp.zeros((HIDDEN,), dtype=jnp.float32)
    W2 = jax.random.normal(ks[3], (HIDDEN, HIDDEN), dtype=jnp.float32) * 0.05
    b2 = jnp.zeros((HIDDEN,), dtype=jnp.float32)
    templates = jax.random.normal(ks[4], (N_TEMPLATES, N_TEMPLATE_NODES, N_TEMPLATE_NODES), dtype=jnp.float32)
    templates_features = jax.random.normal(ks[5], (N_TEMPLATES, N_TEMPLATE_NODES, HIDDEN), dtype=jnp.float32)
    W_lin = jax.random.normal(ks[6], (N_TEMPLATES + HIDDEN, N_CLASSES), dtype=jnp.float32) * 0.05
    b_lin = jnp.zeros((N_CLASSES,), dtype=jnp.float32)
    return {"x": x, "edge_index": edge_index, "W1": W1, "b1": b1, "W2": W2, "b2": b2,
            "templates": templates, "templates_features": templates_features,
            "W_lin": W_lin, "b_lin": b_lin}


def _with_self_loops(edge_index, n):
    src = edge_index[0]
    dst = edge_index[1]
    loop = jnp.arange(n, dtype=src.dtype)
    return jnp.concatenate([src, loop]), jnp.concatenate([dst, loop])


def gcn_conv(x, edge_index, W, b):
    n = x.shape[0]
    src, dst = _with_self_loops(edge_index, n)
    deg = jax.ops.segment_sum(jnp.ones_like(src, dtype=jnp.float32), dst, num_segments=n)
    dinv = jax.lax.rsqrt(jnp.maximum(deg, 1.0))
    h = x @ W
    coef = dinv[src] * dinv[dst]
    msg = h[src] * coef[:, None]
    out = jax.ops.segment_sum(msg, dst, num_segments=n)
    return out + b


def distance_to_template(x, edge_index, templates_features, templates):
    # FGW distance between each node's 1-hop neighborhood (uniform weights,
    # uniform coupling) and each template graph (closed form under uniform plan).
    n = x.shape[0]
    src, dst = _with_self_loops(edge_index, n)
    deg = jax.ops.segment_sum(jnp.ones_like(src, dtype=jnp.float32), dst, num_segments=n)
    deg = jnp.maximum(deg, 1.0)
    mean_x = jax.ops.segment_sum(x[src], dst, num_segments=n) / deg[:, None]
    mean_sq = jax.ops.segment_sum(jnp.sum(x[src] ** 2, axis=1), dst, num_segments=n) / deg
    mean_F = jnp.mean(templates_features, axis=1)                       # [T, d]
    mean_Fsq = jnp.mean(jnp.sum(templates_features ** 2, axis=-1), axis=-1)  # [T]
    feat_cost = mean_sq[:, None] + mean_Fsq[None, :] - 2.0 * (mean_x @ mean_F.T)  # [n, T]
    struct_cost = jnp.mean(templates ** 2, axis=(1, 2))                 # [T]
    return (1.0 - ALPHA) * feat_cost + ALPHA * struct_cost[None, :]


def reference(x, edge_index, W1, b1, W2, b2, templates, templates_features, W_lin, b_lin):
    h = jax.nn.relu(gcn_conv(x, edge_index, W1, b1))
    h = gcn_conv(h, edge_index, W2, b2)
    y = distance_to_template(h, edge_index, templates_features, templates)
    z = jnp.concatenate([h, y], axis=1)
    out = jax.nn.relu(z @ W_lin + b_lin)
    return out

if __name__ == "__main__":
    import jax
    _d = setup_inputs()
    print(jax.jit(kernel)(*tuple(_d.values())))

</pallas_src>

<mosaic_0001>
#map = affine_map<(d0, d1) -> (0, 0, 0)>
#map1 = affine_map<(d0, d1) -> (0, 0, 0, 0)>
#map2 = affine_map<(d0, d1) -> (0, 0)>
#map3 = affine_map<(d0, d1) -> (0)>
module attributes {stable_mosaic.version = 14 : i64} {
  func.func @run(%arg0: i32, %arg1: i32, %arg2: memref<2x10112x32xf32, #tpu.memory_space<hbm>>, %arg3: memref<2x16x160x125xi32, #tpu.memory_space<hbm>>, %arg4: memref<10112x32xf32, #tpu.memory_space<hbm>>, %arg5: memref<64xf32, #tpu.memory_space<hbm>>, %arg6: memref<10112x32xf32, #tpu.memory_space<hbm>>, %arg7: memref<2x10112x32xf32, #tpu.memory_space<hbm>>, %arg8: memref<2x10112x32xf32, #tpu.memory_space<hbm>>, %arg9: memref<160x125xi32, #tpu.memory_space<vmem>>, %arg10: memref<160x125xi32, #tpu.memory_space<vmem>>, %arg11: memref<4x125x32xf32, #tpu.memory_space<vmem>>, %arg12: memref<158x32xf32, #tpu.memory_space<vmem>>, %arg13: memref<158x32xf32, #tpu.memory_space<vmem>>, %arg14: memref<158x32xf32, #tpu.memory_space<vmem>>, %arg15: memref<32xf32, #tpu.memory_space<vmem>>, %arg16: memref<!tpu.dma_semaphore, #tpu.memory_space<semaphore_mem>>, %arg17: memref<!tpu.dma_semaphore, #tpu.memory_space<semaphore_mem>>, %arg18: memref<!tpu.dma_semaphore, #tpu.memory_space<semaphore_mem>>, %arg19: memref<!tpu.dma_semaphore, #tpu.memory_space<semaphore_mem>>, %arg20: memref<!tpu.dma_semaphore, #tpu.memory_space<semaphore_mem>>, %arg21: memref<!tpu.dma_semaphore, #tpu.memory_space<semaphore_mem>>, %arg22: memref<!tpu.dma_semaphore, #tpu.memory_space<semaphore_mem>>, %arg23: memref<!tpu.dma_semaphore, #tpu.memory_space<semaphore_mem>>, %arg24: memref<10112x32xf32, #tpu.memory_space<vmem_shared>>, %arg25: memref<10112x32xf32, #tpu.memory_space<vmem_shared>>) attributes {dimension_semantics = [#tpu.dimension_semantics<core_parallel>, #tpu.dimension_semantics<subcore_parallel>], iteration_bounds = array<i64: 2, 16>, scalar_prefetch = 0 : i64, scratch_operands = 17 : i64, tpu.core_type = #tpu.core_type<sc_vector_subcore>, window_params = [{transform_indices = #map}, {transform_indices = #map1}, {transform_indices = #map2}, {transform_indices = #map3}, {transform_indices = #map2}, {transform_indices = #map}, {transform_indices = #map}]} {
    %run_scoped3A = arith.constant 0 : i32
    "tpu.region"() ({
      %run_scoped3A_193 = tpu.sem_alloc : memref<!tpu.dma_semaphore, #tpu.memory_space<semaphore_mem>>
      %dma_start3A_194 = arith.constant 0 : i32
      %dma_start3A_195 = arith.constant 0 : i32
      %dma_start3A_196 = tpu.memref_slice %arg3[%run_scoped3A, %arg1, %dma_start3A_194, %dma_start3A_195] : memref<2x16x160x125xi32, #tpu.memory_space<hbm>> -> memref<1x1x160x125xi32, #tpu.memory_space<hbm>>
      %dma_start3A_197 = tpu.memref_squeeze %dma_start3A_196 : memref<1x1x160x125xi32, #tpu.memory_space<hbm>> -> memref<160x125xi32, #tpu.memory_space<hbm>>
      %dma_start3A_198 = arith.constant 0 : i32
      %dma_start3A_199 = arith.constant 0 : i32
      %dma_start3A_200 = tpu.memref_slice %arg3[%run_scoped3A, %arg1, %dma_start3A_198, %dma_start3A_199] : memref<2x16x160x125xi32, #tpu.memory_space<hbm>> -> memref<1x1x160x125xi32, #tpu.memory_space<hbm>>
      %dma_start3A_201 = tpu.memref_squeeze %dma_start3A_200 : memref<1x1x160x125xi32, #tpu.memory_space<hbm>> -> memref<160x125xi32, #tpu.memory_space<hbm>>
      tpu.enqueue_dma source(%dma_start3A_201 : memref<160x125xi32, #tpu.memory_space<hbm>>) target(%arg9 : memref<160x125xi32, #tpu.memory_space<vmem>>) target_semaphore(%run_scoped3A_193 : memref<!tpu.dma_semaphore, #tpu.memory_space<semaphore_mem>>)
      %dma_wait3A = arith.constant 0 : i32
      %dma_wait3A_202 = arith.constant 0 : i32
      %dma_wait3A_203 = tpu.memref_slice %arg3[%run_scoped3A, %arg1, %dma_wait3A, %dma_wait3A_202] : memref<2x16x160x125xi32, #tpu.memory_space<hbm>> -> memref<1x1x160x125xi32, #tpu.memory_space<hbm>>
      %dma_wait3A_204 = tpu.memref_squeeze %dma_wait3A_203 : memref<1x1x160x125xi32, #tpu.memory_space<hbm>> -> memref<160x125xi32, #tpu.memory_space<hbm>>
      %dma_wait3A_205 = arith.constant 0 : i32
      %dma_wait3A_206 = arith.constant 0 : i32
      %dma_wait3A_207 = tpu.memref_slice %arg3[%run_scoped3A, %arg1, %dma_wait3A_205, %dma_wait3A_206] : memref<2x16x160x125xi32, #tpu.memory_space<hbm>> -> memref<1x1x160x125xi32, #tpu.memory_space<hbm>>
      %dma_wait3A_208 = tpu.memref_squeeze %dma_wait3A_207 : memref<1x1x160x125xi32, #tpu.memory_space<hbm>> -> memref<160x125xi32, #tpu.memory_space<hbm>>
      tpu.wait_dma2 semaphore(%run_scoped3A_193 : memref<!tpu.dma_semaphore, #tpu.memory_space<semaphore_mem>>) src(%dma_wait3A_208 : memref<160x125xi32, #tpu.memory_space<hbm>>) dst(%arg9 : memref<160x125xi32, #tpu.memory_space<vmem>>)
      tpu.yield
    }) : () -> ()
    %run_scoped3A_0 = arith.constant 1 : i32
    "tpu.region"() ({
      %run_scoped3A_193 = tpu.sem_alloc : memref<!tpu.dma_semaphore, #tpu.memory_space<semaphore_mem>>
      %dma_start3A_194 = arith.constant 0 : i32
      %dma_start3A_195 = arith.constant 0 : i32
      %dma_start3A_196 = tpu.memref_slice %arg3[%run_scoped3A_0, %arg1, %dma_start3A_194, %dma_start3A_195] : memref<2x16x160x125xi32, #tpu.memory_space<hbm>> -> memref<1x1x160x125xi32, #tpu.memory_space<hbm>>
      %dma_start3A_197 = tpu.memref_squeeze %dma_start3A_196 : memref<1x1x160x125xi32, #tpu.memory_space<hbm>> -> memref<160x125xi32, #tpu.memory_space<hbm>>
      %dma_start3A_198 = arith.constant 0 : i32
      %dma_start3A_199 = arith.constant 0 : i32
      %dma_start3A_200 = tpu.memref_slice %arg3[%run_scoped3A_0, %arg1, %dma_start3A_198, %dma_start3A_199] : memref<2x16x160x125xi32, #tpu.memory_space<hbm>> -> memref<1x1x160x125xi32, #tpu.memory_space<hbm>>
      %dma_start3A_201 = tpu.memref_squeeze %dma_start3A_200 : memref<1x1x160x125xi32, #tpu.memory_space<hbm>> -> memref<160x125xi32, #tpu.memory_space<hbm>>
      tpu.enqueue_dma source(%dma_start3A_201 : memref<160x125xi32, #tpu.memory_space<hbm>>) target(%arg10 : memref<160x125xi32, #tpu.memory_space<vmem>>) target_semaphore(%run_scoped3A_193 : memref<!tpu.dma_semaphore, #tpu.memory_space<semaphore_mem>>)
      %dma_wait3A = arith.constant 0 : i32
      %dma_wait3A_202 = arith.constant 0 : i32
      %dma_wait3A_203 = tpu.memref_slice %arg3[%run_scoped3A_0, %arg1, %dma_wait3A, %dma_wait3A_202] : memref<2x16x160x125xi32, #tpu.memory_space<hbm>> -> memref<1x1x160x125xi32, #tpu.memory_space<hbm>>
      %dma_wait3A_204 = tpu.memref_squeeze %dma_wait3A_203 : memref<1x1x160x125xi32, #tpu.memory_space<hbm>> -> memref<160x125xi32, #tpu.memory_space<hbm>>
      %dma_wait3A_205 = arith.constant 0 : i32
      %dma_wait3A_206 = arith.constant 0 : i32
      %dma_wait3A_207 = tpu.memref_slice %arg3[%run_scoped3A_0, %arg1, %dma_wait3A_205, %dma_wait3A_206] : memref<2x16x160x125xi32, #tpu.memory_space<hbm>> -> memref<1x1x160x125xi32, #tpu.memory_space<hbm>>
      %dma_wait3A_208 = tpu.memref_squeeze %dma_wait3A_207 : memref<1x1x160x125xi32, #tpu.memory_space<hbm>> -> memref<160x125xi32, #tpu.memory_space<hbm>>
      tpu.wait_dma2 semaphore(%run_scoped3A_193 : memref<!tpu.dma_semaphore, #tpu.memory_space<semaphore_mem>>) src(%dma_wait3A_208 : memref<160x125xi32, #tpu.memory_space<hbm>>) dst(%arg10 : memref<160x125xi32, #tpu.memory_space<vmem>>)
      tpu.yield
    }) : () -> ()
    %mul3A = arith.constant 32 : i32
    %mul3A_1 = arith.muli %arg0, %mul3A : i32
    %multiple_of3A = tpu.assume_multiple %mul3A_1, 32 : i32
    "tpu.region"() ({
      %run_scoped3A_193 = tpu.sem_alloc : memref<!tpu.dma_semaphore, #tpu.memory_space<semaphore_mem>>
      %dma_start3A_194 = tpu.memref_slice %arg5[%multiple_of3A] : memref<64xf32, #tpu.memory_space<hbm>> -> memref<32xf32, #tpu.memory_space<hbm>>
      %dma_start3A_195 = tpu.memref_slice %arg5[%multiple_of3A] : memref<64xf32, #tpu.memory_space<hbm>> -> memref<32xf32, #tpu.memory_space<hbm>>
      tpu.enqueue_dma source(%dma_start3A_195 : memref<32xf32, #tpu.memory_space<hbm>>) target(%arg15 : memref<32xf32, #tpu.memory_space<vmem>>) target_semaphore(%run_scoped3A_193 : memref<!tpu.dma_semaphore, #tpu.memory_space<semaphore_mem>>)
      %dma_wait3A = tpu.memref_slice %arg5[%multiple_of3A] : memref<64xf32, #tpu.memory_space<hbm>> -> memref<32xf32, #tpu.memory_space<hbm>>
      %dma_wait3A_196 = tpu.memref_slice %arg5[%multiple_of3A] : memref<64xf32, #tpu.memory_space<hbm>> -> memref<32xf32, #tpu.memory_space<hbm>>
      tpu.wait_dma2 semaphore(%run_scoped3A_193 : memref<!tpu.dma_semaphore, #tpu.memory_space<semaphore_mem>>) src(%dma_wait3A_196 : memref<32xf32, #tpu.memory_space<hbm>>) dst(%arg15 : memref<32xf32, #tpu.memory_space<vmem>>)
      tpu.yield
    }) : () -> ()
    %mul3A_2 = arith.constant 632 : i32
    %mul3A_3 = arith.muli %arg1, %mul3A_2 : i32
    %mul3A_4 = arith.constant 632 : i32
    %mul3A_5 = arith.muli %arg1, %mul3A_4 : i32
    "tpu.region"() ({
      %run_scoped3A_193 = tpu.sem_alloc : memref<!tpu.dma_semaphore, #tpu.memory_space<semaphore_mem>>
      %dma_start3A_194 = arith.constant 0 : i32
      %dma_start3A_195 = tpu.memref_slice %arg24[%mul3A_5, %dma_start3A_194] : memref<10112x32xf32, #tpu.memory_space<vmem_shared>> -> memref<632x32xf32, #tpu.memory_space<vmem_shared>>
      %dma_start3A_196 = arith.constant 0 : i32
      %dma_start3A_197 = tpu.memref_slice %arg6[%mul3A_3, %dma_start3A_196] : memref<10112x32xf32, #tpu.memory_space<hbm>> -> memref<632x32xf32, #tpu.memory_space<hbm>>
      tpu.enqueue_dma source(%dma_start3A_197 : memref<632x32xf32, #tpu.memory_space<hbm>>) target(%dma_start3A_195 : memref<632x32xf32, #tpu.memory_space<vmem_shared>>) target_semaphore(%run_scoped3A_193 : memref<!tpu.dma_semaphore, #tpu.memory_space<semaphore_mem>>)
      %dma_wait3A = arith.constant 0 : i32
      %dma_wait3A_198 = tpu.memref_slice %arg24[%mul3A_5, %dma_wait3A] : memref<10112x32xf32, #tpu.memory_space<vmem_shared>> -> memref<632x32xf32, #tpu.memory_space<vmem_shared>>
      %dma_wait3A_199 = arith.constant 0 : i32
      %dma_wait3A_200 = tpu.memref_slice %arg6[%mul3A_3, %dma_wait3A_199] : memref<10112x32xf32, #tpu.memory_space<hbm>> -> memref<632x32xf32, #tpu.memory_space<hbm>>
      tpu.wait_dma2 semaphore(%run_scoped3A_193 : memref<!tpu.dma_semaphore, #tpu.memory_space<semaphore_mem>>) src(%dma_wait3A_200 : memref<632x32xf32, #tpu.memory_space<hbm>>) dst(%dma_wait3A_198 : memref<632x32xf32, #tpu.memory_space<vmem_shared>>)
      tpu.yield
    }) : () -> ()
    %mul3A_6 = arith.constant 632 : i32
    %mul3A_7 = arith.muli %arg1, %mul3A_6 : i32
    %mul3A_8 = arith.constant 632 : i32
    %mul3A_9 = arith.muli %arg1, %mul3A_8 : i32
    "tpu.region"() ({
      %run_scoped3A_193 = tpu.sem_alloc : memref<!tpu.dma_semaphore, #tpu.memory_space<semaphore_mem>>
      %dma_start3A_194 = arith.constant 0 : i32
      %dma_start3A_195 = tpu.memref_slice %arg25[%mul3A_9, %dma_start3A_194] : memref<10112x32xf32, #tpu.memory_space<vmem_shared>> -> memref<632x32xf32, #tpu.memory_space<vmem_shared>>
      %dma_start3A_196 = arith.constant 0 : i32
      %dma_start3A_197 = tpu.memref_slice %arg6[%mul3A_7, %dma_start3A_196] : memref<10112x32xf32, #tpu.memory_space<hbm>> -> memref<632x32xf32, #tpu.memory_space<hbm>>
      tpu.enqueue_dma source(%dma_start3A_197 : memref<632x32xf32, #tpu.memory_space<hbm>>) target(%dma_start3A_195 : memref<632x32xf32, #tpu.memory_space<vmem_shared>>) target_semaphore(%run_scoped3A_193 : memref<!tpu.dma_semaphore, #tpu.memory_space<semaphore_mem>>)
      %dma_wait3A = arith.constant 0 : i32
      %dma_wait3A_198 = tpu.memref_slice %arg25[%mul3A_9, %dma_wait3A] : memref<10112x32xf32, #tpu.memory_space<vmem_shared>> -> memref<632x32xf32, #tpu.memory_space<vmem_shared>>
      %dma_wait3A_199 = arith.constant 0 : i32
      %dma_wait3A_200 = tpu.memref_slice %arg6[%mul3A_7, %dma_wait3A_199] : memref<10112x32xf32, #tpu.memory_space<hbm>> -> memref<632x32xf32, #tpu.memory_space<hbm>>
      tpu.wait_dma2 semaphore(%run_scoped3A_193 : memref<!tpu.dma_semaphore, #tpu.memory_space<semaphore_mem>>) src(%dma_wait3A_200 : memref<632x32xf32, #tpu.memory_space<hbm>>) dst(%dma_wait3A_198 : memref<632x32xf32, #tpu.memory_space<vmem_shared>>)
      tpu.yield
    }) : () -> ()
    %barrier3A = arith.constant 0 : index
    tpu.barrier barrier_id(%barrier3A)
    %dma_start3A = arith.constant 0 : i32
    %dma_start3A_10 = arith.constant 0 : i32
    %dma_start3A_11 = arith.constant 0 : i32
    %dma_start3A_12 = arith.constant 0 : i32
    %dma_start3A_13 = tpu.memref_slice %arg11[%dma_start3A_10, %dma_start3A_11, %dma_start3A_12] : memref<4x125x32xf32, #tpu.memory_space<vmem>> -> memref<1x125x32xf32, #tpu.memory_space<vmem>>
    %dma_start3A_14 = tpu.memref_squeeze %dma_start3A_13 : memref<1x125x32xf32, #tpu.memory_space<vmem>> -> memref<125x32xf32, #tpu.memory_space<vmem>>
    %dma_start3A_15 = arith.constant 0 : i32
    %dma_start3A_16 = tpu.memref_slice %arg9[%dma_start3A, %dma_start3A_15] : memref<160x125xi32, #tpu.memory_space<vmem>> -> memref<1x125xi32, #tpu.memory_space<vmem>>
    %dma_start3A_17 = tpu.memref_squeeze %dma_start3A_16 : memref<1x125xi32, #tpu.memory_space<vmem>> -> memref<125xi32, #tpu.memory_space<vmem>>
    %dma_start3A_18 = arith.constant 0 : i32
    %dma_start3A_19 = arith.constant 0 : i32
    %dma_start3A_20 = tpu.memref_slice %arg2[%arg0, %dma_start3A_18, %dma_start3A_19] : memref<2x10112x32xf32, #tpu.memory_space<hbm>> -> memref<1x10112x32xf32, #tpu.memory_space<hbm>>
    %dma_start3A_21 = tpu.memref_squeeze %dma_start3A_20 : memref<1x10112x32xf32, #tpu.memory_space<hbm>> -> memref<10112x32xf32, #tpu.memory_space<hbm>>
    %dma_start3A_22 = arith.constant 0 : i32
    %dma_start3A_23 = arith.constant 0 : i32
    %dma_start3A_24 = tpu.memref_slice %dma_start3A_21[%dma_start3A_22, %dma_start3A_23] : memref<10112x32xf32, #tpu.memory_space<hbm>> -> memref<10112x32xf32, #tpu.memory_space<hbm>>
    tpu.enqueue_indirect_dma source(%dma_start3A_24 : memref<10112x32xf32, #tpu.memory_space<hbm>>) target(%dma_start3A_14 : memref<125x32xf32, #tpu.memory_space<vmem>>) offsets(%dma_start3A_17 : memref<125xi32, #tpu.memory_space<vmem>>) semaphore(%arg16 : memref<!tpu.dma_semaphore, #tpu.memory_space<semaphore_mem>>)
    %dma_start3A_25 = arith.constant 1 : i32
    %dma_start3A_26 = arith.constant 1 : i32
    %dma_start3A_27 = arith.constant 0 : i32
    %dma_start3A_28 = arith.constant 0 : i32
    %dma_start3A_29 = tpu.memref_slice %arg11[%dma_start3A_26, %dma_start3A_27, %dma_start3A_28] : memref<4x125x32xf32, #tpu.memory_space<vmem>> -> memref<1x125x32xf32, #tpu.memory_space<vmem>>
    %dma_start3A_30 = tpu.memref_squeeze %dma_start3A_29 : memref<1x125x32xf32, #tpu.memory_space<vmem>> -> memref<125x32xf32, #tpu.memory_space<vmem>>
    %dma_start3A_31 = arith.constant 0 : i32
    %dma_start3A_32 = tpu.memref_slice %arg9[%dma_start3A_25, %dma_start3A_31] : memref<160x125xi32, #tpu.memory_space<vmem>> -> memref<1x125xi32, #tpu.memory_space<vmem>>
    %dma_start3A_33 = tpu.memref_squeeze %dma_start3A_32 : memref<1x125xi32, #tpu.memory_space<vmem>> -> memref<125xi32, #tpu.memory_space<vmem>>
    %dma_start3A_34 = arith.constant 0 : i32
    %dma_start3A_35 = arith.constant 0 : i32
    %dma_start3A_36 = tpu.memref_slice %arg2[%arg0, %dma_start3A_34, %dma_start3A_35] : memref<2x10112x32xf32, #tpu.memory_space<hbm>> -> memref<1x10112x32xf32, #tpu.memory_space<hbm>>
    %dma_start3A_37 = tpu.memref_squeeze %dma_start3A_36 : memref<1x10112x32xf32, #tpu.memory_space<hbm>> -> memref<10112x32xf32, #tpu.memory_space<hbm>>
    %dma_start3A_38 = arith.constant 0 : i32
    %dma_start3A_39 = arith.constant 0 : i32
    %dma_start3A_40 = tpu.memref_slice %dma_start3A_37[%dma_start3A_38, %dma_start3A_39] : memref<10112x32xf32, #tpu.memory_space<hbm>> -> memref<10112x32xf32, #tpu.memory_space<hbm>>
    tpu.enqueue_indirect_dma source(%dma_start3A_40 : memref<10112x32xf32, #tpu.memory_space<hbm>>) target(%dma_start3A_30 : memref<125x32xf32, #tpu.memory_space<vmem>>) offsets(%dma_start3A_33 : memref<125xi32, #tpu.memory_space<vmem>>) semaphore(%arg17 : memref<!tpu.dma_semaphore, #tpu.memory_space<semaphore_mem>>)
    %dma_start3A_41 = arith.constant 2 : i32
    %dma_start3A_42 = arith.constant 2 : i32
    %dma_start3A_43 = arith.constant 0 : i32
    %dma_start3A_44 = arith.constant 0 : i32
    %dma_start3A_45 = tpu.memref_slice %arg11[%dma_start3A_42, %dma_start3A_43, %dma_start3A_44] : memref<4x125x32xf32, #tpu.memory_space<vmem>> -> memref<1x125x32xf32, #tpu.memory_space<vmem>>
    %dma_start3A_46 = tpu.memref_squeeze %dma_start3A_45 : memref<1x125x32xf32, #tpu.memory_space<vmem>> -> memref<125x32xf32, #tpu.memory_space<vmem>>
    %dma_start3A_47 = arith.constant 0 : i32
    %dma_start3A_48 = tpu.memref_slice %arg9[%dma_start3A_41, %dma_start3A_47] : memref<160x125xi32, #tpu.memory_space<vmem>> -> memref<1x125xi32, #tpu.memory_space<vmem>>
    %dma_start3A_49 = tpu.memref_squeeze %dma_start3A_48 : memref<1x125xi32, #tpu.memory_space<vmem>> -> memref<125xi32, #tpu.memory_space<vmem>>
    %dma_start3A_50 = arith.constant 0 : i32
    %dma_start3A_51 = arith.constant 0 : i32
    %dma_start3A_52 = tpu.memref_slice %arg2[%arg0, %dma_start3A_50, %dma_start3A_51] : memref<2x10112x32xf32, #tpu.memory_space<hbm>> -> memref<1x10112x32xf32, #tpu.memory_space<hbm>>
    %dma_start3A_53 = tpu.memref_squeeze %dma_start3A_52 : memref<1x10112x32xf32, #tpu.memory_space<hbm>> -> memref<10112x32xf32, #tpu.memory_space<hbm>>
    %dma_start3A_54 = arith.constant 0 : i32
    %dma_start3A_55 = arith.constant 0 : i32
    %dma_start3A_56 = tpu.memref_slice %dma_start3A_53[%dma_start3A_54, %dma_start3A_55] : memref<10112x32xf32, #tpu.memory_space<hbm>> -> memref<10112x32xf32, #tpu.memory_space<hbm>>
    tpu.enqueue_indirect_dma source(%dma_start3A_56 : memref<10112x32xf32, #tpu.memory_space<hbm>>) target(%dma_start3A_46 : memref<125x32xf32, #tpu.memory_space<vmem>>) offsets(%dma_start3A_49 : memref<125xi32, #tpu.memory_space<vmem>>) semaphore(%arg18 : memref<!tpu.dma_semaphore, #tpu.memory_space<semaphore_mem>>)
    %dma_start3A_57 = arith.constant 3 : i32
    %dma_start3A_58 = arith.constant 3 : i32
    %dma_start3A_59 = arith.constant 0 : i32
    %dma_start3A_60 = arith.constant 0 : i32
    %dma_start3A_61 = tpu.memref_slice %arg11[%dma_start3A_58, %dma_start3A_59, %dma_start3A_60] : memref<4x125x32xf32, #tpu.memory_space<vmem>> -> memref<1x125x32xf32, #tpu.memory_space<vmem>>
    %dma_start3A_62 = tpu.memref_squeeze %dma_start3A_61 : memref<1x125x32xf32, #tpu.memory_space<vmem>> -> memref<125x32xf32, #tpu.memory_space<vmem>>
    %dma_start3A_63 = arith.constant 0 : i32
    %dma_start3A_64 = tpu.memref_slice %arg9[%dma_start3A_57, %dma_start3A_63] : memref<160x125xi32, #tpu.memory_space<vmem>> -> memref<1x125xi32, #tpu.memory_space<vmem>>
    %dma_start3A_65 = tpu.memref_squeeze %dma_start3A_64 : memref<1x125xi32, #tpu.memory_space<vmem>> -> memref<125xi32, #tpu.memory_space<vmem>>
    %dma_start3A_66 = arith.constant 0 : i32
    %dma_start3A_67 = arith.constant 0 : i32
    %dma_start3A_68 = tpu.memref_slice %arg2[%arg0, %dma_start3A_66, %dma_start3A_67] : memref<2x10112x32xf32, #tpu.memory_space<hbm>> -> memref<1x10112x32xf32, #tpu.memory_space<hbm>>
    %dma_start3A_69 = tpu.memref_squeeze %dma_start3A_68 : memref<1x10112x32xf32, #tpu.memory_space<hbm>> -> memref<10112x32xf32, #tpu.memory_space<hbm>>
    %dma_start3A_70 = arith.constant 0 : i32
    %dma_start3A_71 = arith.constant 0 : i32
    %dma_start3A_72 = tpu.memref_slice %dma_start3A_69[%dma_start3A_70, %dma_start3A_71] : memref<10112x32xf32, #tpu.memory_space<hbm>> -> memref<10112x32xf32, #tpu.memory_space<hbm>>
    tpu.enqueue_indirect_dma source(%dma_start3A_72 : memref<10112x32xf32, #tpu.memory_space<hbm>>) target(%dma_start3A_62 : memref<125x32xf32, #tpu.memory_space<vmem>>) offsets(%dma_start3A_65 : memref<125xi32, #tpu.memory_space<vmem>>) semaphore(%arg19 : memref<!tpu.dma_semaphore, #tpu.memory_space<semaphore_mem>>)
    %scan3A = arith.constant 0 : i32
    %scan3A_73 = arith.constant 40 : i32
    %scan3A_74 = arith.addi %scan3A, %scan3A_73 : i32
    %scan3A_75 = arith.constant 1 : i32
    scf.for %scan3A_193 = %scan3A to %scan3A_74 step %scan3A_75  : i32 {
      %mul3A_194 = arith.constant 4 : i32
      %mul3A_195 = arith.muli %scan3A_193, %mul3A_194 : i32
      %add3A_196 = arith.constant 0 : i32
      %add3A_197 = arith.addi %add3A_196, %mul3A_195 : i32
      %dma_wait3A = arith.constant 0 : i32
      %dma_wait3A_198 = arith.constant 0 : i32
      %dma_wait3A_199 = arith.constant 0 : i32
      %dma_wait3A_200 = arith.constant 0 : i32
      %dma_wait3A_201 = tpu.memref_slice %arg11[%dma_wait3A_198, %dma_wait3A_199, %dma_wait3A_200] : memref<4x125x32xf32, #tpu.memory_space<vmem>> -> memref<1x125x32xf32, #tpu.memory_space<vmem>>
      %dma_wait3A_202 = tpu.memref_squeeze %dma_wait3A_201 : memref<1x125x32xf32, #tpu.memory_space<vmem>> -> memref<125x32xf32, #tpu.memory_space<vmem>>
      %dma_wait3A_203 = arith.constant 0 : i32
      %dma_wait3A_204 = tpu.memref_slice %arg9[%dma_wait3A, %dma_wait3A_203] : memref<160x125xi32, #tpu.memory_space<vmem>> -> memref<1x125xi32, #tpu.memory_space<vmem>>
      %dma_wait3A_205 = tpu.memref_squeeze %dma_wait3A_204 : memref<1x125xi32, #tpu.memory_space<vmem>> -> memref<125xi32, #tpu.memory_space<vmem>>
      %dma_wait3A_206 = arith.constant 0 : i32
      %dma_wait3A_207 = arith.constant 0 : i32
      %dma_wait3A_208 = tpu.memref_slice %arg2[%arg0, %dma_wait3A_206, %dma_wait3A_207] : memref<2x10112x32xf32, #tpu.memory_space<hbm>> -> memref<1x10112x32xf32, #tpu.memory_space<hbm>>
      %dma_wait3A_209 = tpu.memref_squeeze %dma_wait3A_208 : memref<1x10112x32xf32, #tpu.memory_space<hbm>> -> memref<10112x32xf32, #tpu.memory_space<hbm>>
      %dma_wait3A_210 = arith.constant 0 : i32
      %dma_wait3A_211 = arith.constant 0 : i32
      %dma_wait3A_212 = tpu.memref_slice %dma_wait3A_209[%dma_wait3A_210, %dma_wait3A_211] : memref<10112x32xf32, #tpu.memory_space<hbm>> -> memref<10112x32xf32, #tpu.memory_space<hbm>>
      tpu.wait_indirect_dma semaphore(%arg16 : memref<!tpu.dma_semaphore, #tpu.memory_space<semaphore_mem>>) src(%dma_wait3A_212 : memref<10112x32xf32, #tpu.memory_space<hbm>>) dst(%dma_wait3A_202 : memref<125x32xf32, #tpu.memory_space<vmem>>)
      %add3A_213 = arith.constant 0 : i32
      %add3A_214 = arith.addi %add3A_197, %add3A_213 : i32
      %dma_start3A_215 = arith.constant 0 : i32
      %dma_start3A_216 = arith.constant 0 : i32
      %dma_start3A_217 = arith.constant 0 : i32
      %dma_start3A_218 = tpu.memref_slice %arg11[%dma_start3A_215, %dma_start3A_216, %dma_start3A_217] : memref<4x125x32xf32, #tpu.memory_space<vmem>> -> memref<1x125x32xf32, #tpu.memory_space<vmem>>
      %dma_start3A_219 = tpu.memref_squeeze %dma_start3A_218 : memref<1x125x32xf32, #tpu.memory_space<vmem>> -> memref<125x32xf32, #tpu.memory_space<vmem>>
      %dma_start3A_220 = arith.constant 0 : i32
      %dma_start3A_221 = tpu.memref_slice %arg10[%add3A_214, %dma_start3A_220] : memref<160x125xi32, #tpu.memory_space<vmem>> -> memref<1x125xi32, #tpu.memory_space<vmem>>
      %dma_start3A_222 = tpu.memref_squeeze %dma_start3A_221 : memref<1x125xi32, #tpu.memory_space<vmem>> -> memref<125xi32, #tpu.memory_space<vmem>>
      %dma_start3A_223 = arith.constant 0 : i32
      %dma_start3A_224 = arith.constant 0 : i32
      %dma_start3A_225 = tpu.memref_slice %arg24[%dma_start3A_223, %dma_start3A_224] : memref<10112x32xf32, #tpu.memory_space<vmem_shared>> -> memref<10112x32xf32, #tpu.memory_space<vmem_shared>>
      tpu.enqueue_indirect_dma source(%dma_start3A_219 : memref<125x32xf32, #tpu.memory_space<vmem>>) target(%dma_start3A_225 : memref<10112x32xf32, #tpu.memory_space<vmem_shared>>) offsets(%dma_start3A_222 : memref<125xi32, #tpu.memory_space<vmem>>) semaphore(%arg20 : memref<!tpu.dma_semaphore, #tpu.memory_space<semaphore_mem>>) {add = true}
      %dma_wait3A_226 = arith.constant 1 : i32
      %dma_wait3A_227 = arith.constant 1 : i32
      %dma_wait3A_228 = arith.constant 0 : i32
      %dma_wait3A_229 = arith.constant 0 : i32
      %dma_wait3A_230 = tpu.memref_slice %arg11[%dma_wait3A_227, %dma_wait3A_228, %dma_wait3A_229] : memref<4x125x32xf32, #tpu.memory_space<vmem>> -> memref<1x125x32xf32, #tpu.memory_space<vmem>>
      %dma_wait3A_231 = tpu.memref_squeeze %dma_wait3A_230 : memref<1x125x32xf32, #tpu.memory_space<vmem>> -> memref<125x32xf32, #tpu.memory_space<vmem>>
      %dma_wait3A_232 = arith.constant 0 : i32
      %dma_wait3A_233 = tpu.memref_slice %arg9[%dma_wait3A_226, %dma_wait3A_232] : memref<160x125xi32, #tpu.memory_space<vmem>> -> memref<1x125xi32, #tpu.memory_space<vmem>>
      %dma_wait3A_234 = tpu.memref_squeeze %dma_wait3A_233 : memref<1x125xi32, #tpu.memory_space<vmem>> -> memref<125xi32, #tpu.memory_space<vmem>>
      %dma_wait3A_235 = arith.constant 0 : i32
      %dma_wait3A_236 = arith.constant 0 : i32
      %dma_wait3A_237 = tpu.memref_slice %arg2[%arg0, %dma_wait3A_235, %dma_wait3A_236] : memref<2x10112x32xf32, #tpu.memory_space<hbm>> -> memref<1x10112x32xf32, #tpu.memory_space<hbm>>
      %dma_wait3A_238 = tpu.memref_squeeze %dma_wait3A_237 : memref<1x10112x32xf32, #tpu.memory_space<hbm>> -> memref<10112x32xf32, #tpu.memory_space<hbm>>
      %dma_wait3A_239 = arith.constant 0 : i32
      %dma_wait3A_240 = arith.constant 0 : i32
      %dma_wait3A_241 = tpu.memref_slice %dma_wait3A_238[%dma_wait3A_239, %dma_wait3A_240] : memref<10112x32xf32, #tpu.memory_space<hbm>> -> memref<10112x32xf32, #tpu.memory_space<hbm>>
      tpu.wait_indirect_dma semaphore(%arg17 : memref<!tpu.dma_semaphore, #tpu.memory_space<semaphore_mem>>) src(%dma_wait3A_241 : memref<10112x32xf32, #tpu.memory_space<hbm>>) dst(%dma_wait3A_231 : memref<125x32xf32, #tpu.memory_space<vmem>>)
      %add3A_242 = arith.constant 1 : i32
      %add3A_243 = arith.addi %add3A_197, %add3A_242 : i32
      %dma_start3A_244 = arith.constant 1 : i32
      %dma_start3A_245 = arith.constant 0 : i32
      %dma_start3A_246 = arith.constant 0 : i32
      %dma_start3A_247 = tpu.memref_slice %arg11[%dma_start3A_244, %dma_start3A_245, %dma_start3A_246] : memref<4x125x32xf32, #tpu.memory_space<vmem>> -> memref<1x125x32xf32, #tpu.memory_space<vmem>>
      %dma_start3A_248 = tpu.memref_squeeze %dma_start3A_247 : memref<1x125x32xf32, #tpu.memory_space<vmem>> -> memref<125x32xf32, #tpu.memory_space<vmem>>
      %dma_start3A_249 = arith.constant 0 : i32
      %dma_start3A_250 = tpu.memref_slice %arg10[%add3A_243, %dma_start3A_249] : memref<160x125xi32, #tpu.memory_space<vmem>> -> memref<1x125xi32, #tpu.memory_space<vmem>>
      %dma_start3A_251 = tpu.memref_squeeze %dma_start3A_250 : memref<1x125xi32, #tpu.memory_space<vmem>> -> memref<125xi32, #tpu.memory_space<vmem>>
      %dma_start3A_252 = arith.constant 0 : i32
      %dma_start3A_253 = arith.constant 0 : i32
      %dma_start3A_254 = tpu.memref_slice %arg24[%dma_start3A_252, %dma_start3A_253] : memref<10112x32xf32, #tpu.memory_space<vmem_shared>> -> memref<10112x32xf32, #tpu.memory_space<vmem_shared>>
      tpu.enqueue_indirect_dma source(%dma_start3A_248 : memref<125x32xf32, #tpu.memory_space<vmem>>) target(%dma_start3A_254 : memref<10112x32xf32, #tpu.memory_space<vmem_shared>>) offsets(%dma_start3A_251 : memref<125xi32, #tpu.memory_space<vmem>>) semaphore(%arg21 : memref<!tpu.dma_semaphore, #tpu.memory_space<semaphore_mem>>) {add = true}
      %dma_wait3A_255 = arith.constant 2 : i32
      %dma_wait3A_256 = arith.constant 2 : i32
      %dma_wait3A_257 = arith.constant 0 : i32
      %dma_wait3A_258 = arith.constant 0 : i32
      %dma_wait3A_259 = tpu.memref_slice %arg11[%dma_wait3A_256, %dma_wait3A_257, %dma_wait3A_258] : memref<4x125x32xf32, #tpu.memory_space<vmem>> -> memref<1x125x32xf32, #tpu.memory_space<vmem>>
      %dma_wait3A_260 = tpu.memref_squeeze %dma_wait3A_259 : memref<1x125x32xf32, #tpu.memory_space<vmem>> -> memref<125x32xf32, #tpu.memory_space<vmem>>
      %dma_wait3A_261 = arith.constant 0 : i32
      %dma_wait3A_262 = tpu.memref_slice %arg9[%dma_wait3A_255, %dma_wait3A_261] : memref<160x125xi32, #tpu.memory_space<vmem>> -> memref<1x125xi32, #tpu.memory_space<vmem>>
      %dma_wait3A_263 = tpu.memref_squeeze %dma_wait3A_262 : memref<1x125xi32, #tpu.memory_space<vmem>> -> memref<125xi32, #tpu.memory_space<vmem>>
      %dma_wait3A_264 = arith.constant 0 : i32
      %dma_wait3A_265 = arith.constant 0 : i32
      %dma_wait3A_266 = tpu.memref_slice %arg2[%arg0, %dma_wait3A_264, %dma_wait3A_265] : memref<2x10112x32xf32, #tpu.memory_space<hbm>> -> memref<1x10112x32xf32, #tpu.memory_space<hbm>>
      %dma_wait3A_267 = tpu.memref_squeeze %dma_wait3A_266 : memref<1x10112x32xf32, #tpu.memory_space<hbm>> -> memref<10112x32xf32, #tpu.memory_space<hbm>>
      %dma_wait3A_268 = arith.constant 0 : i32
      %dma_wait3A_269 = arith.constant 0 : i32
      %dma_wait3A_270 = tpu.memref_slice %dma_wait3A_267[%dma_wait3A_268, %dma_wait3A_269] : memref<10112x32xf32, #tpu.memory_space<hbm>> -> memref<10112x32xf32, #tpu.memory_space<hbm>>
      tpu.wait_indirect_dma semaphore(%arg18 : memref<!tpu.dma_semaphore, #tpu.memory_space<semaphore_mem>>) src(%dma_wait3A_270 : memref<10112x32xf32, #tpu.memory_space<hbm>>) dst(%dma_wait3A_260 : memref<125x32xf32, #tpu.memory_space<vmem>>)
      %add3A_271 = arith.constant 2 : i32
      %add3A_272 = arith.addi %add3A_197, %add3A_271 : i32
      %dma_start3A_273 = arith.constant 2 : i32
      %dma_start3A_274 = arith.constant 0 : i32
      %dma_start3A_275 = arith.constant 0 : i32
      %dma_start3A_276 = tpu.memref_slice %arg11[%dma_start3A_273, %dma_start3A_274, %dma_start3A_275] : memref<4x125x32xf32, #tpu.memory_space<vmem>> -> memref<1x125x32xf32, #tpu.memory_space<vmem>>
      %dma_start3A_277 = tpu.memref_squeeze %dma_start3A_276 : memref<1x125x32xf32, #tpu.memory_space<vmem>> -> memref<125x32xf32, #tpu.memory_space<vmem>>
      %dma_start3A_278 = arith.constant 0 : i32
      %dma_start3A_279 = tpu.memref_slice %arg10[%add3A_272, %dma_start3A_278] : memref<160x125xi32, #tpu.memory_space<vmem>> -> memref<1x125xi32, #tpu.memory_space<vmem>>
      %dma_start3A_280 = tpu.memref_squeeze %dma_start3A_279 : memref<1x125xi32, #tpu.memory_space<vmem>> -> memref<125xi32, #tpu.memory_space<vmem>>
      %dma_start3A_281 = arith.constant 0 : i32
      %dma_start3A_282 = arith.constant 0 : i32
      %dma_start3A_283 = tpu.memref_slice %arg24[%dma_start3A_281, %dma_start3A_282] : memref<10112x32xf32, #tpu.memory_space<vmem_shared>> -> memref<10112x32xf32, #tpu.memory_space<vmem_shared>>
      tpu.enqueue_indirect_dma source(%dma_start3A_277 : memref<125x32xf32, #tpu.memory_space<vmem>>) target(%dma_start3A_283 : memref<10112x32xf32, #tpu.memory_space<vmem_shared>>) offsets(%dma_start3A_280 : memref<125xi32, #tpu.memory_space<vmem>>) semaphore(%arg22 : memref<!tpu.dma_semaphore, #tpu.memory_space<semaphore_mem>>) {add = true}
      %dma_wait3A_284 = arith.constant 3 : i32
      %dma_wait3A_285 = arith.constant 3 : i32
      %dma_wait3A_286 = arith.constant 0 : i32
      %dma_wait3A_287 = arith.constant 0 : i32
      %dma_wait3A_288 = tpu.memref_slice %arg11[%dma_wait3A_285, %dma_wait3A_286, %dma_wait3A_287] : memref<4x125x32xf32, #tpu.memory_space<vmem>> -> memref<1x125x32xf32, #tpu.memory_space<vmem>>
      %dma_wait3A_289 = tpu.memref_squeeze %dma_wait3A_288 : memref<1x125x32xf32, #tpu.memory_space<vmem>> -> memref<125x32xf32, #tpu.memory_space<vmem>>
      %dma_wait3A_290 = arith.constant 0 : i32
      %dma_wait3A_291 = tpu.memref_slice %arg9[%dma_wait3A_284, %dma_wait3A_290] : memref<160x125xi32, #tpu.memory_space<vmem>> -> memref<1x125xi32, #tpu.memory_space<vmem>>
      %dma_wait3A_292 = tpu.memref_squeeze %dma_wait3A_291 : memref<1x125xi32, #tpu.memory_space<vmem>> -> memref<125xi32, #tpu.memory_space<vmem>>
      %dma_wait3A_293 = arith.constant 0 : i32
      %dma_wait3A_294 = arith.constant 0 : i32
      %dma_wait3A_295 = tpu.memref_slice %arg2[%arg0, %dma_wait3A_293, %dma_wait3A_294] : memref<2x10112x32xf32, #tpu.memory_space<hbm>> -> memref<1x10112x32xf32, #tpu.memory_space<hbm>>
      %dma_wait3A_296 = tpu.memref_squeeze %dma_wait3A_295 : memref<1x10112x32xf32, #tpu.memory_space<hbm>> -> memref<10112x32xf32, #tpu.memory_space<hbm>>
      %dma_wait3A_297 = arith.constant 0 : i32
      %dma_wait3A_298 = arith.constant 0 : i32
      %dma_wait3A_299 = tpu.memref_slice %dma_wait3A_296[%dma_wait3A_297, %dma_wait3A_298] : memref<10112x32xf32, #tpu.memory_space<hbm>> -> memref<10112x32xf32, #tpu.memory_space<hbm>>
      tpu.wait_indirect_dma semaphore(%arg19 : memref<!tpu.dma_semaphore, #tpu.memory_space<semaphore_mem>>) src(%dma_wait3A_299 : memref<10112x32xf32, #tpu.memory_space<hbm>>) dst(%dma_wait3A_289 : memref<125x32xf32, #tpu.memory_space<vmem>>)
      %add3A_300 = arith.constant 3 : i32
      %add3A_301 = arith.addi %add3A_197, %add3A_300 : i32
      %dma_start3A_302 = arith.constant 3 : i32
      %dma_start3A_303 = arith.constant 0 : i32
      %dma_start3A_304 = arith.constant 0 : i32
      %dma_start3A_305 = tpu.memref_slice %arg11[%dma_start3A_302, %dma_start3A_303, %dma_start3A_304] : memref<4x125x32xf32, #tpu.memory_space<vmem>> -> memref<1x125x32xf32, #tpu.memory_space<vmem>>
      %dma_start3A_306 = tpu.memref_squeeze %dma_start3A_305 : memref<1x125x32xf32, #tpu.memory_space<vmem>> -> memref<125x32xf32, #tpu.memory_space<vmem>>
      %dma_start3A_307 = arith.constant 0 : i32
      %dma_start3A_308 = tpu.memref_slice %arg10[%add3A_301, %dma_start3A_307] : memref<160x125xi32, #tpu.memory_space<vmem>> -> memref<1x125xi32, #tpu.memory_space<vmem>>
      %dma_start3A_309 = tpu.memref_squeeze %dma_start3A_308 : memref<1x125xi32, #tpu.memory_space<vmem>> -> memref<125xi32, #tpu.memory_space<vmem>>
      %dma_start3A_310 = arith.constant 0 : i32
      %dma_start3A_311 = arith.constant 0 : i32
      %dma_start3A_312 = tpu.memref_slice %arg24[%dma_start3A_310, %dma_start3A_311] : memref<10112x32xf32, #tpu.memory_space<vmem_shared>> -> memref<10112x32xf32, #tpu.memory_space<vmem_shared>>
      tpu.enqueue_indirect_dma source(%dma_start3A_306 : memref<125x32xf32, #tpu.memory_space<vmem>>) target(%dma_start3A_312 : memref<10112x32xf32, #tpu.memory_space<vmem_shared>>) offsets(%dma_start3A_309 : memref<125xi32, #tpu.memory_space<vmem>>) semaphore(%arg23 : memref<!tpu.dma_semaphore, #tpu.memory_space<semaphore_mem>>) {add = true}
      %add3A_313 = arith.constant 0 : i32
      %add3A_314 = arith.addi %add3A_197, %add3A_313 : i32
      %dma_wait3A_315 = arith.constant 0 : i32
      %dma_wait3A_316 = arith.constant 0 : i32
      %dma_wait3A_317 = arith.constant 0 : i32
      %dma_wait3A_318 = tpu.memref_slice %arg11[%dma_wait3A_315, %dma_wait3A_316, %dma_wait3A_317] : memref<4x125x32xf32, #tpu.memory_space<vmem>> -> memref<1x125x32xf32, #tpu.memory_space<vmem>>
      %dma_wait3A_319 = tpu.memref_squeeze %dma_wait3A_318 : memref<1x125x32xf32, #tpu.memory_space<vmem>> -> memref<125x32xf32, #tpu.memory_space<vmem>>
      %dma_wait3A_320 = arith.constant 0 : i32
      %dma_wait3A_321 = tpu.memref_slice %arg10[%add3A_314, %dma_wait3A_320] : memref<160x125xi32, #tpu.memory_space<vmem>> -> memref<1x125xi32, #tpu.memory_space<vmem>>
      %dma_wait3A_322 = tpu.memref_squeeze %dma_wait3A_321 : memref<1x125xi32, #tpu.memory_space<vmem>> -> memref<125xi32, #tpu.memory_space<vmem>>
      %dma_wait3A_323 = arith.constant 0 : i32
      %dma_wait3A_324 = arith.constant 0 : i32
      %dma_wait3A_325 = tpu.memref_slice %arg24[%dma_wait3A_323, %dma_wait3A_324] : memref<10112x32xf32, #tpu.memory_space<vmem_shared>> -> memref<10112x32xf32, #tpu.memory_space<vmem_shared>>
      tpu.wait_indirect_dma semaphore(%arg20 : memref<!tpu.dma_semaphore, #tpu.memory_space<semaphore_mem>>) src(%dma_wait3A_319 : memref<125x32xf32, #tpu.memory_space<vmem>>) dst(%dma_wait3A_325 : memref<10112x32xf32, #tpu.memory_space<vmem_shared>>)
      %add3A_326 = arith.constant 0 : i32
      %add3A_327 = arith.addi %add3A_197, %add3A_326 : i32
      %add3A_328 = arith.constant 4 : i32
      %add3A_329 = arith.addi %add3A_327, %add3A_328 : i32
      %lt3A = arith.constant 160 : i32
      %lt3A_330 = arith.cmpi slt, %add3A_329, %lt3A : i32
      %convert_element_type3A = arith.extui %lt3A_330 : i1 to i32
      %cond3A = arith.constant 0 : i32
      %cond3A_331 = arith.cmpi ne, %convert_element_type3A, %cond3A : i32
      scf.if %cond3A_331 {
        %add3A_398 = arith.constant 0 : i32
        %add3A_399 = arith.addi %add3A_197, %add3A_398 : i32
        %add3A_400 = arith.constant 4 : i32
        %add3A_401 = arith.addi %add3A_399, %add3A_400 : i32
        %dma_start3A_402 = arith.constant 0 : i32
        %dma_start3A_403 = arith.constant 0 : i32
        %dma_start3A_404 = arith.constant 0 : i32
        %dma_start3A_405 = tpu.memref_slice %arg11[%dma_start3A_402, %dma_start3A_403, %dma_start3A_404] : memref<4x125x32xf32, #tpu.memory_space<vmem>> -> memref<1x125x32xf32, #tpu.memory_space<vmem>>
        %dma_start3A_406 = tpu.memref_squeeze %dma_start3A_405 : memref<1x125x32xf32, #tpu.memory_space<vmem>> -> memref<125x32xf32, #tpu.memory_space<vmem>>
        %dma_start3A_407 = arith.constant 0 : i32
        %dma_start3A_408 = tpu.memref_slice %arg9[%add3A_401, %dma_start3A_407] : memref<160x125xi32, #tpu.memory_space<vmem>> -> memref<1x125xi32, #tpu.memory_space<vmem>>
        %dma_start3A_409 = tpu.memref_squeeze %dma_start3A_408 : memref<1x125xi32, #tpu.memory_space<vmem>> -> memref<125xi32, #tpu.memory_space<vmem>>
        %dma_start3A_410 = arith.constant 0 : i32
        %dma_start3A_411 = arith.constant 0 : i32
        %dma_start3A_412 = tpu.memref_slice %arg2[%arg0, %dma_start3A_410, %dma_start3A_411] : memref<2x10112x32xf32, #tpu.memory_space<hbm>> -> memref<1x10112x32xf32, #tpu.memory_space<hbm>>
        %dma_start3A_413 = tpu.memref_squeeze %dma_start3A_412 : memref<1x10112x32xf32, #tpu.memory_space<hbm>> -> memref<10112x32xf32, #tpu.memory_space<hbm>>
        %dma_start3A_414 = arith.constant 0 : i32
        %dma_start3A_415 = arith.constant 0 : i32
        %dma_start3A_416 = tpu.memref_slice %dma_start3A_413[%dma_start3A_414, %dma_start3A_415] : memref<10112x32xf32, #tpu.memory_space<hbm>> -> memref<10112x32xf32, #tpu.memory_space<hbm>>
        tpu.enqueue_indirect_dma source(%dma_start3A_416 : memref<10112x32xf32, #tpu.memory_space<hbm>>) target(%dma_start3A_406 : memref<125x32xf32, #tpu.memory_space<vmem>>) offsets(%dma_start3A_409 : memref<125xi32, #tpu.memory_space<vmem>>) semaphore(%arg16 : memref<!tpu.dma_semaphore, #tpu.memory_space<semaphore_mem>>)
      } else {
      }
      %add3A_332 = arith.constant 1 : i32
      %add3A_333 = arith.addi %add3A_197, %add3A_332 : i32
      %dma_wait3A_334 = arith.constant 1 : i32
      %dma_wait3A_335 = arith.constant 0 : i32
      %dma_wait3A_336 = arith.constant 0 : i32
      %dma_wait3A_337 = tpu.memref_slice %arg11[%dma_wait3A_334, %dma_wait3A_335, %dma_wait3A_336] : memref<4x125x32xf32, #tpu.memory_space<vmem>> -> memref<1x125x32xf32, #tpu.memory_space<vmem>>
      %dma_wait3A_338 = tpu.memref_squeeze %dma_wait3A_337 : memref<1x125x32xf32, #tpu.memory_space<vmem>> -> memref<125x32xf32, #tpu.memory_space<vmem>>
      %dma_wait3A_339 = arith.constant 0 : i32
      %dma_wait3A_340 = tpu.memref_slice %arg10[%add3A_333, %dma_wait3A_339] : memref<160x125xi32, #tpu.memory_space<vmem>> -> memref<1x125xi32, #tpu.memory_space<vmem>>
      %dma_wait3A_341 = tpu.memref_squeeze %dma_wait3A_340 : memref<1x125xi32, #tpu.memory_space<vmem>> -> memref<125xi32, #tpu.memory_space<vmem>>
      %dma_wait3A_342 = arith.constant 0 : i32
      %dma_wait3A_343 = arith.constant 0 : i32
      %dma_wait3A_344 = tpu.memref_slice %arg24[%dma_wait3A_342, %dma_wait3A_343] : memref<10112x32xf32, #tpu.memory_space<vmem_shared>> -> memref<10112x32xf32, #tpu.memory_space<vmem_shared>>
      tpu.wait_indirect_dma semaphore(%arg21 : memref<!tpu.dma_semaphore, #tpu.memory_space<semaphore_mem>>) src(%dma_wait3A_338 : memref<125x32xf32, #tpu.memory_space<vmem>>) dst(%dma_wait3A_344 : memref<10112x32xf32, #tpu.memory_space<vmem_shared>>)
      %add3A_345 = arith.constant 1 : i32
      %add3A_346 = arith.addi %add3A_197, %add3A_345 : i32
      %add3A_347 = arith.constant 4 : i32
      %add3A_348 = arith.addi %add3A_346, %add3A_347 : i32
      %lt3A_349 = arith.constant 160 : i32
      %lt3A_350 = arith.cmpi slt, %add3A_348, %lt3A_349 : i32
      %convert_element_type3A_351 = arith.extui %lt3A_350 : i1 to i32
      %cond3A_352 = arith.constant 0 : i32
      %cond3A_353 = arith.cmpi ne, %convert_element_type3A_351, %cond3A_352 : i32
      scf.if %cond3A_353 {
        %add3A_398 = arith.constant 1 : i32
        %add3A_399 = arith.addi %add3A_197, %add3A_398 : i32
        %add3A_400 = arith.constant 4 : i32
        %add3A_401 = arith.addi %add3A_399, %add3A_400 : i32
        %dma_start3A_402 = arith.constant 1 : i32
        %dma_start3A_403 = arith.constant 0 : i32
        %dma_start3A_404 = arith.constant 0 : i32
        %dma_start3A_405 = tpu.memref_slice %arg11[%dma_start3A_402, %dma_start3A_403, %dma_start3A_404] : memref<4x125x32xf32, #tpu.memory_space<vmem>> -> memref<1x125x32xf32, #tpu.memory_space<vmem>>
        %dma_start3A_406 = tpu.memref_squeeze %dma_start3A_405 : memref<1x125x32xf32, #tpu.memory_space<vmem>> -> memref<125x32xf32, #tpu.memory_space<vmem>>
        %dma_start3A_407 = arith.constant 0 : i32
        %dma_start3A_408 = tpu.memref_slice %arg9[%add3A_401, %dma_start3A_407] : memref<160x125xi32, #tpu.memory_space<vmem>> -> memref<1x125xi32, #tpu.memory_space<vmem>>
        %dma_start3A_409 = tpu.memref_squeeze %dma_start3A_408 : memref<1x125xi32, #tpu.memory_space<vmem>> -> memref<125xi32, #tpu.memory_space<vmem>>
        %dma_start3A_410 = arith.constant 0 : i32
        %dma_start3A_411 = arith.constant 0 : i32
        %dma_start3A_412 = tpu.memref_slice %arg2[%arg0, %dma_start3A_410, %dma_start3A_411] : memref<2x10112x32xf32, #tpu.memory_space<hbm>> -> memref<1x10112x32xf32, #tpu.memory_space<hbm>>
        %dma_start3A_413 = tpu.memref_squeeze %dma_start3A_412 : memref<1x10112x32xf32, #tpu.memory_space<hbm>> -> memref<10112x32xf32, #tpu.memory_space<hbm>>
        %dma_start3A_414 = arith.constant 0 : i32
        %dma_start3A_415 = arith.constant 0 : i32
        %dma_start3A_416 = tpu.memref_slice %dma_start3A_413[%dma_start3A_414, %dma_start3A_415] : memref<10112x32xf32, #tpu.memory_space<hbm>> -> memref<10112x32xf32, #tpu.memory_space<hbm>>
        tpu.enqueue_indirect_dma source(%dma_start3A_416 : memref<10112x32xf32, #tpu.memory_space<hbm>>) target(%dma_start3A_406 : memref<125x32xf32, #tpu.memory_space<vmem>>) offsets(%dma_start3A_409 : memref<125xi32, #tpu.memory_space<vmem>>) semaphore(%arg17 : memref<!tpu.dma_semaphore, #tpu.memory_space<semaphore_mem>>)
      } else {
      }
      %add3A_354 = arith.constant 2 : i32
      %add3A_355 = arith.addi %add3A_197, %add3A_354 : i32
      %dma_wait3A_356 = arith.constant 2 : i32
      %dma_wait3A_357 = arith.constant 0 : i32
      %dma_wait3A_358 = arith.constant 0 : i32
      %dma_wait3A_359 = tpu.memref_slice %arg11[%dma_wait3A_356, %dma_wait3A_357, %dma_wait3A_358] : memref<4x125x32xf32, #tpu.memory_space<vmem>> -> memref<1x125x32xf32, #tpu.memory_space<vmem>>
      %dma_wait3A_360 = tpu.memref_squeeze %dma_wait3A_359 : memref<1x125x32xf32, #tpu.memory_space<vmem>> -> memref<125x32xf32, #tpu.memory_space<vmem>>
      %dma_wait3A_361 = arith.constant 0 : i32
      %dma_wait3A_362 = tpu.memref_slice %arg10[%add3A_355, %dma_wait3A_361] : memref<160x125xi32, #tpu.memory_space<vmem>> -> memref<1x125xi32, #tpu.memory_space<vmem>>
      %dma_wait3A_363 = tpu.memref_squeeze %dma_wait3A_362 : memref<1x125xi32, #tpu.memory_space<vmem>> -> memref<125xi32, #tpu.memory_space<vmem>>
      %dma_wait3A_364 = arith.constant 0 : i32
      %dma_wait3A_365 = arith.constant 0 : i32
      %dma_wait3A_366 = tpu.memref_slice %arg24[%dma_wait3A_364, %dma_wait3A_365] : memref<10112x32xf32, #tpu.memory_space<vmem_shared>> -> memref<10112x32xf32, #tpu.memory_space<vmem_shared>>
      tpu.wait_indirect_dma semaphore(%arg22 : memref<!tpu.dma_semaphore, #tpu.memory_space<semaphore_mem>>) src(%dma_wait3A_360 : memref<125x32xf32, #tpu.memory_space<vmem>>) dst(%dma_wait3A_366 : memref<10112x32xf32, #tpu.memory_space<vmem_shared>>)
      %add3A_367 = arith.constant 2 : i32
      %add3A_368 = arith.addi %add3A_197, %add3A_367 : i32
      %add3A_369 = arith.constant 4 : i32
      %add3A_370 = arith.addi %add3A_368, %add3A_369 : i32
      %lt3A_371 = arith.constant 160 : i32
      %lt3A_372 = arith.cmpi slt, %add3A_370, %lt3A_371 : i32
      %convert_element_type3A_373 = arith.extui %lt3A_372 : i1 to i32
      %cond3A_374 = arith.constant 0 : i32
      %cond3A_375 = arith.cmpi ne, %convert_element_type3A_373, %cond3A_374 : i32
      scf.if %cond3A_375 {
        %add3A_398 = arith.constant 2 : i32
        %add3A_399 = arith.addi %add3A_197, %add3A_398 : i32
        %add3A_400 = arith.constant 4 : i32
        %add3A_401 = arith.addi %add3A_399, %add3A_400 : i32
        %dma_start3A_402 = arith.constant 2 : i32
        %dma_start3A_403 = arith.constant 0 : i32
        %dma_start3A_404 = arith.constant 0 : i32
        %dma_start3A_405 = tpu.memref_slice %arg11[%dma_start3A_402, %dma_start3A_403, %dma_start3A_404] : memref<4x125x32xf32, #tpu.memory_space<vmem>> -> memref<1x125x32xf32, #tpu.memory_space<vmem>>
        %dma_start3A_406 = tpu.memref_squeeze %dma_start3A_405 : memref<1x125x32xf32, #tpu.memory_space<vmem>> -> memref<125x32xf32, #tpu.memory_space<vmem>>
        %dma_start3A_407 = arith.constant 0 : i32
        %dma_start3A_408 = tpu.memref_slice %arg9[%add3A_401, %dma_start3A_407] : memref<160x125xi32, #tpu.memory_space<vmem>> -> memref<1x125xi32, #tpu.memory_space<vmem>>
        %dma_start3A_409 = tpu.memref_squeeze %dma_start3A_408 : memref<1x125xi32, #tpu.memory_space<vmem>> -> memref<125xi32, #tpu.memory_space<vmem>>
        %dma_start3A_410 = arith.constant 0 : i32
        %dma_start3A_411 = arith.constant 0 : i32
        %dma_start3A_412 = tpu.memref_slice %arg2[%arg0, %dma_start3A_410, %dma_start3A_411] : memref<2x10112x32xf32, #tpu.memory_space<hbm>> -> memref<1x10112x32xf32, #tpu.memory_space<hbm>>
        %dma_start3A_413 = tpu.memref_squeeze %dma_start3A_412 : memref<1x10112x32xf32, #tpu.memory_space<hbm>> -> memref<10112x32xf32, #tpu.memory_space<hbm>>
        %dma_start3A_414 = arith.constant 0 : i32
        %dma_start3A_415 = arith.constant 0 : i32
        %dma_start3A_416 = tpu.memref_slice %dma_start3A_413[%dma_start3A_414, %dma_start3A_415] : memref<10112x32xf32, #tpu.memory_space<hbm>> -> memref<10112x32xf32, #tpu.memory_space<hbm>>
        tpu.enqueue_indirect_dma source(%dma_start3A_416 : memref<10112x32xf32, #tpu.memory_space<hbm>>) target(%dma_start3A_406 : memref<125x32xf32, #tpu.memory_space<vmem>>) offsets(%dma_start3A_409 : memref<125xi32, #tpu.memory_space<vmem>>) semaphore(%arg18 : memref<!tpu.dma_semaphore, #tpu.memory_space<semaphore_mem>>)
      } else {
      }
      %add3A_376 = arith.constant 3 : i32
      %add3A_377 = arith.addi %add3A_197, %add3A_376 : i32
      %dma_wait3A_378 = arith.constant 3 : i32
      %dma_wait3A_379 = arith.constant 0 : i32
      %dma_wait3A_380 = arith.constant 0 : i32
      %dma_wait3A_381 = tpu.memref_slice %arg11[%dma_wait3A_378, %dma_wait3A_379, %dma_wait3A_380] : memref<4x125x32xf32, #tpu.memory_space<vmem>> -> memref<1x125x32xf32, #tpu.memory_space<vmem>>
      %dma_wait3A_382 = tpu.memref_squeeze %dma_wait3A_381 : memref<1x125x32xf32, #tpu.memory_space<vmem>> -> memref<125x32xf32, #tpu.memory_space<vmem>>
      %dma_wait3A_383 = arith.constant 0 : i32
      %dma_wait3A_384 = tpu.memref_slice %arg10[%add3A_377, %dma_wait3A_383] : memref<160x125xi32, #tpu.memory_space<vmem>> -> memref<1x125xi32, #tpu.memory_space<vmem>>
      %dma_wait3A_385 = tpu.memref_squeeze %dma_wait3A_384 : memref<1x125xi32, #tpu.memory_space<vmem>> -> memref<125xi32, #tpu.memory_space<vmem>>
      %dma_wait3A_386 = arith.constant 0 : i32
      %dma_wait3A_387 = arith.constant 0 : i32
      %dma_wait3A_388 = tpu.memref_slice %arg24[%dma_wait3A_386, %dma_wait3A_387] : memref<10112x32xf32, #tpu.memory_space<vmem_shared>> -> memref<10112x32xf32, #tpu.memory_space<vmem_shared>>
      tpu.wait_indirect_dma semaphore(%arg23 : memref<!tpu.dma_semaphore, #tpu.memory_space<semaphore_mem>>) src(%dma_wait3A_382 : memref<125x32xf32, #tpu.memory_space<vmem>>) dst(%dma_wait3A_388 : memref<10112x32xf32, #tpu.memory_space<vmem_shared>>)
      %add3A_389 = arith.constant 3 : i32
      %add3A_390 = arith.addi %add3A_197, %add3A_389 : i32
      %add3A_391 = arith.constant 4 : i32
      %add3A_392 = arith.addi %add3A_390, %add3A_391 : i32
      %lt3A_393 = arith.constant 160 : i32
      %lt3A_394 = arith.cmpi slt, %add3A_392, %lt3A_393 : i32
      %convert_element_type3A_395 = arith.extui %lt3A_394 : i1 to i32
      %cond3A_396 = arith.constant 0 : i32
      %cond3A_397 = arith.cmpi ne, %convert_element_type3A_395, %cond3A_396 : i32
      scf.if %cond3A_397 {
        %add3A_398 = arith.constant 3 : i32
        %add3A_399 = arith.addi %add3A_197, %add3A_398 : i32
        %add3A_400 = arith.constant 4 : i32
        %add3A_401 = arith.addi %add3A_399, %add3A_400 : i32
        %dma_start3A_402 = arith.constant 3 : i32
        %dma_start3A_403 = arith.constant 0 : i32
        %dma_start3A_404 = arith.constant 0 : i32
        %dma_start3A_405 = tpu.memref_slice %arg11[%dma_start3A_402, %dma_start3A_403, %dma_start3A_404] : memref<4x125x32xf32, #tpu.memory_space<vmem>> -> memref<1x125x32xf32, #tpu.memory_space<vmem>>
        %dma_start3A_406 = tpu.memref_squeeze %dma_start3A_405 : memref<1x125x32xf32, #tpu.memory_space<vmem>> -> memref<125x32xf32, #tpu.memory_space<vmem>>
        %dma_start3A_407 = arith.constant 0 : i32
        %dma_start3A_408 = tpu.memref_slice %arg9[%add3A_401, %dma_start3A_407] : memref<160x125xi32, #tpu.memory_space<vmem>> -> memref<1x125xi32, #tpu.memory_space<vmem>>
        %dma_start3A_409 = tpu.memref_squeeze %dma_start3A_408 : memref<1x125xi32, #tpu.memory_space<vmem>> -> memref<125xi32, #tpu.memory_space<vmem>>
        %dma_start3A_410 = arith.constant 0 : i32
        %dma_start3A_411 = arith.constant 0 : i32
        %dma_start3A_412 = tpu.memref_slice %arg2[%arg0, %dma_start3A_410, %dma_start3A_411] : memref<2x10112x32xf32, #tpu.memory_space<hbm>> -> memref<1x10112x32xf32, #tpu.memory_space<hbm>>
        %dma_start3A_413 = tpu.memref_squeeze %dma_start3A_412 : memref<1x10112x32xf32, #tpu.memory_space<hbm>> -> memref<10112x32xf32, #tpu.memory_space<hbm>>
        %dma_start3A_414 = arith.constant 0 : i32
        %dma_start3A_415 = arith.constant 0 : i32
        %dma_start3A_416 = tpu.memref_slice %dma_start3A_413[%dma_start3A_414, %dma_start3A_415] : memref<10112x32xf32, #tpu.memory_space<hbm>> -> memref<10112x32xf32, #tpu.memory_space<hbm>>
        tpu.enqueue_indirect_dma source(%dma_start3A_416 : memref<10112x32xf32, #tpu.memory_space<hbm>>) target(%dma_start3A_406 : memref<125x32xf32, #tpu.memory_space<vmem>>) offsets(%dma_start3A_409 : memref<125xi32, #tpu.memory_space<vmem>>) semaphore(%arg19 : memref<!tpu.dma_semaphore, #tpu.memory_space<semaphore_mem>>)
      } else {
      }
    }
    %scan3A_76 = arith.constant 40 : i32
    %barrier3A_77 = arith.constant 0 : index
    tpu.barrier barrier_id(%barrier3A_77)
    %get3A = arith.constant 0 : index
    %get3A_78 = tpu.vector_load %arg15[%get3A] {strides = array<i32>} : memref<32xf32, #tpu.memory_space<vmem>>, vector<16xf32>,
    %get3A_79 = vector.shape_cast %get3A_78 : vector<16xf32> to vector<16xf32>
    %get3A_80 = arith.constant 16 : index
    %get3A_81 = tpu.vector_load %arg15[%get3A_80] {strides = array<i32>} : memref<32xf32, #tpu.memory_space<vmem>>, vector<16xf32>,
    %get3A_82 = vector.shape_cast %get3A_81 : vector<16xf32> to vector<16xf32>
    %mul3A_83 = arith.constant 632 : i32
    %mul3A_84 = arith.muli %arg1, %mul3A_83 : i32
    %add3A = arith.constant 0 : i32
    %add3A_85 = arith.addi %mul3A_84, %add3A : i32
    "tpu.region"() ({
      %run_scoped3A_193 = tpu.sem_alloc : memref<!tpu.dma_semaphore, #tpu.memory_space<semaphore_mem>>
      %dma_start3A_194 = arith.constant 0 : i32
      %dma_start3A_195 = tpu.memref_slice %arg24[%add3A_85, %dma_start3A_194] : memref<10112x32xf32, #tpu.memory_space<vmem_shared>> -> memref<158x32xf32, #tpu.memory_space<vmem_shared>>
      %dma_start3A_196 = arith.constant 0 : i32
      %dma_start3A_197 = tpu.memref_slice %arg24[%add3A_85, %dma_start3A_196] : memref<10112x32xf32, #tpu.memory_space<vmem_shared>> -> memref<158x32xf32, #tpu.memory_space<vmem_shared>>
      tpu.enqueue_dma source(%dma_start3A_197 : memref<158x32xf32, #tpu.memory_space<vmem_shared>>) target(%arg12 : memref<158x32xf32, #tpu.memory_space<vmem>>) target_semaphore(%run_scoped3A_193 : memref<!tpu.dma_semaphore, #tpu.memory_space<semaphore_mem>>)
      %dma_wait3A = arith.constant 0 : i32
      %dma_wait3A_198 = tpu.memref_slice %arg24[%add3A_85, %dma_wait3A] : memref<10112x32xf32, #tpu.memory_space<vmem_shared>> -> memref<158x32xf32, #tpu.memory_space<vmem_shared>>
      %dma_wait3A_199 = arith.constant 0 : i32
      %dma_wait3A_200 = tpu.memref_slice %arg24[%add3A_85, %dma_wait3A_199] : memref<10112x32xf32, #tpu.memory_space<vmem_shared>> -> memref<158x32xf32, #tpu.memory_space<vmem_shared>>
      tpu.wait_dma2 semaphore(%run_scoped3A_193 : memref<!tpu.dma_semaphore, #tpu.memory_space<semaphore_mem>>) src(%dma_wait3A_200 : memref<158x32xf32, #tpu.memory_space<vmem_shared>>) dst(%arg12 : memref<158x32xf32, #tpu.memory_space<vmem>>)
      tpu.yield
    }) : () -> ()
    "tpu.region"() ({
      %run_scoped3A_193 = tpu.sem_alloc : memref<!tpu.dma_semaphore, #tpu.memory_space<semaphore_mem>>
      %dma_start3A_194 = arith.constant 0 : i32
      %dma_start3A_195 = tpu.memref_slice %arg2[%arg0, %add3A_85, %dma_start3A_194] : memref<2x10112x32xf32, #tpu.memory_space<hbm>> -> memref<1x158x32xf32, #tpu.memory_space<hbm>>
      %dma_start3A_196 = tpu.memref_squeeze %dma_start3A_195 : memref<1x158x32xf32, #tpu.memory_space<hbm>> -> memref<158x32xf32, #tpu.memory_space<hbm>>
      %dma_start3A_197 = arith.constant 0 : i32
      %dma_start3A_198 = tpu.memref_slice %arg2[%arg0, %add3A_85, %dma_start3A_197] : memref<2x10112x32xf32, #tpu.memory_space<hbm>> -> memref<1x158x32xf32, #tpu.memory_space<hbm>>
      %dma_start3A_199 = tpu.memref_squeeze %dma_start3A_198 : memref<1x158x32xf32, #tpu.memory_space<hbm>> -> memref<158x32xf32, #tpu.memory_space<hbm>>
      tpu.enqueue_dma source(%dma_start3A_199 : memref<158x32xf32, #tpu.memory_space<hbm>>) target(%arg13 : memref<158x32xf32, #tpu.memory_space<vmem>>) target_semaphore(%run_scoped3A_193 : memref<!tpu.dma_semaphore, #tpu.memory_space<semaphore_mem>>)
      %dma_wait3A = arith.constant 0 : i32
      %dma_wait3A_200 = tpu.memref_slice %arg2[%arg0, %add3A_85, %dma_wait3A] : memref<2x10112x32xf32, #tpu.memory_space<hbm>> -> memref<1x158x32xf32, #tpu.memory_space<hbm>>
      %dma_wait3A_201 = tpu.memref_squeeze %dma_wait3A_200 : memref<1x158x32xf32, #tpu.memory_space<hbm>> -> memref<158x32xf32, #tpu.memory_space<hbm>>
      %dma_wait3A_202 = arith.constant 0 : i32
      %dma_wait3A_203 = tpu.memref_slice %arg2[%arg0, %add3A_85, %dma_wait3A_202] : memref<2x10112x32xf32, #tpu.memory_space<hbm>> -> memref<1x158x32xf32, #tpu.memory_space<hbm>>
      %dma_wait3A_204 = tpu.memref_squeeze %dma_wait3A_203 : memref<1x158x32xf32, #tpu.memory_space<hbm>> -> memref<158x32xf32, #tpu.memory_space<hbm>>
      tpu.wait_dma2 semaphore(%run_scoped3A_193 : memref<!tpu.dma_semaphore, #tpu.memory_space<semaphore_mem>>) src(%dma_wait3A_204 : memref<158x32xf32, #tpu.memory_space<hbm>>) dst(%arg13 : memref<158x32xf32, #tpu.memory_space<vmem>>)
      tpu.yield
    }) : () -> ()
    "tpu.region"() ({
      %run_scoped3A_193 = tpu.sem_alloc : memref<!tpu.dma_semaphore, #tpu.memory_space<semaphore_mem>>
      %dma_start3A_194 = arith.constant 0 : i32
      %dma_start3A_195 = tpu.memref_slice %arg4[%add3A_85, %dma_start3A_194] : memref<10112x32xf32, #tpu.memory_space<hbm>> -> memref<158x32xf32, #tpu.memory_space<hbm>>
      %dma_start3A_196 = arith.constant 0 : i32
      %dma_start3A_197 = tpu.memref_slice %arg4[%add3A_85, %dma_start3A_196] : memref<10112x32xf32, #tpu.memory_space<hbm>> -> memref<158x32xf32, #tpu.memory_space<hbm>>
      tpu.enqueue_dma source(%dma_start3A_197 : memref<158x32xf32, #tpu.memory_space<hbm>>) target(%arg14 : memref<158x32xf32, #tpu.memory_space<vmem>>) target_semaphore(%run_scoped3A_193 : memref<!tpu.dma_semaphore, #tpu.memory_space<semaphore_mem>>)
      %dma_wait3A = arith.constant 0 : i32
      %dma_wait3A_198 = tpu.memref_slice %arg4[%add3A_85, %dma_wait3A] : memref<10112x32xf32, #tpu.memory_space<hbm>> -> memref<158x32xf32, #tpu.memory_space<hbm>>
      %dma_wait3A_199 = arith.constant 0 : i32
      %dma_wait3A_200 = tpu.memref_slice %arg4[%add3A_85, %dma_wait3A_199] : memref<10112x32xf32, #tpu.memory_space<hbm>> -> memref<158x32xf32, #tpu.memory_space<hbm>>
      tpu.wait_dma2 semaphore(%run_scoped3A_193 : memref<!tpu.dma_semaphore, #tpu.memory_space<semaphore_mem>>) src(%dma_wait3A_200 : memref<158x32xf32, #tpu.memory_space<hbm>>) dst(%arg14 : memref<158x32xf32, #tpu.memory_space<vmem>>)
      tpu.yield
    }) : () -> ()
    %scan3A_86 = arith.constant 0 : i32
    %scan3A_87 = arith.constant 158 : i32
    %scan3A_88 = arith.addi %scan3A_86, %scan3A_87 : i32
    %scan3A_89 = arith.constant 1 : i32
    scf.for %scan3A_193 = %scan3A_86 to %scan3A_88 step %scan3A_89  : i32 {
      %mul3A_194 = arith.constant 1 : i32
      %mul3A_195 = arith.muli %scan3A_193, %mul3A_194 : i32
      %add3A_196 = arith.constant 0 : i32
      %add3A_197 = arith.addi %add3A_196, %mul3A_195 : i32
      %get3A_198 = arith.index_cast %add3A_197 : i32 to index
      %get3A_199 = arith.constant 0 : index
      %get3A_200 = tpu.vector_load %arg14[%get3A_198, %get3A_199] {strides = array<i32>} : memref<158x32xf32, #tpu.memory_space<vmem>>, vector<1x16xf32>,
      %get3A_201 = vector.shape_cast %get3A_200 : vector<1x16xf32> to vector<16xf32>
      %get3A_202 = arith.index_cast %add3A_197 : i32 to index
      %get3A_203 = arith.constant 0 : index
      %get3A_204 = tpu.vector_load %arg12[%get3A_202, %get3A_203] {strides = array<i32>} : memref<158x32xf32, #tpu.memory_space<vmem>>, vector<1x16xf32>,
      %get3A_205 = vector.shape_cast %get3A_204 : vector<1x16xf32> to vector<16xf32>
      %get3A_206 = arith.index_cast %add3A_197 : i32 to index
      %get3A_207 = arith.constant 0 : index
      %get3A_208 = tpu.vector_load %arg13[%get3A_206, %get3A_207] {strides = array<i32>} : memref<158x32xf32, #tpu.memory_space<vmem>>, vector<1x16xf32>,
      %get3A_209 = vector.shape_cast %get3A_208 : vector<1x16xf32> to vector<16xf32>
      %add3A_210 = arith.addf %get3A_205, %get3A_209 : vector<16xf32>
      %mul3A_211 = arith.mulf %get3A_201, %add3A_210 : vector<16xf32>
      %add3A_212 = arith.addf %mul3A_211, %get3A_79 : vector<16xf32>
      %max3A = arith.constant 0.000000e+00 : f32
      %max3A_213 = vector.broadcast %max3A : f32 to vector<16xf32>
      %max3A_214 = arith.maximumf %add3A_212, %max3A_213 : vector<16xf32>
      %mul3A_215 = arith.mulf %max3A_214, %get3A_201 : vector<16xf32>
      %swap3A = arith.index_cast %add3A_197 : i32 to index
      %swap3A_216 = arith.constant 0 : index
      %swap3A_217 = tpu.vector_load %arg12[%swap3A, %swap3A_216] {strides = array<i32>} : memref<158x32xf32, #tpu.memory_space<vmem>>, vector<1x16xf32>,
      %swap3A_218 = vector.shape_cast %swap3A_217 : vector<1x16xf32> to vector<16xf32>
      %swap3A_219 = vector.shape_cast %mul3A_215 : vector<16xf32> to vector<1x16xf32>
      tpu.vector_store %arg12[%swap3A, %swap3A_216], %swap3A_219 {strides = array<i32>} : memref<158x32xf32, #tpu.memory_space<vmem>>, vector<1x16xf32>,
      %get3A_220 = arith.index_cast %add3A_197 : i32 to index
      %get3A_221 = arith.constant 16 : index
      %get3A_222 = tpu.vector_load %arg14[%get3A_220, %get3A_221] {strides = array<i32>} : memref<158x32xf32, #tpu.memory_space<vmem>>, vector<1x16xf32>,
      %get3A_223 = vector.shape_cast %get3A_222 : vector<1x16xf32> to vector<16xf32>
      %get3A_224 = arith.index_cast %add3A_197 : i32 to index
      %get3A_225 = arith.constant 16 : index
      %get3A_226 = tpu.vector_load %arg12[%get3A_224, %get3A_225] {strides = array<i32>} : memref<158x32xf32, #tpu.memory_space<vmem>>, vector<1x16xf32>,
      %get3A_227 = vector.shape_cast %get3A_226 : vector<1x16xf32> to vector<16xf32>
      %get3A_228 = arith.index_cast %add3A_197 : i32 to index
      %get3A_229 = arith.constant 16 : index
      %get3A_230 = tpu.vector_load %arg13[%get3A_228, %get3A_229] {strides = array<i32>} : memref<158x32xf32, #tpu.memory_space<vmem>>, vector<1x16xf32>,
      %get3A_231 = vector.shape_cast %get3A_230 : vector<1x16xf32> to vector<16xf32>
      %add3A_232 = arith.addf %get3A_227, %get3A_231 : vector<16xf32>
      %mul3A_233 = arith.mulf %get3A_223, %add3A_232 : vector<16xf32>
      %add3A_234 = arith.addf %mul3A_233, %get3A_82 : vector<16xf32>
      %max3A_235 = arith.constant 0.000000e+00 : f32
      %max3A_236 = vector.broadcast %max3A_235 : f32 to vector<16xf32>
      %max3A_237 = arith.maximumf %add3A_234, %max3A_236 : vector<16xf32>
      %mul3A_238 = arith.mulf %max3A_237, %get3A_223 : vector<16xf32>
      %swap3A_239 = arith.index_cast %add3A_197 : i32 to index
      %swap3A_240 = arith.constant 16 : index
      %swap3A_241 = tpu.vector_load %arg12[%swap3A_239, %swap3A_240] {strides = array<i32>} : memref<158x32xf32, #tpu.memory_space<vmem>>, vector<1x16xf32>,
      %swap3A_242 = vector.shape_cast %swap3A_241 : vector<1x16xf32> to vector<16xf32>
      %swap3A_243 = vector.shape_cast %mul3A_238 : vector<16xf32> to vector<1x16xf32>
      tpu.vector_store %arg12[%swap3A_239, %swap3A_240], %swap3A_243 {strides = array<i32>} : memref<158x32xf32, #tpu.memory_space<vmem>>, vector<1x16xf32>,
    }
    %scan3A_90 = arith.constant 158 : i32
    "tpu.region"() ({
      %run_scoped3A_193 = tpu.sem_alloc : memref<!tpu.dma_semaphore, #tpu.memory_space<semaphore_mem>>
      %dma_start3A_194 = arith.constant 0 : i32
      %dma_start3A_195 = tpu.memref_slice %arg8[%arg0, %add3A_85, %dma_start3A_194] : memref<2x10112x32xf32, #tpu.memory_space<hbm>> -> memref<1x158x32xf32, #tpu.memory_space<hbm>>
      %dma_start3A_196 = tpu.memref_squeeze %dma_start3A_195 : memref<1x158x32xf32, #tpu.memory_space<hbm>> -> memref<158x32xf32, #tpu.memory_space<hbm>>
      %dma_start3A_197 = arith.constant 0 : i32
      %dma_start3A_198 = tpu.memref_slice %arg8[%arg0, %add3A_85, %dma_start3A_197] : memref<2x10112x32xf32, #tpu.memory_space<hbm>> -> memref<1x158x32xf32, #tpu.memory_space<hbm>>
      %dma_start3A_199 = tpu.memref_squeeze %dma_start3A_198 : memref<1x158x32xf32, #tpu.memory_space<hbm>> -> memref<158x32xf32, #tpu.memory_space<hbm>>
      tpu.enqueue_dma source(%arg12 : memref<158x32xf32, #tpu.memory_space<vmem>>) target(%dma_start3A_199 : memref<158x32xf32, #tpu.memory_space<hbm>>) target_semaphore(%run_scoped3A_193 : memref<!tpu.dma_semaphore, #tpu.memory_space<semaphore_mem>>)
      %dma_wait3A = arith.constant 0 : i32
      %dma_wait3A_200 = tpu.memref_slice %arg8[%arg0, %add3A_85, %dma_wait3A] : memref<2x10112x32xf32, #tpu.memory_space<hbm>> -> memref<1x158x32xf32, #tpu.memory_space<hbm>>
      %dma_wait3A_201 = tpu.memref_squeeze %dma_wait3A_200 : memref<1x158x32xf32, #tpu.memory_space<hbm>> -> memref<158x32xf32, #tpu.memory_space<hbm>>
      %dma_wait3A_202 = arith.constant 0 : i32
      %dma_wait3A_203 = tpu.memref_slice %arg8[%arg0, %add3A_85, %dma_wait3A_202] : memref<2x10112x32xf32, #tpu.memory_space<hbm>> -> memref<1x158x32xf32, #tpu.memory_space<hbm>>
      %dma_wait3A_204 = tpu.memref_squeeze %dma_wait3A_203 : memref<1x158x32xf32, #tpu.memory_space<hbm>> -> memref<158x32xf32, #tpu.memory_space<hbm>>
      tpu.wait_dma2 semaphore(%run_scoped3A_193 : memref<!tpu.dma_semaphore, #tpu.memory_space<semaphore_mem>>) src(%arg12 : memref<158x32xf32, #tpu.memory_space<vmem>>) dst(%dma_wait3A_204 : memref<158x32xf32, #tpu.memory_space<hbm>>)
      tpu.yield
    }) : () -> ()
    %mul3A_91 = arith.constant 632 : i32
    %mul3A_92 = arith.muli %arg1, %mul3A_91 : i32
    %add3A_93 = arith.constant 158 : i32
    %add3A_94 = arith.addi %mul3A_92, %add3A_93 : i32
    "tpu.region"() ({
      %run_scoped3A_193 = tpu.sem_alloc : memref<!tpu.dma_semaphore, #tpu.memory_space<semaphore_mem>>
      %dma_start3A_194 = arith.constant 0 : i32
      %dma_start3A_195 = tpu.memref_slice %arg24[%add3A_94, %dma_start3A_194] : memref<10112x32xf32, #tpu.memory_space<vmem_shared>> -> memref<158x32xf32, #tpu.memory_space<vmem_shared>>
      %dma_start3A_196 = arith.constant 0 : i32
      %dma_start3A_197 = tpu.memref_slice %arg24[%add3A_94, %dma_start3A_196] : memref<10112x32xf32, #tpu.memory_space<vmem_shared>> -> memref<158x32xf32, #tpu.memory_space<vmem_shared>>
      tpu.enqueue_dma source(%dma_start3A_197 : memref<158x32xf32, #tpu.memory_space<vmem_shared>>) target(%arg12 : memref<158x32xf32, #tpu.memory_space<vmem>>) target_semaphore(%run_scoped3A_193 : memref<!tpu.dma_semaphore, #tpu.memory_space<semaphore_mem>>)
      %dma_wait3A = arith.constant 0 : i32
      %dma_wait3A_198 = tpu.memref_slice %arg24[%add3A_94, %dma_wait3A] : memref<10112x32xf32, #tpu.memory_space<vmem_shared>> -> memref<158x32xf32, #tpu.memory_space<vmem_shared>>
      %dma_wait3A_199 = arith.constant 0 : i32
      %dma_wait3A_200 = tpu.memref_slice %arg24[%add3A_94, %dma_wait3A_199] : memref<10112x32xf32, #tpu.memory_space<vmem_shared>> -> memref<158x32xf32, #tpu.memory_space<vmem_shared>>
      tpu.wait_dma2 semaphore(%run_scoped3A_193 : memref<!tpu.dma_semaphore, #tpu.memory_space<semaphore_mem>>) src(%dma_wait3A_200 : memref<158x32xf32, #tpu.memory_space<vmem_shared>>) dst(%arg12 : memref<158x32xf32, #tpu.memory_space<vmem>>)
      tpu.yield
    }) : () -> ()
    "tpu.region"() ({
      %run_scoped3A_193 = tpu.sem_alloc : memref<!tpu.dma_semaphore, #tpu.memory_space<semaphore_mem>>
      %dma_start3A_194 = arith.constant 0 : i32
      %dma_start3A_195 = tpu.memref_slice %arg2[%arg0, %add3A_94, %dma_start3A_194] : memref<2x10112x32xf32, #tpu.memory_space<hbm>> -> memref<1x158x32xf32, #tpu.memory_space<hbm>>
      %dma_start3A_196 = tpu.memref_squeeze %dma_start3A_195 : memref<1x158x32xf32, #tpu.memory_space<hbm>> -> memref<158x32xf32, #tpu.memory_space<hbm>>
      %dma_start3A_197 = arith.constant 0 : i32
      %dma_start3A_198 = tpu.memref_slice %arg2[%arg0, %add3A_94, %dma_start3A_197] : memref<2x10112x32xf32, #tpu.memory_space<hbm>> -> memref<1x158x32xf32, #tpu.memory_space<hbm>>
      %dma_start3A_199 = tpu.memref_squeeze %dma_start3A_198 : memref<1x158x32xf32, #tpu.memory_space<hbm>> -> memref<158x32xf32, #tpu.memory_space<hbm>>
      tpu.enqueue_dma source(%dma_start3A_199 : memref<158x32xf32, #tpu.memory_space<hbm>>) target(%arg13 : memref<158x32xf32, #tpu.memory_space<vmem>>) target_semaphore(%run_scoped3A_193 : memref<!tpu.dma_semaphore, #tpu.memory_space<semaphore_mem>>)
      %dma_wait3A = arith.constant 0 : i32
      %dma_wait3A_200 = tpu.memref_slice %arg2[%arg0, %add3A_94, %dma_wait3A] : memref<2x10112x32xf32, #tpu.memory_space<hbm>> -> memref<1x158x32xf32, #tpu.memory_space<hbm>>
      %dma_wait3A_201 = tpu.memref_squeeze %dma_wait3A_200 : memref<1x158x32xf32, #tpu.memory_space<hbm>> -> memref<158x32xf32, #tpu.memory_space<hbm>>
      %dma_wait3A_202 = arith.constant 0 : i32
      %dma_wait3A_203 = tpu.memref_slice %arg2[%arg0, %add3A_94, %dma_wait3A_202] : memref<2x10112x32xf32, #tpu.memory_space<hbm>> -> memref<1x158x32xf32, #tpu.memory_space<hbm>>
      %dma_wait3A_204 = tpu.memref_squeeze %dma_wait3A_203 : memref<1x158x32xf32, #tpu.memory_space<hbm>> -> memref<158x32xf32, #tpu.memory_space<hbm>>
      tpu.wait_dma2 semaphore(%run_scoped3A_193 : memref<!tpu.dma_semaphore, #tpu.memory_space<semaphore_mem>>) src(%dma_wait3A_204 : memref<158x32xf32, #tpu.memory_space<hbm>>) dst(%arg13 : memref<158x32xf32, #tpu.memory_space<vmem>>)
      tpu.yield
    }) : () -> ()
    "tpu.region"() ({
      %run_scoped3A_193 = tpu.sem_alloc : memref<!tpu.dma_semaphore, #tpu.memory_space<semaphore_mem>>
      %dma_start3A_194 = arith.constant 0 : i32
      %dma_start3A_195 = tpu.memref_slice %arg4[%add3A_94, %dma_start3A_194] : memref<10112x32xf32, #tpu.memory_space<hbm>> -> memref<158x32xf32, #tpu.memory_space<hbm>>
      %dma_start3A_196 = arith.constant 0 : i32
      %dma_start3A_197 = tpu.memref_slice %arg4[%add3A_94, %dma_start3A_196] : memref<10112x32xf32, #tpu.memory_space<hbm>> -> memref<158x32xf32, #tpu.memory_space<hbm>>
      tpu.enqueue_dma source(%dma_start3A_197 : memref<158x32xf32, #tpu.memory_space<hbm>>) target(%arg14 : memref<158x32xf32, #tpu.memory_space<vmem>>) target_semaphore(%run_scoped3A_193 : memref<!tpu.dma_semaphore, #tpu.memory_space<semaphore_mem>>)
      %dma_wait3A = arith.constant 0 : i32
      %dma_wait3A_198 = tpu.memref_slice %arg4[%add3A_94, %dma_wait3A] : memref<10112x32xf32, #tpu.memory_space<hbm>> -> memref<158x32xf32, #tpu.memory_space<hbm>>
      %dma_wait3A_199 = arith.constant 0 : i32
      %dma_wait3A_200 = tpu.memref_slice %arg4[%add3A_94, %dma_wait3A_199] : memref<10112x32xf32, #tpu.memory_space<hbm>> -> memref<158x32xf32, #tpu.memory_space<hbm>>
      tpu.wait_dma2 semaphore(%run_scoped3A_193 : memref<!tpu.dma_semaphore, #tpu.memory_space<semaphore_mem>>) src(%dma_wait3A_200 : memref<158x32xf32, #tpu.memory_space<hbm>>) dst(%arg14 : memref<158x32xf32, #tpu.memory_space<vmem>>)
      tpu.yield
    }) : () -> ()
    %scan3A_95 = arith.constant 0 : i32
    %scan3A_96 = arith.constant 158 : i32
    %scan3A_97 = arith.addi %scan3A_95, %scan3A_96 : i32
    %scan3A_98 = arith.constant 1 : i32
    scf.for %scan3A_193 = %scan3A_95 to %scan3A_97 step %scan3A_98  : i32 {
      %mul3A_194 = arith.constant 1 : i32
      %mul3A_195 = arith.muli %scan3A_193, %mul3A_194 : i32
      %add3A_196 = arith.constant 0 : i32
      %add3A_197 = arith.addi %add3A_196, %mul3A_195 : i32
      %get3A_198 = arith.index_cast %add3A_197 : i32 to index
      %get3A_199 = arith.constant 0 : index
      %get3A_200 = tpu.vector_load %arg14[%get3A_198, %get3A_199] {strides = array<i32>} : memref<158x32xf32, #tpu.memory_space<vmem>>, vector<1x16xf32>,
      %get3A_201 = vector.shape_cast %get3A_200 : vector<1x16xf32> to vector<16xf32>
      %get3A_202 = arith.index_cast %add3A_197 : i32 to index
      %get3A_203 = arith.constant 0 : index
      %get3A_204 = tpu.vector_load %arg12[%get3A_202, %get3A_203] {strides = array<i32>} : memref<158x32xf32, #tpu.memory_space<vmem>>, vector<1x16xf32>,
      %get3A_205 = vector.shape_cast %get3A_204 : vector<1x16xf32> to vector<16xf32>
      %get3A_206 = arith.index_cast %add3A_197 : i32 to index
      %get3A_207 = arith.constant 0 : index
      %get3A_208 = tpu.vector_load %arg13[%get3A_206, %get3A_207] {strides = array<i32>} : memref<158x32xf32, #tpu.memory_space<vmem>>, vector<1x16xf32>,
      %get3A_209 = vector.shape_cast %get3A_208 : vector<1x16xf32> to vector<16xf32>
      %add3A_210 = arith.addf %get3A_205, %get3A_209 : vector<16xf32>
      %mul3A_211 = arith.mulf %get3A_201, %add3A_210 : vector<16xf32>
      %add3A_212 = arith.addf %mul3A_211, %get3A_79 : vector<16xf32>
      %max3A = arith.constant 0.000000e+00 : f32
      %max3A_213 = vector.broadcast %max3A : f32 to vector<16xf32>
      %max3A_214 = arith.maximumf %add3A_212, %max3A_213 : vector<16xf32>
      %mul3A_215 = arith.mulf %max3A_214, %get3A_201 : vector<16xf32>
      %swap3A = arith.index_cast %add3A_197 : i32 to index
      %swap3A_216 = arith.constant 0 : index
      %swap3A_217 = tpu.vector_load %arg12[%swap3A, %swap3A_216] {strides = array<i32>} : memref<158x32xf32, #tpu.memory_space<vmem>>, vector<1x16xf32>,
      %swap3A_218 = vector.shape_cast %swap3A_217 : vector<1x16xf32> to vector<16xf32>
      %swap3A_219 = vector.shape_cast %mul3A_215 : vector<16xf32> to vector<1x16xf32>
      tpu.vector_store %arg12[%swap3A, %swap3A_216], %swap3A_219 {strides = array<i32>} : memref<158x32xf32, #tpu.memory_space<vmem>>, vector<1x16xf32>,
      %get3A_220 = arith.index_cast %add3A_197 : i32 to index
      %get3A_221 = arith.constant 16 : index
      %get3A_222 = tpu.vector_load %arg14[%get3A_220, %get3A_221] {strides = array<i32>} : memref<158x32xf32, #tpu.memory_space<vmem>>, vector<1x16xf32>,
      %get3A_223 = vector.shape_cast %get3A_222 : vector<1x16xf32> to vector<16xf32>
      %get3A_224 = arith.index_cast %add3A_197 : i32 to index
      %get3A_225 = arith.constant 16 : index
      %get3A_226 = tpu.vector_load %arg12[%get3A_224, %get3A_225] {strides = array<i32>} : memref<158x32xf32, #tpu.memory_space<vmem>>, vector<1x16xf32>,
      %get3A_227 = vector.shape_cast %get3A_226 : vector<1x16xf32> to vector<16xf32>
      %get3A_228 = arith.index_cast %add3A_197 : i32 to index
      %get3A_229 = arith.constant 16 : index
      %get3A_230 = tpu.vector_load %arg13[%get3A_228, %get3A_229] {strides = array<i32>} : memref<158x32xf32, #tpu.memory_space<vmem>>, vector<1x16xf32>,
      %get3A_231 = vector.shape_cast %get3A_230 : vector<1x16xf32> to vector<16xf32>
      %add3A_232 = arith.addf %get3A_227, %get3A_231 : vector<16xf32>
      %mul3A_233 = arith.mulf %get3A_223, %add3A_232 : vector<16xf32>
      %add3A_234 = arith.addf %mul3A_233, %get3A_82 : vector<16xf32>
      %max3A_235 = arith.constant 0.000000e+00 : f32
      %max3A_236 = vector.broadcast %max3A_235 : f32 to vector<16xf32>
      %max3A_237 = arith.maximumf %add3A_234, %max3A_236 : vector<16xf32>
      %mul3A_238 = arith.mulf %max3A_237, %get3A_223 : vector<16xf32>
      %swap3A_239 = arith.index_cast %add3A_197 : i32 to index
      %swap3A_240 = arith.constant 16 : index
      %swap3A_241 = tpu.vector_load %arg12[%swap3A_239, %swap3A_240] {strides = array<i32>} : memref<158x32xf32, #tpu.memory_space<vmem>>, vector<1x16xf32>,
      %swap3A_242 = vector.shape_cast %swap3A_241 : vector<1x16xf32> to vector<16xf32>
      %swap3A_243 = vector.shape_cast %mul3A_238 : vector<16xf32> to vector<1x16xf32>
      tpu.vector_store %arg12[%swap3A_239, %swap3A_240], %swap3A_243 {strides = array<i32>} : memref<158x32xf32, #tpu.memory_space<vmem>>, vector<1x16xf32>,
    }
    %scan3A_99 = arith.constant 158 : i32
    "tpu.region"() ({
      %run_scoped3A_193 = tpu.sem_alloc : memref<!tpu.dma_semaphore, #tpu.memory_space<semaphore_mem>>
      %dma_start3A_194 = arith.constant 0 : i32
      %dma_start3A_195 = tpu.memref_slice %arg8[%arg0, %add3A_94, %dma_start3A_194] : memref<2x10112x32xf32, #tpu.memory_space<hbm>> -> memref<1x158x32xf32, #tpu.memory_space<hbm>>
      %dma_start3A_196 = tpu.memref_squeeze %dma_start3A_195 : memref<1x158x32xf32, #tpu.memory_space<hbm>> -> memref<158x32xf32, #tpu.memory_space<hbm>>
      %dma_start3A_197 = arith.constant 0 : i32
      %dma_start3A_198 = tpu.memref_slice %arg8[%arg0, %add3A_94, %dma_start3A_197] : memref<2x10112x32xf32, #tpu.memory_space<hbm>> -> memref<1x158x32xf32, #tpu.memory_space<hbm>>
      %dma_start3A_199 = tpu.memref_squeeze %dma_start3A_198 : memref<1x158x32xf32, #tpu.memory_space<hbm>> -> memref<158x32xf32, #tpu.memory_space<hbm>>
      tpu.enqueue_dma source(%arg12 : memref<158x32xf32, #tpu.memory_space<vmem>>) target(%dma_start3A_199 : memref<158x32xf32, #tpu.memory_space<hbm>>) target_semaphore(%run_scoped3A_193 : memref<!tpu.dma_semaphore, #tpu.memory_space<semaphore_mem>>)
      %dma_wait3A = arith.constant 0 : i32
      %dma_wait3A_200 = tpu.memref_slice %arg8[%arg0, %add3A_94, %dma_wait3A] : memref<2x10112x32xf32, #tpu.memory_space<hbm>> -> memref<1x158x32xf32, #tpu.memory_space<hbm>>
      %dma_wait3A_201 = tpu.memref_squeeze %dma_wait3A_200 : memref<1x158x32xf32, #tpu.memory_space<hbm>> -> memref<158x32xf32, #tpu.memory_space<hbm>>
      %dma_wait3A_202 = arith.constant 0 : i32
      %dma_wait3A_203 = tpu.memref_slice %arg8[%arg0, %add3A_94, %dma_wait3A_202] : memref<2x10112x32xf32, #tpu.memory_space<hbm>> -> memref<1x158x32xf32, #tpu.memory_space<hbm>>
      %dma_wait3A_204 = tpu.memref_squeeze %dma_wait3A_203 : memref<1x158x32xf32, #tpu.memory_space<hbm>> -> memref<158x32xf32, #tpu.memory_space<hbm>>
      tpu.wait_dma2 semaphore(%run_scoped3A_193 : memref<!tpu.dma_semaphore, #tpu.memory_space<semaphore_mem>>) src(%arg12 : memref<158x32xf32, #tpu.memory_space<vmem>>) dst(%dma_wait3A_204 : memref<158x32xf32, #tpu.memory_space<hbm>>)
      tpu.yield
    }) : () -> ()
    %mul3A_100 = arith.constant 632 : i32
    %mul3A_101 = arith.muli %arg1, %mul3A_100 : i32
    %add3A_102 = arith.constant 316 : i32
    %add3A_103 = arith.addi %mul3A_101, %add3A_102 : i32
    "tpu.region"() ({
      %run_scoped3A_193 = tpu.sem_alloc : memref<!tpu.dma_semaphore, #tpu.memory_space<semaphore_mem>>
      %dma_start3A_194 = arith.constant 0 : i32
      %dma_start3A_195 = tpu.memref_slice %arg24[%add3A_103, %dma_start3A_194] : memref<10112x32xf32, #tpu.memory_space<vmem_shared>> -> memref<158x32xf32, #tpu.memory_space<vmem_shared>>
      %dma_start3A_196 = arith.constant 0 : i32
      %dma_start3A_197 = tpu.memref_slice %arg24[%add3A_103, %dma_start3A_196] : memref<10112x32xf32, #tpu.memory_space<vmem_shared>> -> memref<158x32xf32, #tpu.memory_space<vmem_shared>>
      tpu.enqueue_dma source(%dma_start3A_197 : memref<158x32xf32, #tpu.memory_space<vmem_shared>>) target(%arg12 : memref<158x32xf32, #tpu.memory_space<vmem>>) target_semaphore(%run_scoped3A_193 : memref<!tpu.dma_semaphore, #tpu.memory_space<semaphore_mem>>)
      %dma_wait3A = arith.constant 0 : i32
      %dma_wait3A_198 = tpu.memref_slice %arg24[%add3A_103, %dma_wait3A] : memref<10112x32xf32, #tpu.memory_space<vmem_shared>> -> memref<158x32xf32, #tpu.memory_space<vmem_shared>>
      %dma_wait3A_199 = arith.constant 0 : i32
      %dma_wait3A_200 = tpu.memref_slice %arg24[%add3A_103, %dma_wait3A_199] : memref<10112x32xf32, #tpu.memory_space<vmem_shared>> -> memref<158x32xf32, #tpu.memory_space<vmem_shared>>
      tpu.wait_dma2 semaphore(%run_scoped3A_193 : memref<!tpu.dma_semaphore, #tpu.memory_space<semaphore_mem>>) src(%dma_wait3A_200 : memref<158x32xf32, #tpu.memory_space<vmem_shared>>) dst(%arg12 : memref<158x32xf32, #tpu.memory_space<vmem>>)
      tpu.yield
    }) : () -> ()
    "tpu.region"() ({
      %run_scoped3A_193 = tpu.sem_alloc : memref<!tpu.dma_semaphore, #tpu.memory_space<semaphore_mem>>
      %dma_start3A_194 = arith.constant 0 : i32
      %dma_start3A_195 = tpu.memref_slice %arg2[%arg0, %add3A_103, %dma_start3A_194] : memref<2x10112x32xf32, #tpu.memory_space<hbm>> -> memref<1x158x32xf32, #tpu.memory_space<hbm>>
      %dma_start3A_196 = tpu.memref_squeeze %dma_start3A_195 : memref<1x158x32xf32, #tpu.memory_space<hbm>> -> memref<158x32xf32, #tpu.memory_space<hbm>>
      %dma_start3A_197 = arith.constant 0 : i32
      %dma_start3A_198 = tpu.memref_slice %arg2[%arg0, %add3A_103, %dma_start3A_197] : memref<2x10112x32xf32, #tpu.memory_space<hbm>> -> memref<1x158x32xf32, #tpu.memory_space<hbm>>
      %dma_start3A_199 = tpu.memref_squeeze %dma_start3A_198 : memref<1x158x32xf32, #tpu.memory_space<hbm>> -> memref<158x32xf32, #tpu.memory_space<hbm>>
      tpu.enqueue_dma source(%dma_start3A_199 : memref<158x32xf32, #tpu.memory_space<hbm>>) target(%arg13 : memref<158x32xf32, #tpu.memory_space<vmem>>) target_semaphore(%run_scoped3A_193 : memref<!tpu.dma_semaphore, #tpu.memory_space<semaphore_mem>>)
      %dma_wait3A = arith.constant 0 : i32
      %dma_wait3A_200 = tpu.memref_slice %arg2[%arg0, %add3A_103, %dma_wait3A] : memref<2x10112x32xf32, #tpu.memory_space<hbm>> -> memref<1x158x32xf32, #tpu.memory_space<hbm>>
      %dma_wait3A_201 = tpu.memref_squeeze %dma_wait3A_200 : memref<1x158x32xf32, #tpu.memory_space<hbm>> -> memref<158x32xf32, #tpu.memory_space<hbm>>
      %dma_wait3A_202 = arith.constant 0 : i32
      %dma_wait3A_203 = tpu.memref_slice %arg2[%arg0, %add3A_103, %dma_wait3A_202] : memref<2x10112x32xf32, #tpu.memory_space<hbm>> -> memref<1x158x32xf32, #tpu.memory_space<hbm>>
      %dma_wait3A_204 = tpu.memref_squeeze %dma_wait3A_203 : memref<1x158x32xf32, #tpu.memory_space<hbm>> -> memref<158x32xf32, #tpu.memory_space<hbm>>
      tpu.wait_dma2 semaphore(%run_scoped3A_193 : memref<!tpu.dma_semaphore, #tpu.memory_space<semaphore_mem>>) src(%dma_wait3A_204 : memref<158x32xf32, #tpu.memory_space<hbm>>) dst(%arg13 : memref<158x32xf32, #tpu.memory_space<vmem>>)
      tpu.yield
    }) : () -> ()
    "tpu.region"() ({
      %run_scoped3A_193 = tpu.sem_alloc : memref<!tpu.dma_semaphore, #tpu.memory_space<semaphore_mem>>
      %dma_start3A_194 = arith.constant 0 : i32
      %dma_start3A_195 = tpu.memref_slice %arg4[%add3A_103, %dma_start3A_194] : memref<10112x32xf32, #tpu.memory_space<hbm>> -> memref<158x32xf32, #tpu.memory_space<hbm>>
      %dma_start3A_196 = arith.constant 0 : i32
      %dma_start3A_197 = tpu.memref_slice %arg4[%add3A_103, %dma_start3A_196] : memref<10112x32xf32, #tpu.memory_space<hbm>> -> memref<158x32xf32, #tpu.memory_space<hbm>>
      tpu.enqueue_dma source(%dma_start3A_197 : memref<158x32xf32, #tpu.memory_space<hbm>>) target(%arg14 : memref<158x32xf32, #tpu.memory_space<vmem>>) target_semaphore(%run_scoped3A_193 : memref<!tpu.dma_semaphore, #tpu.memory_space<semaphore_mem>>)
      %dma_wait3A = arith.constant 0 : i32
      %dma_wait3A_198 = tpu.memref_slice %arg4[%add3A_103, %dma_wait3A] : memref<10112x32xf32, #tpu.memory_space<hbm>> -> memref<158x32xf32, #tpu.memory_space<hbm>>
      %dma_wait3A_199 = arith.constant 0 : i32
      %dma_wait3A_200 = tpu.memref_slice %arg4[%add3A_103, %dma_wait3A_199] : memref<10112x32xf32, #tpu.memory_space<hbm>> -> memref<158x32xf32, #tpu.memory_space<hbm>>
      tpu.wait_dma2 semaphore(%run_scoped3A_193 : memref<!tpu.dma_semaphore, #tpu.memory_space<semaphore_mem>>) src(%dma_wait3A_200 : memref<158x32xf32, #tpu.memory_space<hbm>>) dst(%arg14 : memref<158x32xf32, #tpu.memory_space<vmem>>)
      tpu.yield
    }) : () -> ()
    %scan3A_104 = arith.constant 0 : i32
    %scan3A_105 = arith.constant 158 : i32
    %scan3A_106 = arith.addi %scan3A_104, %scan3A_105 : i32
    %scan3A_107 = arith.constant 1 : i32
    scf.for %scan3A_193 = %scan3A_104 to %scan3A_106 step %scan3A_107  : i32 {
      %mul3A_194 = arith.constant 1 : i32
      %mul3A_195 = arith.muli %scan3A_193, %mul3A_194 : i32
      %add3A_196 = arith.constant 0 : i32
      %add3A_197 = arith.addi %add3A_196, %mul3A_195 : i32
      %get3A_198 = arith.index_cast %add3A_197 : i32 to index
      %get3A_199 = arith.constant 0 : index
      %get3A_200 = tpu.vector_load %arg14[%get3A_198, %get3A_199] {strides = array<i32>} : memref<158x32xf32, #tpu.memory_space<vmem>>, vector<1x16xf32>,
      %get3A_201 = vector.shape_cast %get3A_200 : vector<1x16xf32> to vector<16xf32>
      %get3A_202 = arith.index_cast %add3A_197 : i32 to index
      %get3A_203 = arith.constant 0 : index
      %get3A_204 = tpu.vector_load %arg12[%get3A_202, %get3A_203] {strides = array<i32>} : memref<158x32xf32, #tpu.memory_space<vmem>>, vector<1x16xf32>,
      %get3A_205 = vector.shape_cast %get3A_204 : vector<1x16xf32> to vector<16xf32>
      %get3A_206 = arith.index_cast %add3A_197 : i32 to index
      %get3A_207 = arith.constant 0 : index
      %get3A_208 = tpu.vector_load %arg13[%get3A_206, %get3A_207] {strides = array<i32>} : memref<158x32xf32, #tpu.memory_space<vmem>>, vector<1x16xf32>,
      %get3A_209 = vector.shape_cast %get3A_208 : vector<1x16xf32> to vector<16xf32>
      %add3A_210 = arith.addf %get3A_205, %get3A_209 : vector<16xf32>
      %mul3A_211 = arith.mulf %get3A_201, %add3A_210 : vector<16xf32>
      %add3A_212 = arith.addf %mul3A_211, %get3A_79 : vector<16xf32>
      %max3A = arith.constant 0.000000e+00 : f32
      %max3A_213 = vector.broadcast %max3A : f32 to vector<16xf32>
      %max3A_214 = arith.maximumf %add3A_212, %max3A_213 : vector<16xf32>
      %mul3A_215 = arith.mulf %max3A_214, %get3A_201 : vector<16xf32>
      %swap3A = arith.index_cast %add3A_197 : i32 to index
      %swap3A_216 = arith.constant 0 : index
      %swap3A_217 = tpu.vector_load %arg12[%swap3A, %swap3A_216] {strides = array<i32>} : memref<158x32xf32, #tpu.memory_space<vmem>>, vector<1x16xf32>,
      %swap3A_218 = vector.shape_cast %swap3A_217 : vector<1x16xf32> to vector<16xf32>
      %swap3A_219 = vector.shape_cast %mul3A_215 : vector<16xf32> to vector<1x16xf32>
      tpu.vector_store %arg12[%swap3A, %swap3A_216], %swap3A_219 {strides = array<i32>} : memref<158x32xf32, #tpu.memory_space<vmem>>, vector<1x16xf32>,
      %get3A_220 = arith.index_cast %add3A_197 : i32 to index
      %get3A_221 = arith.constant 16 : index
      %get3A_222 = tpu.vector_load %arg14[%get3A_220, %get3A_221] {strides = array<i32>} : memref<158x32xf32, #tpu.memory_space<vmem>>, vector<1x16xf32>,
      %get3A_223 = vector.shape_cast %get3A_222 : vector<1x16xf32> to vector<16xf32>
      %get3A_224 = arith.index_cast %add3A_197 : i32 to index
      %get3A_225 = arith.constant 16 : index
      %get3A_226 = tpu.vector_load %arg12[%get3A_224, %get3A_225] {strides = array<i32>} : memref<158x32xf32, #tpu.memory_space<vmem>>, vector<1x16xf32>,
      %get3A_227 = vector.shape_cast %get3A_226 : vector<1x16xf32> to vector<16xf32>
      %get3A_228 = arith.index_cast %add3A_197 : i32 to index
      %get3A_229 = arith.constant 16 : index
      %get3A_230 = tpu.vector_load %arg13[%get3A_228, %get3A_229] {strides = array<i32>} : memref<158x32xf32, #tpu.memory_space<vmem>>, vector<1x16xf32>,
      %get3A_231 = vector.shape_cast %get3A_230 : vector<1x16xf32> to vector<16xf32>
      %add3A_232 = arith.addf %get3A_227, %get3A_231 : vector<16xf32>
      %mul3A_233 = arith.mulf %get3A_223, %add3A_232 : vector<16xf32>
      %add3A_234 = arith.addf %mul3A_233, %get3A_82 : vector<16xf32>
      %max3A_235 = arith.constant 0.000000e+00 : f32
      %max3A_236 = vector.broadcast %max3A_235 : f32 to vector<16xf32>
      %max3A_237 = arith.maximumf %add3A_234, %max3A_236 : vector<16xf32>
      %mul3A_238 = arith.mulf %max3A_237, %get3A_223 : vector<16xf32>
      %swap3A_239 = arith.index_cast %add3A_197 : i32 to index
      %swap3A_240 = arith.constant 16 : index
      %swap3A_241 = tpu.vector_load %arg12[%swap3A_239, %swap3A_240] {strides = array<i32>} : memref<158x32xf32, #tpu.memory_space<vmem>>, vector<1x16xf32>,
      %swap3A_242 = vector.shape_cast %swap3A_241 : vector<1x16xf32> to vector<16xf32>
      %swap3A_243 = vector.shape_cast %mul3A_238 : vector<16xf32> to vector<1x16xf32>
      tpu.vector_store %arg12[%swap3A_239, %swap3A_240], %swap3A_243 {strides = array<i32>} : memref<158x32xf32, #tpu.memory_space<vmem>>, vector<1x16xf32>,
    }
    %scan3A_108 = arith.constant 158 : i32
    "tpu.region"() ({
      %run_scoped3A_193 = tpu.sem_alloc : memref<!tpu.dma_semaphore, #tpu.memory_space<semaphore_mem>>
      %dma_start3A_194 = arith.constant 0 : i32
      %dma_start3A_195 = tpu.memref_slice %arg8[%arg0, %add3A_103, %dma_start3A_194] : memref<2x10112x32xf32, #tpu.memory_space<hbm>> -> memref<1x158x32xf32, #tpu.memory_space<hbm>>
      %dma_start3A_196 = tpu.memref_squeeze %dma_start3A_195 : memref<1x158x32xf32, #tpu.memory_space<hbm>> -> memref<158x32xf32, #tpu.memory_space<hbm>>
      %dma_start3A_197 = arith.constant 0 : i32
      %dma_start3A_198 = tpu.memref_slice %arg8[%arg0, %add3A_103, %dma_start3A_197] : memref<2x10112x32xf32, #tpu.memory_space<hbm>> -> memref<1x158x32xf32, #tpu.memory_space<hbm>>
      %dma_start3A_199 = tpu.memref_squeeze %dma_start3A_198 : memref<1x158x32xf32, #tpu.memory_space<hbm>> -> memref<158x32xf32, #tpu.memory_space<hbm>>
      tpu.enqueue_dma source(%arg12 : memref<158x32xf32, #tpu.memory_space<vmem>>) target(%dma_start3A_199 : memref<158x32xf32, #tpu.memory_space<hbm>>) target_semaphore(%run_scoped3A_193 : memref<!tpu.dma_semaphore, #tpu.memory_space<semaphore_mem>>)
      %dma_wait3A = arith.constant 0 : i32
      %dma_wait3A_200 = tpu.memref_slice %arg8[%arg0, %add3A_103, %dma_wait3A] : memref<2x10112x32xf32, #tpu.memory_space<hbm>> -> memref<1x158x32xf32, #tpu.memory_space<hbm>>
      %dma_wait3A_201 = tpu.memref_squeeze %dma_wait3A_200 : memref<1x158x32xf32, #tpu.memory_space<hbm>> -> memref<158x32xf32, #tpu.memory_space<hbm>>
      %dma_wait3A_202 = arith.constant 0 : i32
      %dma_wait3A_203 = tpu.memref_slice %arg8[%arg0, %add3A_103, %dma_wait3A_202] : memref<2x10112x32xf32, #tpu.memory_space<hbm>> -> memref<1x158x32xf32, #tpu.memory_space<hbm>>
      %dma_wait3A_204 = tpu.memref_squeeze %dma_wait3A_203 : memref<1x158x32xf32, #tpu.memory_space<hbm>> -> memref<158x32xf32, #tpu.memory_space<hbm>>
      tpu.wait_dma2 semaphore(%run_scoped3A_193 : memref<!tpu.dma_semaphore, #tpu.memory_space<semaphore_mem>>) src(%arg12 : memref<158x32xf32, #tpu.memory_space<vmem>>) dst(%dma_wait3A_204 : memref<158x32xf32, #tpu.memory_space<hbm>>)
      tpu.yield
    }) : () -> ()
    %mul3A_109 = arith.constant 632 : i32
    %mul3A_110 = arith.muli %arg1, %mul3A_109 : i32
    %add3A_111 = arith.constant 474 : i32
    %add3A_112 = arith.addi %mul3A_110, %add3A_111 : i32
    "tpu.region"() ({
      %run_scoped3A_193 = tpu.sem_alloc : memref<!tpu.dma_semaphore, #tpu.memory_space<semaphore_mem>>
      %dma_start3A_194 = arith.constant 0 : i32
      %dma_start3A_195 = tpu.memref_slice %arg24[%add3A_112, %dma_start3A_194] : memref<10112x32xf32, #tpu.memory_space<vmem_shared>> -> memref<158x32xf32, #tpu.memory_space<vmem_shared>>
      %dma_start3A_196 = arith.constant 0 : i32
      %dma_start3A_197 = tpu.memref_slice %arg24[%add3A_112, %dma_start3A_196] : memref<10112x32xf32, #tpu.memory_space<vmem_shared>> -> memref<158x32xf32, #tpu.memory_space<vmem_shared>>
      tpu.enqueue_dma source(%dma_start3A_197 : memref<158x32xf32, #tpu.memory_space<vmem_shared>>) target(%arg12 : memref<158x32xf32, #tpu.memory_space<vmem>>) target_semaphore(%run_scoped3A_193 : memref<!tpu.dma_semaphore, #tpu.memory_space<semaphore_mem>>)
      %dma_wait3A = arith.constant 0 : i32
      %dma_wait3A_198 = tpu.memref_slice %arg24[%add3A_112, %dma_wait3A] : memref<10112x32xf32, #tpu.memory_space<vmem_shared>> -> memref<158x32xf32, #tpu.memory_space<vmem_shared>>
      %dma_wait3A_199 = arith.constant 0 : i32
      %dma_wait3A_200 = tpu.memref_slice %arg24[%add3A_112, %dma_wait3A_199] : memref<10112x32xf32, #tpu.memory_space<vmem_shared>> -> memref<158x32xf32, #tpu.memory_space<vmem_shared>>
      tpu.wait_dma2 semaphore(%run_scoped3A_193 : memref<!tpu.dma_semaphore, #tpu.memory_space<semaphore_mem>>) src(%dma_wait3A_200 : memref<158x32xf32, #tpu.memory_space<vmem_shared>>) dst(%arg12 : memref<158x32xf32, #tpu.memory_space<vmem>>)
      tpu.yield
    }) : () -> ()
    "tpu.region"() ({
      %run_scoped3A_193 = tpu.sem_alloc : memref<!tpu.dma_semaphore, #tpu.memory_space<semaphore_mem>>
      %dma_start3A_194 = arith.constant 0 : i32
      %dma_start3A_195 = tpu.memref_slice %arg2[%arg0, %add3A_112, %dma_start3A_194] : memref<2x10112x32xf32, #tpu.memory_space<hbm>> -> memref<1x158x32xf32, #tpu.memory_space<hbm>>
      %dma_start3A_196 = tpu.memref_squeeze %dma_start3A_195 : memref<1x158x32xf32, #tpu.memory_space<hbm>> -> memref<158x32xf32, #tpu.memory_space<hbm>>
      %dma_start3A_197 = arith.constant 0 : i32
      %dma_start3A_198 = tpu.memref_slice %arg2[%arg0, %add3A_112, %dma_start3A_197] : memref<2x10112x32xf32, #tpu.memory_space<hbm>> -> memref<1x158x32xf32, #tpu.memory_space<hbm>>
      %dma_start3A_199 = tpu.memref_squeeze %dma_start3A_198 : memref<1x158x32xf32, #tpu.memory_space<hbm>> -> memref<158x32xf32, #tpu.memory_space<hbm>>
      tpu.enqueue_dma source(%dma_start3A_199 : memref<158x32xf32, #tpu.memory_space<hbm>>) target(%arg13 : memref<158x32xf32, #tpu.memory_space<vmem>>) target_semaphore(%run_scoped3A_193 : memref<!tpu.dma_semaphore, #tpu.memory_space<semaphore_mem>>)
      %dma_wait3A = arith.constant 0 : i32
      %dma_wait3A_200 = tpu.memref_slice %arg2[%arg0, %add3A_112, %dma_wait3A] : memref<2x10112x32xf32, #tpu.memory_space<hbm>> -> memref<1x158x32xf32, #tpu.memory_space<hbm>>
      %dma_wait3A_201 = tpu.memref_squeeze %dma_wait3A_200 : memref<1x158x32xf32, #tpu.memory_space<hbm>> -> memref<158x32xf32, #tpu.memory_space<hbm>>
      %dma_wait3A_202 = arith.constant 0 : i32
      %dma_wait3A_203 = tpu.memref_slice %arg2[%arg0, %add3A_112, %dma_wait3A_202] : memref<2x10112x32xf32, #tpu.memory_space<hbm>> -> memref<1x158x32xf32, #tpu.memory_space<hbm>>
      %dma_wait3A_204 = tpu.memref_squeeze %dma_wait3A_203 : memref<1x158x32xf32, #tpu.memory_space<hbm>> -> memref<158x32xf32, #tpu.memory_space<hbm>>
      tpu.wait_dma2 semaphore(%run_scoped3A_193 : memref<!tpu.dma_semaphore, #tpu.memory_space<semaphore_mem>>) src(%dma_wait3A_204 : memref<158x32xf32, #tpu.memory_space<hbm>>) dst(%arg13 : memref<158x32xf32, #tpu.memory_space<vmem>>)
      tpu.yield
    }) : () -> ()
    "tpu.region"() ({
      %run_scoped3A_193 = tpu.sem_alloc : memref<!tpu.dma_semaphore, #tpu.memory_space<semaphore_mem>>
      %dma_start3A_194 = arith.constant 0 : i32
      %dma_start3A_195 = tpu.memref_slice %arg4[%add3A_112, %dma_start3A_194] : memref<10112x32xf32, #tpu.memory_space<hbm>> -> memref<158x32xf32, #tpu.memory_space<hbm>>
      %dma_start3A_196 = arith.constant 0 : i32
      %dma_start3A_197 = tpu.memref_slice %arg4[%add3A_112, %dma_start3A_196] : memref<10112x32xf32, #tpu.memory_space<hbm>> -> memref<158x32xf32, #tpu.memory_space<hbm>>
      tpu.enqueue_dma source(%dma_start3A_197 : memref<158x32xf32, #tpu.memory_space<hbm>>) target(%arg14 : memref<158x32xf32, #tpu.memory_space<vmem>>) target_semaphore(%run_scoped3A_193 : memref<!tpu.dma_semaphore, #tpu.memory_space<semaphore_mem>>)
      %dma_wait3A = arith.constant 0 : i32
      %dma_wait3A_198 = tpu.memref_slice %arg4[%add3A_112, %dma_wait3A] : memref<10112x32xf32, #tpu.memory_space<hbm>> -> memref<158x32xf32, #tpu.memory_space<hbm>>
      %dma_wait3A_199 = arith.constant 0 : i32
      %dma_wait3A_200 = tpu.memref_slice %arg4[%add3A_112, %dma_wait3A_199] : memref<10112x32xf32, #tpu.memory_space<hbm>> -> memref<158x32xf32, #tpu.memory_space<hbm>>
      tpu.wait_dma2 semaphore(%run_scoped3A_193 : memref<!tpu.dma_semaphore, #tpu.memory_space<semaphore_mem>>) src(%dma_wait3A_200 : memref<158x32xf32, #tpu.memory_space<hbm>>) dst(%arg14 : memref<158x32xf32, #tpu.memory_space<vmem>>)
      tpu.yield
    }) : () -> ()
    %scan3A_113 = arith.constant 0 : i32
    %scan3A_114 = arith.constant 158 : i32
    %scan3A_115 = arith.addi %scan3A_113, %scan3A_114 : i32
    %scan3A_116 = arith.constant 1 : i32
    scf.for %scan3A_193 = %scan3A_113 to %scan3A_115 step %scan3A_116  : i32 {
      %mul3A_194 = arith.constant 1 : i32
      %mul3A_195 = arith.muli %scan3A_193, %mul3A_194 : i32
      %add3A_196 = arith.constant 0 : i32
      %add3A_197 = arith.addi %add3A_196, %mul3A_195 : i32
      %get3A_198 = arith.index_cast %add3A_197 : i32 to index
      %get3A_199 = arith.constant 0 : index
      %get3A_200 = tpu.vector_load %arg14[%get3A_198, %get3A_199] {strides = array<i32>} : memref<158x32xf32, #tpu.memory_space<vmem>>, vector<1x16xf32>,
      %get3A_201 = vector.shape_cast %get3A_200 : vector<1x16xf32> to vector<16xf32>
      %get3A_202 = arith.index_cast %add3A_197 : i32 to index
      %get3A_203 = arith.constant 0 : index
      %get3A_204 = tpu.vector_load %arg12[%get3A_202, %get3A_203] {strides = array<i32>} : memref<158x32xf32, #tpu.memory_space<vmem>>, vector<1x16xf32>,
      %get3A_205 = vector.shape_cast %get3A_204 : vector<1x16xf32> to vector<16xf32>
      %get3A_206 = arith.index_cast %add3A_197 : i32 to index
      %get3A_207 = arith.constant 0 : index
      %get3A_208 = tpu.vector_load %arg13[%get3A_206, %get3A_207] {strides = array<i32>} : memref<158x32xf32, #tpu.memory_space<vmem>>, vector<1x16xf32>,
      %get3A_209 = vector.shape_cast %get3A_208 : vector<1x16xf32> to vector<16xf32>
      %add3A_210 = arith.addf %get3A_205, %get3A_209 : vector<16xf32>
      %mul3A_211 = arith.mulf %get3A_201, %add3A_210 : vector<16xf32>
      %add3A_212 = arith.addf %mul3A_211, %get3A_79 : vector<16xf32>
      %max3A = arith.constant 0.000000e+00 : f32
      %max3A_213 = vector.broadcast %max3A : f32 to vector<16xf32>
      %max3A_214 = arith.maximumf %add3A_212, %max3A_213 : vector<16xf32>
      %mul3A_215 = arith.mulf %max3A_214, %get3A_201 : vector<16xf32>
      %swap3A = arith.index_cast %add3A_197 : i32 to index
      %swap3A_216 = arith.constant 0 : index
      %swap3A_217 = tpu.vector_load %arg12[%swap3A, %swap3A_216] {strides = array<i32>} : memref<158x32xf32, #tpu.memory_space<vmem>>, vector<1x16xf32>,
      %swap3A_218 = vector.shape_cast %swap3A_217 : vector<1x16xf32> to vector<16xf32>
      %swap3A_219 = vector.shape_cast %mul3A_215 : vector<16xf32> to vector<1x16xf32>
      tpu.vector_store %arg12[%swap3A, %swap3A_216], %swap3A_219 {strides = array<i32>} : memref<158x32xf32, #tpu.memory_space<vmem>>, vector<1x16xf32>,
      %get3A_220 = arith.index_cast %add3A_197 : i32 to index
      %get3A_221 = arith.constant 16 : index
      %get3A_222 = tpu.vector_load %arg14[%get3A_220, %get3A_221] {strides = array<i32>} : memref<158x32xf32, #tpu.memory_space<vmem>>, vector<1x16xf32>,
      %get3A_223 = vector.shape_cast %get3A_222 : vector<1x16xf32> to vector<16xf32>
      %get3A_224 = arith.index_cast %add3A_197 : i32 to index
      %get3A_225 = arith.constant 16 : index
      %get3A_226 = tpu.vector_load %arg12[%get3A_224, %get3A_225] {strides = array<i32>} : memref<158x32xf32, #tpu.memory_space<vmem>>, vector<1x16xf32>,
      %get3A_227 = vector.shape_cast %get3A_226 : vector<1x16xf32> to vector<16xf32>
      %get3A_228 = arith.index_cast %add3A_197 : i32 to index
      %get3A_229 = arith.constant 16 : index
      %get3A_230 = tpu.vector_load %arg13[%get3A_228, %get3A_229] {strides = array<i32>} : memref<158x32xf32, #tpu.memory_space<vmem>>, vector<1x16xf32>,
      %get3A_231 = vector.shape_cast %get3A_230 : vector<1x16xf32> to vector<16xf32>
      %add3A_232 = arith.addf %get3A_227, %get3A_231 : vector<16xf32>
      %mul3A_233 = arith.mulf %get3A_223, %add3A_232 : vector<16xf32>
      %add3A_234 = arith.addf %mul3A_233, %get3A_82 : vector<16xf32>
      %max3A_235 = arith.constant 0.000000e+00 : f32
      %max3A_236 = vector.broadcast %max3A_235 : f32 to vector<16xf32>
      %max3A_237 = arith.maximumf %add3A_234, %max3A_236 : vector<16xf32>
      %mul3A_238 = arith.mulf %max3A_237, %get3A_223 : vector<16xf32>
      %swap3A_239 = arith.index_cast %add3A_197 : i32 to index
      %swap3A_240 = arith.constant 16 : index
      %swap3A_241 = tpu.vector_load %arg12[%swap3A_239, %swap3A_240] {strides = array<i32>} : memref<158x32xf32, #tpu.memory_space<vmem>>, vector<1x16xf32>,
      %swap3A_242 = vector.shape_cast %swap3A_241 : vector<1x16xf32> to vector<16xf32>
      %swap3A_243 = vector.shape_cast %mul3A_238 : vector<16xf32> to vector<1x16xf32>
      tpu.vector_store %arg12[%swap3A_239, %swap3A_240], %swap3A_243 {strides = array<i32>} : memref<158x32xf32, #tpu.memory_space<vmem>>, vector<1x16xf32>,
    }
    %scan3A_117 = arith.constant 158 : i32
    "tpu.region"() ({
      %run_scoped3A_193 = tpu.sem_alloc : memref<!tpu.dma_semaphore, #tpu.memory_space<semaphore_mem>>
      %dma_start3A_194 = arith.constant 0 : i32
      %dma_start3A_195 = tpu.memref_slice %arg8[%arg0, %add3A_112, %dma_start3A_194] : memref<2x10112x32xf32, #tpu.memory_space<hbm>> -> memref<1x158x32xf32, #tpu.memory_space<hbm>>
      %dma_start3A_196 = tpu.memref_squeeze %dma_start3A_195 : memref<1x158x32xf32, #tpu.memory_space<hbm>> -> memref<158x32xf32, #tpu.memory_space<hbm>>
      %dma_start3A_197 = arith.constant 0 : i32
      %dma_start3A_198 = tpu.memref_slice %arg8[%arg0, %add3A_112, %dma_start3A_197] : memref<2x10112x32xf32, #tpu.memory_space<hbm>> -> memref<1x158x32xf32, #tpu.memory_space<hbm>>
      %dma_start3A_199 = tpu.memref_squeeze %dma_start3A_198 : memref<1x158x32xf32, #tpu.memory_space<hbm>> -> memref<158x32xf32, #tpu.memory_space<hbm>>
      tpu.enqueue_dma source(%arg12 : memref<158x32xf32, #tpu.memory_space<vmem>>) target(%dma_start3A_199 : memref<158x32xf32, #tpu.memory_space<hbm>>) target_semaphore(%run_scoped3A_193 : memref<!tpu.dma_semaphore, #tpu.memory_space<semaphore_mem>>)
      %dma_wait3A = arith.constant 0 : i32
      %dma_wait3A_200 = tpu.memref_slice %arg8[%arg0, %add3A_112, %dma_wait3A] : memref<2x10112x32xf32, #tpu.memory_space<hbm>> -> memref<1x158x32xf32, #tpu.memory_space<hbm>>
      %dma_wait3A_201 = tpu.memref_squeeze %dma_wait3A_200 : memref<1x158x32xf32, #tpu.memory_space<hbm>> -> memref<158x32xf32, #tpu.memory_space<hbm>>
      %dma_wait3A_202 = arith.constant 0 : i32
      %dma_wait3A_203 = tpu.memref_slice %arg8[%arg0, %add3A_112, %dma_wait3A_202] : memref<2x10112x32xf32, #tpu.memory_space<hbm>> -> memref<1x158x32xf32, #tpu.memory_space<hbm>>
      %dma_wait3A_204 = tpu.memref_squeeze %dma_wait3A_203 : memref<1x158x32xf32, #tpu.memory_space<hbm>> -> memref<158x32xf32, #tpu.memory_space<hbm>>
      tpu.wait_dma2 semaphore(%run_scoped3A_193 : memref<!tpu.dma_semaphore, #tpu.memory_space<semaphore_mem>>) src(%arg12 : memref<158x32xf32, #tpu.memory_space<vmem>>) dst(%dma_wait3A_204 : memref<158x32xf32, #tpu.memory_space<hbm>>)
      tpu.yield
    }) : () -> ()
    %barrier3A_118 = arith.constant 0 : index
    tpu.barrier barrier_id(%barrier3A_118)
    %dma_start3A_119 = arith.constant 0 : i32
    %dma_start3A_120 = arith.constant 0 : i32
    %dma_start3A_121 = arith.constant 0 : i32
    %dma_start3A_122 = arith.constant 0 : i32
    %dma_start3A_123 = tpu.memref_slice %arg11[%dma_start3A_120, %dma_start3A_121, %dma_start3A_122] : memref<4x125x32xf32, #tpu.memory_space<vmem>> -> memref<1x125x32xf32, #tpu.memory_space<vmem>>
    %dma_start3A_124 = tpu.memref_squeeze %dma_start3A_123 : memref<1x125x32xf32, #tpu.memory_space<vmem>> -> memref<125x32xf32, #tpu.memory_space<vmem>>
    %dma_start3A_125 = arith.constant 0 : i32
    %dma_start3A_126 = tpu.memref_slice %arg9[%dma_start3A_119, %dma_start3A_125] : memref<160x125xi32, #tpu.memory_space<vmem>> -> memref<1x125xi32, #tpu.memory_space<vmem>>
    %dma_start3A_127 = tpu.memref_squeeze %dma_start3A_126 : memref<1x125xi32, #tpu.memory_space<vmem>> -> memref<125xi32, #tpu.memory_space<vmem>>
    %dma_start3A_128 = arith.constant 0 : i32
    %dma_start3A_129 = arith.constant 0 : i32
    %dma_start3A_130 = tpu.memref_slice %arg8[%arg0, %dma_start3A_128, %dma_start3A_129] : memref<2x10112x32xf32, #tpu.memory_space<hbm>> -> memref<1x10112x32xf32, #tpu.memory_space<hbm>>
    %dma_start3A_131 = tpu.memref_squeeze %dma_start3A_130 : memref<1x10112x32xf32, #tpu.memory_space<hbm>> -> memref<10112x32xf32, #tpu.memory_space<hbm>>
    %dma_start3A_132 = arith.constant 0 : i32
    %dma_start3A_133 = arith.constant 0 : i32
    %dma_start3A_134 = tpu.memref_slice %dma_start3A_131[%dma_start3A_132, %dma_start3A_133] : memref<10112x32xf32, #tpu.memory_space<hbm>> -> memref<10112x32xf32, #tpu.memory_space<hbm>>
    tpu.enqueue_indirect_dma source(%dma_start3A_134 : memref<10112x32xf32, #tpu.memory_space<hbm>>) target(%dma_start3A_124 : memref<125x32xf32, #tpu.memory_space<vmem>>) offsets(%dma_start3A_127 : memref<125xi32, #tpu.memory_space<vmem>>) semaphore(%arg16 : memref<!tpu.dma_semaphore, #tpu.memory_space<semaphore_mem>>)
    %dma_start3A_135 = arith.constant 1 : i32
    %dma_start3A_136 = arith.constant 1 : i32
    %dma_start3A_137 = arith.constant 0 : i32
    %dma_start3A_138 = arith.constant 0 : i32
    %dma_start3A_139 = tpu.memref_slice %arg11[%dma_start3A_136, %dma_start3A_137, %dma_start3A_138] : memref<4x125x32xf32, #tpu.memory_space<vmem>> -> memref<1x125x32xf32, #tpu.memory_space<vmem>>
    %dma_start3A_140 = tpu.memref_squeeze %dma_start3A_139 : memref<1x125x32xf32, #tpu.memory_space<vmem>> -> memref<125x32xf32, #tpu.memory_space<vmem>>
    %dma_start3A_141 = arith.constant 0 : i32
    %dma_start3A_142 = tpu.memref_slice %arg9[%dma_start3A_135, %dma_start3A_141] : memref<160x125xi32, #tpu.memory_space<vmem>> -> memref<1x125xi32, #tpu.memory_space<vmem>>
    %dma_start3A_143 = tpu.memref_squeeze %dma_start3A_142 : memref<1x125xi32, #tpu.memory_space<vmem>> -> memref<125xi32, #tpu.memory_space<vmem>>
    %dma_start3A_144 = arith.constant 0 : i32
    %dma_start3A_145 = arith.constant 0 : i32
    %dma_start3A_146 = tpu.memref_slice %arg8[%arg0, %dma_start3A_144, %dma_start3A_145] : memref<2x10112x32xf32, #tpu.memory_space<hbm>> -> memref<1x10112x32xf32, #tpu.memory_space<hbm>>
    %dma_start3A_147 = tpu.memref_squeeze %dma_start3A_146 : memref<1x10112x32xf32, #tpu.memory_space<hbm>> -> memref<10112x32xf32, #tpu.memory_space<hbm>>
    %dma_start3A_148 = arith.constant 0 : i32
    %dma_start3A_149 = arith.constant 0 : i32
    %dma_start3A_150 = tpu.memref_slice %dma_start3A_147[%dma_start3A_148, %dma_start3A_149] : memref<10112x32xf32, #tpu.memory_space<hbm>> -> memref<10112x32xf32, #tpu.memory_space<hbm>>
    tpu.enqueue_indirect_dma source(%dma_start3A_150 : memref<10112x32xf32, #tpu.memory_space<hbm>>) target(%dma_start3A_140 : memref<125x32xf32, #tpu.memory_space<vmem>>) offsets(%dma_start3A_143 : memref<125xi32, #tpu.memory_space<vmem>>) semaphore(%arg17 : memref<!tpu.dma_semaphore, #tpu.memory_space<semaphore_mem>>)
    %dma_start3A_151 = arith.constant 2 : i32
    %dma_start3A_152 = arith.constant 2 : i32
    %dma_start3A_153 = arith.constant 0 : i32
    %dma_start3A_154 = arith.constant 0 : i32
    %dma_start3A_155 = tpu.memref_slice %arg11[%dma_start3A_152, %dma_start3A_153, %dma_start3A_154] : memref<4x125x32xf32, #tpu.memory_space<vmem>> -> memref<1x125x32xf32, #tpu.memory_space<vmem>>
    %dma_start3A_156 = tpu.memref_squeeze %dma_start3A_155 : memref<1x125x32xf32, #tpu.memory_space<vmem>> -> memref<125x32xf32, #tpu.memory_space<vmem>>
    %dma_start3A_157 = arith.constant 0 : i32
    %dma_start3A_158 = tpu.memref_slice %arg9[%dma_start3A_151, %dma_start3A_157] : memref<160x125xi32, #tpu.memory_space<vmem>> -> memref<1x125xi32, #tpu.memory_space<vmem>>
    %dma_start3A_159 = tpu.memref_squeeze %dma_start3A_158 : memref<1x125xi32, #tpu.memory_space<vmem>> -> memref<125xi32, #tpu.memory_space<vmem>>
    %dma_start3A_160 = arith.constant 0 : i32
    %dma_start3A_161 = arith.constant 0 : i32
    %dma_start3A_162 = tpu.memref_slice %arg8[%arg0, %dma_start3A_160, %dma_start3A_161] : memref<2x10112x32xf32, #tpu.memory_space<hbm>> -> memref<1x10112x32xf32, #tpu.memory_space<hbm>>
    %dma_start3A_163 = tpu.memref_squeeze %dma_start3A_162 : memref<1x10112x32xf32, #tpu.memory_space<hbm>> -> memref<10112x32xf32, #tpu.memory_space<hbm>>
    %dma_start3A_164 = arith.constant 0 : i32
    %dma_start3A_165 = arith.constant 0 : i32
    %dma_start3A_166 = tpu.memref_slice %dma_start3A_163[%dma_start3A_164, %dma_start3A_165] : memref<10112x32xf32, #tpu.memory_space<hbm>> -> memref<10112x32xf32, #tpu.memory_space<hbm>>
    tpu.enqueue_indirect_dma source(%dma_start3A_166 : memref<10112x32xf32, #tpu.memory_space<hbm>>) target(%dma_start3A_156 : memref<125x32xf32, #tpu.memory_space<vmem>>) offsets(%dma_start3A_159 : memref<125xi32, #tpu.memory_space<vmem>>) semaphore(%arg18 : memref<!tpu.dma_semaphore, #tpu.memory_space<semaphore_mem>>)
    %dma_start3A_167 = arith.constant 3 : i32
    %dma_start3A_168 = arith.constant 3 : i32
    %dma_start3A_169 = arith.constant 0 : i32
    %dma_start3A_170 = arith.constant 0 : i32
    %dma_start3A_171 = tpu.memref_slice %arg11[%dma_start3A_168, %dma_start3A_169, %dma_start3A_170] : memref<4x125x32xf32, #tpu.memory_space<vmem>> -> memref<1x125x32xf32, #tpu.memory_space<vmem>>
    %dma_start3A_172 = tpu.memref_squeeze %dma_start3A_171 : memref<1x125x32xf32, #tpu.memory_space<vmem>> -> memref<125x32xf32, #tpu.memory_space<vmem>>
    %dma_start3A_173 = arith.constant 0 : i32
    %dma_start3A_174 = tpu.memref_slice %arg9[%dma_start3A_167, %dma_start3A_173] : memref<160x125xi32, #tpu.memory_space<vmem>> -> memref<1x125xi32, #tpu.memory_space<vmem>>
    %dma_start3A_175 = tpu.memref_squeeze %dma_start3A_174 : memref<1x125xi32, #tpu.memory_space<vmem>> -> memref<125xi32, #tpu.memory_space<vmem>>
    %dma_start3A_176 = arith.constant 0 : i32
    %dma_start3A_177 = arith.constant 0 : i32
    %dma_start3A_178 = tpu.memref_slice %arg8[%arg0, %dma_start3A_176, %dma_start3A_177] : memref<2x10112x32xf32, #tpu.memory_space<hbm>> -> memref<1x10112x32xf32, #tpu.memory_space<hbm>>
    %dma_start3A_179 = tpu.memref_squeeze %dma_start3A_178 : memref<1x10112x32xf32, #tpu.memory_space<hbm>> -> memref<10112x32xf32, #tpu.memory_space<hbm>>
    %dma_start3A_180 = arith.constant 0 : i32
    %dma_start3A_181 = arith.constant 0 : i32
    %dma_start3A_182 = tpu.memref_slice %dma_start3A_179[%dma_start3A_180, %dma_start3A_181] : memref<10112x32xf32, #tpu.memory_space<hbm>> -> memref<10112x32xf32, #tpu.memory_space<hbm>>
    tpu.enqueue_indirect_dma source(%dma_start3A_182 : memref<10112x32xf32, #tpu.memory_space<hbm>>) target(%dma_start3A_172 : memref<125x32xf32, #tpu.memory_space<vmem>>) offsets(%dma_start3A_175 : memref<125xi32, #tpu.memory_space<vmem>>) semaphore(%arg19 : memref<!tpu.dma_semaphore, #tpu.memory_space<semaphore_mem>>)
    %scan3A_183 = arith.constant 0 : i32
    %scan3A_184 = arith.constant 40 : i32
    %scan3A_185 = arith.addi %scan3A_183, %scan3A_184 : i32
    %scan3A_186 = arith.constant 1 : i32
    scf.for %scan3A_193 = %scan3A_183 to %scan3A_185 step %scan3A_186  : i32 {
      %mul3A_194 = arith.constant 4 : i32
      %mul3A_195 = arith.muli %scan3A_193, %mul3A_194 : i32
      %add3A_196 = arith.constant 0 : i32
      %add3A_197 = arith.addi %add3A_196, %mul3A_195 : i32
      %dma_wait3A = arith.constant 0 : i32
      %dma_wait3A_198 = arith.constant 0 : i32
      %dma_wait3A_199 = arith.constant 0 : i32
      %dma_wait3A_200 = arith.constant 0 : i32
      %dma_wait3A_201 = tpu.memref_slice %arg11[%dma_wait3A_198, %dma_wait3A_199, %dma_wait3A_200] : memref<4x125x32xf32, #tpu.memory_space<vmem>> -> memref<1x125x32xf32, #tpu.memory_space<vmem>>
      %dma_wait3A_202 = tpu.memref_squeeze %dma_wait3A_201 : memref<1x125x32xf32, #tpu.memory_space<vmem>> -> memref<125x32xf32, #tpu.memory_space<vmem>>
      %dma_wait3A_203 = arith.constant 0 : i32
      %dma_wait3A_204 = tpu.memref_slice %arg9[%dma_wait3A, %dma_wait3A_203] : memref<160x125xi32, #tpu.memory_space<vmem>> -> memref<1x125xi32, #tpu.memory_space<vmem>>
      %dma_wait3A_205 = tpu.memref_squeeze %dma_wait3A_204 : memref<1x125xi32, #tpu.memory_space<vmem>> -> memref<125xi32, #tpu.memory_space<vmem>>
      %dma_wait3A_206 = arith.constant 0 : i32
      %dma_wait3A_207 = arith.constant 0 : i32
      %dma_wait3A_208 = tpu.memref_slice %arg8[%arg0, %dma_wait3A_206, %dma_wait3A_207] : memref<2x10112x32xf32, #tpu.memory_space<hbm>> -> memref<1x10112x32xf32, #tpu.memory_space<hbm>>
      %dma_wait3A_209 = tpu.memref_squeeze %dma_wait3A_208 : memref<1x10112x32xf32, #tpu.memory_space<hbm>> -> memref<10112x32xf32, #tpu.memory_space<hbm>>
      %dma_wait3A_210 = arith.constant 0 : i32
      %dma_wait3A_211 = arith.constant 0 : i32
      %dma_wait3A_212 = tpu.memref_slice %dma_wait3A_209[%dma_wait3A_210, %dma_wait3A_211] : memref<10112x32xf32, #tpu.memory_space<hbm>> -> memref<10112x32xf32, #tpu.memory_space<hbm>>
      tpu.wait_indirect_dma semaphore(%arg16 : memref<!tpu.dma_semaphore, #tpu.memory_space<semaphore_mem>>) src(%dma_wait3A_212 : memref<10112x32xf32, #tpu.memory_space<hbm>>) dst(%dma_wait3A_202 : memref<125x32xf32, #tpu.memory_space<vmem>>)
      %add3A_213 = arith.constant 0 : i32
      %add3A_214 = arith.addi %add3A_197, %add3A_213 : i32
      %dma_start3A_215 = arith.constant 0 : i32
      %dma_start3A_216 = arith.constant 0 : i32
      %dma_start3A_217 = arith.constant 0 : i32
      %dma_start3A_218 = tpu.memref_slice %arg11[%dma_start3A_215, %dma_start3A_216, %dma_start3A_217] : memref<4x125x32xf32, #tpu.memory_space<vmem>> -> memref<1x125x32xf32, #tpu.memory_space<vmem>>
      %dma_start3A_219 = tpu.memref_squeeze %dma_start3A_218 : memref<1x125x32xf32, #tpu.memory_space<vmem>> -> memref<125x32xf32, #tpu.memory_space<vmem>>
      %dma_start3A_220 = arith.constant 0 : i32
      %dma_start3A_221 = tpu.memref_slice %arg10[%add3A_214, %dma_start3A_220] : memref<160x125xi32, #tpu.memory_space<vmem>> -> memref<1x125xi32, #tpu.memory_space<vmem>>
      %dma_start3A_222 = tpu.memref_squeeze %dma_start3A_221 : memref<1x125xi32, #tpu.memory_space<vmem>> -> memref<125xi32, #tpu.memory_space<vmem>>
      %dma_start3A_223 = arith.constant 0 : i32
      %dma_start3A_224 = arith.constant 0 : i32
      %dma_start3A_225 = tpu.memref_slice %arg25[%dma_start3A_223, %dma_start3A_224] : memref<10112x32xf32, #tpu.memory_space<vmem_shared>> -> memref<10112x32xf32, #tpu.memory_space<vmem_shared>>
      tpu.enqueue_indirect_dma source(%dma_start3A_219 : memref<125x32xf32, #tpu.memory_space<vmem>>) target(%dma_start3A_225 : memref<10112x32xf32, #tpu.memory_space<vmem_shared>>) offsets(%dma_start3A_222 : memref<125xi32, #tpu.memory_space<vmem>>) semaphore(%arg20 : memref<!tpu.dma_semaphore, #tpu.memory_space<semaphore_mem>>) {add = true}
      %dma_wait3A_226 = arith.constant 1 : i32
      %dma_wait3A_227 = arith.constant 1 : i32
      %dma_wait3A_228 = arith.constant 0 : i32
      %dma_wait3A_229 = arith.constant 0 : i32
      %dma_wait3A_230 = tpu.memref_slice %arg11[%dma_wait3A_227, %dma_wait3A_228, %dma_wait3A_229] : memref<4x125x32xf32, #tpu.memory_space<vmem>> -> memref<1x125x32xf32, #tpu.memory_space<vmem>>
      %dma_wait3A_231 = tpu.memref_squeeze %dma_wait3A_230 : memref<1x125x32xf32, #tpu.memory_space<vmem>> -> memref<125x32xf32, #tpu.memory_space<vmem>>
      %dma_wait3A_232 = arith.constant 0 : i32
      %dma_wait3A_233 = tpu.memref_slice %arg9[%dma_wait3A_226, %dma_wait3A_232] : memref<160x125xi32, #tpu.memory_space<vmem>> -> memref<1x125xi32, #tpu.memory_space<vmem>>
      %dma_wait3A_234 = tpu.memref_squeeze %dma_wait3A_233 : memref<1x125xi32, #tpu.memory_space<vmem>> -> memref<125xi32, #tpu.memory_space<vmem>>
      %dma_wait3A_235 = arith.constant 0 : i32
      %dma_wait3A_236 = arith.constant 0 : i32
      %dma_wait3A_237 = tpu.memref_slice %arg8[%arg0, %dma_wait3A_235, %dma_wait3A_236] : memref<2x10112x32xf32, #tpu.memory_space<hbm>> -> memref<1x10112x32xf32, #tpu.memory_space<hbm>>
      %dma_wait3A_238 = tpu.memref_squeeze %dma_wait3A_237 : memref<1x10112x32xf32, #tpu.memory_space<hbm>> -> memref<10112x32xf32, #tpu.memory_space<hbm>>
      %dma_wait3A_239 = arith.constant 0 : i32
      %dma_wait3A_240 = arith.constant 0 : i32
      %dma_wait3A_241 = tpu.memref_slice %dma_wait3A_238[%dma_wait3A_239, %dma_wait3A_240] : memref<10112x32xf32, #tpu.memory_space<hbm>> -> memref<10112x32xf32, #tpu.memory_space<hbm>>
      tpu.wait_indirect_dma semaphore(%arg17 : memref<!tpu.dma_semaphore, #tpu.memory_space<semaphore_mem>>) src(%dma_wait3A_241 : memref<10112x32xf32, #tpu.memory_space<hbm>>) dst(%dma_wait3A_231 : memref<125x32xf32, #tpu.memory_space<vmem>>)
      %add3A_242 = arith.constant 1 : i32
      %add3A_243 = arith.addi %add3A_197, %add3A_242 : i32
      %dma_start3A_244 = arith.constant 1 : i32
      %dma_start3A_245 = arith.constant 0 : i32
      %dma_start3A_246 = arith.constant 0 : i32
      %dma_start3A_247 = tpu.memref_slice %arg11[%dma_start3A_244, %dma_start3A_245, %dma_start3A_246] : memref<4x125x32xf32, #tpu.memory_space<vmem>> -> memref<1x125x32xf32, #tpu.memory_space<vmem>>
      %dma_start3A_248 = tpu.memref_squeeze %dma_start3A_247 : memref<1x125x32xf32, #tpu.memory_space<vmem>> -> memref<125x32xf32, #tpu.memory_space<vmem>>
      %dma_start3A_249 = arith.constant 0 : i32
      %dma_start3A_250 = tpu.memref_slice %arg10[%add3A_243, %dma_start3A_249] : memref<160x125xi32, #tpu.memory_space<vmem>> -> memref<1x125xi32, #tpu.memory_space<vmem>>
      %dma_start3A_251 = tpu.memref_squeeze %dma_start3A_250 : memref<1x125xi32, #tpu.memory_space<vmem>> -> memref<125xi32, #tpu.memory_space<vmem>>
      %dma_start3A_252 = arith.constant 0 : i32
      %dma_start3A_253 = arith.constant 0 : i32
      %dma_start3A_254 = tpu.memref_slice %arg25[%dma_start3A_252, %dma_start3A_253] : memref<10112x32xf32, #tpu.memory_space<vmem_shared>> -> memref<10112x32xf32, #tpu.memory_space<vmem_shared>>
      tpu.enqueue_indirect_dma source(%dma_start3A_248 : memref<125x32xf32, #tpu.memory_space<vmem>>) target(%dma_start3A_254 : memref<10112x32xf32, #tpu.memory_space<vmem_shared>>) offsets(%dma_start3A_251 : memref<125xi32, #tpu.memory_space<vmem>>) semaphore(%arg21 : memref<!tpu.dma_semaphore, #tpu.memory_space<semaphore_mem>>) {add = true}
      %dma_wait3A_255 = arith.constant 2 : i32
      %dma_wait3A_256 = arith.constant 2 : i32
      %dma_wait3A_257 = arith.constant 0 : i32
      %dma_wait3A_258 = arith.constant 0 : i32
      %dma_wait3A_259 = tpu.memref_slice %arg11[%dma_wait3A_256, %dma_wait3A_257, %dma_wait3A_258] : memref<4x125x32xf32, #tpu.memory_space<vmem>> -> memref<1x125x32xf32, #tpu.memory_space<vmem>>
      %dma_wait3A_260 = tpu.memref_squeeze %dma_wait3A_259 : memref<1x125x32xf32, #tpu.memory_space<vmem>> -> memref<125x32xf32, #tpu.memory_space<vmem>>
      %dma_wait3A_261 = arith.constant 0 : i32
      %dma_wait3A_262 = tpu.memref_slice %arg9[%dma_wait3A_255, %dma_wait3A_261] : memref<160x125xi32, #tpu.memory_space<vmem>> -> memref<1x125xi32, #tpu.memory_space<vmem>>
      %dma_wait3A_263 = tpu.memref_squeeze %dma_wait3A_262 : memref<1x125xi32, #tpu.memory_space<vmem>> -> memref<125xi32, #tpu.memory_space<vmem>>
      %dma_wait3A_264 = arith.constant 0 : i32
      %dma_wait3A_265 = arith.constant 0 : i32
      %dma_wait3A_266 = tpu.memref_slice %arg8[%arg0, %dma_wait3A_264, %dma_wait3A_265] : memref<2x10112x32xf32, #tpu.memory_space<hbm>> -> memref<1x10112x32xf32, #tpu.memory_space<hbm>>
      %dma_wait3A_267 = tpu.memref_squeeze %dma_wait3A_266 : memref<1x10112x32xf32, #tpu.memory_space<hbm>> -> memref<10112x32xf32, #tpu.memory_space<hbm>>
      %dma_wait3A_268 = arith.constant 0 : i32
      %dma_wait3A_269 = arith.constant 0 : i32
      %dma_wait3A_270 = tpu.memref_slice %dma_wait3A_267[%dma_wait3A_268, %dma_wait3A_269] : memref<10112x32xf32, #tpu.memory_space<hbm>> -> memref<10112x32xf32, #tpu.memory_space<hbm>>
      tpu.wait_indirect_dma semaphore(%arg18 : memref<!tpu.dma_semaphore, #tpu.memory_space<semaphore_mem>>) src(%dma_wait3A_270 : memref<10112x32xf32, #tpu.memory_space<hbm>>) dst(%dma_wait3A_260 : memref<125x32xf32, #tpu.memory_space<vmem>>)
      %add3A_271 = arith.constant 2 : i32
      %add3A_272 = arith.addi %add3A_197, %add3A_271 : i32
      %dma_start3A_273 = arith.constant 2 : i32
      %dma_start3A_274 = arith.constant 0 : i32
      %dma_start3A_275 = arith.constant 0 : i32
      %dma_start3A_276 = tpu.memref_slice %arg11[%dma_start3A_273, %dma_start3A_274, %dma_start3A_275] : memref<4x125x32xf32, #tpu.memory_space<vmem>> -> memref<1x125x32xf32, #tpu.memory_space<vmem>>
      %dma_start3A_277 = tpu.memref_squeeze %dma_start3A_276 : memref<1x125x32xf32, #tpu.memory_space<vmem>> -> memref<125x32xf32, #tpu.memory_space<vmem>>
      %dma_start3A_278 = arith.constant 0 : i32
      %dma_start3A_279 = tpu.memref_slice %arg10[%add3A_272, %dma_start3A_278] : memref<160x125xi32, #tpu.memory_space<vmem>> -> memref<1x125xi32, #tpu.memory_space<vmem>>
      %dma_start3A_280 = tpu.memref_squeeze %dma_start3A_279 : memref<1x125xi32, #tpu.memory_space<vmem>> -> memref<125xi32, #tpu.memory_space<vmem>>
      %dma_start3A_281 = arith.constant 0 : i32
      %dma_start3A_282 = arith.constant 0 : i32
      %dma_start3A_283 = tpu.memref_slice %arg25[%dma_start3A_281, %dma_start3A_282] : memref<10112x32xf32, #tpu.memory_space<vmem_shared>> -> memref<10112x32xf32, #tpu.memory_space<vmem_shared>>
      tpu.enqueue_indirect_dma source(%dma_start3A_277 : memref<125x32xf32, #tpu.memory_space<vmem>>) target(%dma_start3A_283 : memref<10112x32xf32, #tpu.memory_space<vmem_shared>>) offsets(%dma_start3A_280 : memref<125xi32, #tpu.memory_space<vmem>>) semaphore(%arg22 : memref<!tpu.dma_semaphore, #tpu.memory_space<semaphore_mem>>) {add = true}
      %dma_wait3A_284 = arith.constant 3 : i32
      %dma_wait3A_285 = arith.constant 3 : i32
      %dma_wait3A_286 = arith.constant 0 : i32
      %dma_wait3A_287 = arith.constant 0 : i32
      %dma_wait3A_288 = tpu.memref_slice %arg11[%dma_wait3A_285, %dma_wait3A_286, %dma_wait3A_287] : memref<4x125x32xf32, #tpu.memory_space<vmem>> -> memref<1x125x32xf32, #tpu.memory_space<vmem>>
      %dma_wait3A_289 = tpu.memref_squeeze %dma_wait3A_288 : memref<1x125x32xf32, #tpu.memory_space<vmem>> -> memref<125x32xf32, #tpu.memory_space<vmem>>
      %dma_wait3A_290 = arith.constant 0 : i32
      %dma_wait3A_291 = tpu.memref_slice %arg9[%dma_wait3A_284, %dma_wait3A_290] : memref<160x125xi32, #tpu.memory_space<vmem>> -> memref<1x125xi32, #tpu.memory_space<vmem>>
      %dma_wait3A_292 = tpu.memref_squeeze %dma_wait3A_291 : memref<1x125xi32, #tpu.memory_space<vmem>> -> memref<125xi32, #tpu.memory_space<vmem>>
      %dma_wait3A_293 = arith.constant 0 : i32
      %dma_wait3A_294 = arith.constant 0 : i32
      %dma_wait3A_295 = tpu.memref_slice %arg8[%arg0, %dma_wait3A_293, %dma_wait3A_294] : memref<2x10112x32xf32, #tpu.memory_space<hbm>> -> memref<1x10112x32xf32, #tpu.memory_space<hbm>>
      %dma_wait3A_296 = tpu.memref_squeeze %dma_wait3A_295 : memref<1x10112x32xf32, #tpu.memory_space<hbm>> -> memref<10112x32xf32, #tpu.memory_space<hbm>>
      %dma_wait3A_297 = arith.constant 0 : i32
      %dma_wait3A_298 = arith.constant 0 : i32
      %dma_wait3A_299 = tpu.memref_slice %dma_wait3A_296[%dma_wait3A_297, %dma_wait3A_298] : memref<10112x32xf32, #tpu.memory_space<hbm>> -> memref<10112x32xf32, #tpu.memory_space<hbm>>
      tpu.wait_indirect_dma semaphore(%arg19 : memref<!tpu.dma_semaphore, #tpu.memory_space<semaphore_mem>>) src(%dma_wait3A_299 : memref<10112x32xf32, #tpu.memory_space<hbm>>) dst(%dma_wait3A_289 : memref<125x32xf32, #tpu.memory_space<vmem>>)
      %add3A_300 = arith.constant 3 : i32
      %add3A_301 = arith.addi %add3A_197, %add3A_300 : i32
      %dma_start3A_302 = arith.constant 3 : i32
      %dma_start3A_303 = arith.constant 0 : i32
      %dma_start3A_304 = arith.constant 0 : i32
      %dma_start3A_305 = tpu.memref_slice %arg11[%dma_start3A_302, %dma_start3A_303, %dma_start3A_304] : memref<4x125x32xf32, #tpu.memory_space<vmem>> -> memref<1x125x32xf32, #tpu.memory_space<vmem>>
      %dma_start3A_306 = tpu.memref_squeeze %dma_start3A_305 : memref<1x125x32xf32, #tpu.memory_space<vmem>> -> memref<125x32xf32, #tpu.memory_space<vmem>>
      %dma_start3A_307 = arith.constant 0 : i32
      %dma_start3A_308 = tpu.memref_slice %arg10[%add3A_301, %dma_start3A_307] : memref<160x125xi32, #tpu.memory_space<vmem>> -> memref<1x125xi32, #tpu.memory_space<vmem>>
      %dma_start3A_309 = tpu.memref_squeeze %dma_start3A_308 : memref<1x125xi32, #tpu.memory_space<vmem>> -> memref<125xi32, #tpu.memory_space<vmem>>
      %dma_start3A_310 = arith.constant 0 : i32
      %dma_start3A_311 = arith.constant 0 : i32
      %dma_start3A_312 = tpu.memref_slice %arg25[%dma_start3A_310, %dma_start3A_311] : memref<10112x32xf32, #tpu.memory_space<vmem_shared>> -> memref<10112x32xf32, #tpu.memory_space<vmem_shared>>
      tpu.enqueue_indirect_dma source(%dma_start3A_306 : memref<125x32xf32, #tpu.memory_space<vmem>>) target(%dma_start3A_312 : memref<10112x32xf32, #tpu.memory_space<vmem_shared>>) offsets(%dma_start3A_309 : memref<125xi32, #tpu.memory_space<vmem>>) semaphore(%arg23 : memref<!tpu.dma_semaphore, #tpu.memory_space<semaphore_mem>>) {add = true}
      %add3A_313 = arith.constant 0 : i32
      %add3A_314 = arith.addi %add3A_197, %add3A_313 : i32
      %dma_wait3A_315 = arith.constant 0 : i32
      %dma_wait3A_316 = arith.constant 0 : i32
      %dma_wait3A_317 = arith.constant 0 : i32
      %dma_wait3A_318 = tpu.memref_slice %arg11[%dma_wait3A_315, %dma_wait3A_316, %dma_wait3A_317] : memref<4x125x32xf32, #tpu.memory_space<vmem>> -> memref<1x125x32xf32, #tpu.memory_space<vmem>>
      %dma_wait3A_319 = tpu.memref_squeeze %dma_wait3A_318 : memref<1x125x32xf32, #tpu.memory_space<vmem>> -> memref<125x32xf32, #tpu.memory_space<vmem>>
      %dma_wait3A_320 = arith.constant 0 : i32
      %dma_wait3A_321 = tpu.memref_slice %arg10[%add3A_314, %dma_wait3A_320] : memref<160x125xi32, #tpu.memory_space<vmem>> -> memref<1x125xi32, #tpu.memory_space<vmem>>
      %dma_wait3A_322 = tpu.memref_squeeze %dma_wait3A_321 : memref<1x125xi32, #tpu.memory_space<vmem>> -> memref<125xi32, #tpu.memory_space<vmem>>
      %dma_wait3A_323 = arith.constant 0 : i32
      %dma_wait3A_324 = arith.constant 0 : i32
      %dma_wait3A_325 = tpu.memref_slice %arg25[%dma_wait3A_323, %dma_wait3A_324] : memref<10112x32xf32, #tpu.memory_space<vmem_shared>> -> memref<10112x32xf32, #tpu.memory_space<vmem_shared>>
      tpu.wait_indirect_dma semaphore(%arg20 : memref<!tpu.dma_semaphore, #tpu.memory_space<semaphore_mem>>) src(%dma_wait3A_319 : memref<125x32xf32, #tpu.memory_space<vmem>>) dst(%dma_wait3A_325 : memref<10112x32xf32, #tpu.memory_space<vmem_shared>>)
      %add3A_326 = arith.constant 0 : i32
      %add3A_327 = arith.addi %add3A_197, %add3A_326 : i32
      %add3A_328 = arith.constant 4 : i32
      %add3A_329 = arith.addi %add3A_327, %add3A_328 : i32
      %lt3A = arith.constant 160 : i32
      %lt3A_330 = arith.cmpi slt, %add3A_329, %lt3A : i32
      %convert_element_type3A = arith.extui %lt3A_330 : i1 to i32
      %cond3A = arith.constant 0 : i32
      %cond3A_331 = arith.cmpi ne, %convert_element_type3A, %cond3A : i32
      scf.if %cond3A_331 {
        %add3A_398 = arith.constant 0 : i32
        %add3A_399 = arith.addi %add3A_197, %add3A_398 : i32
        %add3A_400 = arith.constant 4 : i32
        %add3A_401 = arith.addi %add3A_399, %add3A_400 : i32
        %dma_start3A_402 = arith.constant 0 : i32
        %dma_start3A_403 = arith.constant 0 : i32
        %dma_start3A_404 = arith.constant 0 : i32
        %dma_start3A_405 = tpu.memref_slice %arg11[%dma_start3A_402, %dma_start3A_403, %dma_start3A_404] : memref<4x125x32xf32, #tpu.memory_space<vmem>> -> memref<1x125x32xf32, #tpu.memory_space<vmem>>
        %dma_start3A_406 = tpu.memref_squeeze %dma_start3A_405 : memref<1x125x32xf32, #tpu.memory_space<vmem>> -> memref<125x32xf32, #tpu.memory_space<vmem>>
        %dma_start3A_407 = arith.constant 0 : i32
        %dma_start3A_408 = tpu.memref_slice %arg9[%add3A_401, %dma_start3A_407] : memref<160x125xi32, #tpu.memory_space<vmem>> -> memref<1x125xi32, #tpu.memory_space<vmem>>
        %dma_start3A_409 = tpu.memref_squeeze %dma_start3A_408 : memref<1x125xi32, #tpu.memory_space<vmem>> -> memref<125xi32, #tpu.memory_space<vmem>>
        %dma_start3A_410 = arith.constant 0 : i32
        %dma_start3A_411 = arith.constant 0 : i32
        %dma_start3A_412 = tpu.memref_slice %arg8[%arg0, %dma_start3A_410, %dma_start3A_411] : memref<2x10112x32xf32, #tpu.memory_space<hbm>> -> memref<1x10112x32xf32, #tpu.memory_space<hbm>>
        %dma_start3A_413 = tpu.memref_squeeze %dma_start3A_412 : memref<1x10112x32xf32, #tpu.memory_space<hbm>> -> memref<10112x32xf32, #tpu.memory_space<hbm>>
        %dma_start3A_414 = arith.constant 0 : i32
        %dma_start3A_415 = arith.constant 0 : i32
        %dma_start3A_416 = tpu.memref_slice %dma_start3A_413[%dma_start3A_414, %dma_start3A_415] : memref<10112x32xf32, #tpu.memory_space<hbm>> -> memref<10112x32xf32, #tpu.memory_space<hbm>>
        tpu.enqueue_indirect_dma source(%dma_start3A_416 : memref<10112x32xf32, #tpu.memory_space<hbm>>) target(%dma_start3A_406 : memref<125x32xf32, #tpu.memory_space<vmem>>) offsets(%dma_start3A_409 : memref<125xi32, #tpu.memory_space<vmem>>) semaphore(%arg16 : memref<!tpu.dma_semaphore, #tpu.memory_space<semaphore_mem>>)
      } else {
      }
      %add3A_332 = arith.constant 1 : i32
      %add3A_333 = arith.addi %add3A_197, %add3A_332 : i32
      %dma_wait3A_334 = arith.constant 1 : i32
      %dma_wait3A_335 = arith.constant 0 : i32
      %dma_wait3A_336 = arith.constant 0 : i32
      %dma_wait3A_337 = tpu.memref_slice %arg11[%dma_wait3A_334, %dma_wait3A_335, %dma_wait3A_336] : memref<4x125x32xf32, #tpu.memory_space<vmem>> -> memref<1x125x32xf32, #tpu.memory_space<vmem>>
      %dma_wait3A_338 = tpu.memref_squeeze %dma_wait3A_337 : memref<1x125x32xf32, #tpu.memory_space<vmem>> -> memref<125x32xf32, #tpu.memory_space<vmem>>
      %dma_wait3A_339 = arith.constant 0 : i32
      %dma_wait3A_340 = tpu.memref_slice %arg10[%add3A_333, %dma_wait3A_339] : memref<160x125xi32, #tpu.memory_space<vmem>> -> memref<1x125xi32, #tpu.memory_space<vmem>>
      %dma_wait3A_341 = tpu.memref_squeeze %dma_wait3A_340 : memref<1x125xi32, #tpu.memory_space<vmem>> -> memref<125xi32, #tpu.memory_space<vmem>>
      %dma_wait3A_342 = arith.constant 0 : i32
      %dma_wait3A_343 = arith.constant 0 : i32
      %dma_wait3A_344 = tpu.memref_slice %arg25[%dma_wait3A_342, %dma_wait3A_343] : memref<10112x32xf32, #tpu.memory_space<vmem_shared>> -> memref<10112x32xf32, #tpu.memory_space<vmem_shared>>
      tpu.wait_indirect_dma semaphore(%arg21 : memref<!tpu.dma_semaphore, #tpu.memory_space<semaphore_mem>>) src(%dma_wait3A_338 : memref<125x32xf32, #tpu.memory_space<vmem>>) dst(%dma_wait3A_344 : memref<10112x32xf32, #tpu.memory_space<vmem_shared>>)
      %add3A_345 = arith.constant 1 : i32
      %add3A_346 = arith.addi %add3A_197, %add3A_345 : i32
      %add3A_347 = arith.constant 4 : i32
      %add3A_348 = arith.addi %add3A_346, %add3A_347 : i32
      %lt3A_349 = arith.constant 160 : i32
      %lt3A_350 = arith.cmpi slt, %add3A_348, %lt3A_349 : i32
      %convert_element_type3A_351 = arith.extui %lt3A_350 : i1 to i32
      %cond3A_352 = arith.constant 0 : i32
      %cond3A_353 = arith.cmpi ne, %convert_element_type3A_351, %cond3A_352 : i32
      scf.if %cond3A_353 {
        %add3A_398 = arith.constant 1 : i32
        %add3A_399 = arith.addi %add3A_197, %add3A_398 : i32
        %add3A_400 = arith.constant 4 : i32
        %add3A_401 = arith.addi %add3A_399, %add3A_400 : i32
        %dma_start3A_402 = arith.constant 1 : i32
        %dma_start3A_403 = arith.constant 0 : i32
        %dma_start3A_404 = arith.constant 0 : i32
        %dma_start3A_405 = tpu.memref_slice %arg11[%dma_start3A_402, %dma_start3A_403, %dma_start3A_404] : memref<4x125x32xf32, #tpu.memory_space<vmem>> -> memref<1x125x32xf32, #tpu.memory_space<vmem>>
        %dma_start3A_406 = tpu.memref_squeeze %dma_start3A_405 : memref<1x125x32xf32, #tpu.memory_space<vmem>> -> memref<125x32xf32, #tpu.memory_space<vmem>>
        %dma_start3A_407 = arith.constant 0 : i32
        %dma_start3A_408 = tpu.memref_slice %arg9[%add3A_401, %dma_start3A_407] : memref<160x125xi32, #tpu.memory_space<vmem>> -> memref<1x125xi32, #tpu.memory_space<vmem>>
        %dma_start3A_409 = tpu.memref_squeeze %dma_start3A_408 : memref<1x125xi32, #tpu.memory_space<vmem>> -> memref<125xi32, #tpu.memory_space<vmem>>
        %dma_start3A_410 = arith.constant 0 : i32
        %dma_start3A_411 = arith.constant 0 : i32
        %dma_start3A_412 = tpu.memref_slice %arg8[%arg0, %dma_start3A_410, %dma_start3A_411] : memref<2x10112x32xf32, #tpu.memory_space<hbm>> -> memref<1x10112x32xf32, #tpu.memory_space<hbm>>
        %dma_start3A_413 = tpu.memref_squeeze %dma_start3A_412 : memref<1x10112x32xf32, #tpu.memory_space<hbm>> -> memref<10112x32xf32, #tpu.memory_space<hbm>>
        %dma_start3A_414 = arith.constant 0 : i32
        %dma_start3A_415 = arith.constant 0 : i32
        %dma_start3A_416 = tpu.memref_slice %dma_start3A_413[%dma_start3A_414, %dma_start3A_415] : memref<10112x32xf32, #tpu.memory_space<hbm>> -> memref<10112x32xf32, #tpu.memory_space<hbm>>
        tpu.enqueue_indirect_dma source(%dma_start3A_416 : memref<10112x32xf32, #tpu.memory_space<hbm>>) target(%dma_start3A_406 : memref<125x32xf32, #tpu.memory_space<vmem>>) offsets(%dma_start3A_409 : memref<125xi32, #tpu.memory_space<vmem>>) semaphore(%arg17 : memref<!tpu.dma_semaphore, #tpu.memory_space<semaphore_mem>>)
      } else {
      }
      %add3A_354 = arith.constant 2 : i32
      %add3A_355 = arith.addi %add3A_197, %add3A_354 : i32
      %dma_wait3A_356 = arith.constant 2 : i32
      %dma_wait3A_357 = arith.constant 0 : i32
      %dma_wait3A_358 = arith.constant 0 : i32
      %dma_wait3A_359 = tpu.memref_slice %arg11[%dma_wait3A_356, %dma_wait3A_357, %dma_wait3A_358] : memref<4x125x32xf32, #tpu.memory_space<vmem>> -> memref<1x125x32xf32, #tpu.memory_space<vmem>>
      %dma_wait3A_360 = tpu.memref_squeeze %dma_wait3A_359 : memref<1x125x32xf32, #tpu.memory_space<vmem>> -> memref<125x32xf32, #tpu.memory_space<vmem>>
      %dma_wait3A_361 = arith.constant 0 : i32
      %dma_wait3A_362 = tpu.memref_slice %arg10[%add3A_355, %dma_wait3A_361] : memref<160x125xi32, #tpu.memory_space<vmem>> -> memref<1x125xi32, #tpu.memory_space<vmem>>
      %dma_wait3A_363 = tpu.memref_squeeze %dma_wait3A_362 : memref<1x125xi32, #tpu.memory_space<vmem>> -> memref<125xi32, #tpu.memory_space<vmem>>
      %dma_wait3A_364 = arith.constant 0 : i32
      %dma_wait3A_365 = arith.constant 0 : i32
      %dma_wait3A_366 = tpu.memref_slice %arg25[%dma_wait3A_364, %dma_wait3A_365] : memref<10112x32xf32, #tpu.memory_space<vmem_shared>> -> memref<10112x32xf32, #tpu.memory_space<vmem_shared>>
      tpu.wait_indirect_dma semaphore(%arg22 : memref<!tpu.dma_semaphore, #tpu.memory_space<semaphore_mem>>) src(%dma_wait3A_360 : memref<125x32xf32, #tpu.memory_space<vmem>>) dst(%dma_wait3A_366 : memref<10112x32xf32, #tpu.memory_space<vmem_shared>>)
      %add3A_367 = arith.constant 2 : i32
      %add3A_368 = arith.addi %add3A_197, %add3A_367 : i32
      %add3A_369 = arith.constant 4 : i32
      %add3A_370 = arith.addi %add3A_368, %add3A_369 : i32
      %lt3A_371 = arith.constant 160 : i32
      %lt3A_372 = arith.cmpi slt, %add3A_370, %lt3A_371 : i32
      %convert_element_type3A_373 = arith.extui %lt3A_372 : i1 to i32
      %cond3A_374 = arith.constant 0 : i32
      %cond3A_375 = arith.cmpi ne, %convert_element_type3A_373, %cond3A_374 : i32
      scf.if %cond3A_375 {
        %add3A_398 = arith.constant 2 : i32
        %add3A_399 = arith.addi %add3A_197, %add3A_398 : i32
        %add3A_400 = arith.constant 4 : i32
        %add3A_401 = arith.addi %add3A_399, %add3A_400 : i32
        %dma_start3A_402 = arith.constant 2 : i32
        %dma_start3A_403 = arith.constant 0 : i32
        %dma_start3A_404 = arith.constant 0 : i32
        %dma_start3A_405 = tpu.memref_slice %arg11[%dma_start3A_402, %dma_start3A_403, %dma_start3A_404] : memref<4x125x32xf32, #tpu.memory_space<vmem>> -> memref<1x125x32xf32, #tpu.memory_space<vmem>>
        %dma_start3A_406 = tpu.memref_squeeze %dma_start3A_405 : memref<1x125x32xf32, #tpu.memory_space<vmem>> -> memref<125x32xf32, #tpu.memory_space<vmem>>
        %dma_start3A_407 = arith.constant 0 : i32
        %dma_start3A_408 = tpu.memref_slice %arg9[%add3A_401, %dma_start3A_407] : memref<160x125xi32, #tpu.memory_space<vmem>> -> memref<1x125xi32, #tpu.memory_space<vmem>>
        %dma_start3A_409 = tpu.memref_squeeze %dma_start3A_408 : memref<1x125xi32, #tpu.memory_space<vmem>> -> memref<125xi32, #tpu.memory_space<vmem>>
        %dma_start3A_410 = arith.constant 0 : i32
        %dma_start3A_411 = arith.constant 0 : i32
        %dma_start3A_412 = tpu.memref_slice %arg8[%arg0, %dma_start3A_410, %dma_start3A_411] : memref<2x10112x32xf32, #tpu.memory_space<hbm>> -> memref<1x10112x32xf32, #tpu.memory_space<hbm>>
        %dma_start3A_413 = tpu.memref_squeeze %dma_start3A_412 : memref<1x10112x32xf32, #tpu.memory_space<hbm>> -> memref<10112x32xf32, #tpu.memory_space<hbm>>
        %dma_start3A_414 = arith.constant 0 : i32
        %dma_start3A_415 = arith.constant 0 : i32
        %dma_start3A_416 = tpu.memref_slice %dma_start3A_413[%dma_start3A_414, %dma_start3A_415] : memref<10112x32xf32, #tpu.memory_space<hbm>> -> memref<10112x32xf32, #tpu.memory_space<hbm>>
        tpu.enqueue_indirect_dma source(%dma_start3A_416 : memref<10112x32xf32, #tpu.memory_space<hbm>>) target(%dma_start3A_406 : memref<125x32xf32, #tpu.memory_space<vmem>>) offsets(%dma_start3A_409 : memref<125xi32, #tpu.memory_space<vmem>>) semaphore(%arg18 : memref<!tpu.dma_semaphore, #tpu.memory_space<semaphore_mem>>)
      } else {
      }
      %add3A_376 = arith.constant 3 : i32
      %add3A_377 = arith.addi %add3A_197, %add3A_376 : i32
      %dma_wait3A_378 = arith.constant 3 : i32
      %dma_wait3A_379 = arith.constant 0 : i32
      %dma_wait3A_380 = arith.constant 0 : i32
      %dma_wait3A_381 = tpu.memref_slice %arg11[%dma_wait3A_378, %dma_wait3A_379, %dma_wait3A_380] : memref<4x125x32xf32, #tpu.memory_space<vmem>> -> memref<1x125x32xf32, #tpu.memory_space<vmem>>
      %dma_wait3A_382 = tpu.memref_squeeze %dma_wait3A_381 : memref<1x125x32xf32, #tpu.memory_space<vmem>> -> memref<125x32xf32, #tpu.memory_space<vmem>>
      %dma_wait3A_383 = arith.constant 0 : i32
      %dma_wait3A_384 = tpu.memref_slice %arg10[%add3A_377, %dma_wait3A_383] : memref<160x125xi32, #tpu.memory_space<vmem>> -> memref<1x125xi32, #tpu.memory_space<vmem>>
      %dma_wait3A_385 = tpu.memref_squeeze %dma_wait3A_384 : memref<1x125xi32, #tpu.memory_space<vmem>> -> memref<125xi32, #tpu.memory_space<vmem>>
      %dma_wait3A_386 = arith.constant 0 : i32
      %dma_wait3A_387 = arith.constant 0 : i32
      %dma_wait3A_388 = tpu.memref_slice %arg25[%dma_wait3A_386, %dma_wait3A_387] : memref<10112x32xf32, #tpu.memory_space<vmem_shared>> -> memref<10112x32xf32, #tpu.memory_space<vmem_shared>>
      tpu.wait_indirect_dma semaphore(%arg23 : memref<!tpu.dma_semaphore, #tpu.memory_space<semaphore_mem>>) src(%dma_wait3A_382 : memref<125x32xf32, #tpu.memory_space<vmem>>) dst(%dma_wait3A_388 : memref<10112x32xf32, #tpu.memory_space<vmem_shared>>)
      %add3A_389 = arith.constant 3 : i32
      %add3A_390 = arith.addi %add3A_197, %add3A_389 : i32
      %add3A_391 = arith.constant 4 : i32
      %add3A_392 = arith.addi %add3A_390, %add3A_391 : i32
      %lt3A_393 = arith.constant 160 : i32
      %lt3A_394 = arith.cmpi slt, %add3A_392, %lt3A_393 : i32
      %convert_element_type3A_395 = arith.extui %lt3A_394 : i1 to i32
      %cond3A_396 = arith.constant 0 : i32
      %cond3A_397 = arith.cmpi ne, %convert_element_type3A_395, %cond3A_396 : i32
      scf.if %cond3A_397 {
        %add3A_398 = arith.constant 3 : i32
        %add3A_399 = arith.addi %add3A_197, %add3A_398 : i32
        %add3A_400 = arith.constant 4 : i32
        %add3A_401 = arith.addi %add3A_399, %add3A_400 : i32
        %dma_start3A_402 = arith.constant 3 : i32
        %dma_start3A_403 = arith.constant 0 : i32
        %dma_start3A_404 = arith.constant 0 : i32
        %dma_start3A_405 = tpu.memref_slice %arg11[%dma_start3A_402, %dma_start3A_403, %dma_start3A_404] : memref<4x125x32xf32, #tpu.memory_space<vmem>> -> memref<1x125x32xf32, #tpu.memory_space<vmem>>
        %dma_start3A_406 = tpu.memref_squeeze %dma_start3A_405 : memref<1x125x32xf32, #tpu.memory_space<vmem>> -> memref<125x32xf32, #tpu.memory_space<vmem>>
        %dma_start3A_407 = arith.constant 0 : i32
        %dma_start3A_408 = tpu.memref_slice %arg9[%add3A_401, %dma_start3A_407] : memref<160x125xi32, #tpu.memory_space<vmem>> -> memref<1x125xi32, #tpu.memory_space<vmem>>
        %dma_start3A_409 = tpu.memref_squeeze %dma_start3A_408 : memref<1x125xi32, #tpu.memory_space<vmem>> -> memref<125xi32, #tpu.memory_space<vmem>>
        %dma_start3A_410 = arith.constant 0 : i32
        %dma_start3A_411 = arith.constant 0 : i32
        %dma_start3A_412 = tpu.memref_slice %arg8[%arg0, %dma_start3A_410, %dma_start3A_411] : memref<2x10112x32xf32, #tpu.memory_space<hbm>> -> memref<1x10112x32xf32, #tpu.memory_space<hbm>>
        %dma_start3A_413 = tpu.memref_squeeze %dma_start3A_412 : memref<1x10112x32xf32, #tpu.memory_space<hbm>> -> memref<10112x32xf32, #tpu.memory_space<hbm>>
        %dma_start3A_414 = arith.constant 0 : i32
        %dma_start3A_415 = arith.constant 0 : i32
        %dma_start3A_416 = tpu.memref_slice %dma_start3A_413[%dma_start3A_414, %dma_start3A_415] : memref<10112x32xf32, #tpu.memory_space<hbm>> -> memref<10112x32xf32, #tpu.memory_space<hbm>>
        tpu.enqueue_indirect_dma source(%dma_start3A_416 : memref<10112x32xf32, #tpu.memory_space<hbm>>) target(%dma_start3A_406 : memref<125x32xf32, #tpu.memory_space<vmem>>) offsets(%dma_start3A_409 : memref<125xi32, #tpu.memory_space<vmem>>) semaphore(%arg19 : memref<!tpu.dma_semaphore, #tpu.memory_space<semaphore_mem>>)
      } else {
      }
    }
    %scan3A_187 = arith.constant 40 : i32
    %barrier3A_188 = arith.constant 0 : index
    tpu.barrier barrier_id(%barrier3A_188)
    %mul3A_189 = arith.constant 632 : i32
    %mul3A_190 = arith.muli %arg1, %mul3A_189 : i32
    %mul3A_191 = arith.constant 632 : i32
    %mul3A_192 = arith.muli %arg1, %mul3A_191 : i32
    "tpu.region"() ({
      %run_scoped3A_193 = tpu.sem_alloc : memref<!tpu.dma_semaphore, #tpu.memory_space<semaphore_mem>>
      %dma_start3A_194 = arith.constant 0 : i32
      %dma_start3A_195 = tpu.memref_slice %arg7[%arg0, %mul3A_192, %dma_start3A_194] : memref<2x10112x32xf32, #tpu.memory_space<hbm>> -> memref<1x632x32xf32, #tpu.memory_space<hbm>>
      %dma_start3A_196 = tpu.memref_squeeze %dma_start3A_195 : memref<1x632x32xf32, #tpu.memory_space<hbm>> -> memref<632x32xf32, #tpu.memory_space<hbm>>
      %dma_start3A_197 = arith.constant 0 : i32
      %dma_start3A_198 = tpu.memref_slice %arg25[%mul3A_190, %dma_start3A_197] : memref<10112x32xf32, #tpu.memory_space<vmem_shared>> -> memref<632x32xf32, #tpu.memory_space<vmem_shared>>
      tpu.enqueue_dma source(%dma_start3A_198 : memref<632x32xf32, #tpu.memory_space<vmem_shared>>) target(%dma_start3A_196 : memref<632x32xf32, #tpu.memory_space<hbm>>) target_semaphore(%run_scoped3A_193 : memref<!tpu.dma_semaphore, #tpu.memory_space<semaphore_mem>>)
      %dma_wait3A = arith.constant 0 : i32
      %dma_wait3A_199 = tpu.memref_slice %arg7[%arg0, %mul3A_192, %dma_wait3A] : memref<2x10112x32xf32, #tpu.memory_space<hbm>> -> memref<1x632x32xf32, #tpu.memory_space<hbm>>
      %dma_wait3A_200 = tpu.memref_squeeze %dma_wait3A_199 : memref<1x632x32xf32, #tpu.memory_space<hbm>> -> memref<632x32xf32, #tpu.memory_space<hbm>>
      %dma_wait3A_201 = arith.constant 0 : i32
      %dma_wait3A_202 = tpu.memref_slice %arg25[%mul3A_190, %dma_wait3A_201] : memref<10112x32xf32, #tpu.memory_space<vmem_shared>> -> memref<632x32xf32, #tpu.memory_space<vmem_shared>>
      tpu.wait_dma2 semaphore(%run_scoped3A_193 : memref<!tpu.dma_semaphore, #tpu.memory_space<semaphore_mem>>) src(%dma_wait3A_202 : memref<632x32xf32, #tpu.memory_space<vmem_shared>>) dst(%dma_wait3A_200 : memref<632x32xf32, #tpu.memory_space<hbm>>)
      tpu.yield
    }) : () -> ()
    return
  }
}

#map = affine_map<(d0, d1) -> (0, 0)>
#map1 = affine_map<(d0, d1) -> (0, 0, 0, 0)>
#map2 = affine_map<(d0, d1) -> (0, 0, 0)>
module attributes {stable_mosaic.version = 14 : i64} {
  func.func @run(%arg0: i32, %arg1: i32, %arg2: memref<10112x72xf32, #tpu.memory_space<hbm>>, %arg3: memref<2x16x160x125xi32, #tpu.memory_space<hbm>>, %arg4: memref<10112x72xf32, #tpu.memory_space<hbm>>, %arg5: memref<2x10112x72xf32, #tpu.memory_space<hbm>>, %arg6: memref<80x125xi32, #tpu.memory_space<vmem>>, %arg7: memref<80x125xi32, #tpu.memory_space<vmem>>, %arg8: memref<4x125x72xf32, #tpu.memory_space<vmem>>, %arg9: memref<!tpu.dma_semaphore, #tpu.memory_space<semaphore_mem>>, %arg10: memref<!tpu.dma_semaphore, #tpu.memory_space<semaphore_mem>>, %arg11: memref<!tpu.dma_semaphore, #tpu.memory_space<semaphore_mem>>, %arg12: memref<!tpu.dma_semaphore, #tpu.memory_space<semaphore_mem>>, %arg13: memref<!tpu.dma_semaphore, #tpu.memory_space<semaphore_mem>>, %arg14: memref<!tpu.dma_semaphore, #tpu.memory_space<semaphore_mem>>, %arg15: memref<!tpu.dma_semaphore, #tpu.memory_space<semaphore_mem>>, %arg16: memref<!tpu.dma_semaphore, #tpu.memory_space<semaphore_mem>>, %arg17: memref<10112x72xf32, #tpu.memory_space<vmem_shared>>) attributes {dimension_semantics = [#tpu.dimension_semantics<core_parallel>, #tpu.dimension_semantics<subcore_parallel>], iteration_bounds = array<i64: 2, 16>, scalar_prefetch = 0 : i64, scratch_operands = 12 : i64, tpu.core_type = #tpu.core_type<sc_vector_subcore>, window_params = [{transform_indices = #map}, {transform_indices = #map1}, {transform_indices = #map}, {transform_indices = #map2}]} {
    %mul3A = arith.constant 80 : i32
    %mul3A_0 = arith.muli %arg0, %mul3A : i32
    %multiple_of3A = tpu.assume_multiple %mul3A_0, 8 : i32
    %run_scoped3A = arith.constant 0 : i32
    "tpu.region"() ({
      %run_scoped3A_62 = tpu.sem_alloc : memref<!tpu.dma_semaphore, #tpu.memory_space<semaphore_mem>>
      %dma_start3A_63 = arith.constant 0 : i32
      %dma_start3A_64 = tpu.memref_slice %arg3[%run_scoped3A, %arg1, %multiple_of3A, %dma_start3A_63] : memref<2x16x160x125xi32, #tpu.memory_space<hbm>> -> memref<1x1x80x125xi32, #tpu.memory_space<hbm>>
      %dma_start3A_65 = tpu.memref_squeeze %dma_start3A_64 : memref<1x1x80x125xi32, #tpu.memory_space<hbm>> -> memref<80x125xi32, #tpu.memory_space<hbm>>
      %dma_start3A_66 = arith.constant 0 : i32
      %dma_start3A_67 = tpu.memref_slice %arg3[%run_scoped3A, %arg1, %multiple_of3A, %dma_start3A_66] : memref<2x16x160x125xi32, #tpu.memory_space<hbm>> -> memref<1x1x80x125xi32, #tpu.memory_space<hbm>>
      %dma_start3A_68 = tpu.memref_squeeze %dma_start3A_67 : memref<1x1x80x125xi32, #tpu.memory_space<hbm>> -> memref<80x125xi32, #tpu.memory_space<hbm>>
      tpu.enqueue_dma source(%dma_start3A_68 : memref<80x125xi32, #tpu.memory_space<hbm>>) target(%arg6 : memref<80x125xi32, #tpu.memory_space<vmem>>) target_semaphore(%run_scoped3A_62 : memref<!tpu.dma_semaphore, #tpu.memory_space<semaphore_mem>>)
      %dma_wait3A = arith.constant 0 : i32
      %dma_wait3A_69 = tpu.memref_slice %arg3[%run_scoped3A, %arg1, %multiple_of3A, %dma_wait3A] : memref<2x16x160x125xi32, #tpu.memory_space<hbm>> -> memref<1x1x80x125xi32, #tpu.memory_space<hbm>>
      %dma_wait3A_70 = tpu.memref_squeeze %dma_wait3A_69 : memref<1x1x80x125xi32, #tpu.memory_space<hbm>> -> memref<80x125xi32, #tpu.memory_space<hbm>>
      %dma_wait3A_71 = arith.constant 0 : i32
      %dma_wait3A_72 = tpu.memref_slice %arg3[%run_scoped3A, %arg1, %multiple_of3A, %dma_wait3A_71] : memref<2x16x160x125xi32, #tpu.memory_space<hbm>> -> memref<1x1x80x125xi32, #tpu.memory_space<hbm>>
      %dma_wait3A_73 = tpu.memref_squeeze %dma_wait3A_72 : memref<1x1x80x125xi32, #tpu.memory_space<hbm>> -> memref<80x125xi32, #tpu.memory_space<hbm>>
      tpu.wait_dma2 semaphore(%run_scoped3A_62 : memref<!tpu.dma_semaphore, #tpu.memory_space<semaphore_mem>>) src(%dma_wait3A_73 : memref<80x125xi32, #tpu.memory_space<hbm>>) dst(%arg6 : memref<80x125xi32, #tpu.memory_space<vmem>>)
      tpu.yield
    }) : () -> ()
    %run_scoped3A_1 = arith.constant 1 : i32
    "tpu.region"() ({
      %run_scoped3A_62 = tpu.sem_alloc : memref<!tpu.dma_semaphore, #tpu.memory_space<semaphore_mem>>
      %dma_start3A_63 = arith.constant 0 : i32
      %dma_start3A_64 = tpu.memref_slice %arg3[%run_scoped3A_1, %arg1, %multiple_of3A, %dma_start3A_63] : memref<2x16x160x125xi32, #tpu.memory_space<hbm>> -> memref<1x1x80x125xi32, #tpu.memory_space<hbm>>
      %dma_start3A_65 = tpu.memref_squeeze %dma_start3A_64 : memref<1x1x80x125xi32, #tpu.memory_space<hbm>> -> memref<80x125xi32, #tpu.memory_space<hbm>>
      %dma_start3A_66 = arith.constant 0 : i32
      %dma_start3A_67 = tpu.memref_slice %arg3[%run_scoped3A_1, %arg1, %multiple_of3A, %dma_start3A_66] : memref<2x16x160x125xi32, #tpu.memory_space<hbm>> -> memref<1x1x80x125xi32, #tpu.memory_space<hbm>>
      %dma_start3A_68 = tpu.memref_squeeze %dma_start3A_67 : memref<1x1x80x125xi32, #tpu.memory_space<hbm>> -> memref<80x125xi32, #tpu.memory_space<hbm>>
      tpu.enqueue_dma source(%dma_start3A_68 : memref<80x125xi32, #tpu.memory_space<hbm>>) target(%arg7 : memref<80x125xi32, #tpu.memory_space<vmem>>) target_semaphore(%run_scoped3A_62 : memref<!tpu.dma_semaphore, #tpu.memory_space<semaphore_mem>>)
      %dma_wait3A = arith.constant 0 : i32
      %dma_wait3A_69 = tpu.memref_slice %arg3[%run_scoped3A_1, %arg1, %multiple_of3A, %dma_wait3A] : memref<2x16x160x125xi32, #tpu.memory_space<hbm>> -> memref<1x1x80x125xi32, #tpu.memory_space<hbm>>
      %dma_wait3A_70 = tpu.memref_squeeze %dma_wait3A_69 : memref<1x1x80x125xi32, #tpu.memory_space<hbm>> -> memref<80x125xi32, #tpu.memory_space<hbm>>
      %dma_wait3A_71 = arith.constant 0 : i32
      %dma_wait3A_72 = tpu.memref_slice %arg3[%run_scoped3A_1, %arg1, %multiple_of3A, %dma_wait3A_71] : memref<2x16x160x125xi32, #tpu.memory_space<hbm>> -> memref<1x1x80x125xi32, #tpu.memory_space<hbm>>
      %dma_wait3A_73 = tpu.memref_squeeze %dma_wait3A_72 : memref<1x1x80x125xi32, #tpu.memory_space<hbm>> -> memref<80x125xi32, #tpu.memory_space<hbm>>
      tpu.wait_dma2 semaphore(%run_scoped3A_62 : memref<!tpu.dma_semaphore, #tpu.memory_space<semaphore_mem>>) src(%dma_wait3A_73 : memref<80x125xi32, #tpu.memory_space<hbm>>) dst(%arg7 : memref<80x125xi32, #tpu.memory_space<vmem>>)
      tpu.yield
    }) : () -> ()
    %mul3A_2 = arith.constant 632 : i32
    %mul3A_3 = arith.muli %arg1, %mul3A_2 : i32
    %mul3A_4 = arith.constant 632 : i32
    %mul3A_5 = arith.muli %arg1, %mul3A_4 : i32
    "tpu.region"() ({
      %run_scoped3A_62 = tpu.sem_alloc : memref<!tpu.dma_semaphore, #tpu.memory_space<semaphore_mem>>
      %dma_start3A_63 = arith.constant 0 : i32
      %dma_start3A_64 = tpu.memref_slice %arg17[%mul3A_5, %dma_start3A_63] : memref<10112x72xf32, #tpu.memory_space<vmem_shared>> -> memref<632x72xf32, #tpu.memory_space<vmem_shared>>
      %dma_start3A_65 = arith.constant 0 : i32
      %dma_start3A_66 = tpu.memref_slice %arg4[%mul3A_3, %dma_start3A_65] : memref<10112x72xf32, #tpu.memory_space<hbm>> -> memref<632x72xf32, #tpu.memory_space<hbm>>
      tpu.enqueue_dma source(%dma_start3A_66 : memref<632x72xf32, #tpu.memory_space<hbm>>) target(%dma_start3A_64 : memref<632x72xf32, #tpu.memory_space<vmem_shared>>) target_semaphore(%run_scoped3A_62 : memref<!tpu.dma_semaphore, #tpu.memory_space<semaphore_mem>>)
      %dma_wait3A = arith.constant 0 : i32
      %dma_wait3A_67 = tpu.memref_slice %arg17[%mul3A_5, %dma_wait3A] : memref<10112x72xf32, #tpu.memory_space<vmem_shared>> -> memref<632x72xf32, #tpu.memory_space<vmem_shared>>
      %dma_wait3A_68 = arith.constant 0 : i32
      %dma_wait3A_69 = tpu.memref_slice %arg4[%mul3A_3, %dma_wait3A_68] : memref<10112x72xf32, #tpu.memory_space<hbm>> -> memref<632x72xf32, #tpu.memory_space<hbm>>
      tpu.wait_dma2 semaphore(%run_scoped3A_62 : memref<!tpu.dma_semaphore, #tpu.memory_space<semaphore_mem>>) src(%dma_wait3A_69 : memref<632x72xf32, #tpu.memory_space<hbm>>) dst(%dma_wait3A_67 : memref<632x72xf32, #tpu.memory_space<vmem_shared>>)
      tpu.yield
    }) : () -> ()
    %barrier3A = arith.constant 0 : index
    tpu.barrier barrier_id(%barrier3A)
    %dma_start3A = arith.constant 0 : i32
    %dma_start3A_6 = arith.constant 0 : i32
    %dma_start3A_7 = arith.constant 0 : i32
    %dma_start3A_8 = arith.constant 0 : i32
    %dma_start3A_9 = tpu.memref_slice %arg8[%dma_start3A_6, %dma_start3A_7, %dma_start3A_8] : memref<4x125x72xf32, #tpu.memory_space<vmem>> -> memref<1x125x72xf32, #tpu.memory_space<vmem>>
    %dma_start3A_10 = tpu.memref_squeeze %dma_start3A_9 : memref<1x125x72xf32, #tpu.memory_space<vmem>> -> memref<125x72xf32, #tpu.memory_space<vmem>>
    %dma_start3A_11 = arith.constant 0 : i32
    %dma_start3A_12 = tpu.memref_slice %arg6[%dma_start3A, %dma_start3A_11] : memref<80x125xi32, #tpu.memory_space<vmem>> -> memref<1x125xi32, #tpu.memory_space<vmem>>
    %dma_start3A_13 = tpu.memref_squeeze %dma_start3A_12 : memref<1x125xi32, #tpu.memory_space<vmem>> -> memref<125xi32, #tpu.memory_space<vmem>>
    %dma_start3A_14 = arith.constant 0 : i32
    %dma_start3A_15 = arith.constant 0 : i32
    %dma_start3A_16 = tpu.memref_slice %arg2[%dma_start3A_14, %dma_start3A_15] : memref<10112x72xf32, #tpu.memory_space<hbm>> -> memref<10112x72xf32, #tpu.memory_space<hbm>>
    tpu.enqueue_indirect_dma source(%dma_start3A_16 : memref<10112x72xf32, #tpu.memory_space<hbm>>) target(%dma_start3A_10 : memref<125x72xf32, #tpu.memory_space<vmem>>) offsets(%dma_start3A_13 : memref<125xi32, #tpu.memory_space<vmem>>) semaphore(%arg9 : memref<!tpu.dma_semaphore, #tpu.memory_space<semaphore_mem>>)
    %dma_start3A_17 = arith.constant 1 : i32
    %dma_start3A_18 = arith.constant 1 : i32
    %dma_start3A_19 = arith.constant 0 : i32
    %dma_start3A_20 = arith.constant 0 : i32
    %dma_start3A_21 = tpu.memref_slice %arg8[%dma_start3A_18, %dma_start3A_19, %dma_start3A_20] : memref<4x125x72xf32, #tpu.memory_space<vmem>> -> memref<1x125x72xf32, #tpu.memory_space<vmem>>
    %dma_start3A_22 = tpu.memref_squeeze %dma_start3A_21 : memref<1x125x72xf32, #tpu.memory_space<vmem>> -> memref<125x72xf32, #tpu.memory_space<vmem>>
    %dma_start3A_23 = arith.constant 0 : i32
    %dma_start3A_24 = tpu.memref_slice %arg6[%dma_start3A_17, %dma_start3A_23] : memref<80x125xi32, #tpu.memory_space<vmem>> -> memref<1x125xi32, #tpu.memory_space<vmem>>
    %dma_start3A_25 = tpu.memref_squeeze %dma_start3A_24 : memref<1x125xi32, #tpu.memory_space<vmem>> -> memref<125xi32, #tpu.memory_space<vmem>>
    %dma_start3A_26 = arith.constant 0 : i32
    %dma_start3A_27 = arith.constant 0 : i32
    %dma_start3A_28 = tpu.memref_slice %arg2[%dma_start3A_26, %dma_start3A_27] : memref<10112x72xf32, #tpu.memory_space<hbm>> -> memref<10112x72xf32, #tpu.memory_space<hbm>>
    tpu.enqueue_indirect_dma source(%dma_start3A_28 : memref<10112x72xf32, #tpu.memory_space<hbm>>) target(%dma_start3A_22 : memref<125x72xf32, #tpu.memory_space<vmem>>) offsets(%dma_start3A_25 : memref<125xi32, #tpu.memory_space<vmem>>) semaphore(%arg10 : memref<!tpu.dma_semaphore, #tpu.memory_space<semaphore_mem>>)
    %dma_start3A_29 = arith.constant 2 : i32
    %dma_start3A_30 = arith.constant 2 : i32
    %dma_start3A_31 = arith.constant 0 : i32
    %dma_start3A_32 = arith.constant 0 : i32
    %dma_start3A_33 = tpu.memref_slice %arg8[%dma_start3A_30, %dma_start3A_31, %dma_start3A_32] : memref<4x125x72xf32, #tpu.memory_space<vmem>> -> memref<1x125x72xf32, #tpu.memory_space<vmem>>
    %dma_start3A_34 = tpu.memref_squeeze %dma_start3A_33 : memref<1x125x72xf32, #tpu.memory_space<vmem>> -> memref<125x72xf32, #tpu.memory_space<vmem>>
    %dma_start3A_35 = arith.constant 0 : i32
    %dma_start3A_36 = tpu.memref_slice %arg6[%dma_start3A_29, %dma_start3A_35] : memref<80x125xi32, #tpu.memory_space<vmem>> -> memref<1x125xi32, #tpu.memory_space<vmem>>
    %dma_start3A_37 = tpu.memref_squeeze %dma_start3A_36 : memref<1x125xi32, #tpu.memory_space<vmem>> -> memref<125xi32, #tpu.memory_space<vmem>>
    %dma_start3A_38 = arith.constant 0 : i32
    %dma_start3A_39 = arith.constant 0 : i32
    %dma_start3A_40 = tpu.memref_slice %arg2[%dma_start3A_38, %dma_start3A_39] : memref<10112x72xf32, #tpu.memory_space<hbm>> -> memref<10112x72xf32, #tpu.memory_space<hbm>>
    tpu.enqueue_indirect_dma source(%dma_start3A_40 : memref<10112x72xf32, #tpu.memory_space<hbm>>) target(%dma_start3A_34 : memref<125x72xf32, #tpu.memory_space<vmem>>) offsets(%dma_start3A_37 : memref<125xi32, #tpu.memory_space<vmem>>) semaphore(%arg11 : memref<!tpu.dma_semaphore, #tpu.memory_space<semaphore_mem>>)
    %dma_start3A_41 = arith.constant 3 : i32
    %dma_start3A_42 = arith.constant 3 : i32
    %dma_start3A_43 = arith.constant 0 : i32
    %dma_start3A_44 = arith.constant 0 : i32
    %dma_start3A_45 = tpu.memref_slice %arg8[%dma_start3A_42, %dma_start3A_43, %dma_start3A_44] : memref<4x125x72xf32, #tpu.memory_space<vmem>> -> memref<1x125x72xf32, #tpu.memory_space<vmem>>
    %dma_start3A_46 = tpu.memref_squeeze %dma_start3A_45 : memref<1x125x72xf32, #tpu.memory_space<vmem>> -> memref<125x72xf32, #tpu.memory_space<vmem>>
    %dma_start3A_47 = arith.constant 0 : i32
    %dma_start3A_48 = tpu.memref_slice %arg6[%dma_start3A_41, %dma_start3A_47] : memref<80x125xi32, #tpu.memory_space<vmem>> -> memref<1x125xi32, #tpu.memory_space<vmem>>
    %dma_start3A_49 = tpu.memref_squeeze %dma_start3A_48 : memref<1x125xi32, #tpu.memory_space<vmem>> -> memref<125xi32, #tpu.memory_space<vmem>>
    %dma_start3A_50 = arith.constant 0 : i32
    %dma_start3A_51 = arith.constant 0 : i32
    %dma_start3A_52 = tpu.memref_slice %arg2[%dma_start3A_50, %dma_start3A_51] : memref<10112x72xf32, #tpu.memory_space<hbm>> -> memref<10112x72xf32, #tpu.memory_space<hbm>>
    tpu.enqueue_indirect_dma source(%dma_start3A_52 : memref<10112x72xf32, #tpu.memory_space<hbm>>) target(%dma_start3A_46 : memref<125x72xf32, #tpu.memory_space<vmem>>) offsets(%dma_start3A_49 : memref<125xi32, #tpu.memory_space<vmem>>) semaphore(%arg12 : memref<!tpu.dma_semaphore, #tpu.memory_space<semaphore_mem>>)
    %scan3A = arith.constant 0 : i32
    %scan3A_53 = arith.constant 20 : i32
    %scan3A_54 = arith.addi %scan3A, %scan3A_53 : i32
    %scan3A_55 = arith.constant 1 : i32
    scf.for %scan3A_62 = %scan3A to %scan3A_54 step %scan3A_55  : i32 {
      %mul3A_63 = arith.constant 4 : i32
      %mul3A_64 = arith.muli %scan3A_62, %mul3A_63 : i32
      %add3A = arith.constant 0 : i32
      %add3A_65 = arith.addi %add3A, %mul3A_64 : i32
      %dma_wait3A = arith.constant 0 : i32
      %dma_wait3A_66 = arith.constant 0 : i32
      %dma_wait3A_67 = arith.constant 0 : i32
      %dma_wait3A_68 = arith.constant 0 : i32
      %dma_wait3A_69 = tpu.memref_slice %arg8[%dma_wait3A_66, %dma_wait3A_67, %dma_wait3A_68] : memref<4x125x72xf32, #tpu.memory_space<vmem>> -> memref<1x125x72xf32, #tpu.memory_space<vmem>>
      %dma_wait3A_70 = tpu.memref_squeeze %dma_wait3A_69 : memref<1x125x72xf32, #tpu.memory_space<vmem>> -> memref<125x72xf32, #tpu.memory_space<vmem>>
      %dma_wait3A_71 = arith.constant 0 : i32
      %dma_wait3A_72 = tpu.memref_slice %arg6[%dma_wait3A, %dma_wait3A_71] : memref<80x125xi32, #tpu.memory_space<vmem>> -> memref<1x125xi32, #tpu.memory_space<vmem>>
      %dma_wait3A_73 = tpu.memref_squeeze %dma_wait3A_72 : memref<1x125xi32, #tpu.memory_space<vmem>> -> memref<125xi32, #tpu.memory_space<vmem>>
      %dma_wait3A_74 = arith.constant 0 : i32
      %dma_wait3A_75 = arith.constant 0 : i32
      %dma_wait3A_76 = tpu.memref_slice %arg2[%dma_wait3A_74, %dma_wait3A_75] : memref<10112x72xf32, #tpu.memory_space<hbm>> -> memref<10112x72xf32, #tpu.memory_space<hbm>>
      tpu.wait_indirect_dma semaphore(%arg9 : memref<!tpu.dma_semaphore, #tpu.memory_space<semaphore_mem>>) src(%dma_wait3A_76 : memref<10112x72xf32, #tpu.memory_space<hbm>>) dst(%dma_wait3A_70 : memref<125x72xf32, #tpu.memory_space<vmem>>)
      %add3A_77 = arith.constant 0 : i32
      %add3A_78 = arith.addi %add3A_65, %add3A_77 : i32
      %dma_start3A_79 = arith.constant 0 : i32
      %dma_start3A_80 = arith.constant 0 : i32
      %dma_start3A_81 = arith.constant 0 : i32
      %dma_start3A_82 = tpu.memref_slice %arg8[%dma_start3A_79, %dma_start3A_80, %dma_start3A_81] : memref<4x125x72xf32, #tpu.memory_space<vmem>> -> memref<1x125x72xf32, #tpu.memory_space<vmem>>
      %dma_start3A_83 = tpu.memref_squeeze %dma_start3A_82 : memref<1x125x72xf32, #tpu.memory_space<vmem>> -> memref<125x72xf32, #tpu.memory_space<vmem>>
      %dma_start3A_84 = arith.constant 0 : i32
      %dma_start3A_85 = tpu.memref_slice %arg7[%add3A_78, %dma_start3A_84] : memref<80x125xi32, #tpu.memory_space<vmem>> -> memref<1x125xi32, #tpu.memory_space<vmem>>
      %dma_start3A_86 = tpu.memref_squeeze %dma_start3A_85 : memref<1x125xi32, #tpu.memory_space<vmem>> -> memref<125xi32, #tpu.memory_space<vmem>>
      %dma_start3A_87 = arith.constant 0 : i32
      %dma_start3A_88 = arith.constant 0 : i32
      %dma_start3A_89 = tpu.memref_slice %arg17[%dma_start3A_87, %dma_start3A_88] : memref<10112x72xf32, #tpu.memory_space<vmem_shared>> -> memref<10112x72xf32, #tpu.memory_space<vmem_shared>>
      tpu.enqueue_indirect_dma source(%dma_start3A_83 : memref<125x72xf32, #tpu.memory_space<vmem>>) target(%dma_start3A_89 : memref<10112x72xf32, #tpu.memory_space<vmem_shared>>) offsets(%dma_start3A_86 : memref<125xi32, #tpu.memory_space<vmem>>) semaphore(%arg13 : memref<!tpu.dma_semaphore, #tpu.memory_space<semaphore_mem>>) {add = true}
      %dma_wait3A_90 = arith.constant 1 : i32
      %dma_wait3A_91 = arith.constant 1 : i32
      %dma_wait3A_92 = arith.constant 0 : i32
      %dma_wait3A_93 = arith.constant 0 : i32
      %dma_wait3A_94 = tpu.memref_slice %arg8[%dma_wait3A_91, %dma_wait3A_92, %dma_wait3A_93] : memref<4x125x72xf32, #tpu.memory_space<vmem>> -> memref<1x125x72xf32, #tpu.memory_space<vmem>>
      %dma_wait3A_95 = tpu.memref_squeeze %dma_wait3A_94 : memref<1x125x72xf32, #tpu.memory_space<vmem>> -> memref<125x72xf32, #tpu.memory_space<vmem>>
      %dma_wait3A_96 = arith.constant 0 : i32
      %dma_wait3A_97 = tpu.memref_slice %arg6[%dma_wait3A_90, %dma_wait3A_96] : memref<80x125xi32, #tpu.memory_space<vmem>> -> memref<1x125xi32, #tpu.memory_space<vmem>>
      %dma_wait3A_98 = tpu.memref_squeeze %dma_wait3A_97 : memref<1x125xi32, #tpu.memory_space<vmem>> -> memref<125xi32, #tpu.memory_space<vmem>>
      %dma_wait3A_99 = arith.constant 0 : i32
      %dma_wait3A_100 = arith.constant 0 : i32
      %dma_wait3A_101 = tpu.memref_slice %arg2[%dma_wait3A_99, %dma_wait3A_100] : memref<10112x72xf32, #tpu.memory_space<hbm>> -> memref<10112x72xf32, #tpu.memory_space<hbm>>
      tpu.wait_indirect_dma semaphore(%arg10 : memref<!tpu.dma_semaphore, #tpu.memory_space<semaphore_mem>>) src(%dma_wait3A_101 : memref<10112x72xf32, #tpu.memory_space<hbm>>) dst(%dma_wait3A_95 : memref<125x72xf32, #tpu.memory_space<vmem>>)
      %add3A_102 = arith.constant 1 : i32
      %add3A_103 = arith.addi %add3A_65, %add3A_102 : i32
      %dma_start3A_104 = arith.constant 1 : i32
      %dma_start3A_105 = arith.constant 0 : i32
      %dma_start3A_106 = arith.constant 0 : i32
      %dma_start3A_107 = tpu.memref_slice %arg8[%dma_start3A_104, %dma_start3A_105, %dma_start3A_106] : memref<4x125x72xf32, #tpu.memory_space<vmem>> -> memref<1x125x72xf32, #tpu.memory_space<vmem>>
      %dma_start3A_108 = tpu.memref_squeeze %dma_start3A_107 : memref<1x125x72xf32, #tpu.memory_space<vmem>> -> memref<125x72xf32, #tpu.memory_space<vmem>>
      %dma_start3A_109 = arith.constant 0 : i32
      %dma_start3A_110 = tpu.memref_slice %arg7[%add3A_103, %dma_start3A_109] : memref<80x125xi32, #tpu.memory_space<vmem>> -> memref<1x125xi32, #tpu.memory_space<vmem>>
      %dma_start3A_111 = tpu.memref_squeeze %dma_start3A_110 : memref<1x125xi32, #tpu.memory_space<vmem>> -> memref<125xi32, #tpu.memory_space<vmem>>
      %dma_start3A_112 = arith.constant 0 : i32
      %dma_start3A_113 = arith.constant 0 : i32
      %dma_start3A_114 = tpu.memref_slice %arg17[%dma_start3A_112, %dma_start3A_113] : memref<10112x72xf32, #tpu.memory_space<vmem_shared>> -> memref<10112x72xf32, #tpu.memory_space<vmem_shared>>
      tpu.enqueue_indirect_dma source(%dma_start3A_108 : memref<125x72xf32, #tpu.memory_space<vmem>>) target(%dma_start3A_114 : memref<10112x72xf32, #tpu.memory_space<vmem_shared>>) offsets(%dma_start3A_111 : memref<125xi32, #tpu.memory_space<vmem>>) semaphore(%arg14 : memref<!tpu.dma_semaphore, #tpu.memory_space<semaphore_mem>>) {add = true}
      %dma_wait3A_115 = arith.constant 2 : i32
      %dma_wait3A_116 = arith.constant 2 : i32
      %dma_wait3A_117 = arith.constant 0 : i32
      %dma_wait3A_118 = arith.constant 0 : i32
      %dma_wait3A_119 = tpu.memref_slice %arg8[%dma_wait3A_116, %dma_wait3A_117, %dma_wait3A_118] : memref<4x125x72xf32, #tpu.memory_space<vmem>> -> memref<1x125x72xf32, #tpu.memory_space<vmem>>
      %dma_wait3A_120 = tpu.memref_squeeze %dma_wait3A_119 : memref<1x125x72xf32, #tpu.memory_space<vmem>> -> memref<125x72xf32, #tpu.memory_space<vmem>>
      %dma_wait3A_121 = arith.constant 0 : i32
      %dma_wait3A_122 = tpu.memref_slice %arg6[%dma_wait3A_115, %dma_wait3A_121] : memref<80x125xi32, #tpu.memory_space<vmem>> -> memref<1x125xi32, #tpu.memory_space<vmem>>
      %dma_wait3A_123 = tpu.memref_squeeze %dma_wait3A_122 : memref<1x125xi32, #tpu.memory_space<vmem>> -> memref<125xi32, #tpu.memory_space<vmem>>
      %dma_wait3A_124 = arith.constant 0 : i32
      %dma_wait3A_125 = arith.constant 0 : i32
      %dma_wait3A_126 = tpu.memref_slice %arg2[%dma_wait3A_124, %dma_wait3A_125] : memref<10112x72xf32, #tpu.memory_space<hbm>> -> memref<10112x72xf32, #tpu.memory_space<hbm>>
      tpu.wait_indirect_dma semaphore(%arg11 : memref<!tpu.dma_semaphore, #tpu.memory_space<semaphore_mem>>) src(%dma_wait3A_126 : memref<10112x72xf32, #tpu.memory_space<hbm>>) dst(%dma_wait3A_120 : memref<125x72xf32, #tpu.memory_space<vmem>>)
      %add3A_127 = arith.constant 2 : i32
      %add3A_128 = arith.addi %add3A_65, %add3A_127 : i32
      %dma_start3A_129 = arith.constant 2 : i32
      %dma_start3A_130 = arith.constant 0 : i32
      %dma_start3A_131 = arith.constant 0 : i32
      %dma_start3A_132 = tpu.memref_slice %arg8[%dma_start3A_129, %dma_start3A_130, %dma_start3A_131] : memref<4x125x72xf32, #tpu.memory_space<vmem>> -> memref<1x125x72xf32, #tpu.memory_space<vmem>>
      %dma_start3A_133 = tpu.memref_squeeze %dma_start3A_132 : memref<1x125x72xf32, #tpu.memory_space<vmem>> -> memref<125x72xf32, #tpu.memory_space<vmem>>
      %dma_start3A_134 = arith.constant 0 : i32
      %dma_start3A_135 = tpu.memref_slice %arg7[%add3A_128, %dma_start3A_134] : memref<80x125xi32, #tpu.memory_space<vmem>> -> memref<1x125xi32, #tpu.memory_space<vmem>>
      %dma_start3A_136 = tpu.memref_squeeze %dma_start3A_135 : memref<1x125xi32, #tpu.memory_space<vmem>> -> memref<125xi32, #tpu.memory_space<vmem>>
      %dma_start3A_137 = arith.constant 0 : i32
      %dma_start3A_138 = arith.constant 0 : i32
      %dma_start3A_139 = tpu.memref_slice %arg17[%dma_start3A_137, %dma_start3A_138] : memref<10112x72xf32, #tpu.memory_space<vmem_shared>> -> memref<10112x72xf32, #tpu.memory_space<vmem_shared>>
      tpu.enqueue_indirect_dma source(%dma_start3A_133 : memref<125x72xf32, #tpu.memory_space<vmem>>) target(%dma_start3A_139 : memref<10112x72xf32, #tpu.memory_space<vmem_shared>>) offsets(%dma_start3A_136 : memref<125xi32, #tpu.memory_space<vmem>>) semaphore(%arg15 : memref<!tpu.dma_semaphore, #tpu.memory_space<semaphore_mem>>) {add = true}
      %dma_wait3A_140 = arith.constant 3 : i32
      %dma_wait3A_141 = arith.constant 3 : i32
      %dma_wait3A_142 = arith.constant 0 : i32
      %dma_wait3A_143 = arith.constant 0 : i32
      %dma_wait3A_144 = tpu.memref_slice %arg8[%dma_wait3A_141, %dma_wait3A_142, %dma_wait3A_143] : memref<4x125x72xf32, #tpu.memory_space<vmem>> -> memref<1x125x72xf32, #tpu.memory_space<vmem>>
      %dma_wait3A_145 = tpu.memref_squeeze %dma_wait3A_144 : memref<1x125x72xf32, #tpu.memory_space<vmem>> -> memref<125x72xf32, #tpu.memory_space<vmem>>
      %dma_wait3A_146 = arith.constant 0 : i32
      %dma_wait3A_147 = tpu.memref_slice %arg6[%dma_wait3A_140, %dma_wait3A_146] : memref<80x125xi32, #tpu.memory_space<vmem>> -> memref<1x125xi32, #tpu.memory_space<vmem>>
      %dma_wait3A_148 = tpu.memref_squeeze %dma_wait3A_147 : memref<1x125xi32, #tpu.memory_space<vmem>> -> memref<125xi32, #tpu.memory_space<vmem>>
      %dma_wait3A_149 = arith.constant 0 : i32
      %dma_wait3A_150 = arith.constant 0 : i32
      %dma_wait3A_151 = tpu.memref_slice %arg2[%dma_wait3A_149, %dma_wait3A_150] : memref<10112x72xf32, #tpu.memory_space<hbm>> -> memref<10112x72xf32, #tpu.memory_space<hbm>>
      tpu.wait_indirect_dma semaphore(%arg12 : memref<!tpu.dma_semaphore, #tpu.memory_space<semaphore_mem>>) src(%dma_wait3A_151 : memref<10112x72xf32, #tpu.memory_space<hbm>>) dst(%dma_wait3A_145 : memref<125x72xf32, #tpu.memory_space<vmem>>)
      %add3A_152 = arith.constant 3 : i32
      %add3A_153 = arith.addi %add3A_65, %add3A_152 : i32
      %dma_start3A_154 = arith.constant 3 : i32
      %dma_start3A_155 = arith.constant 0 : i32
      %dma_start3A_156 = arith.constant 0 : i32
      %dma_start3A_157 = tpu.memref_slice %arg8[%dma_start3A_154, %dma_start3A_155, %dma_start3A_156] : memref<4x125x72xf32, #tpu.memory_space<vmem>> -> memref<1x125x72xf32, #tpu.memory_space<vmem>>
      %dma_start3A_158 = tpu.memref_squeeze %dma_start3A_157 : memref<1x125x72xf32, #tpu.memory_space<vmem>> -> memref<125x72xf32, #tpu.memory_space<vmem>>
      %dma_start3A_159 = arith.constant 0 : i32
      %dma_start3A_160 = tpu.memref_slice %arg7[%add3A_153, %dma_start3A_159] : memref<80x125xi32, #tpu.memory_space<vmem>> -> memref<1x125xi32, #tpu.memory_space<vmem>>
      %dma_start3A_161 = tpu.memref_squeeze %dma_start3A_160 : memref<1x125xi32, #tpu.memory_space<vmem>> -> memref<125xi32, #tpu.memory_space<vmem>>
      %dma_start3A_162 = arith.constant 0 : i32
      %dma_start3A_163 = arith.constant 0 : i32
      %dma_start3A_164 = tpu.memref_slice %arg17[%dma_start3A_162, %dma_start3A_163] : memref<10112x72xf32, #tpu.memory_space<vmem_shared>> -> memref<10112x72xf32, #tpu.memory_space<vmem_shared>>
      tpu.enqueue_indirect_dma source(%dma_start3A_158 : memref<125x72xf32, #tpu.memory_space<vmem>>) target(%dma_start3A_164 : memref<10112x72xf32, #tpu.memory_space<vmem_shared>>) offsets(%dma_start3A_161 : memref<125xi32, #tpu.memory_space<vmem>>) semaphore(%arg16 : memref<!tpu.dma_semaphore, #tpu.memory_space<semaphore_mem>>) {add = true}
      %add3A_165 = arith.constant 0 : i32
      %add3A_166 = arith.addi %add3A_65, %add3A_165 : i32
      %dma_wait3A_167 = arith.constant 0 : i32
      %dma_wait3A_168 = arith.constant 0 : i32
      %dma_wait3A_169 = arith.constant 0 : i32
      %dma_wait3A_170 = tpu.memref_slice %arg8[%dma_wait3A_167, %dma_wait3A_168, %dma_wait3A_169] : memref<4x125x72xf32, #tpu.memory_space<vmem>> -> memref<1x125x72xf32, #tpu.memory_space<vmem>>
      %dma_wait3A_171 = tpu.memref_squeeze %dma_wait3A_170 : memref<1x125x72xf32, #tpu.memory_space<vmem>> -> memref<125x72xf32, #tpu.memory_space<vmem>>
      %dma_wait3A_172 = arith.constant 0 : i32
      %dma_wait3A_173 = tpu.memref_slice %arg7[%add3A_166, %dma_wait3A_172] : memref<80x125xi32, #tpu.memory_space<vmem>> -> memref<1x125xi32, #tpu.memory_space<vmem>>
      %dma_wait3A_174 = tpu.memref_squeeze %dma_wait3A_173 : memref<1x125xi32, #tpu.memory_space<vmem>> -> memref<125xi32, #tpu.memory_space<vmem>>
      %dma_wait3A_175 = arith.constant 0 : i32
      %dma_wait3A_176 = arith.constant 0 : i32
      %dma_wait3A_177 = tpu.memref_slice %arg17[%dma_wait3A_175, %dma_wait3A_176] : memref<10112x72xf32, #tpu.memory_space<vmem_shared>> -> memref<10112x72xf32, #tpu.memory_space<vmem_shared>>
      tpu.wait_indirect_dma semaphore(%arg13 : memref<!tpu.dma_semaphore, #tpu.memory_space<semaphore_mem>>) src(%dma_wait3A_171 : memref<125x72xf32, #tpu.memory_space<vmem>>) dst(%dma_wait3A_177 : memref<10112x72xf32, #tpu.memory_space<vmem_shared>>)
      %add3A_178 = arith.constant 0 : i32
      %add3A_179 = arith.addi %add3A_65, %add3A_178 : i32
      %add3A_180 = arith.constant 4 : i32
      %add3A_181 = arith.addi %add3A_179, %add3A_180 : i32
      %lt3A = arith.constant 80 : i32
      %lt3A_182 = arith.cmpi slt, %add3A_181, %lt3A : i32
      %convert_element_type3A = arith.extui %lt3A_182 : i1 to i32
      %cond3A = arith.constant 0 : i32
      %cond3A_183 = arith.cmpi ne, %convert_element_type3A, %cond3A : i32
      scf.if %cond3A_183 {
        %add3A_250 = arith.constant 0 : i32
        %add3A_251 = arith.addi %add3A_65, %add3A_250 : i32
        %add3A_252 = arith.constant 4 : i32
        %add3A_253 = arith.addi %add3A_251, %add3A_252 : i32
        %dma_start3A_254 = arith.constant 0 : i32
        %dma_start3A_255 = arith.constant 0 : i32
        %dma_start3A_256 = arith.constant 0 : i32
        %dma_start3A_257 = tpu.memref_slice %arg8[%dma_start3A_254, %dma_start3A_255, %dma_start3A_256] : memref<4x125x72xf32, #tpu.memory_space<vmem>> -> memref<1x125x72xf32, #tpu.memory_space<vmem>>
        %dma_start3A_258 = tpu.memref_squeeze %dma_start3A_257 : memref<1x125x72xf32, #tpu.memory_space<vmem>> -> memref<125x72xf32, #tpu.memory_space<vmem>>
        %dma_start3A_259 = arith.constant 0 : i32
        %dma_start3A_260 = tpu.memref_slice %arg6[%add3A_253, %dma_start3A_259] : memref<80x125xi32, #tpu.memory_space<vmem>> -> memref<1x125xi32, #tpu.memory_space<vmem>>
        %dma_start3A_261 = tpu.memref_squeeze %dma_start3A_260 : memref<1x125xi32, #tpu.memory_space<vmem>> -> memref<125xi32, #tpu.memory_space<vmem>>
        %dma_start3A_262 = arith.constant 0 : i32
        %dma_start3A_263 = arith.constant 0 : i32
        %dma_start3A_264 = tpu.memref_slice %arg2[%dma_start3A_262, %dma_start3A_263] : memref<10112x72xf32, #tpu.memory_space<hbm>> -> memref<10112x72xf32, #tpu.memory_space<hbm>>
        tpu.enqueue_indirect_dma source(%dma_start3A_264 : memref<10112x72xf32, #tpu.memory_space<hbm>>) target(%dma_start3A_258 : memref<125x72xf32, #tpu.memory_space<vmem>>) offsets(%dma_start3A_261 : memref<125xi32, #tpu.memory_space<vmem>>) semaphore(%arg9 : memref<!tpu.dma_semaphore, #tpu.memory_space<semaphore_mem>>)
      } else {
      }
      %add3A_184 = arith.constant 1 : i32
      %add3A_185 = arith.addi %add3A_65, %add3A_184 : i32
      %dma_wait3A_186 = arith.constant 1 : i32
      %dma_wait3A_187 = arith.constant 0 : i32
      %dma_wait3A_188 = arith.constant 0 : i32
      %dma_wait3A_189 = tpu.memref_slice %arg8[%dma_wait3A_186, %dma_wait3A_187, %dma_wait3A_188] : memref<4x125x72xf32, #tpu.memory_space<vmem>> -> memref<1x125x72xf32, #tpu.memory_space<vmem>>
      %dma_wait3A_190 = tpu.memref_squeeze %dma_wait3A_189 : memref<1x125x72xf32, #tpu.memory_space<vmem>> -> memref<125x72xf32, #tpu.memory_space<vmem>>
      %dma_wait3A_191 = arith.constant 0 : i32
      %dma_wait3A_192 = tpu.memref_slice %arg7[%add3A_185, %dma_wait3A_191] : memref<80x125xi32, #tpu.memory_space<vmem>> -> memref<1x125xi32, #tpu.memory_space<vmem>>
      %dma_wait3A_193 = tpu.memref_squeeze %dma_wait3A_192 : memref<1x125xi32, #tpu.memory_space<vmem>> -> memref<125xi32, #tpu.memory_space<vmem>>
      %dma_wait3A_194 = arith.constant 0 : i32
      %dma_wait3A_195 = arith.constant 0 : i32
      %dma_wait3A_196 = tpu.memref_slice %arg17[%dma_wait3A_194, %dma_wait3A_195] : memref<10112x72xf32, #tpu.memory_space<vmem_shared>> -> memref<10112x72xf32, #tpu.memory_space<vmem_shared>>
      tpu.wait_indirect_dma semaphore(%arg14 : memref<!tpu.dma_semaphore, #tpu.memory_space<semaphore_mem>>) src(%dma_wait3A_190 : memref<125x72xf32, #tpu.memory_space<vmem>>) dst(%dma_wait3A_196 : memref<10112x72xf32, #tpu.memory_space<vmem_shared>>)
      %add3A_197 = arith.constant 1 : i32
      %add3A_198 = arith.addi %add3A_65, %add3A_197 : i32
      %add3A_199 = arith.constant 4 : i32
      %add3A_200 = arith.addi %add3A_198, %add3A_199 : i32
      %lt3A_201 = arith.constant 80 : i32
      %lt3A_202 = arith.cmpi slt, %add3A_200, %lt3A_201 : i32
      %convert_element_type3A_203 = arith.extui %lt3A_202 : i1 to i32
      %cond3A_204 = arith.constant 0 : i32
      %cond3A_205 = arith.cmpi ne, %convert_element_type3A_203, %cond3A_204 : i32
      scf.if %cond3A_205 {
        %add3A_250 = arith.constant 1 : i32
        %add3A_251 = arith.addi %add3A_65, %add3A_250 : i32
        %add3A_252 = arith.constant 4 : i32
        %add3A_253 = arith.addi %add3A_251, %add3A_252 : i32
        %dma_start3A_254 = arith.constant 1 : i32
        %dma_start3A_255 = arith.constant 0 : i32
        %dma_start3A_256 = arith.constant 0 : i32
        %dma_start3A_257 = tpu.memref_slice %arg8[%dma_start3A_254, %dma_start3A_255, %dma_start3A_256] : memref<4x125x72xf32, #tpu.memory_space<vmem>> -> memref<1x125x72xf32, #tpu.memory_space<vmem>>
        %dma_start3A_258 = tpu.memref_squeeze %dma_start3A_257 : memref<1x125x72xf32, #tpu.memory_space<vmem>> -> memref<125x72xf32, #tpu.memory_space<vmem>>
        %dma_start3A_259 = arith.constant 0 : i32
        %dma_start3A_260 = tpu.memref_slice %arg6[%add3A_253, %dma_start3A_259] : memref<80x125xi32, #tpu.memory_space<vmem>> -> memref<1x125xi32, #tpu.memory_space<vmem>>
        %dma_start3A_261 = tpu.memref_squeeze %dma_start3A_260 : memref<1x125xi32, #tpu.memory_space<vmem>> -> memref<125xi32, #tpu.memory_space<vmem>>
        %dma_start3A_262 = arith.constant 0 : i32
        %dma_start3A_263 = arith.constant 0 : i32
        %dma_start3A_264 = tpu.memref_slice %arg2[%dma_start3A_262, %dma_start3A_263] : memref<10112x72xf32, #tpu.memory_space<hbm>> -> memref<10112x72xf32, #tpu.memory_space<hbm>>
        tpu.enqueue_indirect_dma source(%dma_start3A_264 : memref<10112x72xf32, #tpu.memory_space<hbm>>) target(%dma_start3A_258 : memref<125x72xf32, #tpu.memory_space<vmem>>) offsets(%dma_start3A_261 : memref<125xi32, #tpu.memory_space<vmem>>) semaphore(%arg10 : memref<!tpu.dma_semaphore, #tpu.memory_space<semaphore_mem>>)
      } else {
      }
      %add3A_206 = arith.constant 2 : i32
      %add3A_207 = arith.addi %add3A_65, %add3A_206 : i32
      %dma_wait3A_208 = arith.constant 2 : i32
      %dma_wait3A_209 = arith.constant 0 : i32
      %dma_wait3A_210 = arith.constant 0 : i32
      %dma_wait3A_211 = tpu.memref_slice %arg8[%dma_wait3A_208, %dma_wait3A_209, %dma_wait3A_210] : memref<4x125x72xf32, #tpu.memory_space<vmem>> -> memref<1x125x72xf32, #tpu.memory_space<vmem>>
      %dma_wait3A_212 = tpu.memref_squeeze %dma_wait3A_211 : memref<1x125x72xf32, #tpu.memory_space<vmem>> -> memref<125x72xf32, #tpu.memory_space<vmem>>
      %dma_wait3A_213 = arith.constant 0 : i32
      %dma_wait3A_214 = tpu.memref_slice %arg7[%add3A_207, %dma_wait3A_213] : memref<80x125xi32, #tpu.memory_space<vmem>> -> memref<1x125xi32, #tpu.memory_space<vmem>>
      %dma_wait3A_215 = tpu.memref_squeeze %dma_wait3A_214 : memref<1x125xi32, #tpu.memory_space<vmem>> -> memref<125xi32, #tpu.memory_space<vmem>>
      %dma_wait3A_216 = arith.constant 0 : i32
      %dma_wait3A_217 = arith.constant 0 : i32
      %dma_wait3A_218 = tpu.memref_slice %arg17[%dma_wait3A_216, %dma_wait3A_217] : memref<10112x72xf32, #tpu.memory_space<vmem_shared>> -> memref<10112x72xf32, #tpu.memory_space<vmem_shared>>
      tpu.wait_indirect_dma semaphore(%arg15 : memref<!tpu.dma_semaphore, #tpu.memory_space<semaphore_mem>>) src(%dma_wait3A_212 : memref<125x72xf32, #tpu.memory_space<vmem>>) dst(%dma_wait3A_218 : memref<10112x72xf32, #tpu.memory_space<vmem_shared>>)
      %add3A_219 = arith.constant 2 : i32
      %add3A_220 = arith.addi %add3A_65, %add3A_219 : i32
      %add3A_221 = arith.constant 4 : i32
      %add3A_222 = arith.addi %add3A_220, %add3A_221 : i32
      %lt3A_223 = arith.constant 80 : i32
      %lt3A_224 = arith.cmpi slt, %add3A_222, %lt3A_223 : i32
      %convert_element_type3A_225 = arith.extui %lt3A_224 : i1 to i32
      %cond3A_226 = arith.constant 0 : i32
      %cond3A_227 = arith.cmpi ne, %convert_element_type3A_225, %cond3A_226 : i32
      scf.if %cond3A_227 {
        %add3A_250 = arith.constant 2 : i32
        %add3A_251 = arith.addi %add3A_65, %add3A_250 : i32
        %add3A_252 = arith.constant 4 : i32
        %add3A_253 = arith.addi %add3A_251, %add3A_252 : i32
        %dma_start3A_254 = arith.constant 2 : i32
        %dma_start3A_255 = arith.constant 0 : i32
        %dma_start3A_256 = arith.constant 0 : i32
        %dma_start3A_257 = tpu.memref_slice %arg8[%dma_start3A_254, %dma_start3A_255, %dma_start3A_256] : memref<4x125x72xf32, #tpu.memory_space<vmem>> -> memref<1x125x72xf32, #tpu.memory_space<vmem>>
        %dma_start3A_258 = tpu.memref_squeeze %dma_start3A_257 : memref<1x125x72xf32, #tpu.memory_space<vmem>> -> memref<125x72xf32, #tpu.memory_space<vmem>>
        %dma_start3A_259 = arith.constant 0 : i32
        %dma_start3A_260 = tpu.memref_slice %arg6[%add3A_253, %dma_start3A_259] : memref<80x125xi32, #tpu.memory_space<vmem>> -> memref<1x125xi32, #tpu.memory_space<vmem>>
        %dma_start3A_261 = tpu.memref_squeeze %dma_start3A_260 : memref<1x125xi32, #tpu.memory_space<vmem>> -> memref<125xi32, #tpu.memory_space<vmem>>
        %dma_start3A_262 = arith.constant 0 : i32
        %dma_start3A_263 = arith.constant 0 : i32
        %dma_start3A_264 = tpu.memref_slice %arg2[%dma_start3A_262, %dma_start3A_263] : memref<10112x72xf32, #tpu.memory_space<hbm>> -> memref<10112x72xf32, #tpu.memory_space<hbm>>
        tpu.enqueue_indirect_dma source(%dma_start3A_264 : memref<10112x72xf32, #tpu.memory_space<hbm>>) target(%dma_start3A_258 : memref<125x72xf32, #tpu.memory_space<vmem>>) offsets(%dma_start3A_261 : memref<125xi32, #tpu.memory_space<vmem>>) semaphore(%arg11 : memref<!tpu.dma_semaphore, #tpu.memory_space<semaphore_mem>>)
      } else {
      }
      %add3A_228 = arith.constant 3 : i32
      %add3A_229 = arith.addi %add3A_65, %add3A_228 : i32
      %dma_wait3A_230 = arith.constant 3 : i32
      %dma_wait3A_231 = arith.constant 0 : i32
      %dma_wait3A_232 = arith.constant 0 : i32
      %dma_wait3A_233 = tpu.memref_slice %arg8[%dma_wait3A_230, %dma_wait3A_231, %dma_wait3A_232] : memref<4x125x72xf32, #tpu.memory_space<vmem>> -> memref<1x125x72xf32, #tpu.memory_space<vmem>>
      %dma_wait3A_234 = tpu.memref_squeeze %dma_wait3A_233 : memref<1x125x72xf32, #tpu.memory_space<vmem>> -> memref<125x72xf32, #tpu.memory_space<vmem>>
      %dma_wait3A_235 = arith.constant 0 : i32
      %dma_wait3A_236 = tpu.memref_slice %arg7[%add3A_229, %dma_wait3A_235] : memref<80x125xi32, #tpu.memory_space<vmem>> -> memref<1x125xi32, #tpu.memory_space<vmem>>
      %dma_wait3A_237 = tpu.memref_squeeze %dma_wait3A_236 : memref<1x125xi32, #tpu.memory_space<vmem>> -> memref<125xi32, #tpu.memory_space<vmem>>
      %dma_wait3A_238 = arith.constant 0 : i32
      %dma_wait3A_239 = arith.constant 0 : i32
      %dma_wait3A_240 = tpu.memref_slice %arg17[%dma_wait3A_238, %dma_wait3A_239] : memref<10112x72xf32, #tpu.memory_space<vmem_shared>> -> memref<10112x72xf32, #tpu.memory_space<vmem_shared>>
      tpu.wait_indirect_dma semaphore(%arg16 : memref<!tpu.dma_semaphore, #tpu.memory_space<semaphore_mem>>) src(%dma_wait3A_234 : memref<125x72xf32, #tpu.memory_space<vmem>>) dst(%dma_wait3A_240 : memref<10112x72xf32, #tpu.memory_space<vmem_shared>>)
      %add3A_241 = arith.constant 3 : i32
      %add3A_242 = arith.addi %add3A_65, %add3A_241 : i32
      %add3A_243 = arith.constant 4 : i32
      %add3A_244 = arith.addi %add3A_242, %add3A_243 : i32
      %lt3A_245 = arith.constant 80 : i32
      %lt3A_246 = arith.cmpi slt, %add3A_244, %lt3A_245 : i32
      %convert_element_type3A_247 = arith.extui %lt3A_246 : i1 to i32
      %cond3A_248 = arith.constant 0 : i32
      %cond3A_249 = arith.cmpi ne, %convert_element_type3A_247, %cond3A_248 : i32
      scf.if %cond3A_249 {
        %add3A_250 = arith.constant 3 : i32
        %add3A_251 = arith.addi %add3A_65, %add3A_250 : i32
        %add3A_252 = arith.constant 4 : i32
        %add3A_253 = arith.addi %add3A_251, %add3A_252 : i32
        %dma_start3A_254 = arith.constant 3 : i32
        %dma_start3A_255 = arith.constant 0 : i32
        %dma_start3A_256 = arith.constant 0 : i32
        %dma_start3A_257 = tpu.memref_slice %arg8[%dma_start3A_254, %dma_start3A_255, %dma_start3A_256] : memref<4x125x72xf32, #tpu.memory_space<vmem>> -> memref<1x125x72xf32, #tpu.memory_space<vmem>>
        %dma_start3A_258 = tpu.memref_squeeze %dma_start3A_257 : memref<1x125x72xf32, #tpu.memory_space<vmem>> -> memref<125x72xf32, #tpu.memory_space<vmem>>
        %dma_start3A_259 = arith.constant 0 : i32
        %dma_start3A_260 = tpu.memref_slice %arg6[%add3A_253, %dma_start3A_259] : memref<80x125xi32, #tpu.memory_space<vmem>> -> memref<1x125xi32, #tpu.memory_space<vmem>>
        %dma_start3A_261 = tpu.memref_squeeze %dma_start3A_260 : memref<1x125xi32, #tpu.memory_space<vmem>> -> memref<125xi32, #tpu.memory_space<vmem>>
        %dma_start3A_262 = arith.constant 0 : i32
        %dma_start3A_263 = arith.constant 0 : i32
        %dma_start3A_264 = tpu.memref_slice %arg2[%dma_start3A_262, %dma_start3A_263] : memref<10112x72xf32, #tpu.memory_space<hbm>> -> memref<10112x72xf32, #tpu.memory_space<hbm>>
        tpu.enqueue_indirect_dma source(%dma_start3A_264 : memref<10112x72xf32, #tpu.memory_space<hbm>>) target(%dma_start3A_258 : memref<125x72xf32, #tpu.memory_space<vmem>>) offsets(%dma_start3A_261 : memref<125xi32, #tpu.memory_space<vmem>>) semaphore(%arg12 : memref<!tpu.dma_semaphore, #tpu.memory_space<semaphore_mem>>)
      } else {
      }
    }
    %scan3A_56 = arith.constant 20 : i32
    %barrier3A_57 = arith.constant 0 : index
    tpu.barrier barrier_id(%barrier3A_57)
    %mul3A_58 = arith.constant 632 : i32
    %mul3A_59 = arith.muli %arg1, %mul3A_58 : i32
    %mul3A_60 = arith.constant 632 : i32
    %mul3A_61 = arith.muli %arg1, %mul3A_60 : i32
    "tpu.region"() ({
      %run_scoped3A_62 = tpu.sem_alloc : memref<!tpu.dma_semaphore, #tpu.memory_space<semaphore_mem>>
      %dma_start3A_63 = arith.constant 0 : i32
      %dma_start3A_64 = tpu.memref_slice %arg5[%arg0, %mul3A_61, %dma_start3A_63] : memref<2x10112x72xf32, #tpu.memory_space<hbm>> -> memref<1x632x72xf32, #tpu.memory_space<hbm>>
      %dma_start3A_65 = tpu.memref_squeeze %dma_start3A_64 : memref<1x632x72xf32, #tpu.memory_space<hbm>> -> memref<632x72xf32, #tpu.memory_space<hbm>>
      %dma_start3A_66 = arith.constant 0 : i32
      %dma_start3A_67 = tpu.memref_slice %arg17[%mul3A_59, %dma_start3A_66] : memref<10112x72xf32, #tpu.memory_space<vmem_shared>> -> memref<632x72xf32, #tpu.memory_space<vmem_shared>>
      tpu.enqueue_dma source(%dma_start3A_67 : memref<632x72xf32, #tpu.memory_space<vmem_shared>>) target(%dma_start3A_65 : memref<632x72xf32, #tpu.memory_space<hbm>>) target_semaphore(%run_scoped3A_62 : memref<!tpu.dma_semaphore, #tpu.memory_space<semaphore_mem>>)
      %dma_wait3A = arith.constant 0 : i32
      %dma_wait3A_68 = tpu.memref_slice %arg5[%arg0, %mul3A_61, %dma_wait3A] : memref<2x10112x72xf32, #tpu.memory_space<hbm>> -> memref<1x632x72xf32, #tpu.memory_space<hbm>>
      %dma_wait3A_69 = tpu.memref_squeeze %dma_wait3A_68 : memref<1x632x72xf32, #tpu.memory_space<hbm>> -> memref<632x72xf32, #tpu.memory_space<hbm>>
      %dma_wait3A_70 = arith.constant 0 : i32
      %dma_wait3A_71 = tpu.memref_slice %arg17[%mul3A_59, %dma_wait3A_70] : memref<10112x72xf32, #tpu.memory_space<vmem_shared>> -> memref<632x72xf32, #tpu.memory_space<vmem_shared>>
      tpu.wait_dma2 semaphore(%run_scoped3A_62 : memref<!tpu.dma_semaphore, #tpu.memory_space<semaphore_mem>>) src(%dma_wait3A_71 : memref<632x72xf32, #tpu.memory_space<vmem_shared>>) dst(%dma_wait3A_69 : memref<632x72xf32, #tpu.memory_space<hbm>>)
      tpu.yield
    }) : () -> ()
    return
  }
}

#map = affine_map<(d0, d1) -> (0, 0, 0, 0)>
#map1 = affine_map<(d0, d1) -> (0, 0)>
#map2 = affine_map<(d0, d1) -> (0, 0, 0)>
module attributes {stable_mosaic.version = 14 : i64} {
  func.func @run(%arg0: i32, %arg1: i32, %arg2: memref<2x16x160x125xi32, #tpu.memory_space<hbm>>, %arg3: memref<125x8xf32, #tpu.memory_space<hbm>>, %arg4: memref<10112x8xf32, #tpu.memory_space<hbm>>, %arg5: memref<2x10112x8xf32, #tpu.memory_space<hbm>>, %arg6: memref<80x125xi32, #tpu.memory_space<vmem>>, %arg7: memref<125x8xf32, #tpu.memory_space<vmem>>, %arg8: memref<!tpu.dma_semaphore, #tpu.memory_space<semaphore_mem>>, %arg9: memref<10112x8xf32, #tpu.memory_space<vmem_shared>>) attributes {dimension_semantics = [#tpu.dimension_semantics<core_parallel>, #tpu.dimension_semantics<subcore_parallel>], iteration_bounds = array<i64: 2, 16>, scalar_prefetch = 0 : i64, scratch_operands = 4 : i64, tpu.core_type = #tpu.core_type<sc_vector_subcore>, window_params = [{transform_indices = #map}, {transform_indices = #map1}, {transform_indices = #map1}, {transform_indices = #map2}]} {
    %mul3A = arith.constant 80 : i32
    %mul3A_0 = arith.muli %arg0, %mul3A : i32
    %multiple_of3A = tpu.assume_multiple %mul3A_0, 8 : i32
    %run_scoped3A = arith.constant 1 : i32
    "tpu.region"() ({
      %run_scoped3A_14 = tpu.sem_alloc : memref<!tpu.dma_semaphore, #tpu.memory_space<semaphore_mem>>
      %dma_start3A = arith.constant 0 : i32
      %dma_start3A_15 = tpu.memref_slice %arg2[%run_scoped3A, %arg1, %multiple_of3A, %dma_start3A] : memref<2x16x160x125xi32, #tpu.memory_space<hbm>> -> memref<1x1x80x125xi32, #tpu.memory_space<hbm>>
      %dma_start3A_16 = tpu.memref_squeeze %dma_start3A_15 : memref<1x1x80x125xi32, #tpu.memory_space<hbm>> -> memref<80x125xi32, #tpu.memory_space<hbm>>
      %dma_start3A_17 = arith.constant 0 : i32
      %dma_start3A_18 = tpu.memref_slice %arg2[%run_scoped3A, %arg1, %multiple_of3A, %dma_start3A_17] : memref<2x16x160x125xi32, #tpu.memory_space<hbm>> -> memref<1x1x80x125xi32, #tpu.memory_space<hbm>>
      %dma_start3A_19 = tpu.memref_squeeze %dma_start3A_18 : memref<1x1x80x125xi32, #tpu.memory_space<hbm>> -> memref<80x125xi32, #tpu.memory_space<hbm>>
      tpu.enqueue_dma source(%dma_start3A_19 : memref<80x125xi32, #tpu.memory_space<hbm>>) target(%arg6 : memref<80x125xi32, #tpu.memory_space<vmem>>) target_semaphore(%run_scoped3A_14 : memref<!tpu.dma_semaphore, #tpu.memory_space<semaphore_mem>>)
      %dma_wait3A = arith.constant 0 : i32
      %dma_wait3A_20 = tpu.memref_slice %arg2[%run_scoped3A, %arg1, %multiple_of3A, %dma_wait3A] : memref<2x16x160x125xi32, #tpu.memory_space<hbm>> -> memref<1x1x80x125xi32, #tpu.memory_space<hbm>>
      %dma_wait3A_21 = tpu.memref_squeeze %dma_wait3A_20 : memref<1x1x80x125xi32, #tpu.memory_space<hbm>> -> memref<80x125xi32, #tpu.memory_space<hbm>>
      %dma_wait3A_22 = arith.constant 0 : i32
      %dma_wait3A_23 = tpu.memref_slice %arg2[%run_scoped3A, %arg1, %multiple_of3A, %dma_wait3A_22] : memref<2x16x160x125xi32, #tpu.memory_space<hbm>> -> memref<1x1x80x125xi32, #tpu.memory_space<hbm>>
      %dma_wait3A_24 = tpu.memref_squeeze %dma_wait3A_23 : memref<1x1x80x125xi32, #tpu.memory_space<hbm>> -> memref<80x125xi32, #tpu.memory_space<hbm>>
      tpu.wait_dma2 semaphore(%run_scoped3A_14 : memref<!tpu.dma_semaphore, #tpu.memory_space<semaphore_mem>>) src(%dma_wait3A_24 : memref<80x125xi32, #tpu.memory_space<hbm>>) dst(%arg6 : memref<80x125xi32, #tpu.memory_space<vmem>>)
      tpu.yield
    }) : () -> ()
    "tpu.region"() ({
      %run_scoped3A_14 = tpu.sem_alloc : memref<!tpu.dma_semaphore, #tpu.memory_space<semaphore_mem>>
      tpu.enqueue_dma source(%arg3 : memref<125x8xf32, #tpu.memory_space<hbm>>) target(%arg7 : memref<125x8xf32, #tpu.memory_space<vmem>>) target_semaphore(%run_scoped3A_14 : memref<!tpu.dma_semaphore, #tpu.memory_space<semaphore_mem>>)
      tpu.wait_dma2 semaphore(%run_scoped3A_14 : memref<!tpu.dma_semaphore, #tpu.memory_space<semaphore_mem>>) src(%arg3 : memref<125x8xf32, #tpu.memory_space<hbm>>) dst(%arg7 : memref<125x8xf32, #tpu.memory_space<vmem>>)
      tpu.yield
    }) : () -> ()
    %mul3A_1 = arith.constant 632 : i32
    %mul3A_2 = arith.muli %arg1, %mul3A_1 : i32
    %mul3A_3 = arith.constant 632 : i32
    %mul3A_4 = arith.muli %arg1, %mul3A_3 : i32
    "tpu.region"() ({
      %run_scoped3A_14 = tpu.sem_alloc : memref<!tpu.dma_semaphore, #tpu.memory_space<semaphore_mem>>
      %dma_start3A = arith.constant 0 : i32
      %dma_start3A_15 = tpu.memref_slice %arg9[%mul3A_4, %dma_start3A] : memref<10112x8xf32, #tpu.memory_space<vmem_shared>> -> memref<632x8xf32, #tpu.memory_space<vmem_shared>>
      %dma_start3A_16 = arith.constant 0 : i32
      %dma_start3A_17 = tpu.memref_slice %arg4[%mul3A_2, %dma_start3A_16] : memref<10112x8xf32, #tpu.memory_space<hbm>> -> memref<632x8xf32, #tpu.memory_space<hbm>>
      tpu.enqueue_dma source(%dma_start3A_17 : memref<632x8xf32, #tpu.memory_space<hbm>>) target(%dma_start3A_15 : memref<632x8xf32, #tpu.memory_space<vmem_shared>>) target_semaphore(%run_scoped3A_14 : memref<!tpu.dma_semaphore, #tpu.memory_space<semaphore_mem>>)
      %dma_wait3A = arith.constant 0 : i32
      %dma_wait3A_18 = tpu.memref_slice %arg9[%mul3A_4, %dma_wait3A] : memref<10112x8xf32, #tpu.memory_space<vmem_shared>> -> memref<632x8xf32, #tpu.memory_space<vmem_shared>>
      %dma_wait3A_19 = arith.constant 0 : i32
      %dma_wait3A_20 = tpu.memref_slice %arg4[%mul3A_2, %dma_wait3A_19] : memref<10112x8xf32, #tpu.memory_space<hbm>> -> memref<632x8xf32, #tpu.memory_space<hbm>>
      tpu.wait_dma2 semaphore(%run_scoped3A_14 : memref<!tpu.dma_semaphore, #tpu.memory_space<semaphore_mem>>) src(%dma_wait3A_20 : memref<632x8xf32, #tpu.memory_space<hbm>>) dst(%dma_wait3A_18 : memref<632x8xf32, #tpu.memory_space<vmem_shared>>)
      tpu.yield
    }) : () -> ()
    %barrier3A = arith.constant 0 : index
    tpu.barrier barrier_id(%barrier3A)
    %scan3A = arith.constant 0 : i32
    %scan3A_5 = arith.constant 10 : i32
    %scan3A_6 = arith.addi %scan3A, %scan3A_5 : i32
    %scan3A_7 = arith.constant 1 : i32
    scf.for %scan3A_14 = %scan3A to %scan3A_6 step %scan3A_7  : i32 {
      %mul3A_15 = arith.constant 8 : i32
      %mul3A_16 = arith.muli %scan3A_14, %mul3A_15 : i32
      %add3A = arith.constant 0 : i32
      %add3A_17 = arith.addi %add3A, %mul3A_16 : i32
      %add3A_18 = arith.constant 0 : i32
      %add3A_19 = arith.addi %add3A_17, %add3A_18 : i32
      %dma_start3A = arith.constant 0 : i32
      %dma_start3A_20 = tpu.memref_slice %arg6[%add3A_19, %dma_start3A] : memref<80x125xi32, #tpu.memory_space<vmem>> -> memref<1x125xi32, #tpu.memory_space<vmem>>
      %dma_start3A_21 = tpu.memref_squeeze %dma_start3A_20 : memref<1x125xi32, #tpu.memory_space<vmem>> -> memref<125xi32, #tpu.memory_space<vmem>>
      %dma_start3A_22 = arith.constant 0 : i32
      %dma_start3A_23 = arith.constant 0 : i32
      %dma_start3A_24 = tpu.memref_slice %arg9[%dma_start3A_22, %dma_start3A_23] : memref<10112x8xf32, #tpu.memory_space<vmem_shared>> -> memref<10112x8xf32, #tpu.memory_space<vmem_shared>>
      tpu.enqueue_indirect_dma source(%arg7 : memref<125x8xf32, #tpu.memory_space<vmem>>) target(%dma_start3A_24 : memref<10112x8xf32, #tpu.memory_space<vmem_shared>>) offsets(%dma_start3A_21 : memref<125xi32, #tpu.memory_space<vmem>>) semaphore(%arg8 : memref<!tpu.dma_semaphore, #tpu.memory_space<semaphore_mem>>) {add = true}
      %add3A_25 = arith.constant 1 : i32
      %add3A_26 = arith.addi %add3A_17, %add3A_25 : i32
      %dma_start3A_27 = arith.constant 0 : i32
      %dma_start3A_28 = tpu.memref_slice %arg6[%add3A_26, %dma_start3A_27] : memref<80x125xi32, #tpu.memory_space<vmem>> -> memref<1x125xi32, #tpu.memory_space<vmem>>
      %dma_start3A_29 = tpu.memref_squeeze %dma_start3A_28 : memref<1x125xi32, #tpu.memory_space<vmem>> -> memref<125xi32, #tpu.memory_space<vmem>>
      %dma_start3A_30 = arith.constant 0 : i32
      %dma_start3A_31 = arith.constant 0 : i32
      %dma_start3A_32 = tpu.memref_slice %arg9[%dma_start3A_30, %dma_start3A_31] : memref<10112x8xf32, #tpu.memory_space<vmem_shared>> -> memref<10112x8xf32, #tpu.memory_space<vmem_shared>>
      tpu.enqueue_indirect_dma source(%arg7 : memref<125x8xf32, #tpu.memory_space<vmem>>) target(%dma_start3A_32 : memref<10112x8xf32, #tpu.memory_space<vmem_shared>>) offsets(%dma_start3A_29 : memref<125xi32, #tpu.memory_space<vmem>>) semaphore(%arg8 : memref<!tpu.dma_semaphore, #tpu.memory_space<semaphore_mem>>) {add = true}
      %add3A_33 = arith.constant 2 : i32
      %add3A_34 = arith.addi %add3A_17, %add3A_33 : i32
      %dma_start3A_35 = arith.constant 0 : i32
      %dma_start3A_36 = tpu.memref_slice %arg6[%add3A_34, %dma_start3A_35] : memref<80x125xi32, #tpu.memory_space<vmem>> -> memref<1x125xi32, #tpu.memory_space<vmem>>
      %dma_start3A_37 = tpu.memref_squeeze %dma_start3A_36 : memref<1x125xi32, #tpu.memory_space<vmem>> -> memref<125xi32, #tpu.memory_space<vmem>>
      %dma_start3A_38 = arith.constant 0 : i32
      %dma_start3A_39 = arith.constant 0 : i32
      %dma_start3A_40 = tpu.memref_slice %arg9[%dma_start3A_38, %dma_start3A_39] : memref<10112x8xf32, #tpu.memory_space<vmem_shared>> -> memref<10112x8xf32, #tpu.memory_space<vmem_shared>>
      tpu.enqueue_indirect_dma source(%arg7 : memref<125x8xf32, #tpu.memory_space<vmem>>) target(%dma_start3A_40 : memref<10112x8xf32, #tpu.memory_space<vmem_shared>>) offsets(%dma_start3A_37 : memref<125xi32, #tpu.memory_space<vmem>>) semaphore(%arg8 : memref<!tpu.dma_semaphore, #tpu.memory_space<semaphore_mem>>) {add = true}
      %add3A_41 = arith.constant 3 : i32
      %add3A_42 = arith.addi %add3A_17, %add3A_41 : i32
      %dma_start3A_43 = arith.constant 0 : i32
      %dma_start3A_44 = tpu.memref_slice %arg6[%add3A_42, %dma_start3A_43] : memref<80x125xi32, #tpu.memory_space<vmem>> -> memref<1x125xi32, #tpu.memory_space<vmem>>
      %dma_start3A_45 = tpu.memref_squeeze %dma_start3A_44 : memref<1x125xi32, #tpu.memory_space<vmem>> -> memref<125xi32, #tpu.memory_space<vmem>>
      %dma_start3A_46 = arith.constant 0 : i32
      %dma_start3A_47 = arith.constant 0 : i32
      %dma_start3A_48 = tpu.memref_slice %arg9[%dma_start3A_46, %dma_start3A_47] : memref<10112x8xf32, #tpu.memory_space<vmem_shared>> -> memref<10112x8xf32, #tpu.memory_space<vmem_shared>>
      tpu.enqueue_indirect_dma source(%arg7 : memref<125x8xf32, #tpu.memory_space<vmem>>) target(%dma_start3A_48 : memref<10112x8xf32, #tpu.memory_space<vmem_shared>>) offsets(%dma_start3A_45 : memref<125xi32, #tpu.memory_space<vmem>>) semaphore(%arg8 : memref<!tpu.dma_semaphore, #tpu.memory_space<semaphore_mem>>) {add = true}
      %add3A_49 = arith.constant 4 : i32
      %add3A_50 = arith.addi %add3A_17, %add3A_49 : i32
      %dma_start3A_51 = arith.constant 0 : i32
      %dma_start3A_52 = tpu.memref_slice %arg6[%add3A_50, %dma_start3A_51] : memref<80x125xi32, #tpu.memory_space<vmem>> -> memref<1x125xi32, #tpu.memory_space<vmem>>
      %dma_start3A_53 = tpu.memref_squeeze %dma_start3A_52 : memref<1x125xi32, #tpu.memory_space<vmem>> -> memref<125xi32, #tpu.memory_space<vmem>>
      %dma_start3A_54 = arith.constant 0 : i32
      %dma_start3A_55 = arith.constant 0 : i32
      %dma_start3A_56 = tpu.memref_slice %arg9[%dma_start3A_54, %dma_start3A_55] : memref<10112x8xf32, #tpu.memory_space<vmem_shared>> -> memref<10112x8xf32, #tpu.memory_space<vmem_shared>>
      tpu.enqueue_indirect_dma source(%arg7 : memref<125x8xf32, #tpu.memory_space<vmem>>) target(%dma_start3A_56 : memref<10112x8xf32, #tpu.memory_space<vmem_shared>>) offsets(%dma_start3A_53 : memref<125xi32, #tpu.memory_space<vmem>>) semaphore(%arg8 : memref<!tpu.dma_semaphore, #tpu.memory_space<semaphore_mem>>) {add = true}
      %add3A_57 = arith.constant 5 : i32
      %add3A_58 = arith.addi %add3A_17, %add3A_57 : i32
      %dma_start3A_59 = arith.constant 0 : i32
      %dma_start3A_60 = tpu.memref_slice %arg6[%add3A_58, %dma_start3A_59] : memref<80x125xi32, #tpu.memory_space<vmem>> -> memref<1x125xi32, #tpu.memory_space<vmem>>
      %dma_start3A_61 = tpu.memref_squeeze %dma_start3A_60 : memref<1x125xi32, #tpu.memory_space<vmem>> -> memref<125xi32, #tpu.memory_space<vmem>>
      %dma_start3A_62 = arith.constant 0 : i32
      %dma_start3A_63 = arith.constant 0 : i32
      %dma_start3A_64 = tpu.memref_slice %arg9[%dma_start3A_62, %dma_start3A_63] : memref<10112x8xf32, #tpu.memory_space<vmem_shared>> -> memref<10112x8xf32, #tpu.memory_space<vmem_shared>>
      tpu.enqueue_indirect_dma source(%arg7 : memref<125x8xf32, #tpu.memory_space<vmem>>) target(%dma_start3A_64 : memref<10112x8xf32, #tpu.memory_space<vmem_shared>>) offsets(%dma_start3A_61 : memref<125xi32, #tpu.memory_space<vmem>>) semaphore(%arg8 : memref<!tpu.dma_semaphore, #tpu.memory_space<semaphore_mem>>) {add = true}
      %add3A_65 = arith.constant 6 : i32
      %add3A_66 = arith.addi %add3A_17, %add3A_65 : i32
      %dma_start3A_67 = arith.constant 0 : i32
      %dma_start3A_68 = tpu.memref_slice %arg6[%add3A_66, %dma_start3A_67] : memref<80x125xi32, #tpu.memory_space<vmem>> -> memref<1x125xi32, #tpu.memory_space<vmem>>
      %dma_start3A_69 = tpu.memref_squeeze %dma_start3A_68 : memref<1x125xi32, #tpu.memory_space<vmem>> -> memref<125xi32, #tpu.memory_space<vmem>>
      %dma_start3A_70 = arith.constant 0 : i32
      %dma_start3A_71 = arith.constant 0 : i32
      %dma_start3A_72 = tpu.memref_slice %arg9[%dma_start3A_70, %dma_start3A_71] : memref<10112x8xf32, #tpu.memory_space<vmem_shared>> -> memref<10112x8xf32, #tpu.memory_space<vmem_shared>>
      tpu.enqueue_indirect_dma source(%arg7 : memref<125x8xf32, #tpu.memory_space<vmem>>) target(%dma_start3A_72 : memref<10112x8xf32, #tpu.memory_space<vmem_shared>>) offsets(%dma_start3A_69 : memref<125xi32, #tpu.memory_space<vmem>>) semaphore(%arg8 : memref<!tpu.dma_semaphore, #tpu.memory_space<semaphore_mem>>) {add = true}
      %add3A_73 = arith.constant 7 : i32
      %add3A_74 = arith.addi %add3A_17, %add3A_73 : i32
      %dma_start3A_75 = arith.constant 0 : i32
      %dma_start3A_76 = tpu.memref_slice %arg6[%add3A_74, %dma_start3A_75] : memref<80x125xi32, #tpu.memory_space<vmem>> -> memref<1x125xi32, #tpu.memory_space<vmem>>
      %dma_start3A_77 = tpu.memref_squeeze %dma_start3A_76 : memref<1x125xi32, #tpu.memory_space<vmem>> -> memref<125xi32, #tpu.memory_space<vmem>>
      %dma_start3A_78 = arith.constant 0 : i32
      %dma_start3A_79 = arith.constant 0 : i32
      %dma_start3A_80 = tpu.memref_slice %arg9[%dma_start3A_78, %dma_start3A_79] : memref<10112x8xf32, #tpu.memory_space<vmem_shared>> -> memref<10112x8xf32, #tpu.memory_space<vmem_shared>>
      tpu.enqueue_indirect_dma source(%arg7 : memref<125x8xf32, #tpu.memory_space<vmem>>) target(%dma_start3A_80 : memref<10112x8xf32, #tpu.memory_space<vmem_shared>>) offsets(%dma_start3A_77 : memref<125xi32, #tpu.memory_space<vmem>>) semaphore(%arg8 : memref<!tpu.dma_semaphore, #tpu.memory_space<semaphore_mem>>) {add = true}
      %add3A_81 = arith.constant 0 : i32
      %add3A_82 = arith.addi %add3A_17, %add3A_81 : i32
      %dma_wait3A = arith.constant 0 : i32
      %dma_wait3A_83 = tpu.memref_slice %arg6[%add3A_82, %dma_wait3A] : memref<80x125xi32, #tpu.memory_space<vmem>> -> memref<1x125xi32, #tpu.memory_space<vmem>>
      %dma_wait3A_84 = tpu.memref_squeeze %dma_wait3A_83 : memref<1x125xi32, #tpu.memory_space<vmem>> -> memref<125xi32, #tpu.memory_space<vmem>>
      %dma_wait3A_85 = arith.constant 0 : i32
      %dma_wait3A_86 = arith.constant 0 : i32
      %dma_wait3A_87 = tpu.memref_slice %arg9[%dma_wait3A_85, %dma_wait3A_86] : memref<10112x8xf32, #tpu.memory_space<vmem_shared>> -> memref<10112x8xf32, #tpu.memory_space<vmem_shared>>
      tpu.wait_indirect_dma semaphore(%arg8 : memref<!tpu.dma_semaphore, #tpu.memory_space<semaphore_mem>>) src(%arg7 : memref<125x8xf32, #tpu.memory_space<vmem>>) dst(%dma_wait3A_87 : memref<10112x8xf32, #tpu.memory_space<vmem_shared>>)
      %add3A_88 = arith.constant 1 : i32
      %add3A_89 = arith.addi %add3A_17, %add3A_88 : i32
      %dma_wait3A_90 = arith.constant 0 : i32
      %dma_wait3A_91 = tpu.memref_slice %arg6[%add3A_89, %dma_wait3A_90] : memref<80x125xi32, #tpu.memory_space<vmem>> -> memref<1x125xi32, #tpu.memory_space<vmem>>
      %dma_wait3A_92 = tpu.memref_squeeze %dma_wait3A_91 : memref<1x125xi32, #tpu.memory_space<vmem>> -> memref<125xi32, #tpu.memory_space<vmem>>
      %dma_wait3A_93 = arith.constant 0 : i32
      %dma_wait3A_94 = arith.constant 0 : i32
      %dma_wait3A_95 = tpu.memref_slice %arg9[%dma_wait3A_93, %dma_wait3A_94] : memref<10112x8xf32, #tpu.memory_space<vmem_shared>> -> memref<10112x8xf32, #tpu.memory_space<vmem_shared>>
      tpu.wait_indirect_dma semaphore(%arg8 : memref<!tpu.dma_semaphore, #tpu.memory_space<semaphore_mem>>) src(%arg7 : memref<125x8xf32, #tpu.memory_space<vmem>>) dst(%dma_wait3A_95 : memref<10112x8xf32, #tpu.memory_space<vmem_shared>>)
      %add3A_96 = arith.constant 2 : i32
      %add3A_97 = arith.addi %add3A_17, %add3A_96 : i32
      %dma_wait3A_98 = arith.constant 0 : i32
      %dma_wait3A_99 = tpu.memref_slice %arg6[%add3A_97, %dma_wait3A_98] : memref<80x125xi32, #tpu.memory_space<vmem>> -> memref<1x125xi32, #tpu.memory_space<vmem>>
      %dma_wait3A_100 = tpu.memref_squeeze %dma_wait3A_99 : memref<1x125xi32, #tpu.memory_space<vmem>> -> memref<125xi32, #tpu.memory_space<vmem>>
      %dma_wait3A_101 = arith.constant 0 : i32
      %dma_wait3A_102 = arith.constant 0 : i32
      %dma_wait3A_103 = tpu.memref_slice %arg9[%dma_wait3A_101, %dma_wait3A_102] : memref<10112x8xf32, #tpu.memory_space<vmem_shared>> -> memref<10112x8xf32, #tpu.memory_space<vmem_shared>>
      tpu.wait_indirect_dma semaphore(%arg8 : memref<!tpu.dma_semaphore, #tpu.memory_space<semaphore_mem>>) src(%arg7 : memref<125x8xf32, #tpu.memory_space<vmem>>) dst(%dma_wait3A_103 : memref<10112x8xf32, #tpu.memory_space<vmem_shared>>)
      %add3A_104 = arith.constant 3 : i32
      %add3A_105 = arith.addi %add3A_17, %add3A_104 : i32
      %dma_wait3A_106 = arith.constant 0 : i32
      %dma_wait3A_107 = tpu.memref_slice %arg6[%add3A_105, %dma_wait3A_106] : memref<80x125xi32, #tpu.memory_space<vmem>> -> memref<1x125xi32, #tpu.memory_space<vmem>>
      %dma_wait3A_108 = tpu.memref_squeeze %dma_wait3A_107 : memref<1x125xi32, #tpu.memory_space<vmem>> -> memref<125xi32, #tpu.memory_space<vmem>>
      %dma_wait3A_109 = arith.constant 0 : i32
      %dma_wait3A_110 = arith.constant 0 : i32
      %dma_wait3A_111 = tpu.memref_slice %arg9[%dma_wait3A_109, %dma_wait3A_110] : memref<10112x8xf32, #tpu.memory_space<vmem_shared>> -> memref<10112x8xf32, #tpu.memory_space<vmem_shared>>
      tpu.wait_indirect_dma semaphore(%arg8 : memref<!tpu.dma_semaphore, #tpu.memory_space<semaphore_mem>>) src(%arg7 : memref<125x8xf32, #tpu.memory_space<vmem>>) dst(%dma_wait3A_111 : memref<10112x8xf32, #tpu.memory_space<vmem_shared>>)
      %add3A_112 = arith.constant 4 : i32
      %add3A_113 = arith.addi %add3A_17, %add3A_112 : i32
      %dma_wait3A_114 = arith.constant 0 : i32
      %dma_wait3A_115 = tpu.memref_slice %arg6[%add3A_113, %dma_wait3A_114] : memref<80x125xi32, #tpu.memory_space<vmem>> -> memref<1x125xi32, #tpu.memory_space<vmem>>
      %dma_wait3A_116 = tpu.memref_squeeze %dma_wait3A_115 : memref<1x125xi32, #tpu.memory_space<vmem>> -> memref<125xi32, #tpu.memory_space<vmem>>
      %dma_wait3A_117 = arith.constant 0 : i32
      %dma_wait3A_118 = arith.constant 0 : i32
      %dma_wait3A_119 = tpu.memref_slice %arg9[%dma_wait3A_117, %dma_wait3A_118] : memref<10112x8xf32, #tpu.memory_space<vmem_shared>> -> memref<10112x8xf32, #tpu.memory_space<vmem_shared>>
      tpu.wait_indirect_dma semaphore(%arg8 : memref<!tpu.dma_semaphore, #tpu.memory_space<semaphore_mem>>) src(%arg7 : memref<125x8xf32, #tpu.memory_space<vmem>>) dst(%dma_wait3A_119 : memref<10112x8xf32, #tpu.memory_space<vmem_shared>>)
      %add3A_120 = arith.constant 5 : i32
      %add3A_121 = arith.addi %add3A_17, %add3A_120 : i32
      %dma_wait3A_122 = arith.constant 0 : i32
      %dma_wait3A_123 = tpu.memref_slice %arg6[%add3A_121, %dma_wait3A_122] : memref<80x125xi32, #tpu.memory_space<vmem>> -> memref<1x125xi32, #tpu.memory_space<vmem>>
      %dma_wait3A_124 = tpu.memref_squeeze %dma_wait3A_123 : memref<1x125xi32, #tpu.memory_space<vmem>> -> memref<125xi32, #tpu.memory_space<vmem>>
      %dma_wait3A_125 = arith.constant 0 : i32
      %dma_wait3A_126 = arith.constant 0 : i32
      %dma_wait3A_127 = tpu.memref_slice %arg9[%dma_wait3A_125, %dma_wait3A_126] : memref<10112x8xf32, #tpu.memory_space<vmem_shared>> -> memref<10112x8xf32, #tpu.memory_space<vmem_shared>>
      tpu.wait_indirect_dma semaphore(%arg8 : memref<!tpu.dma_semaphore, #tpu.memory_space<semaphore_mem>>) src(%arg7 : memref<125x8xf32, #tpu.memory_space<vmem>>) dst(%dma_wait3A_127 : memref<10112x8xf32, #tpu.memory_space<vmem_shared>>)
      %add3A_128 = arith.constant 6 : i32
      %add3A_129 = arith.addi %add3A_17, %add3A_128 : i32
      %dma_wait3A_130 = arith.constant 0 : i32
      %dma_wait3A_131 = tpu.memref_slice %arg6[%add3A_129, %dma_wait3A_130] : memref<80x125xi32, #tpu.memory_space<vmem>> -> memref<1x125xi32, #tpu.memory_space<vmem>>
      %dma_wait3A_132 = tpu.memref_squeeze %dma_wait3A_131 : memref<1x125xi32, #tpu.memory_space<vmem>> -> memref<125xi32, #tpu.memory_space<vmem>>
      %dma_wait3A_133 = arith.constant 0 : i32
      %dma_wait3A_134 = arith.constant 0 : i32
      %dma_wait3A_135 = tpu.memref_slice %arg9[%dma_wait3A_133, %dma_wait3A_134] : memref<10112x8xf32, #tpu.memory_space<vmem_shared>> -> memref<10112x8xf32, #tpu.memory_space<vmem_shared>>
      tpu.wait_indirect_dma semaphore(%arg8 : memref<!tpu.dma_semaphore, #tpu.memory_space<semaphore_mem>>) src(%arg7 : memref<125x8xf32, #tpu.memory_space<vmem>>) dst(%dma_wait3A_135 : memref<10112x8xf32, #tpu.memory_space<vmem_shared>>)
      %add3A_136 = arith.constant 7 : i32
      %add3A_137 = arith.addi %add3A_17, %add3A_136 : i32
      %dma_wait3A_138 = arith.constant 0 : i32
      %dma_wait3A_139 = tpu.memref_slice %arg6[%add3A_137, %dma_wait3A_138] : memref<80x125xi32, #tpu.memory_space<vmem>> -> memref<1x125xi32, #tpu.memory_space<vmem>>
      %dma_wait3A_140 = tpu.memref_squeeze %dma_wait3A_139 : memref<1x125xi32, #tpu.memory_space<vmem>> -> memref<125xi32, #tpu.memory_space<vmem>>
      %dma_wait3A_141 = arith.constant 0 : i32
      %dma_wait3A_142 = arith.constant 0 : i32
      %dma_wait3A_143 = tpu.memref_slice %arg9[%dma_wait3A_141, %dma_wait3A_142] : memref<10112x8xf32, #tpu.memory_space<vmem_shared>> -> memref<10112x8xf32, #tpu.memory_space<vmem_shared>>
      tpu.wait_indirect_dma semaphore(%arg8 : memref<!tpu.dma_semaphore, #tpu.memory_space<semaphore_mem>>) src(%arg7 : memref<125x8xf32, #tpu.memory_space<vmem>>) dst(%dma_wait3A_143 : memref<10112x8xf32, #tpu.memory_space<vmem_shared>>)
    }
    %scan3A_8 = arith.constant 10 : i32
    %barrier3A_9 = arith.constant 0 : index
    tpu.barrier barrier_id(%barrier3A_9)
    %mul3A_10 = arith.constant 632 : i32
    %mul3A_11 = arith.muli %arg1, %mul3A_10 : i32
    %mul3A_12 = arith.constant 632 : i32
    %mul3A_13 = arith.muli %arg1, %mul3A_12 : i32
    "tpu.region"() ({
      %run_scoped3A_14 = tpu.sem_alloc : memref<!tpu.dma_semaphore, #tpu.memory_space<semaphore_mem>>
      %dma_start3A = arith.constant 0 : i32
      %dma_start3A_15 = tpu.memref_slice %arg5[%arg0, %mul3A_13, %dma_start3A] : memref<2x10112x8xf32, #tpu.memory_space<hbm>> -> memref<1x632x8xf32, #tpu.memory_space<hbm>>
      %dma_start3A_16 = tpu.memref_squeeze %dma_start3A_15 : memref<1x632x8xf32, #tpu.memory_space<hbm>> -> memref<632x8xf32, #tpu.memory_space<hbm>>
      %dma_start3A_17 = arith.constant 0 : i32
      %dma_start3A_18 = tpu.memref_slice %arg9[%mul3A_11, %dma_start3A_17] : memref<10112x8xf32, #tpu.memory_space<vmem_shared>> -> memref<632x8xf32, #tpu.memory_space<vmem_shared>>
      tpu.enqueue_dma source(%dma_start3A_18 : memref<632x8xf32, #tpu.memory_space<vmem_shared>>) target(%dma_start3A_16 : memref<632x8xf32, #tpu.memory_space<hbm>>) target_semaphore(%run_scoped3A_14 : memref<!tpu.dma_semaphore, #tpu.memory_space<semaphore_mem>>)
      %dma_wait3A = arith.constant 0 : i32
      %dma_wait3A_19 = tpu.memref_slice %arg5[%arg0, %mul3A_13, %dma_wait3A] : memref<2x10112x8xf32, #tpu.memory_space<hbm>> -> memref<1x632x8xf32, #tpu.memory_space<hbm>>
      %dma_wait3A_20 = tpu.memref_squeeze %dma_wait3A_19 : memref<1x632x8xf32, #tpu.memory_space<hbm>> -> memref<632x8xf32, #tpu.memory_space<hbm>>
      %dma_wait3A_21 = arith.constant 0 : i32
      %dma_wait3A_22 = tpu.memref_slice %arg9[%mul3A_11, %dma_wait3A_21] : memref<10112x8xf32, #tpu.memory_space<vmem_shared>> -> memref<632x8xf32, #tpu.memory_space<vmem_shared>>
      tpu.wait_dma2 semaphore(%run_scoped3A_14 : memref<!tpu.dma_semaphore, #tpu.memory_space<semaphore_mem>>) src(%dma_wait3A_22 : memref<632x8xf32, #tpu.memory_space<vmem_shared>>) dst(%dma_wait3A_20 : memref<632x8xf32, #tpu.memory_space<hbm>>)
      tpu.yield
    }) : () -> ()
    return
  }
}

module attributes {stable_mosaic.version = 14 : i64} {
  func.func @_tc1a_body(%arg0: memref<10000x128xf32, #tpu.memory_space<vmem>>, %arg1: memref<128x64xf32, #tpu.memory_space<vmem>>, %arg2: memref<10112x64xf32, #tpu.memory_space<vmem>>) attributes {dimension_semantics = [], scalar_prefetch = 0 : i64, scratch_operands = 0 : i64, tpu.core_type = #tpu.core_type<tc>} {
    %get3A = arith.constant 0 : index
    %get3A_0 = arith.constant 0 : index
    %get3A_1 = vector.load %arg0[%get3A, %get3A_0] : memref<10000x128xf32, #tpu.memory_space<vmem>>, vector<10000x128xf32>
    %get3A_2 = arith.constant 0 : index
    %get3A_3 = arith.constant 0 : index
    %get3A_4 = vector.load %arg1[%get3A_2, %get3A_3] : memref<128x64xf32, #tpu.memory_space<vmem>>, vector<128x64xf32>
    %dot_general3A = arith.constant dense<0.000000e+00> : vector<10000x64xf32>
    %dot_general3A_5 = tpu.matmul %get3A_1, %get3A_4, %dot_general3A {dimension_numbers = #tpu.dot_dimension_numbers<[1], [0], [0], [1], [0, 0, 1, 1], [], []>, transpose_lhs_hint = false} : vector<10000x128xf32>, vector<128x64xf32>, vector<10000x64xf32> -> vector<10000x64xf32>
    %swap3A = arith.constant 0 : index
    %swap3A_6 = arith.constant 0 : index
    %swap3A_7 = vector.load %arg2[%swap3A, %swap3A_6] : memref<10112x64xf32, #tpu.memory_space<vmem>>, vector<10000x64xf32>
    tpu.vector_store %arg2[%swap3A, %swap3A_6], %dot_general3A_5 {strides = array<i32>} : memref<10112x64xf32, #tpu.memory_space<vmem>>, vector<10000x64xf32>,
    return
  }
}

module attributes {stable_mosaic.version = 14 : i64} {
  func.func @_tc1_body(%arg0: i32, %arg1: memref<1264x64xf32, #tpu.memory_space<vmem>>, %arg2: memref<2x1264x8xf32, #tpu.memory_space<vmem>>, %arg3: memref<2x1264x32xf32, #tpu.memory_space<vmem>>, %arg4: memref<1264x32xf32, #tpu.memory_space<vmem>>) attributes {dimension_semantics = [#tpu.dimension_semantics<arbitrary>], iteration_bounds = array<i64: 8>, scalar_prefetch = 0 : i64, scratch_operands = 0 : i64, tpu.core_type = #tpu.core_type<tc>, window_params = [{transform_indices = @transform_0, window_bounds = array<i64: 1264, 64>}, {transform_indices = @transform_1, window_bounds = array<i64: 2, 1264, 8>}, {transform_indices = @transform_2, window_bounds = array<i64: 2, 1264, 32>}, {transform_indices = @transform_3, window_bounds = array<i64: 1264, 32>}]} {
    %get3A = arith.constant 0 : index
    %get3A_0 = arith.constant 0 : index
    %get3A_1 = arith.constant 0 : index
    %get3A_2 = vector.load %arg2[%get3A, %get3A_0, %get3A_1] : memref<2x1264x8xf32, #tpu.memory_space<vmem>>, vector<1x1264x1xf32>
    %get3A_3 = vector.shape_cast %get3A_2 : vector<1x1264x1xf32> to vector<1264x1xf32>
    %get3A_4 = arith.constant 1 : index
    %get3A_5 = arith.constant 0 : index
    %get3A_6 = arith.constant 0 : index
    %get3A_7 = vector.load %arg2[%get3A_4, %get3A_5, %get3A_6] : memref<2x1264x8xf32, #tpu.memory_space<vmem>>, vector<1x1264x1xf32>
    %get3A_8 = vector.shape_cast %get3A_7 : vector<1x1264x1xf32> to vector<1264x1xf32>
    %add3A = arith.addf %get3A_3, %get3A_8 : vector<1264x1xf32>
    %add3A_9 = arith.constant 1.000000e+00 : f32
    %add3A_10 = vector.broadcast %add3A_9 : f32 to vector<1264x1xf32>
    %add3A_11 = arith.addf %add3A, %add3A_10 : vector<1264x1xf32>
    %rsqrt3A = math.rsqrt %add3A_11 : vector<1264x1xf32>
    %get3A_12 = arith.constant 0 : index
    %get3A_13 = arith.constant 0 : index
    %get3A_14 = vector.load %arg1[%get3A_12, %get3A_13] : memref<1264x64xf32, #tpu.memory_space<vmem>>, vector<1264x64xf32>
    %mul3A = vector.broadcast %rsqrt3A : vector<1264x1xf32> to vector<1264x64xf32>
    %mul3A_15 = arith.mulf %get3A_14, %mul3A : vector<1264x64xf32>
    %slice3A = vector.extract_strided_slice %mul3A_15 {offsets = [0, 0], sizes = [1264, 32], strides = [1, 1]} : vector<1264x64xf32> to vector<1264x32xf32>
    %swap3A = arith.constant 0 : index
    %swap3A_16 = arith.constant 0 : index
    %swap3A_17 = arith.constant 0 : index
    %swap3A_18 = vector.load %arg3[%swap3A, %swap3A_16, %swap3A_17] : memref<2x1264x32xf32, #tpu.memory_space<vmem>>, vector<1x1264x32xf32>
    %swap3A_19 = vector.shape_cast %swap3A_18 : vector<1x1264x32xf32> to vector<1264x32xf32>
    %swap3A_20 = vector.shape_cast %slice3A : vector<1264x32xf32> to vector<1x1264x32xf32>
    tpu.vector_store %arg3[%swap3A, %swap3A_16, %swap3A_17], %swap3A_20 {strides = array<i32>} : memref<2x1264x32xf32, #tpu.memory_space<vmem>>, vector<1x1264x32xf32>,
    %slice3A_21 = vector.extract_strided_slice %mul3A_15 {offsets = [0, 32], sizes = [1264, 32], strides = [1, 1]} : vector<1264x64xf32> to vector<1264x32xf32>
    %swap3A_22 = arith.constant 1 : index
    %swap3A_23 = arith.constant 0 : index
    %swap3A_24 = arith.constant 0 : index
    %swap3A_25 = vector.load %arg3[%swap3A_22, %swap3A_23, %swap3A_24] : memref<2x1264x32xf32, #tpu.memory_space<vmem>>, vector<1x1264x32xf32>
    %swap3A_26 = vector.shape_cast %swap3A_25 : vector<1x1264x32xf32> to vector<1264x32xf32>
    %swap3A_27 = vector.shape_cast %slice3A_21 : vector<1264x32xf32> to vector<1x1264x32xf32>
    tpu.vector_store %arg3[%swap3A_22, %swap3A_23, %swap3A_24], %swap3A_27 {strides = array<i32>} : memref<2x1264x32xf32, #tpu.memory_space<vmem>>, vector<1x1264x32xf32>,
    %broadcast_in_dim3A = vector.shape_cast %rsqrt3A : vector<1264x1xf32> to vector<1264x1xf32>
    %broadcast_in_dim3A_28 = vector.broadcast %broadcast_in_dim3A : vector<1264x1xf32> to vector<1264x32xf32>
    %swap3A_29 = arith.constant 0 : index
    %swap3A_30 = arith.constant 0 : index
    %swap3A_31 = vector.load %arg4[%swap3A_29, %swap3A_30] : memref<1264x32xf32, #tpu.memory_space<vmem>>, vector<1264x32xf32>
    tpu.vector_store %arg4[%swap3A_29, %swap3A_30], %broadcast_in_dim3A_28 {strides = array<i32>} : memref<1264x32xf32, #tpu.memory_space<vmem>>, vector<1264x32xf32>,
    return
  }
  func.func @transform_0(%arg0: i32) -> (i32, i32) {
    %c0_i32 = arith.constant 0 : i32
    %c0_i32_0 = arith.constant 0 : i32
    return %arg0, %c0_i32 : i32, i32
  }
  func.func @transform_1(%arg0: i32) -> (i32, i32, i32) {
    %c0_i32 = arith.constant 0 : i32
    %c0_i32_0 = arith.constant 0 : i32
    %c0_i32_1 = arith.constant 0 : i32
    return %c0_i32, %arg0, %c0_i32_0 : i32, i32, i32
  }
  func.func @transform_2(%arg0: i32) -> (i32, i32, i32) {
    %c0_i32 = arith.constant 0 : i32
    %c0_i32_0 = arith.constant 0 : i32
    %c0_i32_1 = arith.constant 0 : i32
    return %c0_i32, %arg0, %c0_i32_0 : i32, i32, i32
  }
  func.func @transform_3(%arg0: i32) -> (i32, i32) {
    %c0_i32 = arith.constant 0 : i32
    %c0_i32_0 = arith.constant 0 : i32
    return %arg0, %c0_i32 : i32, i32
  }
}

module attributes {stable_mosaic.version = 14 : i64} {
  func.func @_tc3_body(%arg0: i32, %arg1: memref<2x1264x32xf32, #tpu.memory_space<vmem>>, %arg2: memref<2x1264x32xf32, #tpu.memory_space<vmem>>, %arg3: memref<1264x32xf32, #tpu.memory_space<vmem>>, %arg4: memref<64xf32, #tpu.memory_space<vmem>>, %arg5: memref<64x64xf32, #tpu.memory_space<vmem>>, %arg6: memref<1264x72xf32, #tpu.memory_space<vmem>>) attributes {dimension_semantics = [#tpu.dimension_semantics<arbitrary>], iteration_bounds = array<i64: 8>, scalar_prefetch = 0 : i64, scratch_operands = 0 : i64, tpu.core_type = #tpu.core_type<tc>, window_params = [{transform_indices = @transform_0, window_bounds = array<i64: 2, 1264, 32>}, {transform_indices = @transform_1, window_bounds = array<i64: 2, 1264, 32>}, {transform_indices = @transform_2, window_bounds = array<i64: 1264, 32>}, {pipeline_mode = #tpu.pipeline_mode<synchronous>, transform_indices = @transform_3, window_bounds = array<i64: 64>}, {pipeline_mode = #tpu.pipeline_mode<synchronous>, transform_indices = @transform_4, window_bounds = array<i64: 64, 64>}, {transform_indices = @transform_5, window_bounds = array<i64: 1264, 72>}]} {
    %get3A = arith.constant 0 : index
    %get3A_0 = arith.constant 0 : index
    %get3A_1 = vector.load %arg3[%get3A, %get3A_0] : memref<1264x32xf32, #tpu.memory_space<vmem>>, vector<1264x1xf32>
    %get3A_2 = arith.constant 0 : index
    %get3A_3 = arith.constant 0 : index
    %get3A_4 = arith.constant 0 : index
    %get3A_5 = vector.load %arg1[%get3A_2, %get3A_3, %get3A_4] : memref<2x1264x32xf32, #tpu.memory_space<vmem>>, vector<1x1264x32xf32>
    %get3A_6 = vector.shape_cast %get3A_5 : vector<1x1264x32xf32> to vector<1264x32xf32>
    %get3A_7 = arith.constant 0 : index
    %get3A_8 = arith.constant 0 : index
    %get3A_9 = arith.constant 0 : index
    %get3A_10 = vector.load %arg2[%get3A_7, %get3A_8, %get3A_9] : memref<2x1264x32xf32, #tpu.memory_space<vmem>>, vector<1x1264x32xf32>
    %get3A_11 = vector.shape_cast %get3A_10 : vector<1x1264x32xf32> to vector<1264x32xf32>
    %add3A = arith.addf %get3A_6, %get3A_11 : vector<1264x32xf32>
    %get3A_12 = arith.constant 1 : index
    %get3A_13 = arith.constant 0 : index
    %get3A_14 = arith.constant 0 : index
    %get3A_15 = vector.load %arg1[%get3A_12, %get3A_13, %get3A_14] : memref<2x1264x32xf32, #tpu.memory_space<vmem>>, vector<1x1264x32xf32>
    %get3A_16 = vector.shape_cast %get3A_15 : vector<1x1264x32xf32> to vector<1264x32xf32>
    %get3A_17 = arith.constant 1 : index
    %get3A_18 = arith.constant 0 : index
    %get3A_19 = arith.constant 0 : index
    %get3A_20 = vector.load %arg2[%get3A_17, %get3A_18, %get3A_19] : memref<2x1264x32xf32, #tpu.memory_space<vmem>>, vector<1x1264x32xf32>
    %get3A_21 = vector.shape_cast %get3A_20 : vector<1x1264x32xf32> to vector<1264x32xf32>
    %add3A_22 = arith.addf %get3A_16, %get3A_21 : vector<1264x32xf32>
    %get3A_23 = arith.constant 0 : index
    %get3A_24 = arith.constant 0 : index
    %get3A_25 = vector.load %arg5[%get3A_23, %get3A_24] : memref<64x64xf32, #tpu.memory_space<vmem>>, vector<32x64xf32>
    %dot_general3A = arith.constant dense<0.000000e+00> : vector<1264x64xf32>
    %dot_general3A_26 = tpu.matmul %add3A, %get3A_25, %dot_general3A {dimension_numbers = #tpu.dot_dimension_numbers<[1], [0], [0], [1], [0, 0, 1, 1], [], []>, transpose_lhs_hint = false} : vector<1264x32xf32>, vector<32x64xf32>, vector<1264x64xf32> -> vector<1264x64xf32>
    %get3A_27 = arith.constant 32 : index
    %get3A_28 = arith.constant 0 : index
    %get3A_29 = vector.load %arg5[%get3A_27, %get3A_28] : memref<64x64xf32, #tpu.memory_space<vmem>>, vector<32x64xf32>
    %dot_general3A_30 = arith.constant dense<0.000000e+00> : vector<1264x64xf32>
    %dot_general3A_31 = tpu.matmul %add3A_22, %get3A_29, %dot_general3A_30 {dimension_numbers = #tpu.dot_dimension_numbers<[1], [0], [0], [1], [0, 0, 1, 1], [], []>, transpose_lhs_hint = false} : vector<1264x32xf32>, vector<32x64xf32>, vector<1264x64xf32> -> vector<1264x64xf32>
    %add3A_32 = arith.addf %dot_general3A_26, %dot_general3A_31 : vector<1264x64xf32>
    %mul3A = vector.broadcast %get3A_1 : vector<1264x1xf32> to vector<1264x64xf32>
    %mul3A_33 = arith.mulf %mul3A, %add3A_32 : vector<1264x64xf32>
    %get3A_34 = arith.constant 0 : index
    %get3A_35 = vector.load %arg4[%get3A_34] : memref<64xf32, #tpu.memory_space<vmem>>, vector<64xf32>
    %broadcast_in_dim3A = vector.shape_cast %get3A_35 : vector<64xf32> to vector<1x64xf32>
    %add3A_36 = vector.broadcast %broadcast_in_dim3A : vector<1x64xf32> to vector<1264x64xf32>
    %add3A_37 = arith.addf %mul3A_33, %add3A_36 : vector<1264x64xf32>
    %mul3A_38 = arith.mulf %add3A_37, %add3A_37 : vector<1264x64xf32>
    %reduce_sum3A = arith.constant dense<0.000000e+00> : vector<1264xf32>
    %reduce_sum3A_39 = vector.multi_reduction <add>, %mul3A_38, %reduce_sum3A [1] : vector<1264x64xf32> to vector<1264xf32>
    %broadcast_in_dim3A_40 = vector.shape_cast %reduce_sum3A_39 : vector<1264xf32> to vector<1264x1xf32>
    %swap3A = arith.constant 0 : index
    %swap3A_41 = arith.constant 0 : index
    %swap3A_42 = vector.load %arg6[%swap3A, %swap3A_41] : memref<1264x72xf32, #tpu.memory_space<vmem>>, vector<1264x64xf32>
    tpu.vector_store %arg6[%swap3A, %swap3A_41], %add3A_37 {strides = array<i32>} : memref<1264x72xf32, #tpu.memory_space<vmem>>, vector<1264x64xf32>,
    %swap3A_43 = arith.constant 0 : index
    %swap3A_44 = arith.constant 64 : index
    %swap3A_45 = vector.load %arg6[%swap3A_43, %swap3A_44] : memref<1264x72xf32, #tpu.memory_space<vmem>>, vector<1264x1xf32>
    tpu.vector_store %arg6[%swap3A_43, %swap3A_44], %broadcast_in_dim3A_40 {strides = array<i32>} : memref<1264x72xf32, #tpu.memory_space<vmem>>, vector<1264x1xf32>,
    %broadcast_in_dim3A_46 = arith.constant 0.000000e+00 : f32
    %broadcast_in_dim3A_47 = vector.broadcast %broadcast_in_dim3A_46 : f32 to vector<1264x7xf32>
    %swap3A_48 = arith.constant 0 : index
    %swap3A_49 = arith.constant 65 : index
    %swap3A_50 = vector.load %arg6[%swap3A_48, %swap3A_49] : memref<1264x72xf32, #tpu.memory_space<vmem>>, vector<1264x7xf32>
    tpu.vector_store %arg6[%swap3A_48, %swap3A_49], %broadcast_in_dim3A_47 {strides = array<i32>} : memref<1264x72xf32, #tpu.memory_space<vmem>>, vector<1264x7xf32>,
    return
  }
  func.func @transform_0(%arg0: i32) -> (i32, i32, i32) {
    %c0_i32 = arith.constant 0 : i32
    %c0_i32_0 = arith.constant 0 : i32
    %c0_i32_1 = arith.constant 0 : i32
    return %c0_i32, %arg0, %c0_i32_0 : i32, i32, i32
  }
  func.func @transform_1(%arg0: i32) -> (i32, i32, i32) {
    %c0_i32 = arith.constant 0 : i32
    %c0_i32_0 = arith.constant 0 : i32
    %c0_i32_1 = arith.constant 0 : i32
    return %c0_i32, %arg0, %c0_i32_0 : i32, i32, i32
  }
  func.func @transform_2(%arg0: i32) -> (i32, i32) {
    %c0_i32 = arith.constant 0 : i32
    %c0_i32_0 = arith.constant 0 : i32
    return %arg0, %c0_i32 : i32, i32
  }
  func.func @transform_3(%arg0: i32) -> i32 {
    %c0_i32 = arith.constant 0 : i32
    %c0_i32_0 = arith.constant 0 : i32
    return %c0_i32 : i32
  }
  func.func @transform_4(%arg0: i32) -> (i32, i32) {
    %c0_i32 = arith.constant 0 : i32
    %c0_i32_0 = arith.constant 0 : i32
    %c0_i32_1 = arith.constant 0 : i32
    return %c0_i32, %c0_i32_0 : i32, i32
  }
  func.func @transform_5(%arg0: i32) -> (i32, i32) {
    %c0_i32 = arith.constant 0 : i32
    %c0_i32_0 = arith.constant 0 : i32
    return %arg0, %c0_i32 : i32, i32
  }
}

module attributes {stable_mosaic.version = 14 : i64} {
  func.func @_tc4_body(%arg0: i32, %arg1: memref<2x1264x72xf32, #tpu.memory_space<vmem>>, %arg2: memref<1264x72xf32, #tpu.memory_space<vmem>>, %arg3: memref<1264x32xf32, #tpu.memory_space<vmem>>, %arg4: memref<16x100xf32, #tpu.memory_space<vmem>>, %arg5: memref<16x10x64xf32, #tpu.memory_space<vmem>>, %arg6: memref<80x40xf32, #tpu.memory_space<vmem>>, %arg7: memref<40xf32, #tpu.memory_space<vmem>>, %arg8: memref<1264x40xf32, #tpu.memory_space<vmem>>) attributes {dimension_semantics = [#tpu.dimension_semantics<arbitrary>], iteration_bounds = array<i64: 8>, scalar_prefetch = 0 : i64, scratch_operands = 0 : i64, tpu.core_type = #tpu.core_type<tc>, window_params = [{transform_indices = @transform_0, window_bounds = array<i64: 2, 1264, 72>}, {transform_indices = @transform_1, window_bounds = array<i64: 1264, 72>}, {transform_indices = @transform_2, window_bounds = array<i64: 1264, 32>}, {pipeline_mode = #tpu.pipeline_mode<synchronous>, transform_indices = @transform_3, window_bounds = array<i64: 16, 100>}, {pipeline_mode = #tpu.pipeline_mode<synchronous>, transform_indices = @transform_4, window_bounds = array<i64: 16, 10, 64>}, {pipeline_mode = #tpu.pipeline_mode<synchronous>, transform_indices = @transform_5, window_bounds = array<i64: 80, 40>}, {pipeline_mode = #tpu.pipeline_mode<synchronous>, transform_indices = @transform_6, window_bounds = array<i64: 40>}, {transform_indices = @transform_7, window_bounds = array<i64: 1264, 40>}]} {
    %get3A = arith.constant 0 : index
    %get3A_0 = arith.constant 0 : index
    %get3A_1 = vector.load %arg3[%get3A, %get3A_0] : memref<1264x32xf32, #tpu.memory_space<vmem>>, vector<1264x1xf32>
    %get3A_2 = arith.constant 0 : index
    %get3A_3 = arith.constant 0 : index
    %get3A_4 = arith.constant 0 : index
    %get3A_5 = vector.load %arg1[%get3A_2, %get3A_3, %get3A_4] : memref<2x1264x72xf32, #tpu.memory_space<vmem>>, vector<1x1264x72xf32>
    %get3A_6 = vector.shape_cast %get3A_5 : vector<1x1264x72xf32> to vector<1264x72xf32>
    %get3A_7 = arith.constant 1 : index
    %get3A_8 = arith.constant 0 : index
    %get3A_9 = arith.constant 0 : index
    %get3A_10 = vector.load %arg1[%get3A_7, %get3A_8, %get3A_9] : memref<2x1264x72xf32, #tpu.memory_space<vmem>>, vector<1x1264x72xf32>
    %get3A_11 = vector.shape_cast %get3A_10 : vector<1x1264x72xf32> to vector<1264x72xf32>
    %add3A = arith.addf %get3A_6, %get3A_11 : vector<1264x72xf32>
    %get3A_12 = arith.constant 0 : index
    %get3A_13 = arith.constant 0 : index
    %get3A_14 = vector.load %arg2[%get3A_12, %get3A_13] : memref<1264x72xf32, #tpu.memory_space<vmem>>, vector<1264x72xf32>
    %add3A_15 = arith.addf %add3A, %get3A_14 : vector<1264x72xf32>
    %mul3A = arith.mulf %get3A_1, %get3A_1 : vector<1264x1xf32>
    %mul3A_16 = vector.broadcast %mul3A : vector<1264x1xf32> to vector<1264x72xf32>
    %mul3A_17 = arith.mulf %add3A_15, %mul3A_16 : vector<1264x72xf32>
    %slice3A = vector.extract_strided_slice %mul3A_17 {offsets = [0, 0], sizes = [1264, 64], strides = [1, 1]} : vector<1264x72xf32> to vector<1264x64xf32>
    %slice3A_18 = vector.extract_strided_slice %mul3A_17 {offsets = [0, 64], sizes = [1264, 1], strides = [1, 1]} : vector<1264x72xf32> to vector<1264x1xf32>
    %get3A_19 = arith.constant 0 : index
    %get3A_20 = arith.constant 0 : index
    %get3A_21 = arith.constant 0 : index
    %get3A_22 = vector.load %arg5[%get3A_19, %get3A_20, %get3A_21] : memref<16x10x64xf32, #tpu.memory_space<vmem>>, vector<16x1x64xf32>
    %get3A_23 = vector.shape_cast %get3A_22 : vector<16x1x64xf32> to vector<16x64xf32>
    %get3A_24 = arith.constant 0 : index
    %get3A_25 = arith.constant 0 : index
    %get3A_26 = arith.constant 0 : index
    %get3A_27 = vector.load %arg5[%get3A_24, %get3A_25, %get3A_26] : memref<16x10x64xf32, #tpu.memory_space<vmem>>, vector<16x1x64xf32>
    %get3A_28 = vector.shape_cast %get3A_27 : vector<16x1x64xf32> to vector<16x64xf32>
    %integer_pow3A = arith.mulf %get3A_28, %get3A_28 : vector<16x64xf32>
    %reduce_sum3A = arith.constant dense<0.000000e+00> : vector<16xf32>
    %reduce_sum3A_29 = vector.multi_reduction <add>, %integer_pow3A, %reduce_sum3A [1] : vector<16x64xf32> to vector<16xf32>
    %get3A_30 = arith.constant 0 : index
    %get3A_31 = arith.constant 1 : index
    %get3A_32 = arith.constant 0 : index
    %get3A_33 = vector.load %arg5[%get3A_30, %get3A_31, %get3A_32] : memref<16x10x64xf32, #tpu.memory_space<vmem>>, vector<16x1x64xf32>
    %get3A_34 = vector.shape_cast %get3A_33 : vector<16x1x64xf32> to vector<16x64xf32>
    %add3A_35 = arith.addf %get3A_23, %get3A_34 : vector<16x64xf32>
    %mul3A_36 = arith.mulf %get3A_34, %get3A_34 : vector<16x64xf32>
    %reduce_sum3A_37 = arith.constant dense<0.000000e+00> : vector<16xf32>
    %reduce_sum3A_38 = vector.multi_reduction <add>, %mul3A_36, %reduce_sum3A_37 [1] : vector<16x64xf32> to vector<16xf32>
    %add3A_39 = arith.addf %reduce_sum3A_29, %reduce_sum3A_38 : vector<16xf32>
    %get3A_40 = arith.constant 0 : index
    %get3A_41 = arith.constant 2 : index
    %get3A_42 = arith.constant 0 : index
    %get3A_43 = vector.load %arg5[%get3A_40, %get3A_41, %get3A_42] : memref<16x10x64xf32, #tpu.memory_space<vmem>>, vector<16x1x64xf32>
    %get3A_44 = vector.shape_cast %get3A_43 : vector<16x1x64xf32> to vector<16x64xf32>
    %add3A_45 = arith.addf %add3A_35, %get3A_44 : vector<16x64xf32>
    %mul3A_46 = arith.mulf %get3A_44, %get3A_44 : vector<16x64xf32>
    %reduce_sum3A_47 = arith.constant dense<0.000000e+00> : vector<16xf32>
    %reduce_sum3A_48 = vector.multi_reduction <add>, %mul3A_46, %reduce_sum3A_47 [1] : vector<16x64xf32> to vector<16xf32>
    %add3A_49 = arith.addf %add3A_39, %reduce_sum3A_48 : vector<16xf32>
    %get3A_50 = arith.constant 0 : index
    %get3A_51 = arith.constant 3 : index
    %get3A_52 = arith.constant 0 : index
    %get3A_53 = vector.load %arg5[%get3A_50, %get3A_51, %get3A_52] : memref<16x10x64xf32, #tpu.memory_space<vmem>>, vector<16x1x64xf32>
    %get3A_54 = vector.shape_cast %get3A_53 : vector<16x1x64xf32> to vector<16x64xf32>
    %add3A_55 = arith.addf %add3A_45, %get3A_54 : vector<16x64xf32>
    %mul3A_56 = arith.mulf %get3A_54, %get3A_54 : vector<16x64xf32>
    %reduce_sum3A_57 = arith.constant dense<0.000000e+00> : vector<16xf32>
    %reduce_sum3A_58 = vector.multi_reduction <add>, %mul3A_56, %reduce_sum3A_57 [1] : vector<16x64xf32> to vector<16xf32>
    %add3A_59 = arith.addf %add3A_49, %reduce_sum3A_58 : vector<16xf32>
    %get3A_60 = arith.constant 0 : index
    %get3A_61 = arith.constant 4 : index
    %get3A_62 = arith.constant 0 : index
    %get3A_63 = vector.load %arg5[%get3A_60, %get3A_61, %get3A_62] : memref<16x10x64xf32, #tpu.memory_space<vmem>>, vector<16x1x64xf32>
    %get3A_64 = vector.shape_cast %get3A_63 : vector<16x1x64xf32> to vector<16x64xf32>
    %add3A_65 = arith.addf %add3A_55, %get3A_64 : vector<16x64xf32>
    %mul3A_66 = arith.mulf %get3A_64, %get3A_64 : vector<16x64xf32>
    %reduce_sum3A_67 = arith.constant dense<0.000000e+00> : vector<16xf32>
    %reduce_sum3A_68 = vector.multi_reduction <add>, %mul3A_66, %reduce_sum3A_67 [1] : vector<16x64xf32> to vector<16xf32>
    %add3A_69 = arith.addf %add3A_59, %reduce_sum3A_68 : vector<16xf32>
    %get3A_70 = arith.constant 0 : index
    %get3A_71 = arith.constant 5 : index
    %get3A_72 = arith.constant 0 : index
    %get3A_73 = vector.load %arg5[%get3A_70, %get3A_71, %get3A_72] : memref<16x10x64xf32, #tpu.memory_space<vmem>>, vector<16x1x64xf32>
    %get3A_74 = vector.shape_cast %get3A_73 : vector<16x1x64xf32> to vector<16x64xf32>
    %add3A_75 = arith.addf %add3A_65, %get3A_74 : vector<16x64xf32>
    %mul3A_76 = arith.mulf %get3A_74, %get3A_74 : vector<16x64xf32>
    %reduce_sum3A_77 = arith.constant dense<0.000000e+00> : vector<16xf32>
    %reduce_sum3A_78 = vector.multi_reduction <add>, %mul3A_76, %reduce_sum3A_77 [1] : vector<16x64xf32> to vector<16xf32>
    %add3A_79 = arith.addf %add3A_69, %reduce_sum3A_78 : vector<16xf32>
    %get3A_80 = arith.constant 0 : index
    %get3A_81 = arith.constant 6 : index
    %get3A_82 = arith.constant 0 : index
    %get3A_83 = vector.load %arg5[%get3A_80, %get3A_81, %get3A_82] : memref<16x10x64xf32, #tpu.memory_space<vmem>>, vector<16x1x64xf32>
    %get3A_84 = vector.shape_cast %get3A_83 : vector<16x1x64xf32> to vector<16x64xf32>
    %add3A_85 = arith.addf %add3A_75, %get3A_84 : vector<16x64xf32>
    %mul3A_86 = arith.mulf %get3A_84, %get3A_84 : vector<16x64xf32>
    %reduce_sum3A_87 = arith.constant dense<0.000000e+00> : vector<16xf32>
    %reduce_sum3A_88 = vector.multi_reduction <add>, %mul3A_86, %reduce_sum3A_87 [1] : vector<16x64xf32> to vector<16xf32>
    %add3A_89 = arith.addf %add3A_79, %reduce_sum3A_88 : vector<16xf32>
    %get3A_90 = arith.constant 0 : index
    %get3A_91 = arith.constant 7 : index
    %get3A_92 = arith.constant 0 : index
    %get3A_93 = vector.load %arg5[%get3A_90, %get3A_91, %get3A_92] : memref<16x10x64xf32, #tpu.memory_space<vmem>>, vector<16x1x64xf32>
    %get3A_94 = vector.shape_cast %get3A_93 : vector<16x1x64xf32> to vector<16x64xf32>
    %add3A_95 = arith.addf %add3A_85, %get3A_94 : vector<16x64xf32>
    %mul3A_96 = arith.mulf %get3A_94, %get3A_94 : vector<16x64xf32>
    %reduce_sum3A_97 = arith.constant dense<0.000000e+00> : vector<16xf32>
    %reduce_sum3A_98 = vector.multi_reduction <add>, %mul3A_96, %reduce_sum3A_97 [1] : vector<16x64xf32> to vector<16xf32>
    %add3A_99 = arith.addf %add3A_89, %reduce_sum3A_98 : vector<16xf32>
    %get3A_100 = arith.constant 0 : index
    %get3A_101 = arith.constant 8 : index
    %get3A_102 = arith.constant 0 : index
    %get3A_103 = vector.load %arg5[%get3A_100, %get3A_101, %get3A_102] : memref<16x10x64xf32, #tpu.memory_space<vmem>>, vector<16x1x64xf32>
    %get3A_104 = vector.shape_cast %get3A_103 : vector<16x1x64xf32> to vector<16x64xf32>
    %add3A_105 = arith.addf %add3A_95, %get3A_104 : vector<16x64xf32>
    %mul3A_106 = arith.mulf %get3A_104, %get3A_104 : vector<16x64xf32>
    %reduce_sum3A_107 = arith.constant dense<0.000000e+00> : vector<16xf32>
    %reduce_sum3A_108 = vector.multi_reduction <add>, %mul3A_106, %reduce_sum3A_107 [1] : vector<16x64xf32> to vector<16xf32>
    %add3A_109 = arith.addf %add3A_99, %reduce_sum3A_108 : vector<16xf32>
    %get3A_110 = arith.constant 0 : index
    %get3A_111 = arith.constant 9 : index
    %get3A_112 = arith.constant 0 : index
    %get3A_113 = vector.load %arg5[%get3A_110, %get3A_111, %get3A_112] : memref<16x10x64xf32, #tpu.memory_space<vmem>>, vector<16x1x64xf32>
    %get3A_114 = vector.shape_cast %get3A_113 : vector<16x1x64xf32> to vector<16x64xf32>
    %add3A_115 = arith.addf %add3A_105, %get3A_114 : vector<16x64xf32>
    %mul3A_116 = arith.mulf %get3A_114, %get3A_114 : vector<16x64xf32>
    %reduce_sum3A_117 = arith.constant dense<0.000000e+00> : vector<16xf32>
    %reduce_sum3A_118 = vector.multi_reduction <add>, %mul3A_116, %reduce_sum3A_117 [1] : vector<16x64xf32> to vector<16xf32>
    %add3A_119 = arith.addf %add3A_109, %reduce_sum3A_118 : vector<16xf32>
    %mul3A_120 = arith.constant 1.000000e-01 : f32
    %mul3A_121 = vector.broadcast %mul3A_120 : f32 to vector<16x64xf32>
    %mul3A_122 = arith.mulf %add3A_115, %mul3A_121 : vector<16x64xf32>
    %mul3A_123 = arith.constant 1.000000e-01 : f32
    %mul3A_124 = vector.broadcast %mul3A_123 : f32 to vector<16xf32>
    %mul3A_125 = arith.mulf %add3A_119, %mul3A_124 : vector<16xf32>
    %reshape3A = vector.shape_cast %mul3A_125 : vector<16xf32> to vector<1x16xf32>
    %get3A_126 = arith.constant 0 : index
    %get3A_127 = arith.constant 0 : index
    %get3A_128 = vector.load %arg4[%get3A_126, %get3A_127] : memref<16x100xf32, #tpu.memory_space<vmem>>, vector<16x100xf32>
    %integer_pow3A_129 = arith.mulf %get3A_128, %get3A_128 : vector<16x100xf32>
    %reduce_sum3A_130 = arith.constant dense<0.000000e+00> : vector<16xf32>
    %reduce_sum3A_131 = vector.multi_reduction <add>, %integer_pow3A_129, %reduce_sum3A_130 [1] : vector<16x100xf32> to vector<16xf32>
    %div3A = arith.constant 1.000000e+02 : f32
    %div3A_132 = vector.broadcast %div3A : f32 to vector<16xf32>
    %div3A_133 = arith.divf %reduce_sum3A_131, %div3A_132 : vector<16xf32>
    %reshape3A_134 = vector.shape_cast %div3A_133 : vector<16xf32> to vector<1x16xf32>
    %dot_general3A = arith.constant dense<0.000000e+00> : vector<1264x16xf32>
    %dot_general3A_135 = tpu.matmul %slice3A, %mul3A_122, %dot_general3A {dimension_numbers = #tpu.dot_dimension_numbers<[1], [1], [0], [0], [0, 0, 1, 0], [], []>, transpose_lhs_hint = false} : vector<1264x64xf32>, vector<16x64xf32>, vector<1264x16xf32> -> vector<1264x16xf32>
    %add3A_136 = vector.broadcast %slice3A_18 : vector<1264x1xf32> to vector<1264x16xf32>
    %add3A_137 = vector.broadcast %reshape3A : vector<1x16xf32> to vector<1264x16xf32>
    %add3A_138 = arith.addf %add3A_136, %add3A_137 : vector<1264x16xf32>
    %mul3A_139 = arith.constant 2.000000e+00 : f32
    %mul3A_140 = vector.broadcast %mul3A_139 : f32 to vector<1264x16xf32>
    %mul3A_141 = arith.mulf %mul3A_140, %dot_general3A_135 : vector<1264x16xf32>
    %sub3A = arith.subf %add3A_138, %mul3A_141 : vector<1264x16xf32>
    %mul3A_142 = arith.constant 5.000000e-01 : f32
    %mul3A_143 = vector.broadcast %mul3A_142 : f32 to vector<1264x16xf32>
    %mul3A_144 = arith.mulf %mul3A_143, %sub3A : vector<1264x16xf32>
    %mul3A_145 = arith.constant 5.000000e-01 : f32
    %mul3A_146 = vector.broadcast %mul3A_145 : f32 to vector<1x16xf32>
    %mul3A_147 = arith.mulf %mul3A_146, %reshape3A_134 : vector<1x16xf32>
    %add3A_148 = vector.broadcast %mul3A_147 : vector<1x16xf32> to vector<1264x16xf32>
    %add3A_149 = arith.addf %mul3A_144, %add3A_148 : vector<1264x16xf32>
    %get3A_150 = arith.constant 0 : index
    %get3A_151 = arith.constant 0 : index
    %get3A_152 = vector.load %arg2[%get3A_150, %get3A_151] : memref<1264x72xf32, #tpu.memory_space<vmem>>, vector<1264x64xf32>
    %get3A_153 = arith.constant 0 : index
    %get3A_154 = arith.constant 0 : index
    %get3A_155 = vector.load %arg6[%get3A_153, %get3A_154] : memref<80x40xf32, #tpu.memory_space<vmem>>, vector<64x40xf32>
    %dot_general3A_156 = arith.constant dense<0.000000e+00> : vector<1264x40xf32>
    %dot_general3A_157 = tpu.matmul %get3A_152, %get3A_155, %dot_general3A_156 {dimension_numbers = #tpu.dot_dimension_numbers<[1], [0], [0], [1], [0, 0, 1, 1], [], []>, transpose_lhs_hint = false} : vector<1264x64xf32>, vector<64x40xf32>, vector<1264x40xf32> -> vector<1264x40xf32>
    %get3A_158 = arith.constant 64 : index
    %get3A_159 = arith.constant 0 : index
    %get3A_160 = vector.load %arg6[%get3A_158, %get3A_159] : memref<80x40xf32, #tpu.memory_space<vmem>>, vector<16x40xf32>
    %dot_general3A_161 = arith.constant dense<0.000000e+00> : vector<1264x40xf32>
    %dot_general3A_162 = tpu.matmul %add3A_149, %get3A_160, %dot_general3A_161 {dimension_numbers = #tpu.dot_dimension_numbers<[1], [0], [0], [1], [0, 0, 1, 1], [], []>, transpose_lhs_hint = false} : vector<1264x16xf32>, vector<16x40xf32>, vector<1264x40xf32> -> vector<1264x40xf32>
    %add3A_163 = arith.addf %dot_general3A_157, %dot_general3A_162 : vector<1264x40xf32>
    %get3A_164 = arith.constant 0 : index
    %get3A_165 = vector.load %arg7[%get3A_164] : memref<40xf32, #tpu.memory_space<vmem>>, vector<40xf32>
    %broadcast_in_dim3A = vector.shape_cast %get3A_165 : vector<40xf32> to vector<1x40xf32>
    %add3A_166 = vector.broadcast %broadcast_in_dim3A : vector<1x40xf32> to vector<1264x40xf32>
    %add3A_167 = arith.addf %add3A_163, %add3A_166 : vector<1264x40xf32>
    %max3A = arith.constant 0.000000e+00 : f32
    %max3A_168 = vector.broadcast %max3A : f32 to vector<1264x40xf32>
    %max3A_169 = arith.maximumf %add3A_167, %max3A_168 : vector<1264x40xf32>
    %swap3A = arith.constant 0 : index
    %swap3A_170 = arith.constant 0 : index
    %swap3A_171 = vector.load %arg8[%swap3A, %swap3A_170] : memref<1264x40xf32, #tpu.memory_space<vmem>>, vector<1264x40xf32>
    tpu.vector_store %arg8[%swap3A, %swap3A_170], %max3A_169 {strides = array<i32>} : memref<1264x40xf32, #tpu.memory_space<vmem>>, vector<1264x40xf32>,
    return
  }
  func.func @transform_0(%arg0: i32) -> (i32, i32, i32) {
    %c0_i32 = arith.constant 0 : i32
    %c0_i32_0 = arith.constant 0 : i32
    %c0_i32_1 = arith.constant 0 : i32
    return %c0_i32, %arg0, %c0_i32_0 : i32, i32, i32
  }
  func.func @transform_1(%arg0: i32) -> (i32, i32) {
    %c0_i32 = arith.constant 0 : i32
    %c0_i32_0 = arith.constant 0 : i32
    return %arg0, %c0_i32 : i32, i32
  }
  func.func @transform_2(%arg0: i32) -> (i32, i32) {
    %c0_i32 = arith.constant 0 : i32
    %c0_i32_0 = arith.constant 0 : i32
    return %arg0, %c0_i32 : i32, i32
  }
  func.func @transform_3(%arg0: i32) -> (i32, i32) {
    %c0_i32 = arith.constant 0 : i32
    %c0_i32_0 = arith.constant 0 : i32
    %c0_i32_1 = arith.constant 0 : i32
    return %c0_i32, %c0_i32_0 : i32, i32
  }
  func.func @transform_4(%arg0: i32) -> (i32, i32, i32) {
    %c0_i32 = arith.constant 0 : i32
    %c0_i32_0 = arith.constant 0 : i32
    %c0_i32_1 = arith.constant 0 : i32
    %c0_i32_2 = arith.constant 0 : i32
    return %c0_i32, %c0_i32_0, %c0_i32_1 : i32, i32, i32
  }
  func.func @transform_5(%arg0: i32) -> (i32, i32) {
    %c0_i32 = arith.constant 0 : i32
    %c0_i32_0 = arith.constant 0 : i32
    %c0_i32_1 = arith.constant 0 : i32
    return %c0_i32, %c0_i32_0 : i32, i32
  }
  func.func @transform_6(%arg0: i32) -> i32 {
    %c0_i32 = arith.constant 0 : i32
    %c0_i32_0 = arith.constant 0 : i32
    return %c0_i32 : i32
  }
  func.func @transform_7(%arg0: i32) -> (i32, i32) {
    %c0_i32 = arith.constant 0 : i32
    %c0_i32_0 = arith.constant 0 : i32
    return %arg0, %c0_i32 : i32, i32
  }
}

</mosaic_0001>

<sc_bundles>
// kernel: kernel.12.cloned.1.call-start
scs
__scs_entry_jumppad:
0x0: {  	(pc) =	sbr.rel $0x88, $3  }
0x1: {  	(tag) =	ssettag $0x0;
	lr =	simm.s32 $0x1  }
0x2: {  	[smem:$0x3F97] =	sst lr;
	_ =	strace $0xD0000000  }
0x3: {  	_ = 	snop  }
0x4: {  	_ = 	snop  }
0x5: {  	_ = 	snop  }
0x6: {  	_ = 	snop  }
0x7: {  	_ = 	snop  }
__scs_overlays_trampoline_lowered:
0x8: {  	[smem:$0x3FA6] =	sst s0  }
0x9: {  	[smem:$0x3FA7] =	sst s1  }
0xa: {  	[smem:$0x3FA8] =	sst s2  }
0xb: {  	[smem:$0x3FA9] =	sst s3  }
0xc: {  	[smem:$0x3FAA] =	sst s4  }
0xd: {  	[smem:$0x3FAB] =	sst s5  }
0xe: {  	[smem:$0x3FAC] =	sst s6  }
0xf: {  	[smem:$0x3FAD] =	sst s7  }
0x10: {  	[smem:$0x3FAE] =	sst s8  }
0x11: {  	[smem:$0x3FAF] =	sst s9;
	s0 =	simm.s32 @!p0 $0x0  }
0x12: {  	s1 =	sld [smem:$0x3F95];
	s0 =	simm.s32 @p0 $0x1  }
0x13: {  	[smem:$0x3FB0] =	sst s0;
	s0 =	simm.s32 @!p1 $0x0  }
0x14: {  	s2 =	sld [smem:$0x3F94];
	s0 =	simm.s32 @p1 $0x1  }
0x15: {  	[smem:$0x3FB1] =	sst s0;
	s0 =	simm.s32 @!p2 $0x0  }
0x16: {  	s3 =	sld [smem:$0x3FDB];
	s0 =	simm.s32 @p2 $0x1  }
0x17: {  	s4 =	simm.s32 $0x1BF5;
	[smem:$0x3FB3] =	sst s0  }
0x18: {  	s0 =	sld [smem:$0x3F96];
	_ =	swait.ge [sflag:s4], $0x0  }
0x19: {  	s7 =	sld [smem:$0x3F97]  }
0x1a: {  	s8 =	sadd.s32 $0xFFFFE003, lr  }
0x1b: {  	s9 =	sadd.s32 $0xFFFFFEF7, lr;
	s5 =	simm.s32 $0xFFFFFFFF;
	p2 =	slt.u32 s8, $0xFFFFF086  }
0x1c: {  	p1 =	slt.u32 s9, $0xF7A;
	s5 =	simm.s32 @!p2 $0x0  }
0x1d: {  	s5 =	simm.s32 @p1 $0x1;
	p0 =	seq.s32 s7, s2  }
0x1e: {  	s7 =	smul.u32 @!p0 $0xF7A, s2;
	p2 =	seq.s32 @!p0 s5, $0x0  }
0x1f: {  	s9 =	smul.u32 $0xF7A, s1;
	s8 =	simm.s32 @!p0 $0x1BF5;
	p2 =	por !p2, p0  }
0x20: {  	[sflag:s8] =	ssyncset.s32 @!p0 $0xFFFFF086;
	s6 =	sadd.s32 @!p0 s3, s7;
	s7 =	simm.s32 @!p0 $0x108  }
0x21: {  	s3 =	sadd.s32 s3, s9;
	s6 =	sadd.s32 @!p0 $0x88, s6;
	s7 =	simm.s32 @p2 $0x1082  }
0x22: {  	[simem:s7], [sflag:s8] =	dma.local @!p0 [hbm:s6], $0xF7A  }
0x23: {  	s9 =	sor.u32 $0xD0000000, s2;
	s6 =	simm.s32 $0x108;
	_ =	swait.ge @!p0 [sflag:s8], $0x0  }
0x24: {  	s3 =	sadd.s32 $0x88, s3;
	s6 =	simm.s32 @!p1 $0x1082;
	[sflag:s4] =	ssyncset.s32 $0xFFFFF086  }
0x25: {  	[simem:s6], [sflag:s4] =	dma.local [hbm:s3], $0xF7A  }
0x26: {  	[smem:$0x3F97] =	sst s1;
	(tag) =	ssettag s2;
	_ =	strace s9  }
0x27: {  	s1 =	sld [smem:$0x3FA7]  }
0x28: {  	s2 =	sld [smem:$0x3FA8]  }
0x29: {  	s4 =	sld [smem:$0x3FAA]  }
0x2a: {  	p0 =	seq.s32 s5, $0x0;
	s5 =	sld [smem:$0x3FAB]  }
0x2b: {  	s6 =	sld [smem:$0x3FAC]  }
0x2c: {  	s7 =	sld [smem:$0x3FAD]  }
0x2d: {  	s3 =	simm.s32 $0x108;
	s8 =	sld [smem:$0x3FAE]  }
0x2e: {  	s3 =	simm.s32 @!p0 $0x1082;
	s9 =	sld [smem:$0x3FAF]  }
0x2f: {  	lr =	sadd.s32 s0, s3;
	s0 =	sld [smem:$0x3FA6]  }
0x30: {  	s3 =	sld [smem:$0x3FA9]  }
0x31: {  	[smem:$0x3FB2] =	sst s10  }
0x32: {  	s10 =	sld [smem:$0x3FB0];
	_ =	sdelay $0x3  }
0x33: {  	p0 =	seq.s32 s10, $0x1;
	s10 =	sld [smem:$0x3FB2];
	_ =	sdelay $0x3  }
0x34: {  	[smem:$0x3FB2] =	sst s10  }
0x35: {  	s10 =	sld [smem:$0x3FB1];
	_ =	sdelay $0x3  }
0x36: {  	p1 =	seq.s32 s10, $0x1;
	s10 =	sld [smem:$0x3FB2];
	_ =	sdelay $0x3  }
0x37: {  	[smem:$0x3FB2] =	sst s10  }
0x38: {  	s10 =	sld [smem:$0x3FB3]  }
0x39: {  	_ = 	snop;
	(pc) =	sbr.ind lr, $3  }
0x3a: {  	_ = 	snop  }
0x3b: {  	_ = 	snop  }
0x3c: {  	p2 =	seq.s32 s10, $0x1;
	s10 =	sld [smem:$0x3FB2]  }
0x3d: {  	_ =	shalt  }
0x3e: {  	_ =	shalt  }
0x3f: {  	_ =	shalt  }
0x40: {  	_ =	shalt  }
0x41: {  	_ =	shalt  }
0x42: {  	_ =	shalt  }
0x43: {  	_ =	shalt  }
0x44: {  	_ =	shalt  }
0x45: {  	_ =	shalt  }
0x46: {  	_ =	shalt  }
0x47: {  	_ =	shalt  }
0x48: {  	_ =	shalt  }
0x49: {  	_ =	shalt  }
0x4a: {  	_ =	shalt  }
0x4b: {  	_ =	shalt  }
0x4c: {  	_ =	shalt  }
0x4d: {  	_ =	shalt  }
0x4e: {  	_ =	shalt  }
0x4f: {  	_ =	shalt  }
0x50: {  	_ =	shalt  }
0x51: {  	_ =	shalt  }
0x52: {  	_ =	shalt  }
0x53: {  	_ =	shalt  }
0x54: {  	_ =	shalt  }
0x55: {  	_ =	shalt  }
0x56: {  	_ =	shalt  }
0x57: {  	_ =	shalt  }
0x58: {  	_ =	shalt  }
0x59: {  	_ =	shalt  }
0x5a: {  	_ =	shalt  }
0x5b: {  	_ =	shalt  }
0x5c: {  	_ =	shalt  }
0x5d: {  	_ =	shalt  }
0x5e: {  	_ =	shalt  }
0x5f: {  	_ =	shalt  }
0x60: {  	_ =	shalt  }
0x61: {  	_ =	shalt  }
0x62: {  	_ =	shalt  }
0x63: {  	_ =	shalt  }
0x64: {  	_ =	shalt  }
0x65: {  	_ =	shalt  }
0x66: {  	_ =	shalt  }
0x67: {  	_ =	shalt  }
0x68: {  	_ =	shalt  }
0x69: {  	_ =	shalt  }
0x6a: {  	_ =	shalt  }
0x6b: {  	_ =	shalt  }
0x6c: {  	_ =	shalt  }
0x6d: {  	_ =	shalt  }
0x6e: {  	_ =	shalt  }
0x6f: {  	_ =	shalt  }
0x70: {  	_ =	shalt  }
0x71: {  	_ =	shalt  }
0x72: {  	_ =	shalt  }
0x73: {  	_ =	shalt  }
0x74: {  	_ =	shalt  }
0x75: {  	_ =	shalt  }
0x76: {  	_ =	shalt  }
0x77: {  	_ =	shalt  }
0x78: {  	_ =	shalt  }
0x79: {  	_ =	shalt  }
0x7a: {  	_ =	shalt  }
0x7b: {  	_ =	shalt  }
0x7c: {  	_ =	shalt  }
0x7d: {  	_ =	shalt  }
0x7e: {  	_ =	shalt  }
0x7f: {  	_ =	shalt  }
0x80: {  	_ =	shalt  }
0x81: {  	_ =	shalt  }
0x82: {  	_ =	shalt  }
0x83: {  	_ =	shalt  }
0x84: {  	_ =	shalt  }
0x85: {  	_ =	shalt  }
0x86: {  	_ =	shalt  }
0x87: {  	_ =	shalt  }
.Lfunc_end0:
.L_simem_size_0:
called_computation.1_lowered:
.L_overlay_start_0:
0x88: {  	s2 =	sld [smem:$0x3FD9]  }
0x89: {  	s3 =	sld [smem:$0x3FFE];
	_ =	sdelay $0x1  }
0x8a: {  	s1 =	srdreg.scid  }
0x8b: {  	s0 =	sand.u32 $0x1, s1  }
0x8c: {  	s17 =	sshll.u32 s0, $0xA;
	s2 =	sadd.s32 s3, s2  }
0x8d: {  	s2 =	sadd.s32 s2, s17  }
0x8e: {  	[smem:$0x3FBE] =	sst s2  }
0x8f: {  	_ = 	snop  }
0x90: {  	s2 =	sld [smem:$0x3FC6]  }
0x91: {  	s18 =	sld [smem:$0x3FD0];
	(tm) =	ssettm $0x1  }
0x92: {  	s4 =	sld [smem:$0x3FFB];
	_ =	sdelay $0x3  }
0x93: {  	_ =	strace s4  }
0x94: {  	s4 =	sld [smem:$0x3FFC];
	_ =	sdelay $0x3  }
0x95: {  	_ =	strace s4  }
0x96: {  	s4 =	sld [smem:$0x3FFD];
	_ =	sdelay $0x3  }
0x97: {  	_ =	strace s4  }
0x98: {  	_ =	strace $0x8FFFFFFF  }
0x99: {  	s19 =	sld [smem:$0x3FDB];
	_ =	sdelay $0x1  }
0x9a: {  	s5 =	simm.s32 $_scs_section_size  }
0x9b: {  	s6 =	simm.s32 $_size__tile_overlayer_lowered;
	s7 =	simm.s32 $_tile_overlayer_lowered  }
0x9c: {  	s22 =	simm.s32 $0x1BFF;
	s21 =	sshll.u32 s7, $0x1;
	s4 =	sadd.s32 s5, s19  }
0x9d: {  	s8 =	simm.s32 $0x0;
	s20 =	sshll.u32 s6, $0x1;
	s6 =	sadd.s32 s21, s4  }
0x9e: {  	[timem:s8], [sflag:s22] =	dma.local [hbm:s6], s20  }
0x9f: {  	_ =	swait.ge [sflag:s22], s20  }
0xa0: {  	s5 =	ssub.s32 $0x0, s20;
	[sflag:s22] =	ssyncset.done $0x0  }
0xa1: {  	[sflag:s22] =	ssyncadd.s32 s5;
	_ =	sdelay $0x1  }
0xa2: {  	s23 =	simm.s32 $0x1B8B  }
0xa3: {  	_ =	swait.ge [sflag:s23], $0x1  }
0xa4: {  	[sflag:s23] =	ssyncset.done $0x0  }
0xa5: {  	s25 =	simm.s32 $0x1B8E;
	s24 =	sld [smem:$0x3FFE];
	[sflag:s23] =	ssyncadd.s32 $0xFFFFFFFF  }
0xa6: {  	s26 =	simm.s32 $execute0_lowered;
	[smem:$0x3FD2] =	sst s25  }
0xa7: {  	s6 =	sshll.u32 s26, $0x1;
	_ =	strace $0x80000049;
	[dreg:$0x1] =	wrdreg $0xFFFFFFFF  }
0xa8: {  	s28 =	simm.s32 $_size_execute0_lowered;
	s4 =	sadd.s32 s4, s6;
	[dreg:$0x0] =	wrdreg $0x0  }
0xa9: {  	s6 =	sshll.u32 s28, $0x1;
	[dreg:$0x2] =	wrdreg s4  }
0xaa: {  	[dreg:$0x3] =	wrdreg s6  }
0xab: {  	[dreg:$0x4] =	wrdreg $0xC0  }
0xac: {  	_ =	task [dreg:s8], $0x5FFFF  }
0xad: {  	[dreg:$0x1] =	wrdreg $0xFFFFFFFF  }
0xae: {  	[dreg:$0x0] =	wrdreg $0x60  }
0xaf: {  	[dreg:$0x2] =	wrdreg s24  }
0xb0: {  	[dreg:$0x3] =	wrdreg s18  }
0xb1: {  	[dreg:$0x4] =	wrdreg s2  }
0xb2: {  	[dreg:$0x5] =	wrdreg $0x119E00  }
0xb3: {  	[dreg:$0x6] =	wrdreg $0x168E00  }
0xb4: {  	[dreg:$0x7] =	wrdreg $0x9  }
0xb5: {  	_ =	task.clear_ibuf [dreg:s8], $0x8FFFF;
	_ =	strace $0x90000049  }
0xb6: {  	s29 =	simm.s32 $0x9;
	_ =	strace $0x8000004B  }
0xb7: {  	_ =	swait.ge [sflag:s29], $0x1  }
0xb8: {  	[sflag:s29] =	ssyncadd.s32 $0xFFFFFFFF  }
0xb9: {  	_ =	strace $0x9000004B  }
0xba: {  	_ =	sfence  }
0xbb: {  	s30 =	sld [smem:$0x0];
	_ =	sdelay $0x2  }
0xbc: {  	s31 =	sshll.u32 s1, $0xD;
	s1 =	sshrl.u32 s1, $0x2  }
0xbd: {  	s3 =	sand.u32 $0x4000, s31;
	s1 =	sadd.s32 s1, s30  }
0xbe: {  	s0 =	sor.u32 s3, s0;
	s1 =	sshll.u32 s1, $0x11  }
0xbf: {  	s0 =	sor.u32 s1, s0  }
0xc0: {  	s0 =	sadd.s32 $0x8F2B, s0  }
0xc1: {  	[sflag:s0] =	ssyncadd.remote.s32 $0x1  }
0xc2: {  	_ =	sfence.sel $0xFFFF  }
0xc3: {  	[dreg:$0x0] =	wrdreg $0xFFFFFFFF;
	(pc) =	sbr.abs _section_cstart, $3  }
0xc4: {  	[dreg:$0x1] =	wrdreg $0xFFFFFFFF  }
0xc5: {  	_ =	task.clear_ibuf [dreg:s8], $0x2FFFF;
	_ =	strace $0x9FFFFFFF  }
0xc6: {  	(tm) =	ssettm $0x7FFFFFFF  }
0xc7: {  	_ =	shalt  }
tec
execute0_lowered:
.L_overlay_start_1:
0x0: {  	(tag) =	ssettag $0x1  }
0x1: {  	s0 =	rddreg [dreg:$0x0]  }
0x2: {  	s3 =	rddreg [dreg:$0x1];
	s2 =	stileid.u32  }
0x3: {  	s1 =	srdreg.scid;
	s5 =	rddreg [dreg:$0x2];
	s31 =	simm.s32 $0x9  }
0x4: {  	s28 =	simm.s32 $0x10600;
	s29 =	simm.s32 $0x0;
	s4 =	smul.u32 $0x5000, s2  }
0x5: {  	s6 =	smul.u32 $0x4F00, s2;
	s7 =	sand.u32 $0x1, s1;
	s1 =	rddreg [dreg:$0x3]  }
0x6: {  	s2 =	simm.s32 $0x0;
	s9 =	sadd.s32 $0x16A00, s0;
	s8 =	smul.u32 $0x4F000, s7  }
0x7: {  	[smem:$0x7FF] =	sst s2;
	s14 =	ssub.s32 $0x2, s7;
	s7 =	sshll.u32 s7, $0x2  }
0x8: {  	s4 =	sshrl.u32 s4, $0x3;
	s11 =	sshrl.u32 s6, $0x3;
	s15 =	sshrl.u32 s14, $0x1  }
0x9: {  	s5 =	sadd.s32 s5, s7;
	s24 =	sadd.s32 $0x2780, s6;
	s10 =	sadd.s32 s6, s8  }
0xa: {  	s4 =	sadd.s32 s4, s0;
	s12 =	sadd.s32 s11, s0;
	s14 =	ssub.s32 s14, s15  }
0xb: {  	[dreg:$0x6] =	wrdreg s5;
	s5 =	sadd.s32 $0x13C0, s6;
	s7 =	sshrl.u32 s8, $0x3  }
0xc: {  	s11 =	sadd.s32 s3, s11;
	s25 =	sadd.s32 s8, s24;
	s16 =	sshrl.u32 s24, $0x3  }
0xd: {  	s24 =	sadd.s32 s24, s1;
	s10 =	sshrl.u32 s10, $0x3;
	s18 =	sadd.s32 s8, s5  }
0xe: {  	[dreg:$0x8] =	wrdreg s11;
	s20 =	sshrl.u32 s5, $0x3;
	s11 =	sadd.s32 $0x3B40, s6  }
0xf: {  	s15 =	sshrl.u32 s25, $0x3;
	s16 =	sadd.s32 s3, s16;
	s13 =	sadd.s32 s10, s0  }
0x10: {  	s0 =	sadd.s32 $0x34400, s0;
	s17 =	sadd.s32 s9, s10;
	[dreg:$0xd] =	wrdreg s16  }
0x11: {  	s19 =	sshrl.u32 s18, $0x3;
	s22 =	sadd.s32 s3, s20;
	[dreg:$0x7] =	wrdreg s17  }
0x12: {  	s26 =	sadd.s32 s9, s15;
	s8 =	sadd.s32 s8, s11;
	[dreg:$0xb] =	wrdreg s22  }
0x13: {  	s16 =	sadd.s32 s9, s7;
	s18 =	sadd.s32 $0xCA00, s4;
	[dreg:$0xf] =	wrdreg s26  }
0x14: {  	s10 =	sadd.s32 s0, s10;
	s30 =	sadd.s32 s0, s15;
	s15 =	rddreg [dreg:$0x4]  }
0x15: {  	s25 =	sadd.s32 s11, s1;
	s21 =	sadd.s32 s9, s19;
	[dreg:$0x9] =	wrdreg s10  }
0x16: {  	s23 =	sadd.s32 s0, s19;
	s17 =	sshrl.u32 s11, $0x3;
	[dreg:$0xa] =	wrdreg s21  }
0x17: {  	s19 =	sadd.s32 s0, s7;
	[dreg:$0xc] =	wrdreg s23;
	s3 =	sadd.s32 s3, s17  }
0x18: {  	s22 =	sadd.s32 $0x2A600, s12;
	[dreg:$0xe] =	wrdreg s3;
	s3 =	sshrl.u32 s8, $0x3  }
0x19: {  	s26 =	sadd.s32 $0x48000, s13;
	[dreg:$0x10] =	wrdreg s30;
	s9 =	sadd.s32 s9, s3  }
0x1a: {  	s11 =	simm.s32 $0x3;
	s3 =	sadd.s32 s0, s3;
	[dreg:$0x11] =	wrdreg s9  }
0x1b: {  	s12 =	simm.s32 $0x4;
	s17 =	sadd.s32 $0x2A00, s4;
	[dreg:$0x12] =	wrdreg s3  }
0x1c: {  	s13 =	simm.s32 $0x5;
	_ =	strace $0x8000004A;
	[dreg:$0x13] =	wrdreg s17  }
0x1d: {  	s23 =	sadd.s32 s6, s1;
	s20 =	sadd.s32 s6, s15;
	[dreg:$0x14] =	wrdreg s18  }
0x1e: {  	s21 =	sadd.s32 s5, s1;
	s30 =	smax.u32 s14, $0x1;
	[dreg:$0x15] =	wrdreg s20  }
0x1f: {  	s14 =	simm.s32 $0x7D;
	s4 =	simm.s32 $0xAFA0;
	[dreg:$0x16] =	wrdreg s21  }
0x20: {  	s6 =	simm.s32 $0xBF40;
	s10 =	simm.s32 $0x2;
	[dreg:$0x17] =	wrdreg s24  }
0x21: {  	s5 =	simm.s32 $0xF240;
	s8 =	simm.s32 $0xCEE0;
	[dreg:$0x18] =	wrdreg s25  }
0x22: {  	s0 =	simm.s32 $0xA000;
	s9 =	simm.s32 $0x1;
	[dreg:$0x19] =	wrdreg s26  }
0x23: {  	[dreg:$0x1a] =	wrdreg s30;
	s17 =	simm.s32 $0x6;
	s18 =	simm.s32 $0x7  }
0x24: {  	s20 =	simm.s32 $0x8;
	s25 =	simm.s32 $0x9F80;
	s26 =	simm.s32 $0xDE80  }
.LBB2_1:
0x25: {  	s3 =	rddreg [dreg:$0x13]  }
0x26: {  	[tilespmem:s2], [sflag:$0x9] =	stream.linear.gather [hbm4b:s3+s2], $0x5000, $0x38;
	[tilespmem:$0x1B7E0] =	vst v63  }
0x27: {  	_ =	swait.ge [sflag:s31], $0x5000  }
0x28: {  	[sflag:s31] =	ssyncset.done $0x0  }
0x29: {  	s7 =	simm.s32 $0x5000;
	s24 =	rddreg [dreg:$0x14];
	[sflag:s31] =	ssyncadd.s32 $0xFFFFB000  }
0x2a: {  	[tilespmem:s7], [sflag:$0x9] =	stream.linear.gather [hbm4b:s24+s2], $0x5000, $0x38;
	[tilespmem:$0x1B7E0] =	vst v63  }
0x2b: {  	_ =	swait.ge [sflag:s31], $0x5000  }
0x2c: {  	[sflag:s31] =	ssyncset.done $0x0  }
0x2d: {  	s24 =	simm.s32 $0x119C0;
	s21 =	rddreg [dreg:$0x6];
	[sflag:s31] =	ssyncadd.s32 $0xFFFFB000  }
0x2e: {  	[tilespmem:s24], [sflag:$0x9] =	stream.linear.gather [hbm4b:s21+s2], $0x20, $0x38;
	[tilespmem:$0x1B7E0] =	vst v63  }
0x2f: {  	s7 =	stileid.u32;
	_ =	swait.ge [sflag:s31], $0x20  }
0x30: {  	s21 =	sshll.u32 s7, $0x6;
	[sflag:s31] =	ssyncset.done $0x0  }
0x31: {  	s7 =	sor.u32 $0x1C09, s21;
	s21 =	sshrl.u32 s23, $0x3;
	[sflag:s31] =	ssyncadd.s32 $0xFFFFFFE0  }
0x32: {  	[spmem:s21], [sflag:s7] =	dma.local [hbm:s22], $0x9E0  }
0x33: {  	_ =	swait.ge [sflag:s31], $0x9E0  }
0x34: {  	[sflag:s31] =	ssyncset.done $0x0;
	s24 =	rddreg [dreg:$0x15]  }
0x35: {  	[sflag:s31] =	ssyncadd.s32 $0xFFFFF620;
	s30 =	sshrl.u32 s24, $0x3  }
0x36: {  	[spmem:s30], [sflag:s7] =	dma.local [hbm:s22], $0x9E0  }
0x37: {  	_ =	swait.ge [sflag:s31], $0x9E0  }
0x38: {  	[sflag:s31] =	ssyncset.done $0x0  }
0x39: {  	[sflag:s31] =	ssyncadd.s32 $0xFFFFF620  }
0x3a: {  	[bflag:$0x0] =	sbarrier.arrive $0xFFFF  }
0x3b: {  	[tilespmem:s0], [sflag:$0x1] =	stream.indirect.gather [hbm4b:s16+s14], $0x20, s2, s14, $0xb8;
	[tilespmem:$0x1B7E0] =	vst v63  }
0x3c: {  	s21 =	simm.s32 $0x80  }
0x3d: {  	[tilespmem:s4], [sflag:$0x2] =	stream.indirect.gather [hbm4b:s16+s14], $0x20, s21, s14, $0xb8;
	[tilespmem:$0x1B7E0] =	vst v63  }
0x3e: {  	s24 =	simm.s32 $0x100  }
0x3f: {  	[tilespmem:s6], [sflag:$0x3] =	stream.indirect.gather [hbm4b:s16+s14], $0x20, s24, s14, $0xb8;
	[tilespmem:$0x1B7E0] =	vst v63  }
0x40: {  	s21 =	simm.s32 $0x180  }
0x41: {  	[tilespmem:s8], [sflag:$0x4] =	stream.indirect.gather [hbm4b:s16+s14], $0x20, s21, s14, $0xb8;
	[tilespmem:$0x1B7E0] =	vst v63  }
0x42: {  	_ =	swait.ge [sflag:s9], $0xFA0  }
0x43: {  	[sflag:s9] =	ssyncset.done $0x0  }
0x44: {  	s24 =	simm.s32 $0x5000;
	[sflag:s9] =	ssyncadd.s32 $0xFFFFF060  }
0x45: {  	[spmem:s1] =	stream.indirect.scatter.add.f32 [tilespmem:s0], [sflag:$0x5], $0x20, s24, s14, $0xb8;
	[tilespmem:$0x1B7E0] =	vst v63  }
0x46: {  	_ =	swait.ge [sflag:s10], $0xFA0  }
0x47: {  	[sflag:s10] =	ssyncset.done $0x0  }
0x48: {  	s3 =	simm.s32 $0x5080;
	[sflag:s10] =	ssyncadd.s32 $0xFFFFF060  }
0x49: {  	[spmem:s1] =	stream.indirect.scatter.add.f32 [tilespmem:s4], [sflag:$0x6], $0x20, s3, s14, $0xb8;
	[tilespmem:$0x1B7E0] =	vst v63  }
0x4a: {  	_ =	swait.ge [sflag:s11], $0xFA0  }
0x4b: {  	[sflag:s11] =	ssyncset.done $0x0  }
0x4c: {  	s24 =	simm.s32 $0x5100;
	[sflag:s11] =	ssyncadd.s32 $0xFFFFF060  }
0x4d: {  	[spmem:s1] =	stream.indirect.scatter.add.f32 [tilespmem:s6], [sflag:$0x7], $0x20, s24, s14, $0xb8;
	[tilespmem:$0x1B7E0] =	vst v63  }
0x4e: {  	_ =	swait.ge [sflag:s12], $0xFA0  }
0x4f: {  	[sflag:s12] =	ssyncset.done $0x0  }
0x50: {  	s3 =	simm.s32 $0x5180;
	[sflag:s12] =	ssyncadd.s32 $0xFFFFF060  }
0x51: {  	[spmem:s1] =	stream.indirect.scatter.add.f32 [tilespmem:s8], [sflag:$0x8], $0x20, s3, s14, $0xb8;
	[tilespmem:$0x1B7E0] =	vst v63  }
0x52: {  	_ =	swait.ge [sflag:s13], $0xFA0  }
0x53: {  	[sflag:s13] =	ssyncset.done $0x0  }
0x54: {  	s24 =	simm.s32 $0x200;
	[sflag:s13] =	ssyncadd.s32 $0xFFFFF060  }
0x55: {  	[tilespmem:s0], [sflag:$0x1] =	stream.indirect.gather [hbm4b:s16+s14], $0x20, s24, s14, $0xb8;
	[tilespmem:$0x1B7E0] =	vst v63  }
0x56: {  	_ =	swait.ge [sflag:s17], $0xFA0  }
0x57: {  	[sflag:s17] =	ssyncset.done $0x0  }
0x58: {  	s3 =	simm.s32 $0x280;
	[sflag:s17] =	ssyncadd.s32 $0xFFFFF060  }
0x59: {  	[tilespmem:s4], [sflag:$0x2] =	stream.indirect.gather [hbm4b:s16+s14], $0x20, s3, s14, $0xb8;
	[tilespmem:$0x1B7E0] =	vst v63  }
0x5a: {  	_ =	swait.ge [sflag:s18], $0xFA0  }
0x5b: {  	[sflag:s18] =	ssyncset.done $0x0  }
0x5c: {  	s24 =	simm.s32 $0x300;
	[sflag:s18] =	ssyncadd.s32 $0xFFFFF060  }
0x5d: {  	[tilespmem:s6], [sflag:$0x3] =	stream.indirect.gather [hbm4b:s16+s14], $0x20, s24, s14, $0xb8;
	[tilespmem:$0x1B7E0] =	vst v63  }
0x5e: {  	_ =	swait.ge [sflag:s20], $0xFA0  }
0x5f: {  	[sflag:s20] =	ssyncset.done $0x0  }
0x60: {  	s21 =	simm.s32 $0x800;
	s24 =	simm.s32 $0x380;
	[sflag:s20] =	ssyncadd.s32 $0xFFFFF060  }
.LBB2_2:
0x61: {  	[tilespmem:s8], [sflag:$0x4] =	stream.indirect.gather [hbm4b:s16+s14], $0x20, s24, s14, $0xb8;
	[tilespmem:$0x1B7E0] =	vst v63  }
0x62: {  	s24 =	smov.u32 s21  }
0x63: {  	p0 =	sne.s32 s21, $0x13000;
	s21 =	sadd.s32 $0x800, s21;
	_ =	swait.ge [sflag:s9], $0xFA0  }
0x64: {  	s24 =	sshra.s32 s24, $0x2;
	[sflag:s9] =	ssyncset.done $0x0  }
0x65: {  	s3 =	sadd.s32 $0x5000, s24;
	[sflag:s9] =	ssyncadd.s32 $0xFFFFF060  }
0x66: {  	[spmem:s1] =	stream.indirect.scatter.add.f32 [tilespmem:s0], [sflag:$0x5], $0x20, s3, s14, $0xb8;
	[tilespmem:$0x1B7E0] =	vst v63  }
0x67: {  	_ =	swait.ge [sflag:s10], $0xFA0  }
0x68: {  	[sflag:s10] =	ssyncset.done $0x0  }
0x69: {  	s3 =	sadd.s32 $0x5080, s24;
	[sflag:s10] =	ssyncadd.s32 $0xFFFFF060  }
0x6a: {  	[spmem:s1] =	stream.indirect.scatter.add.f32 [tilespmem:s4], [sflag:$0x6], $0x20, s3, s14, $0xb8;
	[tilespmem:$0x1B7E0] =	vst v63  }
0x6b: {  	_ =	swait.ge [sflag:s11], $0xFA0  }
0x6c: {  	[sflag:s11] =	ssyncset.done $0x0  }
0x6d: {  	s3 =	sadd.s32 $0x5100, s24;
	[sflag:s11] =	ssyncadd.s32 $0xFFFFF060  }
0x6e: {  	[spmem:s1] =	stream.indirect.scatter.add.f32 [tilespmem:s6], [sflag:$0x7], $0x20, s3, s14, $0xb8;
	[tilespmem:$0x1B7E0] =	vst v63  }
0x6f: {  	_ =	swait.ge [sflag:s12], $0xFA0  }
0x70: {  	[sflag:s12] =	ssyncset.done $0x0  }
0x71: {  	s3 =	sadd.s32 $0x5180, s24;
	[sflag:s12] =	ssyncadd.s32 $0xFFFFF060  }
0x72: {  	[spmem:s1] =	stream.indirect.scatter.add.f32 [tilespmem:s8], [sflag:$0x8], $0x20, s3, s14, $0xb8;
	[tilespmem:$0x1B7E0] =	vst v63  }
0x73: {  	_ =	swait.ge [sflag:s13], $0xFA0  }
0x74: {  	[sflag:s13] =	ssyncset.done $0x0  }
0x75: {  	s3 =	sadd.s32 $0x200, s24;
	[sflag:s13] =	ssyncadd.s32 $0xFFFFF060  }
0x76: {  	[tilespmem:s0], [sflag:$0x1] =	stream.indirect.gather [hbm4b:s16+s14], $0x20, s3, s14, $0xb8;
	[tilespmem:$0x1B7E0] =	vst v63  }
0x77: {  	_ =	swait.ge [sflag:s17], $0xFA0  }
0x78: {  	[sflag:s17] =	ssyncset.done $0x0  }
0x79: {  	s3 =	sadd.s32 $0x280, s24;
	[sflag:s17] =	ssyncadd.s32 $0xFFFFF060  }
0x7a: {  	[tilespmem:s4], [sflag:$0x2] =	stream.indirect.gather [hbm4b:s16+s14], $0x20, s3, s14, $0xb8;
	[tilespmem:$0x1B7E0] =	vst v63  }
0x7b: {  	_ =	swait.ge [sflag:s18], $0xFA0  }
0x7c: {  	[sflag:s18] =	ssyncset.done $0x0  }
.Ltmp0:
0x7d: {  	s3 =	sadd.s32 $0x300, s24;
	[sflag:s18] =	ssyncadd.s32 $0xFFFFF060;
	(pc) =	sbr.rel @p0 .LBB2_2-.Ltmp0, $4  }
0x7e: {  	[tilespmem:s6], [sflag:$0x3] =	stream.indirect.gather [hbm4b:s16+s14], $0x20, s3, s14, $0xb8;
	[tilespmem:$0x1B7E0] =	vst v63  }
0x7f: {  	_ =	swait.ge [sflag:s20], $0xFA0  }
0x80: {  	[sflag:s20] =	ssyncset.done $0x0  }
0x81: {  	s24 =	sadd.s32 $0x380, s24;
	[sflag:s20] =	ssyncadd.s32 $0xFFFFF060  }
0x82: {  	[tilespmem:s8], [sflag:$0x4] =	stream.indirect.gather [hbm4b:s16+s14], $0x20, s24, s14, $0xb8;
	[tilespmem:$0x1B7E0] =	vst v63  }
0x83: {  	_ =	swait.ge [sflag:s9], $0xFA0  }
0x84: {  	[sflag:s9] =	ssyncset.done $0x0  }
0x85: {  	s3 =	simm.s32 $0x9E00;
	[sflag:s9] =	ssyncadd.s32 $0xFFFFF060  }
0x86: {  	[spmem:s1] =	stream.indirect.scatter.add.f32 [tilespmem:s0], [sflag:$0x5], $0x20, s3, s14, $0xb8;
	[tilespmem:$0x1B7E0] =	vst v63  }
0x87: {  	_ =	swait.ge [sflag:s10], $0xFA0  }
0x88: {  	[sflag:s10] =	ssyncset.done $0x0  }
0x89: {  	s24 =	simm.s32 $0x9E80;
	[sflag:s10] =	ssyncadd.s32 $0xFFFFF060  }
0x8a: {  	[spmem:s1] =	stream.indirect.scatter.add.f32 [tilespmem:s4], [sflag:$0x6], $0x20, s24, s14, $0xb8;
	[tilespmem:$0x1B7E0] =	vst v63  }
0x8b: {  	_ =	swait.ge [sflag:s11], $0xFA0  }
0x8c: {  	[sflag:s11] =	ssyncset.done $0x0  }
0x8d: {  	s21 =	simm.s32 $0x9F00;
	[sflag:s11] =	ssyncadd.s32 $0xFFFFF060  }
0x8e: {  	[spmem:s1] =	stream.indirect.scatter.add.f32 [tilespmem:s6], [sflag:$0x7], $0x20, s21, s14, $0xb8;
	[tilespmem:$0x1B7E0] =	vst v63  }
0x8f: {  	_ =	swait.ge [sflag:s12], $0xFA0  }
0x90: {  	[sflag:s12] =	ssyncset.done $0x0  }
0x91: {  	[sflag:s12] =	ssyncadd.s32 $0xFFFFF060  }
0x92: {  	[spmem:s1] =	stream.indirect.scatter.add.f32 [tilespmem:s8], [sflag:$0x8], $0x20, s25, s14, $0xb8;
	[tilespmem:$0x1B7E0] =	vst v63  }
0x93: {  	_ =	swait.ge [sflag:s13], $0xFA0  }
0x94: {  	[sflag:s13] =	ssyncset.done $0x0  }
0x95: {  	[sflag:s13] =	ssyncadd.s32 $0xFFFFF060  }
0x96: {  	_ =	swait.ge [sflag:s17], $0xFA0  }
0x97: {  	[sflag:s17] =	ssyncset.done $0x0  }
0x98: {  	[sflag:s17] =	ssyncadd.s32 $0xFFFFF060  }
0x99: {  	_ =	swait.ge [sflag:s18], $0xFA0  }
0x9a: {  	[sflag:s18] =	ssyncset.done $0x0  }
0x9b: {  	[sflag:s18] =	ssyncadd.s32 $0xFFFFF060  }
0x9c: {  	_ =	swait.ge [sflag:s20], $0xFA0  }
0x9d: {  	[sflag:s20] =	ssyncset.done $0x0  }
0x9e: {  	[sflag:s20] =	ssyncadd.s32 $0xFFFFF060  }
0x9f: {  	[bflag:$0x0] =	sbarrier.arrive $0xFFFF  }
0xa0: {  	v0 =	vld [tilespmem:$0x119C0]  }
0xa1: {  	v1 =	vld [tilespmem:$0x119D0];
	[tilespmem:s26], [sflag:$0x9] =	stream.linear.gather [spmem:s23], $0x13C0, $0x38  }
0xa2: {  	_ =	swait.ge [sflag:s31], $0x13C0  }
0xa3: {  	[sflag:s31] =	ssyncset.done $0x0  }
0xa4: {  	s3 =	simm.s32 $0x0;
	s21 =	rddreg [dreg:$0x7];
	[sflag:s31] =	ssyncadd.s32 $0xFFFFEC40  }
0xa5: {  	[tilespmem:s5], [sflag:$0x9] =	stream.linear.gather [hbm4b:s21+s3], $0x13C0, $0x38;
	[tilespmem:$0x1B7E0] =	vst v63  }
0xa6: {  	_ =	swait.ge [sflag:s31], $0x13C0  }
0xa7: {  	[sflag:s31] =	ssyncset.done $0x0  }
0xa8: {  	s24 =	rddreg [dreg:$0x8];
	[sflag:s31] =	ssyncadd.s32 $0xFFFFEC40  }
0xa9: {  	[tilespmem:s28], [sflag:$0x9] =	stream.linear.gather [hbm4b:s24+s3], $0x13C0, $0x38;
	[tilespmem:$0x1B7E0] =	vst v63  }
0xaa: {  	_ =	swait.ge [sflag:s31], $0x13C0  }
0xab: {  	[sflag:s31] =	ssyncset.done $0x0  }
0xac: {  	s21 =	simm.s32 $0x0;
	[sflag:s31] =	ssyncadd.s32 $0xFFFFEC40  }
0xad: {  	v2 =	vld [tilespmem:s21+$0xF240]  }
0xae: {  	v3 =	vld [tilespmem:s21+$0xF250]  }
0xaf: {  	s24 =	simm.s32 $0x80;
	v4 =	vld [tilespmem:s21+$0xDE80]  }
.LBB2_4:
0xb0: {  	p0 =	sne.s32 s24, $0x4E80;
	v5 =	vld [tilespmem:s21+$0xDE90]  }
0xb1: {  	v6 =	vld [tilespmem:s21+$0x10600]  }
0xb2: {  	v7 =	vld [tilespmem:s21+$0x10610];
	_ =	sdelay $0x1  }
0xb3: {  	v2 =	vadd.f32 v2, v4  }
0xb4: {  	v3 =	vadd.f32 v3, v5  }
0xb5: {  	v2 =	vmul.f32 v2, v6  }
0xb6: {  	v3 =	vmul.f32 v3, v7  }
0xb7: {  	v2 =	vadd.f32 v2, v0  }
0xb8: {  	v3 =	vadd.f32 v3, v1  }
.Ltmp1:
0xb9: {  	v2 =	vmax.f32 v2, $0.0e+00;
	(pc) =	sbr.rel @p0 .LBB2_4-.Ltmp1, $4  }
0xba: {  	s3 =	sshra.s32 s24, $0x2;
	v4 =	vmul.f32 v2, v6;
	v3 =	vmax.f32 v3, $0.0e+00  }
0xbb: {  	v2 =	vld [tilespmem:s3+$0xF240];
	v5 =	vmul.f32 v3, v7  }
0xbc: {  	v3 =	vld [tilespmem:s3+$0xF250];
	[tilespmem:s21+$0xDE80] =	vst v4  }
0xbd: {  	s24 =	sadd.s32 $0x80, s24;
	v4 =	vld [tilespmem:s3+$0xDE80];
	[tilespmem:s21+$0xDE90] =	vst v5;
	s21 =	smov.u32 s3  }
0xbe: {  	v5 =	vld [tilespmem:s21+$0xDE90]  }
0xbf: {  	v6 =	vld [tilespmem:s21+$0x10600]  }
0xc0: {  	v7 =	vld [tilespmem:s21+$0x10610];
	_ =	sdelay $0x1  }
0xc1: {  	v2 =	vadd.f32 v2, v4  }
0xc2: {  	v3 =	vadd.f32 v3, v5  }
0xc3: {  	v2 =	vmul.f32 v2, v6  }
0xc4: {  	v3 =	vmul.f32 v3, v7  }
0xc5: {  	v2 =	vadd.f32 v2, v0  }
0xc6: {  	v3 =	vadd.f32 v3, v1  }
0xc7: {  	v2 =	vmax.f32 v2, $0.0e+00  }
0xc8: {  	v2 =	vmul.f32 v2, v6;
	v3 =	vmax.f32 v3, $0.0e+00  }
0xc9: {  	v3 =	vmul.f32 v3, v7  }
0xca: {  	[tilespmem:s21+$0xDE80] =	vst v2  }
0xcb: {  	s3 =	simm.s32 $0x0;
	s24 =	rddreg [dreg:$0x9];
	[tilespmem:s21+$0xDE90] =	vst v3  }
0xcc: {  	[hbm4b:s24+s3] =	stream.linear.scatter [tilespmem:s26], [sflag:$0x9], $0x13C0, $0x38;
	[tilespmem:$0x1B7E0] =	vst v63  }
0xcd: {  	_ =	swait.ge [sflag:s31], $0x13C0  }
0xce: {  	[sflag:s31] =	ssyncset.done $0x0  }
0xcf: {  	s24 =	rddreg [dreg:$0x16];
	[sflag:s31] =	ssyncadd.s32 $0xFFFFEC40  }
0xd0: {  	[tilespmem:s26], [sflag:$0x9] =	stream.linear.gather [spmem:s24], $0x13C0, $0x38;
	[tilespmem:$0x1B7E0] =	vst v63  }
0xd1: {  	_ =	swait.ge [sflag:s31], $0x13C0  }
0xd2: {  	[sflag:s31] =	ssyncset.done $0x0  }
0xd3: {  	s24 =	rddreg [dreg:$0xa];
	[sflag:s31] =	ssyncadd.s32 $0xFFFFEC40  }
0xd4: {  	[tilespmem:s5], [sflag:$0x9] =	stream.linear.gather [hbm4b:s24+s3], $0x13C0, $0x38;
	[tilespmem:$0x1B7E0] =	vst v63  }
0xd5: {  	_ =	swait.ge [sflag:s31], $0x13C0  }
0xd6: {  	[sflag:s31] =	ssyncset.done $0x0  }
0xd7: {  	s24 =	rddreg [dreg:$0xb];
	[sflag:s31] =	ssyncadd.s32 $0xFFFFEC40  }
0xd8: {  	[tilespmem:s28], [sflag:$0x9] =	stream.linear.gather [hbm4b:s24+s3], $0x13C0, $0x38;
	[tilespmem:$0x1B7E0] =	vst v63  }
0xd9: {  	_ =	swait.ge [sflag:s31], $0x13C0  }
0xda: {  	[sflag:s31] =	ssyncset.done $0x0  }
0xdb: {  	s21 =	simm.s32 $0x0;
	[sflag:s31] =	ssyncadd.s32 $0xFFFFEC40  }
0xdc: {  	v2 =	vld [tilespmem:s21+$0xF240]  }
0xdd: {  	v3 =	vld [tilespmem:s21+$0xF250]  }
0xde: {  	s24 =	simm.s32 $0x80;
	v4 =	vld [tilespmem:s21+$0xDE80]  }
.LBB2_6:
0xdf: {  	p0 =	sne.s32 s24, $0x4E80;
	v5 =	vld [tilespmem:s21+$0xDE90]  }
0xe0: {  	v6 =	vld [tilespmem:s21+$0x10600]  }
0xe1: {  	v7 =	vld [tilespmem:s21+$0x10610];
	_ =	sdelay $0x1  }
0xe2: {  	v2 =	vadd.f32 v2, v4  }
0xe3: {  	v3 =	vadd.f32 v3, v5  }
0xe4: {  	v2 =	vmul.f32 v2, v6  }
0xe5: {  	v3 =	vmul.f32 v3, v7  }
0xe6: {  	v2 =	vadd.f32 v2, v0  }
0xe7: {  	v3 =	vadd.f32 v3, v1  }
.Ltmp2:
0xe8: {  	v2 =	vmax.f32 v2, $0.0e+00;
	(pc) =	sbr.rel @p0 .LBB2_6-.Ltmp2, $4  }
0xe9: {  	s3 =	sshra.s32 s24, $0x2;
	v4 =	vmul.f32 v2, v6;
	v3 =	vmax.f32 v3, $0.0e+00  }
0xea: {  	v2 =	vld [tilespmem:s3+$0xF240];
	v5 =	vmul.f32 v3, v7  }
0xeb: {  	v3 =	vld [tilespmem:s3+$0xF250];
	[tilespmem:s21+$0xDE80] =	vst v4  }
0xec: {  	s24 =	sadd.s32 $0x80, s24;
	v4 =	vld [tilespmem:s3+$0xDE80];
	[tilespmem:s21+$0xDE90] =	vst v5;
	s21 =	smov.u32 s3  }
0xed: {  	v5 =	vld [tilespmem:s21+$0xDE90]  }
0xee: {  	v6 =	vld [tilespmem:s21+$0x10600]  }
0xef: {  	v7 =	vld [tilespmem:s21+$0x10610];
	_ =	sdelay $0x1  }
0xf0: {  	v2 =	vadd.f32 v2, v4  }
0xf1: {  	v3 =	vadd.f32 v3, v5  }
0xf2: {  	v2 =	vmul.f32 v2, v6  }
0xf3: {  	v3 =	vmul.f32 v3, v7  }
0xf4: {  	v2 =	vadd.f32 v2, v0  }
0xf5: {  	v3 =	vadd.f32 v3, v1  }
0xf6: {  	v2 =	vmax.f32 v2, $0.0e+00  }
0xf7: {  	v2 =	vmul.f32 v2, v6;
	v3 =	vmax.f32 v3, $0.0e+00  }
0xf8: {  	v3 =	vmul.f32 v3, v7  }
0xf9: {  	[tilespmem:s21+$0xDE80] =	vst v2  }
0xfa: {  	s3 =	simm.s32 $0x0;
	s24 =	rddreg [dreg:$0xc];
	[tilespmem:s21+$0xDE90] =	vst v3  }
0xfb: {  	[hbm4b:s24+s3] =	stream.linear.scatter [tilespmem:s26], [sflag:$0x9], $0x13C0, $0x38;
	[tilespmem:$0x1B7E0] =	vst v63  }
0xfc: {  	_ =	swait.ge [sflag:s31], $0x13C0  }
0xfd: {  	[sflag:s31] =	ssyncset.done $0x0  }
0xfe: {  	s24 =	rddreg [dreg:$0x17];
	[sflag:s31] =	ssyncadd.s32 $0xFFFFEC40  }
0xff: {  	[tilespmem:s26], [sflag:$0x9] =	stream.linear.gather [spmem:s24], $0x13C0, $0x38;
	[tilespmem:$0x1B7E0] =	vst v63  }
0x100: {  	_ =	swait.ge [sflag:s31], $0x13C0  }
0x101: {  	[sflag:s31] =	ssyncset.done $0x0  }
0x102: {  	s24 =	rddreg [dreg:$0xf];
	[sflag:s31] =	ssyncadd.s32 $0xFFFFEC40  }
0x103: {  	[tilespmem:s5], [sflag:$0x9] =	stream.linear.gather [hbm4b:s24+s3], $0x13C0, $0x38;
	[tilespmem:$0x1B7E0] =	vst v63  }
0x104: {  	_ =	swait.ge [sflag:s31], $0x13C0  }
0x105: {  	[sflag:s31] =	ssyncset.done $0x0  }
0x106: {  	s24 =	rddreg [dreg:$0xd];
	[sflag:s31] =	ssyncadd.s32 $0xFFFFEC40  }
0x107: {  	[tilespmem:s28], [sflag:$0x9] =	stream.linear.gather [hbm4b:s24+s3], $0x13C0, $0x38;
	[tilespmem:$0x1B7E0] =	vst v63  }
0x108: {  	_ =	swait.ge [sflag:s31], $0x13C0  }
0x109: {  	[sflag:s31] =	ssyncset.done $0x0  }
0x10a: {  	s21 =	simm.s32 $0x0;
	[sflag:s31] =	ssyncadd.s32 $0xFFFFEC40  }
0x10b: {  	v2 =	vld [tilespmem:s21+$0xF240]  }
0x10c: {  	v3 =	vld [tilespmem:s21+$0xF250]  }
0x10d: {  	s24 =	simm.s32 $0x80;
	v4 =	vld [tilespmem:s21+$0xDE80]  }
.LBB2_8:
0x10e: {  	p0 =	sne.s32 s24, $0x4E80;
	v5 =	vld [tilespmem:s21+$0xDE90]  }
0x10f: {  	v6 =	vld [tilespmem:s21+$0x10600]  }
0x110: {  	v7 =	vld [tilespmem:s21+$0x10610];
	_ =	sdelay $0x1  }
0x111: {  	v2 =	vadd.f32 v2, v4  }
0x112: {  	v3 =	vadd.f32 v3, v5  }
0x113: {  	v2 =	vmul.f32 v2, v6  }
0x114: {  	v3 =	vmul.f32 v3, v7  }
0x115: {  	v2 =	vadd.f32 v2, v0  }
0x116: {  	v3 =	vadd.f32 v3, v1  }
.Ltmp3:
0x117: {  	v2 =	vmax.f32 v2, $0.0e+00;
	(pc) =	sbr.rel @p0 .LBB2_8-.Ltmp3, $4  }
0x118: {  	s3 =	sshra.s32 s24, $0x2;
	v4 =	vmul.f32 v2, v6;
	v3 =	vmax.f32 v3, $0.0e+00  }
0x119: {  	v2 =	vld [tilespmem:s3+$0xF240];
	v5 =	vmul.f32 v3, v7  }
0x11a: {  	v3 =	vld [tilespmem:s3+$0xF250];
	[tilespmem:s21+$0xDE80] =	vst v4  }
0x11b: {  	s24 =	sadd.s32 $0x80, s24;
	v4 =	vld [tilespmem:s3+$0xDE80];
	[tilespmem:s21+$0xDE90] =	vst v5;
	s21 =	smov.u32 s3  }
0x11c: {  	v5 =	vld [tilespmem:s21+$0xDE90]  }
0x11d: {  	v6 =	vld [tilespmem:s21+$0x10600]  }
0x11e: {  	v7 =	vld [tilespmem:s21+$0x10610];
	_ =	sdelay $0x1  }
0x11f: {  	v2 =	vadd.f32 v2, v4  }
0x120: {  	v3 =	vadd.f32 v3, v5  }
0x121: {  	v2 =	vmul.f32 v2, v6  }
0x122: {  	v3 =	vmul.f32 v3, v7  }
0x123: {  	v2 =	vadd.f32 v2, v0  }
0x124: {  	v3 =	vadd.f32 v3, v1  }
0x125: {  	v2 =	vmax.f32 v2, $0.0e+00  }
0x126: {  	v2 =	vmul.f32 v2, v6;
	v3 =	vmax.f32 v3, $0.0e+00  }
0x127: {  	v3 =	vmul.f32 v3, v7  }
0x128: {  	[tilespmem:s21+$0xDE80] =	vst v2  }
0x129: {  	s3 =	simm.s32 $0x0;
	s24 =	rddreg [dreg:$0x10];
	[tilespmem:s21+$0xDE90] =	vst v3  }
0x12a: {  	[hbm4b:s24+s3] =	stream.linear.scatter [tilespmem:s26], [sflag:$0x9], $0x13C0, $0x38;
	[tilespmem:$0x1B7E0] =	vst v63  }
0x12b: {  	_ =	swait.ge [sflag:s31], $0x13C0  }
0x12c: {  	[sflag:s31] =	ssyncset.done $0x0  }
0x12d: {  	s24 =	rddreg [dreg:$0x18];
	[sflag:s31] =	ssyncadd.s32 $0xFFFFEC40  }
0x12e: {  	[tilespmem:s26], [sflag:$0x9] =	stream.linear.gather [spmem:s24], $0x13C0, $0x38;
	[tilespmem:$0x1B7E0] =	vst v63  }
0x12f: {  	_ =	swait.ge [sflag:s31], $0x13C0  }
0x130: {  	[sflag:s31] =	ssyncset.done $0x0  }
0x131: {  	s24 =	rddreg [dreg:$0x11];
	[sflag:s31] =	ssyncadd.s32 $0xFFFFEC40  }
0x132: {  	[tilespmem:s5], [sflag:$0x9] =	stream.linear.gather [hbm4b:s24+s3], $0x13C0, $0x38;
	[tilespmem:$0x1B7E0] =	vst v63  }
0x133: {  	_ =	swait.ge [sflag:s31], $0x13C0  }
0x134: {  	[sflag:s31] =	ssyncset.done $0x0  }
0x135: {  	s24 =	rddreg [dreg:$0xe];
	[sflag:s31] =	ssyncadd.s32 $0xFFFFEC40  }
0x136: {  	[tilespmem:s28], [sflag:$0x9] =	stream.linear.gather [hbm4b:s24+s3], $0x13C0, $0x38;
	[tilespmem:$0x1B7E0] =	vst v63  }
0x137: {  	_ =	swait.ge [sflag:s31], $0x13C0  }
0x138: {  	[sflag:s31] =	ssyncset.done $0x0  }
0x139: {  	s21 =	simm.s32 $0x0;
	[sflag:s31] =	ssyncadd.s32 $0xFFFFEC40  }
0x13a: {  	v2 =	vld [tilespmem:s21+$0xF240]  }
0x13b: {  	v3 =	vld [tilespmem:s21+$0xF250]  }
0x13c: {  	s24 =	simm.s32 $0x80;
	v4 =	vld [tilespmem:s21+$0xDE80]  }
.LBB2_10:
0x13d: {  	p0 =	sne.s32 s24, $0x4E80;
	v5 =	vld [tilespmem:s21+$0xDE90]  }
0x13e: {  	v6 =	vld [tilespmem:s21+$0x10600]  }
0x13f: {  	v7 =	vld [tilespmem:s21+$0x10610];
	_ =	sdelay $0x1  }
0x140: {  	v2 =	vadd.f32 v2, v4  }
0x141: {  	v3 =	vadd.f32 v3, v5  }
0x142: {  	v2 =	vmul.f32 v2, v6  }
0x143: {  	v3 =	vmul.f32 v3, v7  }
0x144: {  	v2 =	vadd.f32 v2, v0  }
0x145: {  	v3 =	vadd.f32 v3, v1  }
.Ltmp4:
0x146: {  	v2 =	vmax.f32 v2, $0.0e+00;
	(pc) =	sbr.rel @p0 .LBB2_10-.Ltmp4, $4  }
0x147: {  	s3 =	sshra.s32 s24, $0x2;
	v4 =	vmul.f32 v2, v6;
	v3 =	vmax.f32 v3, $0.0e+00  }
0x148: {  	v2 =	vld [tilespmem:s3+$0xF240];
	v5 =	vmul.f32 v3, v7  }
0x149: {  	v3 =	vld [tilespmem:s3+$0xF250];
	[tilespmem:s21+$0xDE80] =	vst v4  }
0x14a: {  	s24 =	sadd.s32 $0x80, s24;
	v4 =	vld [tilespmem:s3+$0xDE80];
	[tilespmem:s21+$0xDE90] =	vst v5;
	s21 =	smov.u32 s3  }
0x14b: {  	v5 =	vld [tilespmem:s21+$0xDE90]  }
0x14c: {  	v6 =	vld [tilespmem:s21+$0x10600]  }
0x14d: {  	v7 =	vld [tilespmem:s21+$0x10610];
	_ =	sdelay $0x1  }
0x14e: {  	v2 =	vadd.f32 v2, v4  }
0x14f: {  	v3 =	vadd.f32 v3, v5  }
0x150: {  	v2 =	vmul.f32 v2, v6  }
0x151: {  	v3 =	vmul.f32 v3, v7  }
0x152: {  	v0 =	vadd.f32 v2, v0  }
0x153: {  	v1 =	vadd.f32 v3, v1  }
0x154: {  	v0 =	vmax.f32 v0, $0.0e+00  }
0x155: {  	v0 =	vmul.f32 v0, v6;
	v1 =	vmax.f32 v1, $0.0e+00  }
0x156: {  	v1 =	vmul.f32 v1, v7  }
0x157: {  	[tilespmem:s21+$0xDE80] =	vst v0  }
0x158: {  	s3 =	simm.s32 $0x0;
	s24 =	rddreg [dreg:$0x12];
	[tilespmem:s21+$0xDE90] =	vst v1  }
0x159: {  	[hbm4b:s24+s3] =	stream.linear.scatter [tilespmem:s26], [sflag:$0x9], $0x13C0, $0x38;
	[tilespmem:$0x1B7E0] =	vst v63  }
0x15a: {  	_ =	swait.ge [sflag:s31], $0x13C0  }
0x15b: {  	[sflag:s31] =	ssyncset.done $0x0  }
0x15c: {  	[sflag:s31] =	ssyncadd.s32 $0xFFFFEC40  }
0x15d: {  	[bflag:$0x0] =	sbarrier.arrive $0xFFFF  }
0x15e: {  	[tilespmem:s0], [sflag:$0x1] =	stream.indirect.gather [hbm4b:s19+s14], $0x20, s3, s14, $0xb8;
	[tilespmem:$0x1B7E0] =	vst v63  }
0x15f: {  	s21 =	simm.s32 $0x80  }
0x160: {  	[tilespmem:s4], [sflag:$0x2] =	stream.indirect.gather [hbm4b:s19+s14], $0x20, s21, s14, $0xb8;
	[tilespmem:$0x1B7E0] =	vst v63  }
0x161: {  	s24 =	simm.s32 $0x100  }
0x162: {  	[tilespmem:s6], [sflag:$0x3] =	stream.indirect.gather [hbm4b:s19+s14], $0x20, s24, s14, $0xb8;
	[tilespmem:$0x1B7E0] =	vst v63  }
0x163: {  	s21 =	simm.s32 $0x180  }
0x164: {  	[tilespmem:s8], [sflag:$0x4] =	stream.indirect.gather [hbm4b:s19+s14], $0x20, s21, s14, $0xb8;
	[tilespmem:$0x1B7E0] =	vst v63  }
0x165: {  	_ =	swait.ge [sflag:s9], $0xFA0  }
0x166: {  	[sflag:s9] =	ssyncset.done $0x0  }
0x167: {  	s24 =	simm.s32 $0x5000;
	[sflag:s9] =	ssyncadd.s32 $0xFFFFF060  }
0x168: {  	[spmem:s15] =	stream.indirect.scatter.add.f32 [tilespmem:s0], [sflag:$0x5], $0x20, s24, s14, $0xb8;
	[tilespmem:$0x1B7E0] =	vst v63  }
0x169: {  	_ =	swait.ge [sflag:s10], $0xFA0  }
0x16a: {  	[sflag:s10] =	ssyncset.done $0x0  }
0x16b: {  	s21 =	simm.s32 $0x5080;
	[sflag:s10] =	ssyncadd.s32 $0xFFFFF060  }
0x16c: {  	[spmem:s15] =	stream.indirect.scatter.add.f32 [tilespmem:s4], [sflag:$0x6], $0x20, s21, s14, $0xb8;
	[tilespmem:$0x1B7E0] =	vst v63  }
0x16d: {  	_ =	swait.ge [sflag:s11], $0xFA0  }
0x16e: {  	[sflag:s11] =	ssyncset.done $0x0  }
0x16f: {  	s24 =	simm.s32 $0x5100;
	[sflag:s11] =	ssyncadd.s32 $0xFFFFF060  }
0x170: {  	[spmem:s15] =	stream.indirect.scatter.add.f32 [tilespmem:s6], [sflag:$0x7], $0x20, s24, s14, $0xb8;
	[tilespmem:$0x1B7E0] =	vst v63  }
0x171: {  	_ =	swait.ge [sflag:s12], $0xFA0  }
0x172: {  	[sflag:s12] =	ssyncset.done $0x0  }
0x173: {  	s21 =	simm.s32 $0x5180;
	[sflag:s12] =	ssyncadd.s32 $0xFFFFF060  }
0x174: {  	[spmem:s15] =	stream.indirect.scatter.add.f32 [tilespmem:s8], [sflag:$0x8], $0x20, s21, s14, $0xb8;
	[tilespmem:$0x1B7E0] =	vst v63  }
0x175: {  	_ =	swait.ge [sflag:s13], $0xFA0  }
0x176: {  	[sflag:s13] =	ssyncset.done $0x0  }
0x177: {  	s24 =	simm.s32 $0x200;
	[sflag:s13] =	ssyncadd.s32 $0xFFFFF060  }
0x178: {  	[tilespmem:s0], [sflag:$0x1] =	stream.indirect.gather [hbm4b:s19+s14], $0x20, s24, s14, $0xb8;
	[tilespmem:$0x1B7E0] =	vst v63  }
0x179: {  	_ =	swait.ge [sflag:s17], $0xFA0  }
0x17a: {  	[sflag:s17] =	ssyncset.done $0x0  }
0x17b: {  	s21 =	simm.s32 $0x280;
	[sflag:s17] =	ssyncadd.s32 $0xFFFFF060  }
0x17c: {  	[tilespmem:s4], [sflag:$0x2] =	stream.indirect.gather [hbm4b:s19+s14], $0x20, s21, s14, $0xb8;
	[tilespmem:$0x1B7E0] =	vst v63  }
0x17d: {  	_ =	swait.ge [sflag:s18], $0xFA0  }
0x17e: {  	[sflag:s18] =	ssyncset.done $0x0  }
0x17f: {  	s24 =	simm.s32 $0x300;
	[sflag:s18] =	ssyncadd.s32 $0xFFFFF060  }
0x180: {  	[tilespmem:s6], [sflag:$0x3] =	stream.indirect.gather [hbm4b:s19+s14], $0x20, s24, s14, $0xb8;
	[tilespmem:$0x1B7E0] =	vst v63  }
0x181: {  	_ =	swait.ge [sflag:s20], $0xFA0  }
0x182: {  	[sflag:s20] =	ssyncset.done $0x0  }
0x183: {  	s21 =	simm.s32 $0x800;
	s24 =	simm.s32 $0x380;
	[sflag:s20] =	ssyncadd.s32 $0xFFFFF060  }
.LBB2_12:
0x184: {  	[tilespmem:s8], [sflag:$0x4] =	stream.indirect.gather [hbm4b:s19+s14], $0x20, s24, s14, $0xb8;
	[tilespmem:$0x1B7E0] =	vst v63  }
0x185: {  	s3 =	smov.u32 s21  }
0x186: {  	p0 =	sne.s32 s21, $0x13000;
	s21 =	sadd.s32 $0x800, s21;
	_ =	swait.ge [sflag:s9], $0xFA0  }
0x187: {  	s24 =	sshra.s32 s3, $0x2;
	[sflag:s9] =	ssyncset.done $0x0  }
0x188: {  	s3 =	sadd.s32 $0x5000, s24;
	[sflag:s9] =	ssyncadd.s32 $0xFFFFF060  }
0x189: {  	[spmem:s15] =	stream.indirect.scatter.add.f32 [tilespmem:s0], [sflag:$0x5], $0x20, s3, s14, $0xb8;
	[tilespmem:$0x1B7E0] =	vst v63  }
0x18a: {  	_ =	swait.ge [sflag:s10], $0xFA0  }
0x18b: {  	[sflag:s10] =	ssyncset.done $0x0  }
0x18c: {  	s3 =	sadd.s32 $0x5080, s24;
	[sflag:s10] =	ssyncadd.s32 $0xFFFFF060  }
0x18d: {  	[spmem:s15] =	stream.indirect.scatter.add.f32 [tilespmem:s4], [sflag:$0x6], $0x20, s3, s14, $0xb8;
	[tilespmem:$0x1B7E0] =	vst v63  }
0x18e: {  	_ =	swait.ge [sflag:s11], $0xFA0  }
0x18f: {  	[sflag:s11] =	ssyncset.done $0x0  }
0x190: {  	s3 =	sadd.s32 $0x5100, s24;
	[sflag:s11] =	ssyncadd.s32 $0xFFFFF060  }
0x191: {  	[spmem:s15] =	stream.indirect.scatter.add.f32 [tilespmem:s6], [sflag:$0x7], $0x20, s3, s14, $0xb8;
	[tilespmem:$0x1B7E0] =	vst v63  }
0x192: {  	_ =	swait.ge [sflag:s12], $0xFA0  }
0x193: {  	[sflag:s12] =	ssyncset.done $0x0  }
0x194: {  	s3 =	sadd.s32 $0x5180, s24;
	[sflag:s12] =	ssyncadd.s32 $0xFFFFF060  }
0x195: {  	[spmem:s15] =	stream.indirect.scatter.add.f32 [tilespmem:s8], [sflag:$0x8], $0x20, s3, s14, $0xb8;
	[tilespmem:$0x1B7E0] =	vst v63  }
0x196: {  	_ =	swait.ge [sflag:s13], $0xFA0  }
0x197: {  	[sflag:s13] =	ssyncset.done $0x0  }
0x198: {  	s3 =	sadd.s32 $0x200, s24;
	[sflag:s13] =	ssyncadd.s32 $0xFFFFF060  }
0x199: {  	[tilespmem:s0], [sflag:$0x1] =	stream.indirect.gather [hbm4b:s19+s14], $0x20, s3, s14, $0xb8;
	[tilespmem:$0x1B7E0] =	vst v63  }
0x19a: {  	_ =	swait.ge [sflag:s17], $0xFA0  }
0x19b: {  	[sflag:s17] =	ssyncset.done $0x0  }
0x19c: {  	s3 =	sadd.s32 $0x280, s24;
	[sflag:s17] =	ssyncadd.s32 $0xFFFFF060  }
0x19d: {  	[tilespmem:s4], [sflag:$0x2] =	stream.indirect.gather [hbm4b:s19+s14], $0x20, s3, s14, $0xb8;
	[tilespmem:$0x1B7E0] =	vst v63  }
0x19e: {  	_ =	swait.ge [sflag:s18], $0xFA0  }
0x19f: {  	[sflag:s18] =	ssyncset.done $0x0  }
.Ltmp5:
0x1a0: {  	s3 =	sadd.s32 $0x300, s24;
	[sflag:s18] =	ssyncadd.s32 $0xFFFFF060;
	(pc) =	sbr.rel @p0 .LBB2_12-.Ltmp5, $4  }
0x1a1: {  	[tilespmem:s6], [sflag:$0x3] =	stream.indirect.gather [hbm4b:s19+s14], $0x20, s3, s14, $0xb8;
	[tilespmem:$0x1B7E0] =	vst v63  }
0x1a2: {  	_ =	swait.ge [sflag:s20], $0xFA0  }
0x1a3: {  	[sflag:s20] =	ssyncset.done $0x0  }
0x1a4: {  	s24 =	sadd.s32 $0x380, s24;
	[sflag:s20] =	ssyncadd.s32 $0xFFFFF060  }
0x1a5: {  	[tilespmem:s8], [sflag:$0x4] =	stream.indirect.gather [hbm4b:s19+s14], $0x20, s24, s14, $0xb8;
	[tilespmem:$0x1B7E0] =	vst v63  }
0x1a6: {  	_ =	swait.ge [sflag:s9], $0xFA0  }
0x1a7: {  	[sflag:s9] =	ssyncset.done $0x0  }
0x1a8: {  	s3 =	simm.s32 $0x9E00;
	[sflag:s9] =	ssyncadd.s32 $0xFFFFF060  }
0x1a9: {  	[spmem:s15] =	stream.indirect.scatter.add.f32 [tilespmem:s0], [sflag:$0x5], $0x20, s3, s14, $0xb8;
	[tilespmem:$0x1B7E0] =	vst v63  }
0x1aa: {  	_ =	swait.ge [sflag:s10], $0xFA0  }
0x1ab: {  	[sflag:s10] =	ssyncset.done $0x0  }
0x1ac: {  	s24 =	simm.s32 $0x9E80;
	[sflag:s10] =	ssyncadd.s32 $0xFFFFF060  }
0x1ad: {  	[spmem:s15] =	stream.indirect.scatter.add.f32 [tilespmem:s4], [sflag:$0x6], $0x20, s24, s14, $0xb8;
	[tilespmem:$0x1B7E0] =	vst v63  }
0x1ae: {  	_ =	swait.ge [sflag:s11], $0xFA0  }
0x1af: {  	[sflag:s11] =	ssyncset.done $0x0  }
0x1b0: {  	s21 =	simm.s32 $0x9F00;
	[sflag:s11] =	ssyncadd.s32 $0xFFFFF060  }
0x1b1: {  	[spmem:s15] =	stream.indirect.scatter.add.f32 [tilespmem:s6], [sflag:$0x7], $0x20, s21, s14, $0xb8;
	[tilespmem:$0x1B7E0] =	vst v63  }
0x1b2: {  	_ =	swait.ge [sflag:s12], $0xFA0  }
0x1b3: {  	[sflag:s12] =	ssyncset.done $0x0  }
0x1b4: {  	[sflag:s12] =	ssyncadd.s32 $0xFFFFF060  }
0x1b5: {  	[spmem:s15] =	stream.indirect.scatter.add.f32 [tilespmem:s8], [sflag:$0x8], $0x20, s25, s14, $0xb8;
	[tilespmem:$0x1B7E0] =	vst v63  }
0x1b6: {  	_ =	swait.ge [sflag:s13], $0xFA0  }
0x1b7: {  	[sflag:s13] =	ssyncset.done $0x0  }
0x1b8: {  	[sflag:s13] =	ssyncadd.s32 $0xFFFFF060  }
0x1b9: {  	_ =	swait.ge [sflag:s17], $0xFA0  }
0x1ba: {  	[sflag:s17] =	ssyncset.done $0x0  }
0x1bb: {  	[sflag:s17] =	ssyncadd.s32 $0xFFFFF060  }
0x1bc: {  	_ =	swait.ge [sflag:s18], $0xFA0  }
0x1bd: {  	[sflag:s18] =	ssyncset.done $0x0  }
0x1be: {  	[sflag:s18] =	ssyncadd.s32 $0xFFFFF060  }
0x1bf: {  	_ =	swait.ge [sflag:s20], $0xFA0  }
0x1c0: {  	[sflag:s20] =	ssyncset.done $0x0  }
0x1c1: {  	[sflag:s20] =	ssyncadd.s32 $0xFFFFF060  }
0x1c2: {  	[bflag:$0x0] =	sbarrier.arrive $0xFFFF  }
0x1c3: {  	s24 =	rddreg [dreg:$0x19]  }
0x1c4: {  	[hbm:s24], [sflag:s7] =	dma.local [spmem:s30], $0x9E0  }
0x1c5: {  	_ =	swait.ge [sflag:s31], $0x9E0  }
0x1c6: {  	s29 =	sadd.s32 $0x1, s29;
	s30 =	rddreg [dreg:$0x1a]  }
0x1c7: {  	p0 =	sne.s32 s29, s30  }
.Ltmp6:
0x1c8: {  	_ = 	snop;
	(pc) =	sbr.rel @p0 .LBB2_1-.Ltmp6, $3  }
0x1c9: {  	_ =	sdelay $0x1  }
0x1ca: {  	[sflag:s31] =	ssyncset.done $0x0  }
0x1cb: {  	[sflag:s31] =	ssyncadd.s32 $0xFFFFF620  }
0x1cc: {  	_ =	sfence.sel $0x180000  }
0x1cd: {  	[bflag:$0x0] =	sbarrier.arrive $0xFFFF  }
0x1ce: {  	_ =	strace $0x9000004A  }
0x1cf: {  	s0 =	stileid.u32;
	[bflag:$0x2] =	sbarrier.arrive $0xFFFF  }
0x1d0: {  	p0 =	sne.s32 s0, $0x0;
	s0 =	rddreg [dreg:$0x5]  }
0x1d1: {  	s0 =	sadd.s32 @!p0 $0x100000, s0  }
0x1d2: {  	[sflag:s0] =	ssyncadd.tile.s32 @!p0 $0x1;
	_ =	shalt  }
.Lfunc_end2:
_tile_overlayer_lowered:
.L_overlay_start_2:
0x1d3: {  	(tag) =	ssettag $0x2  }
0x1d4: {  	s0 =	rddreg [dreg:$0x0];
	s2 =	stileid.u32  }
0x1d5: {  	s1 =	rddreg [dreg:$0x1];
	p0 =	sne.s32 s2, $0x0  }
0x1d6: {  	s3 =	rddreg [dreg:$0x2];
	[bflag:$0x3] =	sbarrier.arrive $0xFFFF;
	s2 =	simm.s32 @!p0 $0x1C09  }
0x1d7: {  	[timem:s3], [sflag:s2] =	dma.local @!p0 [hbm:s0], s1  }
0x1d8: {  	s0 =	simm.s32 @!p0 $0x9  }
0x1d9: {  	_ =	swait.ge @!p0 [sflag:s0], s1  }
0x1da: {  	s1 =	ssub.s32 @!p0 $0x0, s1;
	[sflag:s0] =	ssyncset.done @!p0 $0x0  }
0x1db: {  	[sflag:s0] =	ssyncadd.s32 @!p0 s1  }
0x1dc: {  	[bflag:$0x3] =	sbarrier.arrive $0xFFFF  }
0x1dd: {  	_ =	shalt  }

// kernel: kernel.15.cloned.1.call-start
scs
__scs_entry_jumppad:
0x0: {  	(pc) =	sbr.rel $0x88, $3  }
0x1: {  	(tag) =	ssettag $0x0;
	lr =	simm.s32 $0x1  }
0x2: {  	[smem:$0x3F97] =	sst lr;
	_ =	strace $0xD0000000  }
0x3: {  	_ = 	snop  }
0x4: {  	_ = 	snop  }
0x5: {  	_ = 	snop  }
0x6: {  	_ = 	snop  }
0x7: {  	_ = 	snop  }
__scs_overlays_trampoline_lowered:
0x8: {  	[smem:$0x3FA6] =	sst s0  }
0x9: {  	[smem:$0x3FA7] =	sst s1  }
0xa: {  	[smem:$0x3FA8] =	sst s2  }
0xb: {  	[smem:$0x3FA9] =	sst s3  }
0xc: {  	[smem:$0x3FAA] =	sst s4  }
0xd: {  	[smem:$0x3FAB] =	sst s5  }
0xe: {  	[smem:$0x3FAC] =	sst s6  }
0xf: {  	[smem:$0x3FAD] =	sst s7  }
0x10: {  	[smem:$0x3FAE] =	sst s8  }
0x11: {  	[smem:$0x3FAF] =	sst s9;
	s0 =	simm.s32 @!p0 $0x0  }
0x12: {  	s1 =	sld [smem:$0x3F95];
	s0 =	simm.s32 @p0 $0x1  }
0x13: {  	[smem:$0x3FB0] =	sst s0;
	s0 =	simm.s32 @!p1 $0x0  }
0x14: {  	s2 =	sld [smem:$0x3F94];
	s0 =	simm.s32 @p1 $0x1  }
0x15: {  	[smem:$0x3FB1] =	sst s0;
	s0 =	simm.s32 @!p2 $0x0  }
0x16: {  	s3 =	sld [smem:$0x3FDB];
	s0 =	simm.s32 @p2 $0x1  }
0x17: {  	s4 =	simm.s32 $0x1BF5;
	[smem:$0x3FB3] =	sst s0  }
0x18: {  	s0 =	sld [smem:$0x3F96];
	_ =	swait.ge [sflag:s4], $0x0  }
0x19: {  	s7 =	sld [smem:$0x3F97]  }
0x1a: {  	s8 =	sadd.s32 $0xFFFFE003, lr  }
0x1b: {  	s9 =	sadd.s32 $0xFFFFFEF7, lr;
	s5 =	simm.s32 $0xFFFFFFFF;
	p2 =	slt.u32 s8, $0xFFFFF086  }
0x1c: {  	p1 =	slt.u32 s9, $0xF7A;
	s5 =	simm.s32 @!p2 $0x0  }
0x1d: {  	s5 =	simm.s32 @p1 $0x1;
	p0 =	seq.s32 s7, s2  }
0x1e: {  	s7 =	smul.u32 @!p0 $0xF7A, s2;
	p2 =	seq.s32 @!p0 s5, $0x0  }
0x1f: {  	s9 =	smul.u32 $0xF7A, s1;
	s8 =	simm.s32 @!p0 $0x1BF5;
	p2 =	por !p2, p0  }
0x20: {  	[sflag:s8] =	ssyncset.s32 @!p0 $0xFFFFF086;
	s6 =	sadd.s32 @!p0 s3, s7;
	s7 =	simm.s32 @!p0 $0x108  }
0x21: {  	s3 =	sadd.s32 s3, s9;
	s6 =	sadd.s32 @!p0 $0x88, s6;
	s7 =	simm.s32 @p2 $0x1082  }
0x22: {  	[simem:s7], [sflag:s8] =	dma.local @!p0 [hbm:s6], $0xF7A  }
0x23: {  	s9 =	sor.u32 $0xD0000000, s2;
	s6 =	simm.s32 $0x108;
	_ =	swait.ge @!p0 [sflag:s8], $0x0  }
0x24: {  	s3 =	sadd.s32 $0x88, s3;
	s6 =	simm.s32 @!p1 $0x1082;
	[sflag:s4] =	ssyncset.s32 $0xFFFFF086  }
0x25: {  	[simem:s6], [sflag:s4] =	dma.local [hbm:s3], $0xF7A  }
0x26: {  	[smem:$0x3F97] =	sst s1;
	(tag) =	ssettag s2;
	_ =	strace s9  }
0x27: {  	s1 =	sld [smem:$0x3FA7]  }
0x28: {  	s2 =	sld [smem:$0x3FA8]  }
0x29: {  	s4 =	sld [smem:$0x3FAA]  }
0x2a: {  	p0 =	seq.s32 s5, $0x0;
	s5 =	sld [smem:$0x3FAB]  }
0x2b: {  	s6 =	sld [smem:$0x3FAC]  }
0x2c: {  	s7 =	sld [smem:$0x3FAD]  }
0x2d: {  	s3 =	simm.s32 $0x108;
	s8 =	sld [smem:$0x3FAE]  }
0x2e: {  	s3 =	simm.s32 @!p0 $0x1082;
	s9 =	sld [smem:$0x3FAF]  }
0x2f: {  	lr =	sadd.s32 s0, s3;
	s0 =	sld [smem:$0x3FA6]  }
0x30: {  	s3 =	sld [smem:$0x3FA9]  }
0x31: {  	[smem:$0x3FB2] =	sst s10  }
0x32: {  	s10 =	sld [smem:$0x3FB0];
	_ =	sdelay $0x3  }
0x33: {  	p0 =	seq.s32 s10, $0x1;
	s10 =	sld [smem:$0x3FB2];
	_ =	sdelay $0x3  }
0x34: {  	[smem:$0x3FB2] =	sst s10  }
0x35: {  	s10 =	sld [smem:$0x3FB1];
	_ =	sdelay $0x3  }
0x36: {  	p1 =	seq.s32 s10, $0x1;
	s10 =	sld [smem:$0x3FB2];
	_ =	sdelay $0x3  }
0x37: {  	[smem:$0x3FB2] =	sst s10  }
0x38: {  	s10 =	sld [smem:$0x3FB3]  }
0x39: {  	_ = 	snop;
	(pc) =	sbr.ind lr, $3  }
0x3a: {  	_ = 	snop  }
0x3b: {  	_ = 	snop  }
0x3c: {  	p2 =	seq.s32 s10, $0x1;
	s10 =	sld [smem:$0x3FB2]  }
0x3d: {  	_ =	shalt  }
0x3e: {  	_ =	shalt  }
0x3f: {  	_ =	shalt  }
0x40: {  	_ =	shalt  }
0x41: {  	_ =	shalt  }
0x42: {  	_ =	shalt  }
0x43: {  	_ =	shalt  }
0x44: {  	_ =	shalt  }
0x45: {  	_ =	shalt  }
0x46: {  	_ =	shalt  }
0x47: {  	_ =	shalt  }
0x48: {  	_ =	shalt  }
0x49: {  	_ =	shalt  }
0x4a: {  	_ =	shalt  }
0x4b: {  	_ =	shalt  }
0x4c: {  	_ =	shalt  }
0x4d: {  	_ =	shalt  }
0x4e: {  	_ =	shalt  }
0x4f: {  	_ =	shalt  }
0x50: {  	_ =	shalt  }
0x51: {  	_ =	shalt  }
0x52: {  	_ =	shalt  }
0x53: {  	_ =	shalt  }
0x54: {  	_ =	shalt  }
0x55: {  	_ =	shalt  }
0x56: {  	_ =	shalt  }
0x57: {  	_ =	shalt  }
0x58: {  	_ =	shalt  }
0x59: {  	_ =	shalt  }
0x5a: {  	_ =	shalt  }
0x5b: {  	_ =	shalt  }
0x5c: {  	_ =	shalt  }
0x5d: {  	_ =	shalt  }
0x5e: {  	_ =	shalt  }
0x5f: {  	_ =	shalt  }
0x60: {  	_ =	shalt  }
0x61: {  	_ =	shalt  }
0x62: {  	_ =	shalt  }
0x63: {  	_ =	shalt  }
0x64: {  	_ =	shalt  }
0x65: {  	_ =	shalt  }
0x66: {  	_ =	shalt  }
0x67: {  	_ =	shalt  }
0x68: {  	_ =	shalt  }
0x69: {  	_ =	shalt  }
0x6a: {  	_ =	shalt  }
0x6b: {  	_ =	shalt  }
0x6c: {  	_ =	shalt  }
0x6d: {  	_ =	shalt  }
0x6e: {  	_ =	shalt  }
0x6f: {  	_ =	shalt  }
0x70: {  	_ =	shalt  }
0x71: {  	_ =	shalt  }
0x72: {  	_ =	shalt  }
0x73: {  	_ =	shalt  }
0x74: {  	_ =	shalt  }
0x75: {  	_ =	shalt  }
0x76: {  	_ =	shalt  }
0x77: {  	_ =	shalt  }
0x78: {  	_ =	shalt  }
0x79: {  	_ =	shalt  }
0x7a: {  	_ =	shalt  }
0x7b: {  	_ =	shalt  }
0x7c: {  	_ =	shalt  }
0x7d: {  	_ =	shalt  }
0x7e: {  	_ =	shalt  }
0x7f: {  	_ =	shalt  }
0x80: {  	_ =	shalt  }
0x81: {  	_ =	shalt  }
0x82: {  	_ =	shalt  }
0x83: {  	_ =	shalt  }
0x84: {  	_ =	shalt  }
0x85: {  	_ =	shalt  }
0x86: {  	_ =	shalt  }
0x87: {  	_ =	shalt  }
.Lfunc_end0:
.L_simem_size_0:
called_computation.2_lowered:
.L_overlay_start_0:
0x88: {  	s2 =	sld [smem:$0x3FD9]  }
0x89: {  	s3 =	sld [smem:$0x3FFE];
	_ =	sdelay $0x1  }
0x8a: {  	s1 =	srdreg.scid  }
0x8b: {  	s0 =	sand.u32 $0x1, s1  }
0x8c: {  	s16 =	sshll.u32 s0, $0xA;
	s2 =	sadd.s32 s3, s2  }
0x8d: {  	s2 =	sadd.s32 s2, s16  }
0x8e: {  	[smem:$0x3FBE] =	sst s2  }
0x8f: {  	_ = 	snop  }
0x90: {  	(tm) =	ssettm $0x1  }
0x91: {  	s17 =	sld [smem:$0x3FFB];
	_ =	sdelay $0x3  }
0x92: {  	_ =	strace s17  }
0x93: {  	s2 =	sld [smem:$0x3FFC];
	_ =	sdelay $0x3  }
0x94: {  	_ =	strace s2  }
0x95: {  	s2 =	sld [smem:$0x3FFD];
	_ =	sdelay $0x3  }
0x96: {  	_ =	strace s2  }
0x97: {  	_ =	strace $0x8FFFFFFF  }
0x98: {  	s18 =	sld [smem:$0x3FDB];
	_ =	sdelay $0x1  }
0x99: {  	s19 =	simm.s32 $_scs_section_size  }
0x9a: {  	s4 =	simm.s32 $_size__tile_overlayer_lowered;
	s5 =	simm.s32 $_tile_overlayer_lowered  }
0x9b: {  	s22 =	simm.s32 $0x1BFF;
	s21 =	sshll.u32 s5, $0x1;
	s2 =	sadd.s32 s19, s18  }
0x9c: {  	s6 =	simm.s32 $0x0;
	s20 =	sshll.u32 s4, $0x1;
	s4 =	sadd.s32 s21, s2  }
0x9d: {  	[timem:s6], [sflag:s22] =	dma.local [hbm:s4], s20  }
0x9e: {  	_ =	swait.ge [sflag:s22], s20  }
0x9f: {  	s3 =	ssub.s32 $0x0, s20;
	[sflag:s22] =	ssyncset.done $0x0  }
0xa0: {  	[sflag:s22] =	ssyncadd.s32 s3;
	_ =	sdelay $0x1  }
0xa1: {  	s23 =	simm.s32 $0x1B8B  }
0xa2: {  	_ =	swait.ge [sflag:s23], $0x1  }
0xa3: {  	[sflag:s23] =	ssyncset.done $0x0  }
0xa4: {  	s25 =	simm.s32 $0x1B8E;
	s24 =	sld [smem:$0x3FFE];
	[sflag:s23] =	ssyncadd.s32 $0xFFFFFFFF  }
0xa5: {  	s26 =	simm.s32 $execute0_lowered;
	[smem:$0x3FD2] =	sst s25  }
0xa6: {  	s4 =	sshll.u32 s26, $0x1;
	_ =	strace $0x8000004C;
	[dreg:$0x1] =	wrdreg $0xFFFFFFFF  }
0xa7: {  	s28 =	simm.s32 $_size_execute0_lowered;
	s2 =	sadd.s32 s2, s4;
	[dreg:$0x0] =	wrdreg $0x0  }
0xa8: {  	s4 =	sshll.u32 s28, $0x1;
	[dreg:$0x2] =	wrdreg s2  }
0xa9: {  	[dreg:$0x3] =	wrdreg s4  }
0xaa: {  	[dreg:$0x4] =	wrdreg $0xC0  }
0xab: {  	_ =	task [dreg:s6], $0x5FFFF  }
0xac: {  	[dreg:$0x1] =	wrdreg $0xFFFFFFFF  }
0xad: {  	[dreg:$0x0] =	wrdreg $0x60  }
0xae: {  	[dreg:$0x2] =	wrdreg s24  }
0xaf: {  	[dreg:$0x3] =	wrdreg $0xDCA00  }
0xb0: {  	[dreg:$0x4] =	wrdreg $0x9  }
0xb1: {  	_ =	task.clear_ibuf [dreg:s6], $0x5FFFF;
	_ =	strace $0x9000004C  }
0xb2: {  	s29 =	simm.s32 $0x9;
	_ =	strace $0x8000004E  }
0xb3: {  	_ =	swait.ge [sflag:s29], $0x1  }
0xb4: {  	[sflag:s29] =	ssyncadd.s32 $0xFFFFFFFF  }
0xb5: {  	_ =	strace $0x9000004E  }
0xb6: {  	_ =	sfence  }
0xb7: {  	s30 =	sld [smem:$0x0];
	_ =	sdelay $0x2  }
0xb8: {  	s31 =	sshll.u32 s1, $0xD;
	s1 =	sshrl.u32 s1, $0x2  }
0xb9: {  	s3 =	sand.u32 $0x4000, s31;
	s1 =	sadd.s32 s1, s30  }
0xba: {  	s0 =	sor.u32 s3, s0;
	s1 =	sshll.u32 s1, $0x11  }
0xbb: {  	s0 =	sor.u32 s1, s0  }
0xbc: {  	s0 =	sadd.s32 $0x8F2B, s0  }
0xbd: {  	[sflag:s0] =	ssyncadd.remote.s32 $0x1  }
0xbe: {  	_ =	sfence.sel $0xFFFF  }
0xbf: {  	[dreg:$0x0] =	wrdreg $0xFFFFFFFF;
	(pc) =	sbr.abs _section_cstart, $3  }
0xc0: {  	[dreg:$0x1] =	wrdreg $0xFFFFFFFF  }
0xc1: {  	_ =	task.clear_ibuf [dreg:s6], $0x2FFFF;
	_ =	strace $0x9FFFFFFF  }
0xc2: {  	(tm) =	ssettm $0x7FFFFFFF  }
0xc3: {  	_ =	shalt  }
tec
execute0_lowered:
.L_overlay_start_1:
0x0: {  	(tag) =	ssettag $0x1  }
0x1: {  	s0 =	srdreg.scid  }
0x2: {  	s12 =	stileid.u32;
	s1 =	rddreg [dreg:$0x0]  }
0x3: {  	s2 =	rddreg [dreg:$0x1];
	s3 =	simm.s32 $0x0;
	s10 =	simm.s32 $0x9  }
0x4: {  	s14 =	simm.s32 $0x7D;
	s15 =	simm.s32 $0x5000;
	s17 =	simm.s32 $0x7328  }
0x5: {  	s19 =	simm.s32 $0x9650;
	s21 =	simm.s32 $0xB978;
	s22 =	simm.s32 $0x1  }
0x6: {  	s23 =	simm.s32 $0x2;
	s24 =	simm.s32 $0x3;
	s28 =	simm.s32 $0x6  }
0x7: {  	s29 =	simm.s32 $0x7;
	s30 =	simm.s32 $0x8;
	s4 =	smul.u32 $0x5000, s12  }
0x8: {  	s16 =	simm.s32 $0x0;
	s0 =	sand.u32 $0x1, s0;
	s7 =	smul.u32 $0xB1C0, s12  }
0x9: {  	[smem:$0x7FF] =	sst s3;
	s31 =	sshll.u32 s12, $0x6;
	s5 =	smul.u32 $0x2800, s0  }
0xa: {  	s25 =	smul.u32 $0xB1C00, s0;
	_ =	strace $0x8000004D;
	s0 =	ssub.s32 $0x2, s0  }
0xb: {  	s12 =	sor.u32 $0x1C09, s31;
	s8 =	sshrl.u32 s7, $0x3;
	s26 =	sshrl.u32 s0, $0x1  }
0xc: {  	s11 =	sadd.s32 s7, s2;
	s4 =	sadd.s32 s5, s4;
	s5 =	sadd.s32 s7, s25  }
0xd: {  	s8 =	sadd.s32 s8, s1;
	s0 =	ssub.s32 s0, s26;
	s13 =	sshrl.u32 s11, $0x3  }
0xe: {  	s25 =	simm.s32 $0x4;
	s26 =	simm.s32 $0x5;
	s11 =	simm.s32 $0x4F80  }
0xf: {  	s6 =	sshrl.u32 s4, $0x3;
	s4 =	sadd.s32 $0x16A00, s1;
	s5 =	sshrl.u32 s5, $0x3  }
0x10: {  	s7 =	sadd.s32 $0x2CE00, s8;
	s9 =	smax.u32 s0, $0x1;
	s6 =	sadd.s32 s6, s1  }
0x11: {  	s0 =	simm.s32 $0x4F00;
	s1 =	sadd.s32 s5, s1;
	s5 =	sadd.s32 $0x2A00, s6  }
0x12: {  	s6 =	sadd.s32 $0xCA00, s6;
	s8 =	sadd.s32 $0x43200, s1;
	s1 =	simm.s32 $0x4E80  }
.LBB2_1:
0x13: {  	[tilespmem:s3], [sflag:$0x9] =	stream.linear.gather [hbm4b:s5+s3], $0x2800, $0x38;
	[tilespmem:$0x18E60] =	vst v63  }
0x14: {  	_ =	swait.ge [sflag:s10], $0x2800  }
0x15: {  	[sflag:s10] =	ssyncset.done $0x0  }
0x16: {  	s18 =	simm.s32 $0x2800;
	[sflag:s10] =	ssyncadd.s32 $0xFFFFD800  }
0x17: {  	[tilespmem:s18], [sflag:$0x9] =	stream.linear.gather [hbm4b:s6+s3], $0x2800, $0x38;
	[tilespmem:$0x18E60] =	vst v63  }
0x18: {  	_ =	swait.ge [sflag:s10], $0x2800  }
0x19: {  	[sflag:s10] =	ssyncset.done $0x0  }
0x1a: {  	[sflag:s10] =	ssyncadd.s32 $0xFFFFD800  }
0x1b: {  	[spmem:s13], [sflag:s12] =	dma.local [hbm:s7], $0x1638  }
0x1c: {  	_ =	swait.ge [sflag:s10], $0x1638  }
0x1d: {  	[sflag:s10] =	ssyncset.done $0x0  }
0x1e: {  	[sflag:s10] =	ssyncadd.s32 $0xFFFFE9C8  }
0x1f: {  	[bflag:$0x0] =	sbarrier.arrive $0xFFFF  }
0x20: {  	[tilespmem:s15], [sflag:$0x1] =	stream.indirect.gather [hbm4b:s4+s14], $0x48, s3, s14, $0xb8;
	[tilespmem:$0x18E60] =	vst v63  }
0x21: {  	s20 =	simm.s32 $0x80  }
0x22: {  	[tilespmem:s17], [sflag:$0x2] =	stream.indirect.gather [hbm4b:s4+s14], $0x48, s20, s14, $0xb8;
	[tilespmem:$0x18E60] =	vst v63  }
0x23: {  	s31 =	simm.s32 $0x100  }
0x24: {  	[tilespmem:s19], [sflag:$0x3] =	stream.indirect.gather [hbm4b:s4+s14], $0x48, s31, s14, $0xb8;
	[tilespmem:$0x18E60] =	vst v63  }
0x25: {  	s20 =	simm.s32 $0x180  }
0x26: {  	[tilespmem:s21], [sflag:$0x4] =	stream.indirect.gather [hbm4b:s4+s14], $0x48, s20, s14, $0xb8;
	[tilespmem:$0x18E60] =	vst v63  }
0x27: {  	_ =	swait.ge [sflag:s22], $0x2328  }
0x28: {  	[sflag:s22] =	ssyncset.done $0x0  }
0x29: {  	s31 =	simm.s32 $0x2800;
	[sflag:s22] =	ssyncadd.s32 $0xFFFFDCD8  }
0x2a: {  	[spmem:s2] =	stream.indirect.scatter.add.f32 [tilespmem:s15], [sflag:$0x5], $0x48, s31, s14, $0xb8;
	[tilespmem:$0x18E60] =	vst v63  }
0x2b: {  	_ =	swait.ge [sflag:s23], $0x2328  }
0x2c: {  	[sflag:s23] =	ssyncset.done $0x0  }
0x2d: {  	s20 =	simm.s32 $0x2880;
	[sflag:s23] =	ssyncadd.s32 $0xFFFFDCD8  }
0x2e: {  	[spmem:s2] =	stream.indirect.scatter.add.f32 [tilespmem:s17], [sflag:$0x6], $0x48, s20, s14, $0xb8;
	[tilespmem:$0x18E60] =	vst v63  }
0x2f: {  	_ =	swait.ge [sflag:s24], $0x2328  }
0x30: {  	[sflag:s24] =	ssyncset.done $0x0  }
0x31: {  	s31 =	simm.s32 $0x2900;
	[sflag:s24] =	ssyncadd.s32 $0xFFFFDCD8  }
0x32: {  	[spmem:s2] =	stream.indirect.scatter.add.f32 [tilespmem:s19], [sflag:$0x7], $0x48, s31, s14, $0xb8;
	[tilespmem:$0x18E60] =	vst v63  }
0x33: {  	_ =	swait.ge [sflag:s25], $0x2328  }
0x34: {  	[sflag:s25] =	ssyncset.done $0x0  }
0x35: {  	s20 =	simm.s32 $0x2980;
	[sflag:s25] =	ssyncadd.s32 $0xFFFFDCD8  }
0x36: {  	[spmem:s2] =	stream.indirect.scatter.add.f32 [tilespmem:s21], [sflag:$0x8], $0x48, s20, s14, $0xb8;
	[tilespmem:$0x18E60] =	vst v63  }
0x37: {  	_ =	swait.ge [sflag:s26], $0x2328  }
0x38: {  	[sflag:s26] =	ssyncset.done $0x0  }
0x39: {  	s31 =	simm.s32 $0x200;
	[sflag:s26] =	ssyncadd.s32 $0xFFFFDCD8  }
0x3a: {  	[tilespmem:s15], [sflag:$0x1] =	stream.indirect.gather [hbm4b:s4+s14], $0x48, s31, s14, $0xb8;
	[tilespmem:$0x18E60] =	vst v63  }
0x3b: {  	_ =	swait.ge [sflag:s28], $0x2328  }
0x3c: {  	[sflag:s28] =	ssyncset.done $0x0  }
0x3d: {  	s20 =	simm.s32 $0x280;
	[sflag:s28] =	ssyncadd.s32 $0xFFFFDCD8  }
0x3e: {  	[tilespmem:s17], [sflag:$0x2] =	stream.indirect.gather [hbm4b:s4+s14], $0x48, s20, s14, $0xb8;
	[tilespmem:$0x18E60] =	vst v63  }
0x3f: {  	_ =	swait.ge [sflag:s29], $0x2328  }
0x40: {  	[sflag:s29] =	ssyncset.done $0x0  }
0x41: {  	s31 =	simm.s32 $0x300;
	[sflag:s29] =	ssyncadd.s32 $0xFFFFDCD8  }
0x42: {  	[tilespmem:s19], [sflag:$0x3] =	stream.indirect.gather [hbm4b:s4+s14], $0x48, s31, s14, $0xb8;
	[tilespmem:$0x18E60] =	vst v63  }
0x43: {  	_ =	swait.ge [sflag:s30], $0x2328  }
0x44: {  	[sflag:s30] =	ssyncset.done $0x0  }
0x45: {  	s18 =	simm.s32 $0x800;
	s20 =	simm.s32 $0x380;
	[sflag:s30] =	ssyncadd.s32 $0xFFFFDCD8  }
.LBB2_2:
0x46: {  	[tilespmem:s21], [sflag:$0x4] =	stream.indirect.gather [hbm4b:s4+s14], $0x48, s20, s14, $0xb8;
	[tilespmem:$0x18E60] =	vst v63  }
0x47: {  	s20 =	smov.u32 s18  }
0x48: {  	p0 =	sne.s32 s18, $0x9000;
	s18 =	sadd.s32 $0x800, s18;
	_ =	swait.ge [sflag:s22], $0x2328  }
0x49: {  	s20 =	sshra.s32 s20, $0x2;
	[sflag:s22] =	ssyncset.done $0x0  }
0x4a: {  	s31 =	sadd.s32 $0x2800, s20;
	[sflag:s22] =	ssyncadd.s32 $0xFFFFDCD8  }
0x4b: {  	[spmem:s2] =	stream.indirect.scatter.add.f32 [tilespmem:s15], [sflag:$0x5], $0x48, s31, s14, $0xb8;
	[tilespmem:$0x18E60] =	vst v63  }
0x4c: {  	_ =	swait.ge [sflag:s23], $0x2328  }
0x4d: {  	[sflag:s23] =	ssyncset.done $0x0  }
0x4e: {  	s31 =	sadd.s32 $0x2880, s20;
	[sflag:s23] =	ssyncadd.s32 $0xFFFFDCD8  }
0x4f: {  	[spmem:s2] =	stream.indirect.scatter.add.f32 [tilespmem:s17], [sflag:$0x6], $0x48, s31, s14, $0xb8;
	[tilespmem:$0x18E60] =	vst v63  }
0x50: {  	_ =	swait.ge [sflag:s24], $0x2328  }
0x51: {  	[sflag:s24] =	ssyncset.done $0x0  }
0x52: {  	s31 =	sadd.s32 $0x2900, s20;
	[sflag:s24] =	ssyncadd.s32 $0xFFFFDCD8  }
0x53: {  	[spmem:s2] =	stream.indirect.scatter.add.f32 [tilespmem:s19], [sflag:$0x7], $0x48, s31, s14, $0xb8;
	[tilespmem:$0x18E60] =	vst v63  }
0x54: {  	_ =	swait.ge [sflag:s25], $0x2328  }
0x55: {  	[sflag:s25] =	ssyncset.done $0x0  }
0x56: {  	s31 =	sadd.s32 $0x2980, s20;
	[sflag:s25] =	ssyncadd.s32 $0xFFFFDCD8  }
0x57: {  	[spmem:s2] =	stream.indirect.scatter.add.f32 [tilespmem:s21], [sflag:$0x8], $0x48, s31, s14, $0xb8;
	[tilespmem:$0x18E60] =	vst v63  }
0x58: {  	_ =	swait.ge [sflag:s26], $0x2328  }
0x59: {  	[sflag:s26] =	ssyncset.done $0x0  }
0x5a: {  	s31 =	sadd.s32 $0x200, s20;
	[sflag:s26] =	ssyncadd.s32 $0xFFFFDCD8  }
0x5b: {  	[tilespmem:s15], [sflag:$0x1] =	stream.indirect.gather [hbm4b:s4+s14], $0x48, s31, s14, $0xb8;
	[tilespmem:$0x18E60] =	vst v63  }
0x5c: {  	_ =	swait.ge [sflag:s28], $0x2328  }
0x5d: {  	[sflag:s28] =	ssyncset.done $0x0  }
0x5e: {  	s31 =	sadd.s32 $0x280, s20;
	[sflag:s28] =	ssyncadd.s32 $0xFFFFDCD8  }
0x5f: {  	[tilespmem:s17], [sflag:$0x2] =	stream.indirect.gather [hbm4b:s4+s14], $0x48, s31, s14, $0xb8;
	[tilespmem:$0x18E60] =	vst v63  }
0x60: {  	_ =	swait.ge [sflag:s29], $0x2328  }
0x61: {  	[sflag:s29] =	ssyncset.done $0x0  }
.Ltmp0:
0x62: {  	s31 =	sadd.s32 $0x300, s20;
	[sflag:s29] =	ssyncadd.s32 $0xFFFFDCD8;
	(pc) =	sbr.rel @p0 .LBB2_2-.Ltmp0, $4  }
0x63: {  	[tilespmem:s19], [sflag:$0x3] =	stream.indirect.gather [hbm4b:s4+s14], $0x48, s31, s14, $0xb8;
	[tilespmem:$0x18E60] =	vst v63  }
0x64: {  	_ =	swait.ge [sflag:s30], $0x2328  }
0x65: {  	[sflag:s30] =	ssyncset.done $0x0  }
0x66: {  	s20 =	sadd.s32 $0x380, s20;
	[sflag:s30] =	ssyncadd.s32 $0xFFFFDCD8  }
0x67: {  	[tilespmem:s21], [sflag:$0x4] =	stream.indirect.gather [hbm4b:s4+s14], $0x48, s20, s14, $0xb8;
	[tilespmem:$0x18E60] =	vst v63  }
0x68: {  	_ =	swait.ge [sflag:s22], $0x2328  }
0x69: {  	[sflag:s22] =	ssyncset.done $0x0  }
0x6a: {  	s18 =	simm.s32 $0x4E00;
	[sflag:s22] =	ssyncadd.s32 $0xFFFFDCD8  }
0x6b: {  	[spmem:s2] =	stream.indirect.scatter.add.f32 [tilespmem:s15], [sflag:$0x5], $0x48, s18, s14, $0xb8;
	[tilespmem:$0x18E60] =	vst v63  }
0x6c: {  	_ =	swait.ge [sflag:s23], $0x2328  }
0x6d: {  	[sflag:s23] =	ssyncset.done $0x0  }
0x6e: {  	[sflag:s23] =	ssyncadd.s32 $0xFFFFDCD8  }
0x6f: {  	[spmem:s2] =	stream.indirect.scatter.add.f32 [tilespmem:s17], [sflag:$0x6], $0x48, s1, s14, $0xb8;
	[tilespmem:$0x18E60] =	vst v63  }
0x70: {  	_ =	swait.ge [sflag:s24], $0x2328  }
0x71: {  	[sflag:s24] =	ssyncset.done $0x0  }
0x72: {  	[sflag:s24] =	ssyncadd.s32 $0xFFFFDCD8  }
0x73: {  	[spmem:s2] =	stream.indirect.scatter.add.f32 [tilespmem:s19], [sflag:$0x7], $0x48, s0, s14, $0xb8;
	[tilespmem:$0x18E60] =	vst v63  }
0x74: {  	_ =	swait.ge [sflag:s25], $0x2328  }
0x75: {  	[sflag:s25] =	ssyncset.done $0x0  }
0x76: {  	[sflag:s25] =	ssyncadd.s32 $0xFFFFDCD8  }
0x77: {  	[spmem:s2] =	stream.indirect.scatter.add.f32 [tilespmem:s21], [sflag:$0x8], $0x48, s11, s14, $0xb8;
	[tilespmem:$0x18E60] =	vst v63  }
0x78: {  	_ =	swait.ge [sflag:s26], $0x2328  }
0x79: {  	[sflag:s26] =	ssyncset.done $0x0  }
0x7a: {  	[sflag:s26] =	ssyncadd.s32 $0xFFFFDCD8  }
0x7b: {  	_ =	swait.ge [sflag:s28], $0x2328  }
0x7c: {  	[sflag:s28] =	ssyncset.done $0x0  }
0x7d: {  	[sflag:s28] =	ssyncadd.s32 $0xFFFFDCD8  }
0x7e: {  	_ =	swait.ge [sflag:s29], $0x2328  }
0x7f: {  	[sflag:s29] =	ssyncset.done $0x0  }
0x80: {  	[sflag:s29] =	ssyncadd.s32 $0xFFFFDCD8  }
0x81: {  	_ =	swait.ge [sflag:s30], $0x2328  }
0x82: {  	s16 =	sadd.s32 $0x1, s16;
	[sflag:s30] =	ssyncset.done $0x0  }
0x83: {  	p0 =	sne.s32 s16, s9;
	[sflag:s30] =	ssyncadd.s32 $0xFFFFDCD8  }
.Ltmp1:
0x84: {  	[bflag:$0x0] =	sbarrier.arrive $0xFFFF;
	(pc) =	sbr.rel @p0 .LBB2_1-.Ltmp1, $4  }
0x85: {  	[hbm:s8], [sflag:s12] =	dma.local [spmem:s13], $0x1638  }
0x86: {  	_ =	swait.ge [sflag:s10], $0x1638  }
0x87: {  	[sflag:s10] =	ssyncset.done $0x0  }
0x88: {  	[sflag:s10] =	ssyncadd.s32 $0xFFFFE9C8  }
0x89: {  	_ =	sfence.sel $0x180000  }
0x8a: {  	[bflag:$0x0] =	sbarrier.arrive $0xFFFF  }
0x8b: {  	_ =	strace $0x9000004D  }
0x8c: {  	s0 =	stileid.u32;
	[bflag:$0x2] =	sbarrier.arrive $0xFFFF  }
0x8d: {  	p0 =	sne.s32 s0, $0x0;
	s0 =	rddreg [dreg:$0x2]  }
0x8e: {  	s0 =	sadd.s32 @!p0 $0x100000, s0  }
0x8f: {  	[sflag:s0] =	ssyncadd.tile.s32 @!p0 $0x1;
	_ =	shalt  }
.Lfunc_end2:
_tile_overlayer_lowered:
.L_overlay_start_2:
0x90: {  	(tag) =	ssettag $0x2  }
0x91: {  	s0 =	rddreg [dreg:$0x0];
	s2 =	stileid.u32  }
0x92: {  	s1 =	rddreg [dreg:$0x1];
	p0 =	sne.s32 s2, $0x0  }
0x93: {  	s3 =	rddreg [dreg:$0x2];
	[bflag:$0x3] =	sbarrier.arrive $0xFFFF;
	s2 =	simm.s32 @!p0 $0x1C09  }
0x94: {  	[timem:s3], [sflag:s2] =	dma.local @!p0 [hbm:s0], s1  }
0x95: {  	s0 =	simm.s32 @!p0 $0x9  }
0x96: {  	_ =	swait.ge @!p0 [sflag:s0], s1  }
0x97: {  	s1 =	ssub.s32 @!p0 $0x0, s1;
	[sflag:s0] =	ssyncset.done @!p0 $0x0  }
0x98: {  	[sflag:s0] =	ssyncadd.s32 @!p0 s1  }
0x99: {  	[bflag:$0x3] =	sbarrier.arrive $0xFFFF  }
0x9a: {  	_ =	shalt  }

// kernel: kernel.9.cloned.1.call-start
scs
__scs_entry_jumppad:
0x0: {  	(pc) =	sbr.rel $0x88, $3  }
0x1: {  	(tag) =	ssettag $0x0;
	lr =	simm.s32 $0x1  }
0x2: {  	[smem:$0x3F97] =	sst lr;
	_ =	strace $0xD0000000  }
0x3: {  	_ = 	snop  }
0x4: {  	_ = 	snop  }
0x5: {  	_ = 	snop  }
0x6: {  	_ = 	snop  }
0x7: {  	_ = 	snop  }
__scs_overlays_trampoline_lowered:
0x8: {  	[smem:$0x3FA6] =	sst s0  }
0x9: {  	[smem:$0x3FA7] =	sst s1  }
0xa: {  	[smem:$0x3FA8] =	sst s2  }
0xb: {  	[smem:$0x3FA9] =	sst s3  }
0xc: {  	[smem:$0x3FAA] =	sst s4  }
0xd: {  	[smem:$0x3FAB] =	sst s5  }
0xe: {  	[smem:$0x3FAC] =	sst s6  }
0xf: {  	[smem:$0x3FAD] =	sst s7  }
0x10: {  	[smem:$0x3FAE] =	sst s8  }
0x11: {  	[smem:$0x3FAF] =	sst s9;
	s0 =	simm.s32 @!p0 $0x0  }
0x12: {  	s1 =	sld [smem:$0x3F95];
	s0 =	simm.s32 @p0 $0x1  }
0x13: {  	[smem:$0x3FB0] =	sst s0;
	s0 =	simm.s32 @!p1 $0x0  }
0x14: {  	s2 =	sld [smem:$0x3F94];
	s0 =	simm.s32 @p1 $0x1  }
0x15: {  	[smem:$0x3FB1] =	sst s0;
	s0 =	simm.s32 @!p2 $0x0  }
0x16: {  	s3 =	sld [smem:$0x3FDB];
	s0 =	simm.s32 @p2 $0x1  }
0x17: {  	s4 =	simm.s32 $0x1BF5;
	[smem:$0x3FB3] =	sst s0  }
0x18: {  	s0 =	sld [smem:$0x3F96];
	_ =	swait.ge [sflag:s4], $0x0  }
0x19: {  	s7 =	sld [smem:$0x3F97]  }
0x1a: {  	s8 =	sadd.s32 $0xFFFFE003, lr  }
0x1b: {  	s9 =	sadd.s32 $0xFFFFFEF7, lr;
	s5 =	simm.s32 $0xFFFFFFFF;
	p2 =	slt.u32 s8, $0xFFFFF086  }
0x1c: {  	p1 =	slt.u32 s9, $0xF7A;
	s5 =	simm.s32 @!p2 $0x0  }
0x1d: {  	s5 =	simm.s32 @p1 $0x1;
	p0 =	seq.s32 s7, s2  }
0x1e: {  	s7 =	smul.u32 @!p0 $0xF7A, s2;
	p2 =	seq.s32 @!p0 s5, $0x0  }
0x1f: {  	s9 =	smul.u32 $0xF7A, s1;
	s8 =	simm.s32 @!p0 $0x1BF5;
	p2 =	por !p2, p0  }
0x20: {  	[sflag:s8] =	ssyncset.s32 @!p0 $0xFFFFF086;
	s6 =	sadd.s32 @!p0 s3, s7;
	s7 =	simm.s32 @!p0 $0x108  }
0x21: {  	s3 =	sadd.s32 s3, s9;
	s6 =	sadd.s32 @!p0 $0x88, s6;
	s7 =	simm.s32 @p2 $0x1082  }
0x22: {  	[simem:s7], [sflag:s8] =	dma.local @!p0 [hbm:s6], $0xF7A  }
0x23: {  	s9 =	sor.u32 $0xD0000000, s2;
	s6 =	simm.s32 $0x108;
	_ =	swait.ge @!p0 [sflag:s8], $0x0  }
0x24: {  	s3 =	sadd.s32 $0x88, s3;
	s6 =	simm.s32 @!p1 $0x1082;
	[sflag:s4] =	ssyncset.s32 $0xFFFFF086  }
0x25: {  	[simem:s6], [sflag:s4] =	dma.local [hbm:s3], $0xF7A  }
0x26: {  	[smem:$0x3F97] =	sst s1;
	(tag) =	ssettag s2;
	_ =	strace s9  }
0x27: {  	s1 =	sld [smem:$0x3FA7]  }
0x28: {  	s2 =	sld [smem:$0x3FA8]  }
0x29: {  	s4 =	sld [smem:$0x3FAA]  }
0x2a: {  	p0 =	seq.s32 s5, $0x0;
	s5 =	sld [smem:$0x3FAB]  }
0x2b: {  	s6 =	sld [smem:$0x3FAC]  }
0x2c: {  	s7 =	sld [smem:$0x3FAD]  }
0x2d: {  	s3 =	simm.s32 $0x108;
	s8 =	sld [smem:$0x3FAE]  }
0x2e: {  	s3 =	simm.s32 @!p0 $0x1082;
	s9 =	sld [smem:$0x3FAF]  }
0x2f: {  	lr =	sadd.s32 s0, s3;
	s0 =	sld [smem:$0x3FA6]  }
0x30: {  	s3 =	sld [smem:$0x3FA9]  }
0x31: {  	[smem:$0x3FB2] =	sst s10  }
0x32: {  	s10 =	sld [smem:$0x3FB0];
	_ =	sdelay $0x3  }
0x33: {  	p0 =	seq.s32 s10, $0x1;
	s10 =	sld [smem:$0x3FB2];
	_ =	sdelay $0x3  }
0x34: {  	[smem:$0x3FB2] =	sst s10  }
0x35: {  	s10 =	sld [smem:$0x3FB1];
	_ =	sdelay $0x3  }
0x36: {  	p1 =	seq.s32 s10, $0x1;
	s10 =	sld [smem:$0x3FB2];
	_ =	sdelay $0x3  }
0x37: {  	[smem:$0x3FB2] =	sst s10  }
0x38: {  	s10 =	sld [smem:$0x3FB3]  }
0x39: {  	_ = 	snop;
	(pc) =	sbr.ind lr, $3  }
0x3a: {  	_ = 	snop  }
0x3b: {  	_ = 	snop  }
0x3c: {  	p2 =	seq.s32 s10, $0x1;
	s10 =	sld [smem:$0x3FB2]  }
0x3d: {  	_ =	shalt  }
0x3e: {  	_ =	shalt  }
0x3f: {  	_ =	shalt  }
0x40: {  	_ =	shalt  }
0x41: {  	_ =	shalt  }
0x42: {  	_ =	shalt  }
0x43: {  	_ =	shalt  }
0x44: {  	_ =	shalt  }
0x45: {  	_ =	shalt  }
0x46: {  	_ =	shalt  }
0x47: {  	_ =	shalt  }
0x48: {  	_ =	shalt  }
0x49: {  	_ =	shalt  }
0x4a: {  	_ =	shalt  }
0x4b: {  	_ =	shalt  }
0x4c: {  	_ =	shalt  }
0x4d: {  	_ =	shalt  }
0x4e: {  	_ =	shalt  }
0x4f: {  	_ =	shalt  }
0x50: {  	_ =	shalt  }
0x51: {  	_ =	shalt  }
0x52: {  	_ =	shalt  }
0x53: {  	_ =	shalt  }
0x54: {  	_ =	shalt  }
0x55: {  	_ =	shalt  }
0x56: {  	_ =	shalt  }
0x57: {  	_ =	shalt  }
0x58: {  	_ =	shalt  }
0x59: {  	_ =	shalt  }
0x5a: {  	_ =	shalt  }
0x5b: {  	_ =	shalt  }
0x5c: {  	_ =	shalt  }
0x5d: {  	_ =	shalt  }
0x5e: {  	_ =	shalt  }
0x5f: {  	_ =	shalt  }
0x60: {  	_ =	shalt  }
0x61: {  	_ =	shalt  }
0x62: {  	_ =	shalt  }
0x63: {  	_ =	shalt  }
0x64: {  	_ =	shalt  }
0x65: {  	_ =	shalt  }
0x66: {  	_ =	shalt  }
0x67: {  	_ =	shalt  }
0x68: {  	_ =	shalt  }
0x69: {  	_ =	shalt  }
0x6a: {  	_ =	shalt  }
0x6b: {  	_ =	shalt  }
0x6c: {  	_ =	shalt  }
0x6d: {  	_ =	shalt  }
0x6e: {  	_ =	shalt  }
0x6f: {  	_ =	shalt  }
0x70: {  	_ =	shalt  }
0x71: {  	_ =	shalt  }
0x72: {  	_ =	shalt  }
0x73: {  	_ =	shalt  }
0x74: {  	_ =	shalt  }
0x75: {  	_ =	shalt  }
0x76: {  	_ =	shalt  }
0x77: {  	_ =	shalt  }
0x78: {  	_ =	shalt  }
0x79: {  	_ =	shalt  }
0x7a: {  	_ =	shalt  }
0x7b: {  	_ =	shalt  }
0x7c: {  	_ =	shalt  }
0x7d: {  	_ =	shalt  }
0x7e: {  	_ =	shalt  }
0x7f: {  	_ =	shalt  }
0x80: {  	_ =	shalt  }
0x81: {  	_ =	shalt  }
0x82: {  	_ =	shalt  }
0x83: {  	_ =	shalt  }
0x84: {  	_ =	shalt  }
0x85: {  	_ =	shalt  }
0x86: {  	_ =	shalt  }
0x87: {  	_ =	shalt  }
.Lfunc_end0:
.L_simem_size_0:
called_computation_lowered:
.L_overlay_start_0:
0x88: {  	s2 =	sld [smem:$0x3FD9]  }
0x89: {  	s3 =	sld [smem:$0x3FFE];
	_ =	sdelay $0x1  }
0x8a: {  	s1 =	srdreg.scid  }
0x8b: {  	s0 =	sand.u32 $0x1, s1  }
0x8c: {  	s17 =	sshll.u32 s0, $0xA;
	s2 =	sadd.s32 s3, s2  }
0x8d: {  	s2 =	sadd.s32 s2, s17  }
0x8e: {  	[smem:$0x3FBE] =	sst s2  }
0x8f: {  	_ = 	snop  }
0x90: {  	s2 =	sld [smem:$0x3FD0];
	(tm) =	ssettm $0x1  }
0x91: {  	s18 =	sld [smem:$0x3FFB];
	_ =	sdelay $0x3  }
0x92: {  	_ =	strace s18  }
0x93: {  	s3 =	sld [smem:$0x3FFC];
	_ =	sdelay $0x3  }
0x94: {  	_ =	strace s3  }
0x95: {  	s3 =	sld [smem:$0x3FFD];
	_ =	sdelay $0x3  }
0x96: {  	_ =	strace s3  }
0x97: {  	_ =	strace $0x8FFFFFFF  }
0x98: {  	s19 =	sld [smem:$0x3FDB];
	_ =	sdelay $0x1  }
0x99: {  	s4 =	simm.s32 $_scs_section_size  }
0x9a: {  	s5 =	simm.s32 $_size__tile_overlayer_lowered;
	s6 =	simm.s32 $_tile_overlayer_lowered  }
0x9b: {  	s22 =	simm.s32 $0x1BFF;
	s21 =	sshll.u32 s6, $0x1;
	s3 =	sadd.s32 s4, s19  }
0x9c: {  	s7 =	simm.s32 $0x0;
	s20 =	sshll.u32 s5, $0x1;
	s5 =	sadd.s32 s21, s3  }
0x9d: {  	[timem:s7], [sflag:s22] =	dma.local [hbm:s5], s20  }
0x9e: {  	_ =	swait.ge [sflag:s22], s20  }
0x9f: {  	s4 =	ssub.s32 $0x0, s20;
	[sflag:s22] =	ssyncset.done $0x0  }
0xa0: {  	[sflag:s22] =	ssyncadd.s32 s4;
	_ =	sdelay $0x1  }
0xa1: {  	s23 =	simm.s32 $0x1B8B  }
0xa2: {  	_ =	swait.ge [sflag:s23], $0x1  }
0xa3: {  	[sflag:s23] =	ssyncset.done $0x0  }
0xa4: {  	s25 =	simm.s32 $0x1B8E;
	s24 =	sld [smem:$0x3FFE];
	[sflag:s23] =	ssyncadd.s32 $0xFFFFFFFF  }
0xa5: {  	s26 =	simm.s32 $execute0_lowered;
	[smem:$0x3FD2] =	sst s25  }
0xa6: {  	s5 =	sshll.u32 s26, $0x1;
	_ =	strace $0x80000046;
	[dreg:$0x1] =	wrdreg $0xFFFFFFFF  }
0xa7: {  	s28 =	simm.s32 $_size_execute0_lowered;
	s3 =	sadd.s32 s3, s5;
	[dreg:$0x0] =	wrdreg $0x0  }
0xa8: {  	s5 =	sshll.u32 s28, $0x1;
	[dreg:$0x2] =	wrdreg s3  }
0xa9: {  	[dreg:$0x3] =	wrdreg s5  }
0xaa: {  	[dreg:$0x4] =	wrdreg $0xC0  }
0xab: {  	_ =	task [dreg:s7], $0x5FFFF  }
0xac: {  	[dreg:$0x1] =	wrdreg $0xFFFFFFFF  }
0xad: {  	[dreg:$0x0] =	wrdreg $0x60  }
0xae: {  	[dreg:$0x2] =	wrdreg s24  }
0xaf: {  	[dreg:$0x3] =	wrdreg s2  }
0xb0: {  	[dreg:$0x4] =	wrdreg $0x2BE80  }
0xb1: {  	[dreg:$0x5] =	wrdreg $0x9  }
0xb2: {  	_ =	task.clear_ibuf [dreg:s7], $0x6FFFF;
	_ =	strace $0x90000046  }
0xb3: {  	s29 =	simm.s32 $0x9;
	_ =	strace $0x80000048  }
0xb4: {  	_ =	swait.ge [sflag:s29], $0x1  }
0xb5: {  	[sflag:s29] =	ssyncadd.s32 $0xFFFFFFFF  }
0xb6: {  	_ =	strace $0x90000048  }
0xb7: {  	_ =	sfence  }
0xb8: {  	s30 =	sld [smem:$0x0];
	_ =	sdelay $0x2  }
0xb9: {  	s31 =	sshll.u32 s1, $0xD;
	s1 =	sshrl.u32 s1, $0x2  }
0xba: {  	s3 =	sand.u32 $0x4000, s31;
	s1 =	sadd.s32 s1, s30  }
0xbb: {  	s0 =	sor.u32 s3, s0;
	s1 =	sshll.u32 s1, $0x11  }
0xbc: {  	s0 =	sor.u32 s1, s0  }
0xbd: {  	s0 =	sadd.s32 $0x8F2B, s0  }
0xbe: {  	[sflag:s0] =	ssyncadd.remote.s32 $0x1  }
0xbf: {  	_ =	sfence.sel $0xFFFF  }
0xc0: {  	[dreg:$0x0] =	wrdreg $0xFFFFFFFF;
	(pc) =	sbr.abs _section_cstart, $3  }
0xc1: {  	[dreg:$0x1] =	wrdreg $0xFFFFFFFF  }
0xc2: {  	_ =	task.clear_ibuf [dreg:s7], $0x2FFFF;
	_ =	strace $0x9FFFFFFF  }
0xc3: {  	(tm) =	ssettm $0x7FFFFFFF  }
tec
execute0_lowered:
.L_overlay_start_1:
0x0: {  	(tag) =	ssettag $0x1  }
0x1: {  	s1 =	srdreg.scid;
	s6 =	rddreg [dreg:$0x0]  }
0x2: {  	s0 =	stileid.u32;
	s7 =	rddreg [dreg:$0x1]  }
0x3: {  	s2 =	rddreg [dreg:$0x2];
	s28 =	smul.u32 $0x5000, s0  }
0x4: {  	s13 =	simm.s32 $0x7D;
	s5 =	sand.u32 $0x1, s1;
	s8 =	smul.u32 $0x13C0, s0  }
0x5: {  	s14 =	simm.s32 $0x1;
	s15 =	simm.s32 $0x0;
	s3 =	smul.u32 $0x2800, s5  }
0x6: {  	s1 =	rddreg [dreg:$0x3];
	s10 =	smul.u32 $0x13C00, s5;
	s5 =	ssub.s32 $0x2, s5  }
0x7: {  	s31 =	sshll.u32 s0, $0x6;
	s11 =	sshrl.u32 s8, $0x3;
	s29 =	sshrl.u32 s5, $0x1  }
0x8: {  	s12 =	sadd.s32 s8, s2;
	s4 =	sadd.s32 s3, s28;
	s3 =	simm.s32 $0x0  }
0x9: {  	s10 =	sadd.s32 s8, s10;
	s12 =	sshrl.u32 s12, $0x3;
	s4 =	sadd.s32 $0x50000, s4  }
0xa: {  	[smem:$0x7FF] =	sst s3;
	s30 =	sshrl.u32 s10, $0x3;
	s10 =	simm.s32 $0x2800  }
0xb: {  	s4 =	sshrl.u32 s4, $0x3;
	_ =	strace $0x80000047;
	s7 =	sadd.s32 s7, s30  }
0xc: {  	s9 =	sadd.s32 s4, s6;
	s4 =	sadd.s32 $0x19200, s6;
	s6 =	sadd.s32 s11, s6  }
0xd: {  	s11 =	ssub.s32 s5, s29;
	s5 =	sadd.s32 $0x2A00, s9;
	s6 =	sadd.s32 $0x16A00, s6  }
0xe: {  	s8 =	smax.u32 s11, $0x1;
	s9 =	simm.s32 $0x2;
	s11 =	sor.u32 $0x1C02, s31  }
.LBB2_1:
0xf: {  	[tilespmem:s3], [sflag:$0x2] =	stream.linear.gather [hbm4b:s5+s3], $0x2800, $0x38;
	[tilespmem:$0x3FA8] =	vst v63  }
0x10: {  	_ =	swait.ge [sflag:s9], $0x2800  }
0x11: {  	[sflag:s9] =	ssyncset.done $0x0  }
0x12: {  	[sflag:s9] =	ssyncadd.s32 $0xFFFFD800  }
0x13: {  	[tilespmem:s10], [sflag:$0x2] =	stream.linear.gather [hbm4b:s4+s3], $0x3E8, $0x38;
	[tilespmem:$0x3FA8] =	vst v63  }
0x14: {  	_ =	swait.ge [sflag:s9], $0x3E8  }
0x15: {  	[sflag:s9] =	ssyncset.done $0x0  }
0x16: {  	[sflag:s9] =	ssyncadd.s32 $0xFFFFFC18  }
0x17: {  	[spmem:s12], [sflag:s11] =	dma.local [hbm:s6], $0x278  }
0x18: {  	_ =	swait.ge [sflag:s9], $0x278  }
0x19: {  	[sflag:s9] =	ssyncset.done $0x0  }
0x1a: {  	[sflag:s9] =	ssyncadd.s32 $0xFFFFFD88  }
0x1b: {  	s16 =	simm.s32 $0x0;
	[bflag:$0x0] =	sbarrier.arrive $0xFFFF  }
0x1c: {  	[spmem:s2] =	stream.indirect.scatter.add.f32 [tilespmem:s10], [sflag:$0x1], $0x8, s16, s13, $0xb8;
	[tilespmem:$0x3FA8] =	vst v63  }
0x1d: {  	s24 =	simm.s32 $0x80  }
0x1e: {  	[spmem:s2] =	stream.indirect.scatter.add.f32 [tilespmem:s10], [sflag:$0x1], $0x8, s24, s13, $0xb8;
	[tilespmem:$0x3FA8] =	vst v63  }
0x1f: {  	s25 =	simm.s32 $0x100  }
0x20: {  	[spmem:s2] =	stream.indirect.scatter.add.f32 [tilespmem:s10], [sflag:$0x1], $0x8, s25, s13, $0xb8;
	[tilespmem:$0x3FA8] =	vst v63  }
0x21: {  	s26 =	simm.s32 $0x180  }
0x22: {  	[spmem:s2] =	stream.indirect.scatter.add.f32 [tilespmem:s10], [sflag:$0x1], $0x8, s26, s13, $0xb8;
	[tilespmem:$0x3FA8] =	vst v63  }
0x23: {  	s28 =	simm.s32 $0x200  }
0x24: {  	[spmem:s2] =	stream.indirect.scatter.add.f32 [tilespmem:s10], [sflag:$0x1], $0x8, s28, s13, $0xb8;
	[tilespmem:$0x3FA8] =	vst v63  }
0x25: {  	s29 =	simm.s32 $0x280  }
0x26: {  	[spmem:s2] =	stream.indirect.scatter.add.f32 [tilespmem:s10], [sflag:$0x1], $0x8, s29, s13, $0xb8;
	[tilespmem:$0x3FA8] =	vst v63  }
0x27: {  	s30 =	simm.s32 $0x300  }
0x28: {  	[spmem:s2] =	stream.indirect.scatter.add.f32 [tilespmem:s10], [sflag:$0x1], $0x8, s30, s13, $0xb8;
	[tilespmem:$0x3FA8] =	vst v63  }
0x29: {  	s31 =	simm.s32 $0x380  }
0x2a: {  	[spmem:s2] =	stream.indirect.scatter.add.f32 [tilespmem:s10], [sflag:$0x1], $0x8, s31, s13, $0xb8;
	[tilespmem:$0x3FA8] =	vst v63  }
0x2b: {  	_ =	swait.ge [sflag:s14], $0x3E8  }
0x2c: {  	[sflag:s14] =	ssyncset.done $0x0  }
0x2d: {  	[sflag:s14] =	ssyncadd.s32 $0xFFFFFC18  }
0x2e: {  	_ =	swait.ge [sflag:s14], $0x3E8  }
0x2f: {  	[sflag:s14] =	ssyncset.done $0x0  }
0x30: {  	[sflag:s14] =	ssyncadd.s32 $0xFFFFFC18  }
0x31: {  	_ =	swait.ge [sflag:s14], $0x3E8  }
0x32: {  	[sflag:s14] =	ssyncset.done $0x0  }
0x33: {  	[sflag:s14] =	ssyncadd.s32 $0xFFFFFC18  }
0x34: {  	_ =	swait.ge [sflag:s14], $0x3E8  }
0x35: {  	[sflag:s14] =	ssyncset.done $0x0  }
0x36: {  	[sflag:s14] =	ssyncadd.s32 $0xFFFFFC18  }
0x37: {  	_ =	swait.ge [sflag:s14], $0x3E8  }
0x38: {  	[sflag:s14] =	ssyncset.done $0x0  }
0x39: {  	[sflag:s14] =	ssyncadd.s32 $0xFFFFFC18  }
0x3a: {  	_ =	swait.ge [sflag:s14], $0x3E8  }
0x3b: {  	[sflag:s14] =	ssyncset.done $0x0  }
0x3c: {  	[sflag:s14] =	ssyncadd.s32 $0xFFFFFC18  }
0x3d: {  	_ =	swait.ge [sflag:s14], $0x3E8  }
0x3e: {  	[sflag:s14] =	ssyncset.done $0x0  }
0x3f: {  	[sflag:s14] =	ssyncadd.s32 $0xFFFFFC18  }
0x40: {  	_ =	swait.ge [sflag:s14], $0x3E8  }
0x41: {  	s18 =	simm.s32 $0x2000;
	s16 =	simm.s32 $0x1000;
	[sflag:s14] =	ssyncset.done $0x0  }
.LBB2_2:
0x42: {  	s19 =	sshra.s32 s16, $0x2  }
0x43: {  	[sflag:s14] =	ssyncadd.s32 $0xFFFFFC18;
	s16 =	smov.u32 s18;
	s17 =	sadd.s32 $0x1000, s18  }
0x44: {  	[spmem:s2] =	stream.indirect.scatter.add.f32 [tilespmem:s10], [sflag:$0x1], $0x8, s19, s13, $0xb8;
	[tilespmem:$0x3FA8] =	vst v63  }
0x45: {  	p0 =	sne.s32 s18, $0x9000;
	s18 =	sadd.s32 $0x80, s19  }
0x46: {  	[spmem:s2] =	stream.indirect.scatter.add.f32 [tilespmem:s10], [sflag:$0x1], $0x8, s18, s13, $0xb8;
	[tilespmem:$0x3FA8] =	vst v63  }
0x47: {  	s18 =	sadd.s32 $0x100, s19  }
0x48: {  	[spmem:s2] =	stream.indirect.scatter.add.f32 [tilespmem:s10], [sflag:$0x1], $0x8, s18, s13, $0xb8;
	[tilespmem:$0x3FA8] =	vst v63  }
0x49: {  	s18 =	sadd.s32 $0x180, s19  }
0x4a: {  	[spmem:s2] =	stream.indirect.scatter.add.f32 [tilespmem:s10], [sflag:$0x1], $0x8, s18, s13, $0xb8;
	[tilespmem:$0x3FA8] =	vst v63  }
0x4b: {  	s18 =	sadd.s32 $0x200, s19  }
0x4c: {  	[spmem:s2] =	stream.indirect.scatter.add.f32 [tilespmem:s10], [sflag:$0x1], $0x8, s18, s13, $0xb8;
	[tilespmem:$0x3FA8] =	vst v63  }
0x4d: {  	s18 =	sadd.s32 $0x280, s19  }
0x4e: {  	[spmem:s2] =	stream.indirect.scatter.add.f32 [tilespmem:s10], [sflag:$0x1], $0x8, s18, s13, $0xb8;
	[tilespmem:$0x3FA8] =	vst v63  }
0x4f: {  	s18 =	sadd.s32 $0x300, s19  }
0x50: {  	[spmem:s2] =	stream.indirect.scatter.add.f32 [tilespmem:s10], [sflag:$0x1], $0x8, s18, s13, $0xb8;
	[tilespmem:$0x3FA8] =	vst v63  }
0x51: {  	s18 =	sadd.s32 $0x380, s19  }
0x52: {  	[spmem:s2] =	stream.indirect.scatter.add.f32 [tilespmem:s10], [sflag:$0x1], $0x8, s18, s13, $0xb8;
	[tilespmem:$0x3FA8] =	vst v63  }
0x53: {  	_ =	swait.ge [sflag:s14], $0x3E8  }
0x54: {  	[sflag:s14] =	ssyncset.done $0x0  }
0x55: {  	[sflag:s14] =	ssyncadd.s32 $0xFFFFFC18  }
0x56: {  	_ =	swait.ge [sflag:s14], $0x3E8  }
0x57: {  	[sflag:s14] =	ssyncset.done $0x0  }
0x58: {  	[sflag:s14] =	ssyncadd.s32 $0xFFFFFC18  }
0x59: {  	_ =	swait.ge [sflag:s14], $0x3E8  }
0x5a: {  	[sflag:s14] =	ssyncset.done $0x0  }
0x5b: {  	[sflag:s14] =	ssyncadd.s32 $0xFFFFFC18  }
0x5c: {  	_ =	swait.ge [sflag:s14], $0x3E8  }
0x5d: {  	[sflag:s14] =	ssyncset.done $0x0  }
0x5e: {  	[sflag:s14] =	ssyncadd.s32 $0xFFFFFC18  }
0x5f: {  	_ =	swait.ge [sflag:s14], $0x3E8  }
0x60: {  	[sflag:s14] =	ssyncset.done $0x0  }
0x61: {  	[sflag:s14] =	ssyncadd.s32 $0xFFFFFC18  }
0x62: {  	_ =	swait.ge [sflag:s14], $0x3E8  }
0x63: {  	[sflag:s14] =	ssyncset.done $0x0  }
0x64: {  	[sflag:s14] =	ssyncadd.s32 $0xFFFFFC18  }
.Ltmp0:
0x65: {  	_ =	swait.ge [sflag:s14], $0x3E8;
	(pc) =	sbr.rel @p0 .LBB2_2-.Ltmp0, $4  }
0x66: {  	[sflag:s14] =	ssyncset.done $0x0  }
0x67: {  	[sflag:s14] =	ssyncadd.s32 $0xFFFFFC18  }
0x68: {  	_ =	swait.ge [sflag:s14], $0x3E8  }
0x69: {  	s18 =	smov.u32 s17;
	[sflag:s14] =	ssyncset.done $0x0  }
0x6a: {  	s16 =	sshra.s32 s16, $0x2;
	[sflag:s14] =	ssyncadd.s32 $0xFFFFFC18  }
0x6b: {  	[spmem:s2] =	stream.indirect.scatter.add.f32 [tilespmem:s10], [sflag:$0x1], $0x8, s16, s13, $0xb8;
	[tilespmem:$0x3FA8] =	vst v63  }
0x6c: {  	s17 =	sadd.s32 $0x80, s16  }
0x6d: {  	[spmem:s2] =	stream.indirect.scatter.add.f32 [tilespmem:s10], [sflag:$0x1], $0x8, s17, s13, $0xb8;
	[tilespmem:$0x3FA8] =	vst v63  }
0x6e: {  	s26 =	sadd.s32 $0x100, s16  }
0x6f: {  	[spmem:s2] =	stream.indirect.scatter.add.f32 [tilespmem:s10], [sflag:$0x1], $0x8, s26, s13, $0xb8;
	[tilespmem:$0x3FA8] =	vst v63  }
0x70: {  	s28 =	sadd.s32 $0x180, s16  }
0x71: {  	[spmem:s2] =	stream.indirect.scatter.add.f32 [tilespmem:s10], [sflag:$0x1], $0x8, s28, s13, $0xb8;
	[tilespmem:$0x3FA8] =	vst v63  }
0x72: {  	s29 =	sadd.s32 $0x200, s16  }
0x73: {  	[spmem:s2] =	stream.indirect.scatter.add.f32 [tilespmem:s10], [sflag:$0x1], $0x8, s29, s13, $0xb8;
	[tilespmem:$0x3FA8] =	vst v63  }
0x74: {  	s30 =	sadd.s32 $0x280, s16  }
0x75: {  	[spmem:s2] =	stream.indirect.scatter.add.f32 [tilespmem:s10], [sflag:$0x1], $0x8, s30, s13, $0xb8;
	[tilespmem:$0x3FA8] =	vst v63  }
0x76: {  	s31 =	sadd.s32 $0x300, s16  }
0x77: {  	[spmem:s2] =	stream.indirect.scatter.add.f32 [tilespmem:s10], [sflag:$0x1], $0x8, s31, s13, $0xb8;
	[tilespmem:$0x3FA8] =	vst v63  }
0x78: {  	s16 =	sadd.s32 $0x380, s16  }
0x79: {  	[spmem:s2] =	stream.indirect.scatter.add.f32 [tilespmem:s10], [sflag:$0x1], $0x8, s16, s13, $0xb8;
	[tilespmem:$0x3FA8] =	vst v63  }
0x7a: {  	_ =	swait.ge [sflag:s14], $0x3E8  }
0x7b: {  	[sflag:s14] =	ssyncset.done $0x0  }
0x7c: {  	[sflag:s14] =	ssyncadd.s32 $0xFFFFFC18  }
0x7d: {  	_ =	swait.ge [sflag:s14], $0x3E8  }
0x7e: {  	[sflag:s14] =	ssyncset.done $0x0  }
0x7f: {  	[sflag:s14] =	ssyncadd.s32 $0xFFFFFC18  }
0x80: {  	_ =	swait.ge [sflag:s14], $0x3E8  }
0x81: {  	[sflag:s14] =	ssyncset.done $0x0  }
0x82: {  	[sflag:s14] =	ssyncadd.s32 $0xFFFFFC18  }
0x83: {  	_ =	swait.ge [sflag:s14], $0x3E8  }
0x84: {  	[sflag:s14] =	ssyncset.done $0x0  }
0x85: {  	[sflag:s14] =	ssyncadd.s32 $0xFFFFFC18  }
0x86: {  	_ =	swait.ge [sflag:s14], $0x3E8  }
0x87: {  	[sflag:s14] =	ssyncset.done $0x0  }
0x88: {  	[sflag:s14] =	ssyncadd.s32 $0xFFFFFC18  }
0x89: {  	_ =	swait.ge [sflag:s14], $0x3E8  }
0x8a: {  	[sflag:s14] =	ssyncset.done $0x0  }
0x8b: {  	[sflag:s14] =	ssyncadd.s32 $0xFFFFFC18  }
0x8c: {  	_ =	swait.ge [sflag:s14], $0x3E8  }
0x8d: {  	[sflag:s14] =	ssyncset.done $0x0  }
0x8e: {  	[sflag:s14] =	ssyncadd.s32 $0xFFFFFC18  }
0x8f: {  	_ =	swait.ge [sflag:s14], $0x3E8  }
0x90: {  	s15 =	sadd.s32 $0x1, s15;
	[sflag:s14] =	ssyncset.done $0x0  }
0x91: {  	p0 =	sne.s32 s15, s8;
	[sflag:s14] =	ssyncadd.s32 $0xFFFFFC18  }
.Ltmp1:
0x92: {  	[bflag:$0x0] =	sbarrier.arrive $0xFFFF;
	(pc) =	sbr.rel @p0 .LBB2_1-.Ltmp1, $4  }
0x93: {  	[hbm:s7], [sflag:s11] =	dma.local [spmem:s12], $0x278  }
0x94: {  	_ =	swait.ge [sflag:s9], $0x278  }
0x95: {  	[sflag:s9] =	ssyncset.done $0x0  }
0x96: {  	[sflag:s9] =	ssyncadd.s32 $0xFFFFFD88  }
0x97: {  	_ =	sfence.sel $0x180000  }
0x98: {  	[bflag:$0x0] =	sbarrier.arrive $0xFFFF  }
0x99: {  	p0 =	sne.s32 s0, $0x0;
	_ =	strace $0x90000047  }
0x9a: {  	s0 =	sadd.s32 @!p0 $0x100000, s1;
	[bflag:$0x2] =	sbarrier.arrive $0xFFFF  }
0x9b: {  	[sflag:s0] =	ssyncadd.tile.s32 @!p0 $0x1;
	_ =	shalt  }
.Lfunc_end2:
_tile_overlayer_lowered:
.L_overlay_start_2:
0x9c: {  	(tag) =	ssettag $0x2  }
0x9d: {  	s0 =	rddreg [dreg:$0x0];
	s2 =	stileid.u32  }
0x9e: {  	s1 =	rddreg [dreg:$0x1];
	p0 =	sne.s32 s2, $0x0  }
0x9f: {  	s3 =	rddreg [dreg:$0x2];
	[bflag:$0x3] =	sbarrier.arrive $0xFFFF;
	s2 =	simm.s32 @!p0 $0x1C02  }
0xa0: {  	[timem:s3], [sflag:s2] =	dma.local @!p0 [hbm:s0], s1  }
0xa1: {  	s0 =	simm.s32 @!p0 $0x2  }
0xa2: {  	_ =	swait.ge @!p0 [sflag:s0], s1  }
0xa3: {  	s1 =	ssub.s32 @!p0 $0x0, s1;
	[sflag:s0] =	ssyncset.done @!p0 $0x0  }
0xa4: {  	[sflag:s0] =	ssyncadd.s32 @!p0 s1  }
0xa5: {  	[bflag:$0x3] =	sbarrier.arrive $0xFFFF  }
0xa6: {  	_ =	shalt  }

</sc_bundles>
